<compile_context>
chip_gen: v7x
topology: tpu7x:2x2x1
jax: 0.10.2.dev20260603
libtpu: 0.0.44.dev20260713+nightly
codegen_flags: <defaults>
</compile_context>

<pallas_src>
import functools

import jax
import jax.numpy as jnp
from jax import lax
from jax.experimental import pallas as pl
from jax.experimental.pallas import tpu as pltpu
from jax.experimental.pallas import tpu_sc as plsc

B, F, D = 4096, 26, 32
NC, NS = 2, 16
NW = NC * NS
RPW = B // NW
NL = RPW // 16
DH = D // 2
NCHUNK = 2
DC = DH // NCHUNK
BH = B // 2
TCBLK = 256


def _tree_sum(vals):
    vals = list(vals)
    while len(vals) > 1:
        nxt = [vals[i] + vals[i + 1] for i in range(0, len(vals) - 1, 2)]
        if len(vals) % 2:
            nxt.append(vals[-1])
        vals = nxt
    return vals[0]


def _fm_sc_body(st_hbm, et_hbm, w_hbm, fo_hbm, so_hbm,
                slab_v, gath_v, emb_v, out_v, so_v, gsem, s0, s1):
    wid = lax.axis_index("s") * NC + lax.axis_index("c")
    base = wid * RPW
    dhalf = wid // (NW // 2)
    blk = wid % (NW // 2)
    dbase = blk * RPW
    d0 = dhalf * DH

    sems = (s0, s1)
    chunk_views = [
        (et_hbm.at[:, pl.ds(d0 + c * DC, DC), pl.ds(dbase, RPW)],
         emb_v.at[:, pl.ds(c * DC, DC), :])
        for c in range(NCHUNK)
    ]
    for c in range(NCHUNK):
        pltpu.async_copy(chunk_views[c][0], chunk_views[c][1], sems[c])

    pltpu.sync_copy(st_hbm.at[:, pl.ds(base, RPW)], slab_v)

    gathers = [
        pltpu.async_copy(w_hbm.at[0].at[slab_v.at[f]], gath_v.at[f], gsem)
        for f in range(F)
    ]

    zero16 = jnp.zeros((16,), jnp.float32)

    def dbody(dd, accs):
        for c in range(NCHUNK):
            @pl.when(dd == c * DC)
            def _(c=c):
                pltpu.make_async_copy(chunk_views[c][0], chunk_views[c][1],
                                      sems[c]).wait()
        new = []
        for l in range(NL):
            vs = [emb_v[f, dd, pl.ds(l * 16, 16)] for f in range(F)]
            s = _tree_sum(vs)
            q = _tree_sum([v * v for v in vs])
            new.append(accs[l] + (s * s - q))
        return tuple(new)

    accs = lax.fori_loop(0, DH, dbody, (zero16,) * NL)
    for l in range(NL):
        so_v[pl.ds(l * 16, 16)] = 0.5 * accs[l]
    pltpu.sync_copy(so_v, so_hbm.at[pl.ds(dhalf * BH + dbase, RPW)])

    for g in gathers:
        g.wait()

    for l in range(NL):
        fo = _tree_sum([gath_v[f, pl.ds(l * 16, 16)] for f in range(F)])
        out_v[pl.ds(l * 16, 16)] = fo

    pltpu.sync_copy(out_v, fo_hbm.at[pl.ds(base, RPW)])


def _fm_tc_body(et_ref, so_ref):
    x = et_ref[...]
    s = jnp.sum(x, axis=0)
    q = jnp.sum(x * x, axis=0)
    so_ref[...] = 0.5 * jnp.sum(s * s - q, axis=0)


@jax.jit
def kernel(sparse_inputs, embed_inputs, w):
    run_sc = pl.kernel(
        _fm_sc_body,
        out_type=(jax.ShapeDtypeStruct((B,), jnp.float32),
                  jax.ShapeDtypeStruct((2 * BH,), jnp.float32)),
        mesh=plsc.VectorSubcoreMesh(core_axis_name="c", subcore_axis_name="s"),
        scratch_types=[
            pltpu.VMEM((F, RPW), jnp.int32),
            pltpu.VMEM((F, RPW), jnp.float32),
            pltpu.VMEM((F, DH, RPW), jnp.float32),
            pltpu.VMEM((RPW,), jnp.float32),
            pltpu.VMEM((RPW,), jnp.float32),
            pltpu.SemaphoreType.DMA,
            pltpu.SemaphoreType.DMA,
            pltpu.SemaphoreType.DMA,
        ],
        compiler_params=pltpu.CompilerParams(needs_layout_passes=False),
    )
    st = sparse_inputs.T
    et = embed_inputs.transpose(1, 2, 0)
    wt = w.T

    fo, so_parts = run_sc(st, et, wt)

    nblk = BH // TCBLK
    so_hi = pl.pallas_call(
        _fm_tc_body,
        grid=(nblk,),
        in_specs=[pl.BlockSpec((F, D, TCBLK),
                               lambda i: (0, 0, i + nblk))],
        out_specs=pl.BlockSpec((TCBLK,), lambda i: (i,)),
        out_shape=jax.ShapeDtypeStruct((BH,), jnp.float32),
    )(et)

    so_lo = so_parts[:BH] + so_parts[BH:]
    so = jnp.concatenate([so_lo, so_hi])
    return (fo + so).reshape(B, 1)

# --- scband reference (transcript-rebuilt; emitter-appended) ---
"""Pipeline reference for scband-new-fm-19387482374162 (READ-ONLY COPY).

The authoritative reference and input builder live on the scoring server;
editing this copy changes nothing except your own understanding.
"""

import jax, jax.numpy as jnp
import numpy as np

B = 4096
F = 26
D = 32
FEATURE_LENGTH = 1000000


def setup_inputs(seed: int = 0) -> dict:
    key = jax.random.key(seed)
    k1, k2, k3 = jax.random.split(key, 3)
    sparse_inputs = jax.random.randint(k1, (B, F), 0, FEATURE_LENGTH, dtype=jnp.int64 if jax.config.jax_enable_x64 else jnp.int32).astype(jnp.int32)
    embed_inputs = jax.random.normal(k2, (B, F, D), dtype=jnp.float32)
    w = jax.random.normal(k3, (FEATURE_LENGTH, 1), dtype=jnp.float32) * 0.05
    return {"sparse_inputs": sparse_inputs, "embed_inputs": embed_inputs, "w": w}


def reference(sparse_inputs, embed_inputs, w):
    # first order: embedding lookup into w then sum over fields
    # tf.nn.embedding_lookup(w, sparse_inputs) -> [B, F, 1]
    first_order = jnp.sum(jnp.take(w, sparse_inputs, axis=0), axis=1)  # [B, 1]
    # second order FM interaction
    square_sum = jnp.square(jnp.sum(embed_inputs, axis=1, keepdims=True))  # [B, 1, D]
    sum_square = jnp.sum(jnp.square(embed_inputs), axis=1, keepdims=True)  # [B, 1, D]
    second_order = 0.5 * jnp.sum(square_sum - sum_square, axis=2)  # [B, 1]
    return first_order + second_order

if __name__ == "__main__":
    import jax
    _d = setup_inputs()
    print(jax.jit(kernel)(*tuple(_d.values())))

</pallas_src>

<mosaic_0001>
#map = affine_map<(d0, d1) -> (0, 0)>
#map1 = affine_map<(d0, d1) -> (0, 0, 0)>
#map2 = affine_map<(d0, d1) -> (0)>
module attributes {stable_mosaic.version = 14 : i64} {
  func.func @_fm_sc_body(%arg0: i32, %arg1: i32, %arg2: memref<26x4096xi32, #tpu.memory_space<hbm>>, %arg3: memref<26x32x4096xf32, #tpu.memory_space<hbm>>, %arg4: memref<1x1000000xf32, #tpu.memory_space<hbm>>, %arg5: memref<4096xf32, #tpu.memory_space<hbm>>, %arg6: memref<4096xf32, #tpu.memory_space<hbm>>, %arg7: memref<26x128xi32, #tpu.memory_space<vmem>>, %arg8: memref<26x128xf32, #tpu.memory_space<vmem>>, %arg9: memref<26x16x128xf32, #tpu.memory_space<vmem>>, %arg10: memref<128xf32, #tpu.memory_space<vmem>>, %arg11: memref<128xf32, #tpu.memory_space<vmem>>, %arg12: memref<!tpu.dma_semaphore, #tpu.memory_space<semaphore_mem>>, %arg13: memref<!tpu.dma_semaphore, #tpu.memory_space<semaphore_mem>>, %arg14: memref<!tpu.dma_semaphore, #tpu.memory_space<semaphore_mem>>) attributes {dimension_semantics = [#tpu.dimension_semantics<core_parallel>, #tpu.dimension_semantics<subcore_parallel>], iteration_bounds = array<i64: 2, 16>, scalar_prefetch = 0 : i64, scratch_operands = 8 : i64, tpu.core_type = #tpu.core_type<sc_vector_subcore>, window_params = [{transform_indices = #map}, {transform_indices = #map1}, {transform_indices = #map}, {transform_indices = #map2}, {transform_indices = #map2}]} {
    %mul3A = arith.constant 2 : i32
    %mul3A_0 = arith.muli %arg1, %mul3A : i32
    %add3A = arith.addi %mul3A_0, %arg0 : i32
    %mul3A_1 = arith.constant 128 : i32
    %mul3A_2 = arith.muli %add3A, %mul3A_1 : i32
    %jit3A = arith.constant 16 : i32
    %div3A = arith.divsi %add3A, %jit3A : i32
    %sign3A = arith.constant 0 : i32
    %sign3A_3 = arith.cmpi sgt, %add3A, %sign3A : i32
    %sign3A_4 = arith.extui %sign3A_3 : i1 to i32
    %sign3A_5 = arith.constant 0 : i32
    %sign3A_6 = arith.cmpi slt, %add3A, %sign3A_5 : i32
    %sign3A_7 = arith.extui %sign3A_6 : i1 to i32
    %sign3A_8 = arith.subi %sign3A_4, %sign3A_7 : i32
    %sign3A_9 = arith.constant 0 : i32
    %sign3A_10 = arith.cmpi sgt, %jit3A, %sign3A_9 : i32
    %sign3A_11 = arith.extui %sign3A_10 : i1 to i32
    %sign3A_12 = arith.constant 0 : i32
    %sign3A_13 = arith.cmpi slt, %jit3A, %sign3A_12 : i32
    %sign3A_14 = arith.extui %sign3A_13 : i1 to i32
    %sign3A_15 = arith.subi %sign3A_11, %sign3A_14 : i32
    %ne3A = arith.cmpi ne, %sign3A_8, %sign3A_15 : i32
    %rem3A = arith.remsi %add3A, %jit3A : i32
    %ne3A_16 = arith.constant 0 : i32
    %ne3A_17 = arith.cmpi ne, %rem3A, %ne3A_16 : i32
    %and3A = arith.andi %ne3A, %ne3A_17 : i1
    %sub3A = arith.constant 1 : i32
    %sub3A_18 = arith.subi %div3A, %sub3A : i32
    %select_n3A = arith.select %and3A, %sub3A_18, %div3A : i32
    %jit3A_19 = arith.constant 16 : i32
    %eq3A = arith.constant 0 : i32
    %eq3A_20 = arith.cmpi eq, %jit3A_19, %eq3A : i32
    %jit3A_21 = arith.constant 1 : i32
    %select_n3A_22 = arith.select %eq3A_20, %jit3A_21, %jit3A_19 : i32
    %rem3A_23 = arith.remsi %add3A, %select_n3A_22 : i32
    %ne3A_24 = arith.constant 0 : i32
    %ne3A_25 = arith.cmpi ne, %rem3A_23, %ne3A_24 : i32
    %lt3A = arith.constant 0 : i32
    %lt3A_26 = arith.cmpi slt, %rem3A_23, %lt3A : i32
    %lt3A_27 = arith.constant 0 : i32
    %lt3A_28 = arith.cmpi slt, %select_n3A_22, %lt3A_27 : i32
    %ne3A_29 = arith.xori %lt3A_26, %lt3A_28 : i1
    %and3A_30 = arith.andi %ne3A_29, %ne3A_25 : i1
    %add3A_31 = arith.addi %rem3A_23, %select_n3A_22 : i32
    %select_n3A_32 = arith.select %and3A_30, %add3A_31, %rem3A_23 : i32
    %mul3A_33 = arith.constant 128 : i32
    %mul3A_34 = arith.muli %select_n3A_32, %mul3A_33 : i32
    %mul3A_35 = arith.constant 16 : i32
    %mul3A_36 = arith.muli %select_n3A, %mul3A_35 : i32
    %add3A_37 = arith.constant 0 : i32
    %add3A_38 = arith.addi %mul3A_36, %add3A_37 : i32
    %add3A_39 = arith.constant 8 : i32
    %add3A_40 = arith.addi %mul3A_36, %add3A_39 : i32
    %dma_start3A = arith.constant 0 : i32
    %dma_start3A_41 = arith.constant 0 : i32
    %dma_start3A_42 = arith.constant 0 : i32
    %dma_start3A_43 = tpu.memref_slice %arg9[%dma_start3A, %dma_start3A_41, %dma_start3A_42] : memref<26x16x128xf32, #tpu.memory_space<vmem>> -> memref<26x8x128xf32, #tpu.memory_space<vmem>>
    %dma_start3A_44 = arith.constant 0 : i32
    %dma_start3A_45 = tpu.memref_slice %arg3[%dma_start3A_44, %add3A_38, %mul3A_34] : memref<26x32x4096xf32, #tpu.memory_space<hbm>> -> memref<26x8x128xf32, #tpu.memory_space<hbm>>
    %dma_start3A_46 = arith.constant 0 : i32
    %dma_start3A_47 = arith.constant 0 : i32
    %dma_start3A_48 = arith.constant 0 : i32
    %dma_start3A_49 = tpu.memref_slice %arg9[%dma_start3A_46, %dma_start3A_47, %dma_start3A_48] : memref<26x16x128xf32, #tpu.memory_space<vmem>> -> memref<26x8x128xf32, #tpu.memory_space<vmem>>
    %dma_start3A_50 = arith.constant 0 : i32
    %dma_start3A_51 = tpu.memref_slice %arg3[%dma_start3A_50, %add3A_38, %mul3A_34] : memref<26x32x4096xf32, #tpu.memory_space<hbm>> -> memref<26x8x128xf32, #tpu.memory_space<hbm>>
    tpu.enqueue_dma source(%dma_start3A_51 : memref<26x8x128xf32, #tpu.memory_space<hbm>>) target(%dma_start3A_49 : memref<26x8x128xf32, #tpu.memory_space<vmem>>) target_semaphore(%arg13 : memref<!tpu.dma_semaphore, #tpu.memory_space<semaphore_mem>>)
    %dma_start3A_52 = arith.constant 0 : i32
    %dma_start3A_53 = arith.constant 8 : i32
    %dma_start3A_54 = arith.constant 0 : i32
    %dma_start3A_55 = tpu.memref_slice %arg9[%dma_start3A_52, %dma_start3A_53, %dma_start3A_54] : memref<26x16x128xf32, #tpu.memory_space<vmem>> -> memref<26x8x128xf32, #tpu.memory_space<vmem>>
    %dma_start3A_56 = arith.constant 0 : i32
    %dma_start3A_57 = tpu.memref_slice %arg3[%dma_start3A_56, %add3A_40, %mul3A_34] : memref<26x32x4096xf32, #tpu.memory_space<hbm>> -> memref<26x8x128xf32, #tpu.memory_space<hbm>>
    %dma_start3A_58 = arith.constant 0 : i32
    %dma_start3A_59 = arith.constant 8 : i32
    %dma_start3A_60 = arith.constant 0 : i32
    %dma_start3A_61 = tpu.memref_slice %arg9[%dma_start3A_58, %dma_start3A_59, %dma_start3A_60] : memref<26x16x128xf32, #tpu.memory_space<vmem>> -> memref<26x8x128xf32, #tpu.memory_space<vmem>>
    %dma_start3A_62 = arith.constant 0 : i32
    %dma_start3A_63 = tpu.memref_slice %arg3[%dma_start3A_62, %add3A_40, %mul3A_34] : memref<26x32x4096xf32, #tpu.memory_space<hbm>> -> memref<26x8x128xf32, #tpu.memory_space<hbm>>
    tpu.enqueue_dma source(%dma_start3A_63 : memref<26x8x128xf32, #tpu.memory_space<hbm>>) target(%dma_start3A_61 : memref<26x8x128xf32, #tpu.memory_space<vmem>>) target_semaphore(%arg14 : memref<!tpu.dma_semaphore, #tpu.memory_space<semaphore_mem>>)
    "tpu.region"() ({
      %run_scoped3A = tpu.sem_alloc : memref<!tpu.dma_semaphore, #tpu.memory_space<semaphore_mem>>
      %dma_start3A_1886 = arith.constant 0 : i32
      %dma_start3A_1887 = tpu.memref_slice %arg2[%dma_start3A_1886, %mul3A_2] : memref<26x4096xi32, #tpu.memory_space<hbm>> -> memref<26x128xi32, #tpu.memory_space<hbm>>
      %dma_start3A_1888 = arith.constant 0 : i32
      %dma_start3A_1889 = tpu.memref_slice %arg2[%dma_start3A_1888, %mul3A_2] : memref<26x4096xi32, #tpu.memory_space<hbm>> -> memref<26x128xi32, #tpu.memory_space<hbm>>
      tpu.enqueue_dma source(%dma_start3A_1889 : memref<26x128xi32, #tpu.memory_space<hbm>>) target(%arg7 : memref<26x128xi32, #tpu.memory_space<vmem>>) target_semaphore(%run_scoped3A : memref<!tpu.dma_semaphore, #tpu.memory_space<semaphore_mem>>)
      %dma_wait3A_1890 = arith.constant 0 : i32
      %dma_wait3A_1891 = tpu.memref_slice %arg2[%dma_wait3A_1890, %mul3A_2] : memref<26x4096xi32, #tpu.memory_space<hbm>> -> memref<26x128xi32, #tpu.memory_space<hbm>>
      %dma_wait3A_1892 = arith.constant 0 : i32
      %dma_wait3A_1893 = tpu.memref_slice %arg2[%dma_wait3A_1892, %mul3A_2] : memref<26x4096xi32, #tpu.memory_space<hbm>> -> memref<26x128xi32, #tpu.memory_space<hbm>>
      tpu.wait_dma2 semaphore(%run_scoped3A : memref<!tpu.dma_semaphore, #tpu.memory_space<semaphore_mem>>) src(%dma_wait3A_1893 : memref<26x128xi32, #tpu.memory_space<hbm>>) dst(%arg7 : memref<26x128xi32, #tpu.memory_space<vmem>>)
      tpu.yield
    }) : () -> ()
    %dma_start3A_64 = arith.constant 0 : i32
    %dma_start3A_65 = arith.constant 0 : i32
    %dma_start3A_66 = arith.constant 0 : i32
    %dma_start3A_67 = arith.constant 0 : i32
    %dma_start3A_68 = tpu.memref_slice %arg8[%dma_start3A_66, %dma_start3A_67] : memref<26x128xf32, #tpu.memory_space<vmem>> -> memref<1x128xf32, #tpu.memory_space<vmem>>
    %dma_start3A_69 = tpu.memref_squeeze %dma_start3A_68 : memref<1x128xf32, #tpu.memory_space<vmem>> -> memref<128xf32, #tpu.memory_space<vmem>>
    %dma_start3A_70 = arith.constant 0 : i32
    %dma_start3A_71 = tpu.memref_slice %arg7[%dma_start3A_65, %dma_start3A_70] : memref<26x128xi32, #tpu.memory_space<vmem>> -> memref<1x128xi32, #tpu.memory_space<vmem>>
    %dma_start3A_72 = tpu.memref_squeeze %dma_start3A_71 : memref<1x128xi32, #tpu.memory_space<vmem>> -> memref<128xi32, #tpu.memory_space<vmem>>
    %dma_start3A_73 = arith.constant 0 : i32
    %dma_start3A_74 = tpu.memref_slice %arg4[%dma_start3A_64, %dma_start3A_73] : memref<1x1000000xf32, #tpu.memory_space<hbm>> -> memref<1x1000000xf32, #tpu.memory_space<hbm>>
    %dma_start3A_75 = tpu.memref_squeeze %dma_start3A_74 : memref<1x1000000xf32, #tpu.memory_space<hbm>> -> memref<1000000xf32, #tpu.memory_space<hbm>>
    %dma_start3A_76 = arith.constant 0 : i32
    %dma_start3A_77 = tpu.memref_slice %dma_start3A_75[%dma_start3A_76] : memref<1000000xf32, #tpu.memory_space<hbm>> -> memref<1000000xf32, #tpu.memory_space<hbm>>
    tpu.enqueue_indirect_dma source(%dma_start3A_77 : memref<1000000xf32, #tpu.memory_space<hbm>>) target(%dma_start3A_69 : memref<128xf32, #tpu.memory_space<vmem>>) offsets(%dma_start3A_72 : memref<128xi32, #tpu.memory_space<vmem>>) semaphore(%arg12 : memref<!tpu.dma_semaphore, #tpu.memory_space<semaphore_mem>>)
    %dma_start3A_78 = arith.constant 0 : i32
    %dma_start3A_79 = arith.constant 1 : i32
    %dma_start3A_80 = arith.constant 1 : i32
    %dma_start3A_81 = arith.constant 0 : i32
    %dma_start3A_82 = tpu.memref_slice %arg8[%dma_start3A_80, %dma_start3A_81] : memref<26x128xf32, #tpu.memory_space<vmem>> -> memref<1x128xf32, #tpu.memory_space<vmem>>
    %dma_start3A_83 = tpu.memref_squeeze %dma_start3A_82 : memref<1x128xf32, #tpu.memory_space<vmem>> -> memref<128xf32, #tpu.memory_space<vmem>>
    %dma_start3A_84 = arith.constant 0 : i32
    %dma_start3A_85 = tpu.memref_slice %arg7[%dma_start3A_79, %dma_start3A_84] : memref<26x128xi32, #tpu.memory_space<vmem>> -> memref<1x128xi32, #tpu.memory_space<vmem>>
    %dma_start3A_86 = tpu.memref_squeeze %dma_start3A_85 : memref<1x128xi32, #tpu.memory_space<vmem>> -> memref<128xi32, #tpu.memory_space<vmem>>
    %dma_start3A_87 = arith.constant 0 : i32
    %dma_start3A_88 = tpu.memref_slice %arg4[%dma_start3A_78, %dma_start3A_87] : memref<1x1000000xf32, #tpu.memory_space<hbm>> -> memref<1x1000000xf32, #tpu.memory_space<hbm>>
    %dma_start3A_89 = tpu.memref_squeeze %dma_start3A_88 : memref<1x1000000xf32, #tpu.memory_space<hbm>> -> memref<1000000xf32, #tpu.memory_space<hbm>>
    %dma_start3A_90 = arith.constant 0 : i32
    %dma_start3A_91 = tpu.memref_slice %dma_start3A_89[%dma_start3A_90] : memref<1000000xf32, #tpu.memory_space<hbm>> -> memref<1000000xf32, #tpu.memory_space<hbm>>
    tpu.enqueue_indirect_dma source(%dma_start3A_91 : memref<1000000xf32, #tpu.memory_space<hbm>>) target(%dma_start3A_83 : memref<128xf32, #tpu.memory_space<vmem>>) offsets(%dma_start3A_86 : memref<128xi32, #tpu.memory_space<vmem>>) semaphore(%arg12 : memref<!tpu.dma_semaphore, #tpu.memory_space<semaphore_mem>>)
    %dma_start3A_92 = arith.constant 0 : i32
    %dma_start3A_93 = arith.constant 2 : i32
    %dma_start3A_94 = arith.constant 2 : i32
    %dma_start3A_95 = arith.constant 0 : i32
    %dma_start3A_96 = tpu.memref_slice %arg8[%dma_start3A_94, %dma_start3A_95] : memref<26x128xf32, #tpu.memory_space<vmem>> -> memref<1x128xf32, #tpu.memory_space<vmem>>
    %dma_start3A_97 = tpu.memref_squeeze %dma_start3A_96 : memref<1x128xf32, #tpu.memory_space<vmem>> -> memref<128xf32, #tpu.memory_space<vmem>>
    %dma_start3A_98 = arith.constant 0 : i32
    %dma_start3A_99 = tpu.memref_slice %arg7[%dma_start3A_93, %dma_start3A_98] : memref<26x128xi32, #tpu.memory_space<vmem>> -> memref<1x128xi32, #tpu.memory_space<vmem>>
    %dma_start3A_100 = tpu.memref_squeeze %dma_start3A_99 : memref<1x128xi32, #tpu.memory_space<vmem>> -> memref<128xi32, #tpu.memory_space<vmem>>
    %dma_start3A_101 = arith.constant 0 : i32
    %dma_start3A_102 = tpu.memref_slice %arg4[%dma_start3A_92, %dma_start3A_101] : memref<1x1000000xf32, #tpu.memory_space<hbm>> -> memref<1x1000000xf32, #tpu.memory_space<hbm>>
    %dma_start3A_103 = tpu.memref_squeeze %dma_start3A_102 : memref<1x1000000xf32, #tpu.memory_space<hbm>> -> memref<1000000xf32, #tpu.memory_space<hbm>>
    %dma_start3A_104 = arith.constant 0 : i32
    %dma_start3A_105 = tpu.memref_slice %dma_start3A_103[%dma_start3A_104] : memref<1000000xf32, #tpu.memory_space<hbm>> -> memref<1000000xf32, #tpu.memory_space<hbm>>
    tpu.enqueue_indirect_dma source(%dma_start3A_105 : memref<1000000xf32, #tpu.memory_space<hbm>>) target(%dma_start3A_97 : memref<128xf32, #tpu.memory_space<vmem>>) offsets(%dma_start3A_100 : memref<128xi32, #tpu.memory_space<vmem>>) semaphore(%arg12 : memref<!tpu.dma_semaphore, #tpu.memory_space<semaphore_mem>>)
    %dma_start3A_106 = arith.constant 0 : i32
    %dma_start3A_107 = arith.constant 3 : i32
    %dma_start3A_108 = arith.constant 3 : i32
    %dma_start3A_109 = arith.constant 0 : i32
    %dma_start3A_110 = tpu.memref_slice %arg8[%dma_start3A_108, %dma_start3A_109] : memref<26x128xf32, #tpu.memory_space<vmem>> -> memref<1x128xf32, #tpu.memory_space<vmem>>
    %dma_start3A_111 = tpu.memref_squeeze %dma_start3A_110 : memref<1x128xf32, #tpu.memory_space<vmem>> -> memref<128xf32, #tpu.memory_space<vmem>>
    %dma_start3A_112 = arith.constant 0 : i32
    %dma_start3A_113 = tpu.memref_slice %arg7[%dma_start3A_107, %dma_start3A_112] : memref<26x128xi32, #tpu.memory_space<vmem>> -> memref<1x128xi32, #tpu.memory_space<vmem>>
    %dma_start3A_114 = tpu.memref_squeeze %dma_start3A_113 : memref<1x128xi32, #tpu.memory_space<vmem>> -> memref<128xi32, #tpu.memory_space<vmem>>
    %dma_start3A_115 = arith.constant 0 : i32
    %dma_start3A_116 = tpu.memref_slice %arg4[%dma_start3A_106, %dma_start3A_115] : memref<1x1000000xf32, #tpu.memory_space<hbm>> -> memref<1x1000000xf32, #tpu.memory_space<hbm>>
    %dma_start3A_117 = tpu.memref_squeeze %dma_start3A_116 : memref<1x1000000xf32, #tpu.memory_space<hbm>> -> memref<1000000xf32, #tpu.memory_space<hbm>>
    %dma_start3A_118 = arith.constant 0 : i32
    %dma_start3A_119 = tpu.memref_slice %dma_start3A_117[%dma_start3A_118] : memref<1000000xf32, #tpu.memory_space<hbm>> -> memref<1000000xf32, #tpu.memory_space<hbm>>
    tpu.enqueue_indirect_dma source(%dma_start3A_119 : memref<1000000xf32, #tpu.memory_space<hbm>>) target(%dma_start3A_111 : memref<128xf32, #tpu.memory_space<vmem>>) offsets(%dma_start3A_114 : memref<128xi32, #tpu.memory_space<vmem>>) semaphore(%arg12 : memref<!tpu.dma_semaphore, #tpu.memory_space<semaphore_mem>>)
    %dma_start3A_120 = arith.constant 0 : i32
    %dma_start3A_121 = arith.constant 4 : i32
    %dma_start3A_122 = arith.constant 4 : i32
    %dma_start3A_123 = arith.constant 0 : i32
    %dma_start3A_124 = tpu.memref_slice %arg8[%dma_start3A_122, %dma_start3A_123] : memref<26x128xf32, #tpu.memory_space<vmem>> -> memref<1x128xf32, #tpu.memory_space<vmem>>
    %dma_start3A_125 = tpu.memref_squeeze %dma_start3A_124 : memref<1x128xf32, #tpu.memory_space<vmem>> -> memref<128xf32, #tpu.memory_space<vmem>>
    %dma_start3A_126 = arith.constant 0 : i32
    %dma_start3A_127 = tpu.memref_slice %arg7[%dma_start3A_121, %dma_start3A_126] : memref<26x128xi32, #tpu.memory_space<vmem>> -> memref<1x128xi32, #tpu.memory_space<vmem>>
    %dma_start3A_128 = tpu.memref_squeeze %dma_start3A_127 : memref<1x128xi32, #tpu.memory_space<vmem>> -> memref<128xi32, #tpu.memory_space<vmem>>
    %dma_start3A_129 = arith.constant 0 : i32
    %dma_start3A_130 = tpu.memref_slice %arg4[%dma_start3A_120, %dma_start3A_129] : memref<1x1000000xf32, #tpu.memory_space<hbm>> -> memref<1x1000000xf32, #tpu.memory_space<hbm>>
    %dma_start3A_131 = tpu.memref_squeeze %dma_start3A_130 : memref<1x1000000xf32, #tpu.memory_space<hbm>> -> memref<1000000xf32, #tpu.memory_space<hbm>>
    %dma_start3A_132 = arith.constant 0 : i32
    %dma_start3A_133 = tpu.memref_slice %dma_start3A_131[%dma_start3A_132] : memref<1000000xf32, #tpu.memory_space<hbm>> -> memref<1000000xf32, #tpu.memory_space<hbm>>
    tpu.enqueue_indirect_dma source(%dma_start3A_133 : memref<1000000xf32, #tpu.memory_space<hbm>>) target(%dma_start3A_125 : memref<128xf32, #tpu.memory_space<vmem>>) offsets(%dma_start3A_128 : memref<128xi32, #tpu.memory_space<vmem>>) semaphore(%arg12 : memref<!tpu.dma_semaphore, #tpu.memory_space<semaphore_mem>>)
    %dma_start3A_134 = arith.constant 0 : i32
    %dma_start3A_135 = arith.constant 5 : i32
    %dma_start3A_136 = arith.constant 5 : i32
    %dma_start3A_137 = arith.constant 0 : i32
    %dma_start3A_138 = tpu.memref_slice %arg8[%dma_start3A_136, %dma_start3A_137] : memref<26x128xf32, #tpu.memory_space<vmem>> -> memref<1x128xf32, #tpu.memory_space<vmem>>
    %dma_start3A_139 = tpu.memref_squeeze %dma_start3A_138 : memref<1x128xf32, #tpu.memory_space<vmem>> -> memref<128xf32, #tpu.memory_space<vmem>>
    %dma_start3A_140 = arith.constant 0 : i32
    %dma_start3A_141 = tpu.memref_slice %arg7[%dma_start3A_135, %dma_start3A_140] : memref<26x128xi32, #tpu.memory_space<vmem>> -> memref<1x128xi32, #tpu.memory_space<vmem>>
    %dma_start3A_142 = tpu.memref_squeeze %dma_start3A_141 : memref<1x128xi32, #tpu.memory_space<vmem>> -> memref<128xi32, #tpu.memory_space<vmem>>
    %dma_start3A_143 = arith.constant 0 : i32
    %dma_start3A_144 = tpu.memref_slice %arg4[%dma_start3A_134, %dma_start3A_143] : memref<1x1000000xf32, #tpu.memory_space<hbm>> -> memref<1x1000000xf32, #tpu.memory_space<hbm>>
    %dma_start3A_145 = tpu.memref_squeeze %dma_start3A_144 : memref<1x1000000xf32, #tpu.memory_space<hbm>> -> memref<1000000xf32, #tpu.memory_space<hbm>>
    %dma_start3A_146 = arith.constant 0 : i32
    %dma_start3A_147 = tpu.memref_slice %dma_start3A_145[%dma_start3A_146] : memref<1000000xf32, #tpu.memory_space<hbm>> -> memref<1000000xf32, #tpu.memory_space<hbm>>
    tpu.enqueue_indirect_dma source(%dma_start3A_147 : memref<1000000xf32, #tpu.memory_space<hbm>>) target(%dma_start3A_139 : memref<128xf32, #tpu.memory_space<vmem>>) offsets(%dma_start3A_142 : memref<128xi32, #tpu.memory_space<vmem>>) semaphore(%arg12 : memref<!tpu.dma_semaphore, #tpu.memory_space<semaphore_mem>>)
    %dma_start3A_148 = arith.constant 0 : i32
    %dma_start3A_149 = arith.constant 6 : i32
    %dma_start3A_150 = arith.constant 6 : i32
    %dma_start3A_151 = arith.constant 0 : i32
    %dma_start3A_152 = tpu.memref_slice %arg8[%dma_start3A_150, %dma_start3A_151] : memref<26x128xf32, #tpu.memory_space<vmem>> -> memref<1x128xf32, #tpu.memory_space<vmem>>
    %dma_start3A_153 = tpu.memref_squeeze %dma_start3A_152 : memref<1x128xf32, #tpu.memory_space<vmem>> -> memref<128xf32, #tpu.memory_space<vmem>>
    %dma_start3A_154 = arith.constant 0 : i32
    %dma_start3A_155 = tpu.memref_slice %arg7[%dma_start3A_149, %dma_start3A_154] : memref<26x128xi32, #tpu.memory_space<vmem>> -> memref<1x128xi32, #tpu.memory_space<vmem>>
    %dma_start3A_156 = tpu.memref_squeeze %dma_start3A_155 : memref<1x128xi32, #tpu.memory_space<vmem>> -> memref<128xi32, #tpu.memory_space<vmem>>
    %dma_start3A_157 = arith.constant 0 : i32
    %dma_start3A_158 = tpu.memref_slice %arg4[%dma_start3A_148, %dma_start3A_157] : memref<1x1000000xf32, #tpu.memory_space<hbm>> -> memref<1x1000000xf32, #tpu.memory_space<hbm>>
    %dma_start3A_159 = tpu.memref_squeeze %dma_start3A_158 : memref<1x1000000xf32, #tpu.memory_space<hbm>> -> memref<1000000xf32, #tpu.memory_space<hbm>>
    %dma_start3A_160 = arith.constant 0 : i32
    %dma_start3A_161 = tpu.memref_slice %dma_start3A_159[%dma_start3A_160] : memref<1000000xf32, #tpu.memory_space<hbm>> -> memref<1000000xf32, #tpu.memory_space<hbm>>
    tpu.enqueue_indirect_dma source(%dma_start3A_161 : memref<1000000xf32, #tpu.memory_space<hbm>>) target(%dma_start3A_153 : memref<128xf32, #tpu.memory_space<vmem>>) offsets(%dma_start3A_156 : memref<128xi32, #tpu.memory_space<vmem>>) semaphore(%arg12 : memref<!tpu.dma_semaphore, #tpu.memory_space<semaphore_mem>>)
    %dma_start3A_162 = arith.constant 0 : i32
    %dma_start3A_163 = arith.constant 7 : i32
    %dma_start3A_164 = arith.constant 7 : i32
    %dma_start3A_165 = arith.constant 0 : i32
    %dma_start3A_166 = tpu.memref_slice %arg8[%dma_start3A_164, %dma_start3A_165] : memref<26x128xf32, #tpu.memory_space<vmem>> -> memref<1x128xf32, #tpu.memory_space<vmem>>
    %dma_start3A_167 = tpu.memref_squeeze %dma_start3A_166 : memref<1x128xf32, #tpu.memory_space<vmem>> -> memref<128xf32, #tpu.memory_space<vmem>>
    %dma_start3A_168 = arith.constant 0 : i32
    %dma_start3A_169 = tpu.memref_slice %arg7[%dma_start3A_163, %dma_start3A_168] : memref<26x128xi32, #tpu.memory_space<vmem>> -> memref<1x128xi32, #tpu.memory_space<vmem>>
    %dma_start3A_170 = tpu.memref_squeeze %dma_start3A_169 : memref<1x128xi32, #tpu.memory_space<vmem>> -> memref<128xi32, #tpu.memory_space<vmem>>
    %dma_start3A_171 = arith.constant 0 : i32
    %dma_start3A_172 = tpu.memref_slice %arg4[%dma_start3A_162, %dma_start3A_171] : memref<1x1000000xf32, #tpu.memory_space<hbm>> -> memref<1x1000000xf32, #tpu.memory_space<hbm>>
    %dma_start3A_173 = tpu.memref_squeeze %dma_start3A_172 : memref<1x1000000xf32, #tpu.memory_space<hbm>> -> memref<1000000xf32, #tpu.memory_space<hbm>>
    %dma_start3A_174 = arith.constant 0 : i32
    %dma_start3A_175 = tpu.memref_slice %dma_start3A_173[%dma_start3A_174] : memref<1000000xf32, #tpu.memory_space<hbm>> -> memref<1000000xf32, #tpu.memory_space<hbm>>
    tpu.enqueue_indirect_dma source(%dma_start3A_175 : memref<1000000xf32, #tpu.memory_space<hbm>>) target(%dma_start3A_167 : memref<128xf32, #tpu.memory_space<vmem>>) offsets(%dma_start3A_170 : memref<128xi32, #tpu.memory_space<vmem>>) semaphore(%arg12 : memref<!tpu.dma_semaphore, #tpu.memory_space<semaphore_mem>>)
    %dma_start3A_176 = arith.constant 0 : i32
    %dma_start3A_177 = arith.constant 8 : i32
    %dma_start3A_178 = arith.constant 8 : i32
    %dma_start3A_179 = arith.constant 0 : i32
    %dma_start3A_180 = tpu.memref_slice %arg8[%dma_start3A_178, %dma_start3A_179] : memref<26x128xf32, #tpu.memory_space<vmem>> -> memref<1x128xf32, #tpu.memory_space<vmem>>
    %dma_start3A_181 = tpu.memref_squeeze %dma_start3A_180 : memref<1x128xf32, #tpu.memory_space<vmem>> -> memref<128xf32, #tpu.memory_space<vmem>>
    %dma_start3A_182 = arith.constant 0 : i32
    %dma_start3A_183 = tpu.memref_slice %arg7[%dma_start3A_177, %dma_start3A_182] : memref<26x128xi32, #tpu.memory_space<vmem>> -> memref<1x128xi32, #tpu.memory_space<vmem>>
    %dma_start3A_184 = tpu.memref_squeeze %dma_start3A_183 : memref<1x128xi32, #tpu.memory_space<vmem>> -> memref<128xi32, #tpu.memory_space<vmem>>
    %dma_start3A_185 = arith.constant 0 : i32
    %dma_start3A_186 = tpu.memref_slice %arg4[%dma_start3A_176, %dma_start3A_185] : memref<1x1000000xf32, #tpu.memory_space<hbm>> -> memref<1x1000000xf32, #tpu.memory_space<hbm>>
    %dma_start3A_187 = tpu.memref_squeeze %dma_start3A_186 : memref<1x1000000xf32, #tpu.memory_space<hbm>> -> memref<1000000xf32, #tpu.memory_space<hbm>>
    %dma_start3A_188 = arith.constant 0 : i32
    %dma_start3A_189 = tpu.memref_slice %dma_start3A_187[%dma_start3A_188] : memref<1000000xf32, #tpu.memory_space<hbm>> -> memref<1000000xf32, #tpu.memory_space<hbm>>
    tpu.enqueue_indirect_dma source(%dma_start3A_189 : memref<1000000xf32, #tpu.memory_space<hbm>>) target(%dma_start3A_181 : memref<128xf32, #tpu.memory_space<vmem>>) offsets(%dma_start3A_184 : memref<128xi32, #tpu.memory_space<vmem>>) semaphore(%arg12 : memref<!tpu.dma_semaphore, #tpu.memory_space<semaphore_mem>>)
    %dma_start3A_190 = arith.constant 0 : i32
    %dma_start3A_191 = arith.constant 9 : i32
    %dma_start3A_192 = arith.constant 9 : i32
    %dma_start3A_193 = arith.constant 0 : i32
    %dma_start3A_194 = tpu.memref_slice %arg8[%dma_start3A_192, %dma_start3A_193] : memref<26x128xf32, #tpu.memory_space<vmem>> -> memref<1x128xf32, #tpu.memory_space<vmem>>
    %dma_start3A_195 = tpu.memref_squeeze %dma_start3A_194 : memref<1x128xf32, #tpu.memory_space<vmem>> -> memref<128xf32, #tpu.memory_space<vmem>>
    %dma_start3A_196 = arith.constant 0 : i32
    %dma_start3A_197 = tpu.memref_slice %arg7[%dma_start3A_191, %dma_start3A_196] : memref<26x128xi32, #tpu.memory_space<vmem>> -> memref<1x128xi32, #tpu.memory_space<vmem>>
    %dma_start3A_198 = tpu.memref_squeeze %dma_start3A_197 : memref<1x128xi32, #tpu.memory_space<vmem>> -> memref<128xi32, #tpu.memory_space<vmem>>
    %dma_start3A_199 = arith.constant 0 : i32
    %dma_start3A_200 = tpu.memref_slice %arg4[%dma_start3A_190, %dma_start3A_199] : memref<1x1000000xf32, #tpu.memory_space<hbm>> -> memref<1x1000000xf32, #tpu.memory_space<hbm>>
    %dma_start3A_201 = tpu.memref_squeeze %dma_start3A_200 : memref<1x1000000xf32, #tpu.memory_space<hbm>> -> memref<1000000xf32, #tpu.memory_space<hbm>>
    %dma_start3A_202 = arith.constant 0 : i32
    %dma_start3A_203 = tpu.memref_slice %dma_start3A_201[%dma_start3A_202] : memref<1000000xf32, #tpu.memory_space<hbm>> -> memref<1000000xf32, #tpu.memory_space<hbm>>
    tpu.enqueue_indirect_dma source(%dma_start3A_203 : memref<1000000xf32, #tpu.memory_space<hbm>>) target(%dma_start3A_195 : memref<128xf32, #tpu.memory_space<vmem>>) offsets(%dma_start3A_198 : memref<128xi32, #tpu.memory_space<vmem>>) semaphore(%arg12 : memref<!tpu.dma_semaphore, #tpu.memory_space<semaphore_mem>>)
    %dma_start3A_204 = arith.constant 0 : i32
    %dma_start3A_205 = arith.constant 10 : i32
    %dma_start3A_206 = arith.constant 10 : i32
    %dma_start3A_207 = arith.constant 0 : i32
    %dma_start3A_208 = tpu.memref_slice %arg8[%dma_start3A_206, %dma_start3A_207] : memref<26x128xf32, #tpu.memory_space<vmem>> -> memref<1x128xf32, #tpu.memory_space<vmem>>
    %dma_start3A_209 = tpu.memref_squeeze %dma_start3A_208 : memref<1x128xf32, #tpu.memory_space<vmem>> -> memref<128xf32, #tpu.memory_space<vmem>>
    %dma_start3A_210 = arith.constant 0 : i32
    %dma_start3A_211 = tpu.memref_slice %arg7[%dma_start3A_205, %dma_start3A_210] : memref<26x128xi32, #tpu.memory_space<vmem>> -> memref<1x128xi32, #tpu.memory_space<vmem>>
    %dma_start3A_212 = tpu.memref_squeeze %dma_start3A_211 : memref<1x128xi32, #tpu.memory_space<vmem>> -> memref<128xi32, #tpu.memory_space<vmem>>
    %dma_start3A_213 = arith.constant 0 : i32
    %dma_start3A_214 = tpu.memref_slice %arg4[%dma_start3A_204, %dma_start3A_213] : memref<1x1000000xf32, #tpu.memory_space<hbm>> -> memref<1x1000000xf32, #tpu.memory_space<hbm>>
    %dma_start3A_215 = tpu.memref_squeeze %dma_start3A_214 : memref<1x1000000xf32, #tpu.memory_space<hbm>> -> memref<1000000xf32, #tpu.memory_space<hbm>>
    %dma_start3A_216 = arith.constant 0 : i32
    %dma_start3A_217 = tpu.memref_slice %dma_start3A_215[%dma_start3A_216] : memref<1000000xf32, #tpu.memory_space<hbm>> -> memref<1000000xf32, #tpu.memory_space<hbm>>
    tpu.enqueue_indirect_dma source(%dma_start3A_217 : memref<1000000xf32, #tpu.memory_space<hbm>>) target(%dma_start3A_209 : memref<128xf32, #tpu.memory_space<vmem>>) offsets(%dma_start3A_212 : memref<128xi32, #tpu.memory_space<vmem>>) semaphore(%arg12 : memref<!tpu.dma_semaphore, #tpu.memory_space<semaphore_mem>>)
    %dma_start3A_218 = arith.constant 0 : i32
    %dma_start3A_219 = arith.constant 11 : i32
    %dma_start3A_220 = arith.constant 11 : i32
    %dma_start3A_221 = arith.constant 0 : i32
    %dma_start3A_222 = tpu.memref_slice %arg8[%dma_start3A_220, %dma_start3A_221] : memref<26x128xf32, #tpu.memory_space<vmem>> -> memref<1x128xf32, #tpu.memory_space<vmem>>
    %dma_start3A_223 = tpu.memref_squeeze %dma_start3A_222 : memref<1x128xf32, #tpu.memory_space<vmem>> -> memref<128xf32, #tpu.memory_space<vmem>>
    %dma_start3A_224 = arith.constant 0 : i32
    %dma_start3A_225 = tpu.memref_slice %arg7[%dma_start3A_219, %dma_start3A_224] : memref<26x128xi32, #tpu.memory_space<vmem>> -> memref<1x128xi32, #tpu.memory_space<vmem>>
    %dma_start3A_226 = tpu.memref_squeeze %dma_start3A_225 : memref<1x128xi32, #tpu.memory_space<vmem>> -> memref<128xi32, #tpu.memory_space<vmem>>
    %dma_start3A_227 = arith.constant 0 : i32
    %dma_start3A_228 = tpu.memref_slice %arg4[%dma_start3A_218, %dma_start3A_227] : memref<1x1000000xf32, #tpu.memory_space<hbm>> -> memref<1x1000000xf32, #tpu.memory_space<hbm>>
    %dma_start3A_229 = tpu.memref_squeeze %dma_start3A_228 : memref<1x1000000xf32, #tpu.memory_space<hbm>> -> memref<1000000xf32, #tpu.memory_space<hbm>>
    %dma_start3A_230 = arith.constant 0 : i32
    %dma_start3A_231 = tpu.memref_slice %dma_start3A_229[%dma_start3A_230] : memref<1000000xf32, #tpu.memory_space<hbm>> -> memref<1000000xf32, #tpu.memory_space<hbm>>
    tpu.enqueue_indirect_dma source(%dma_start3A_231 : memref<1000000xf32, #tpu.memory_space<hbm>>) target(%dma_start3A_223 : memref<128xf32, #tpu.memory_space<vmem>>) offsets(%dma_start3A_226 : memref<128xi32, #tpu.memory_space<vmem>>) semaphore(%arg12 : memref<!tpu.dma_semaphore, #tpu.memory_space<semaphore_mem>>)
    %dma_start3A_232 = arith.constant 0 : i32
    %dma_start3A_233 = arith.constant 12 : i32
    %dma_start3A_234 = arith.constant 12 : i32
    %dma_start3A_235 = arith.constant 0 : i32
    %dma_start3A_236 = tpu.memref_slice %arg8[%dma_start3A_234, %dma_start3A_235] : memref<26x128xf32, #tpu.memory_space<vmem>> -> memref<1x128xf32, #tpu.memory_space<vmem>>
    %dma_start3A_237 = tpu.memref_squeeze %dma_start3A_236 : memref<1x128xf32, #tpu.memory_space<vmem>> -> memref<128xf32, #tpu.memory_space<vmem>>
    %dma_start3A_238 = arith.constant 0 : i32
    %dma_start3A_239 = tpu.memref_slice %arg7[%dma_start3A_233, %dma_start3A_238] : memref<26x128xi32, #tpu.memory_space<vmem>> -> memref<1x128xi32, #tpu.memory_space<vmem>>
    %dma_start3A_240 = tpu.memref_squeeze %dma_start3A_239 : memref<1x128xi32, #tpu.memory_space<vmem>> -> memref<128xi32, #tpu.memory_space<vmem>>
    %dma_start3A_241 = arith.constant 0 : i32
    %dma_start3A_242 = tpu.memref_slice %arg4[%dma_start3A_232, %dma_start3A_241] : memref<1x1000000xf32, #tpu.memory_space<hbm>> -> memref<1x1000000xf32, #tpu.memory_space<hbm>>
    %dma_start3A_243 = tpu.memref_squeeze %dma_start3A_242 : memref<1x1000000xf32, #tpu.memory_space<hbm>> -> memref<1000000xf32, #tpu.memory_space<hbm>>
    %dma_start3A_244 = arith.constant 0 : i32
    %dma_start3A_245 = tpu.memref_slice %dma_start3A_243[%dma_start3A_244] : memref<1000000xf32, #tpu.memory_space<hbm>> -> memref<1000000xf32, #tpu.memory_space<hbm>>
    tpu.enqueue_indirect_dma source(%dma_start3A_245 : memref<1000000xf32, #tpu.memory_space<hbm>>) target(%dma_start3A_237 : memref<128xf32, #tpu.memory_space<vmem>>) offsets(%dma_start3A_240 : memref<128xi32, #tpu.memory_space<vmem>>) semaphore(%arg12 : memref<!tpu.dma_semaphore, #tpu.memory_space<semaphore_mem>>)
    %dma_start3A_246 = arith.constant 0 : i32
    %dma_start3A_247 = arith.constant 13 : i32
    %dma_start3A_248 = arith.constant 13 : i32
    %dma_start3A_249 = arith.constant 0 : i32
    %dma_start3A_250 = tpu.memref_slice %arg8[%dma_start3A_248, %dma_start3A_249] : memref<26x128xf32, #tpu.memory_space<vmem>> -> memref<1x128xf32, #tpu.memory_space<vmem>>
    %dma_start3A_251 = tpu.memref_squeeze %dma_start3A_250 : memref<1x128xf32, #tpu.memory_space<vmem>> -> memref<128xf32, #tpu.memory_space<vmem>>
    %dma_start3A_252 = arith.constant 0 : i32
    %dma_start3A_253 = tpu.memref_slice %arg7[%dma_start3A_247, %dma_start3A_252] : memref<26x128xi32, #tpu.memory_space<vmem>> -> memref<1x128xi32, #tpu.memory_space<vmem>>
    %dma_start3A_254 = tpu.memref_squeeze %dma_start3A_253 : memref<1x128xi32, #tpu.memory_space<vmem>> -> memref<128xi32, #tpu.memory_space<vmem>>
    %dma_start3A_255 = arith.constant 0 : i32
    %dma_start3A_256 = tpu.memref_slice %arg4[%dma_start3A_246, %dma_start3A_255] : memref<1x1000000xf32, #tpu.memory_space<hbm>> -> memref<1x1000000xf32, #tpu.memory_space<hbm>>
    %dma_start3A_257 = tpu.memref_squeeze %dma_start3A_256 : memref<1x1000000xf32, #tpu.memory_space<hbm>> -> memref<1000000xf32, #tpu.memory_space<hbm>>
    %dma_start3A_258 = arith.constant 0 : i32
    %dma_start3A_259 = tpu.memref_slice %dma_start3A_257[%dma_start3A_258] : memref<1000000xf32, #tpu.memory_space<hbm>> -> memref<1000000xf32, #tpu.memory_space<hbm>>
    tpu.enqueue_indirect_dma source(%dma_start3A_259 : memref<1000000xf32, #tpu.memory_space<hbm>>) target(%dma_start3A_251 : memref<128xf32, #tpu.memory_space<vmem>>) offsets(%dma_start3A_254 : memref<128xi32, #tpu.memory_space<vmem>>) semaphore(%arg12 : memref<!tpu.dma_semaphore, #tpu.memory_space<semaphore_mem>>)
    %dma_start3A_260 = arith.constant 0 : i32
    %dma_start3A_261 = arith.constant 14 : i32
    %dma_start3A_262 = arith.constant 14 : i32
    %dma_start3A_263 = arith.constant 0 : i32
    %dma_start3A_264 = tpu.memref_slice %arg8[%dma_start3A_262, %dma_start3A_263] : memref<26x128xf32, #tpu.memory_space<vmem>> -> memref<1x128xf32, #tpu.memory_space<vmem>>
    %dma_start3A_265 = tpu.memref_squeeze %dma_start3A_264 : memref<1x128xf32, #tpu.memory_space<vmem>> -> memref<128xf32, #tpu.memory_space<vmem>>
    %dma_start3A_266 = arith.constant 0 : i32
    %dma_start3A_267 = tpu.memref_slice %arg7[%dma_start3A_261, %dma_start3A_266] : memref<26x128xi32, #tpu.memory_space<vmem>> -> memref<1x128xi32, #tpu.memory_space<vmem>>
    %dma_start3A_268 = tpu.memref_squeeze %dma_start3A_267 : memref<1x128xi32, #tpu.memory_space<vmem>> -> memref<128xi32, #tpu.memory_space<vmem>>
    %dma_start3A_269 = arith.constant 0 : i32
    %dma_start3A_270 = tpu.memref_slice %arg4[%dma_start3A_260, %dma_start3A_269] : memref<1x1000000xf32, #tpu.memory_space<hbm>> -> memref<1x1000000xf32, #tpu.memory_space<hbm>>
    %dma_start3A_271 = tpu.memref_squeeze %dma_start3A_270 : memref<1x1000000xf32, #tpu.memory_space<hbm>> -> memref<1000000xf32, #tpu.memory_space<hbm>>
    %dma_start3A_272 = arith.constant 0 : i32
    %dma_start3A_273 = tpu.memref_slice %dma_start3A_271[%dma_start3A_272] : memref<1000000xf32, #tpu.memory_space<hbm>> -> memref<1000000xf32, #tpu.memory_space<hbm>>
    tpu.enqueue_indirect_dma source(%dma_start3A_273 : memref<1000000xf32, #tpu.memory_space<hbm>>) target(%dma_start3A_265 : memref<128xf32, #tpu.memory_space<vmem>>) offsets(%dma_start3A_268 : memref<128xi32, #tpu.memory_space<vmem>>) semaphore(%arg12 : memref<!tpu.dma_semaphore, #tpu.memory_space<semaphore_mem>>)
    %dma_start3A_274 = arith.constant 0 : i32
    %dma_start3A_275 = arith.constant 15 : i32
    %dma_start3A_276 = arith.constant 15 : i32
    %dma_start3A_277 = arith.constant 0 : i32
    %dma_start3A_278 = tpu.memref_slice %arg8[%dma_start3A_276, %dma_start3A_277] : memref<26x128xf32, #tpu.memory_space<vmem>> -> memref<1x128xf32, #tpu.memory_space<vmem>>
    %dma_start3A_279 = tpu.memref_squeeze %dma_start3A_278 : memref<1x128xf32, #tpu.memory_space<vmem>> -> memref<128xf32, #tpu.memory_space<vmem>>
    %dma_start3A_280 = arith.constant 0 : i32
    %dma_start3A_281 = tpu.memref_slice %arg7[%dma_start3A_275, %dma_start3A_280] : memref<26x128xi32, #tpu.memory_space<vmem>> -> memref<1x128xi32, #tpu.memory_space<vmem>>
    %dma_start3A_282 = tpu.memref_squeeze %dma_start3A_281 : memref<1x128xi32, #tpu.memory_space<vmem>> -> memref<128xi32, #tpu.memory_space<vmem>>
    %dma_start3A_283 = arith.constant 0 : i32
    %dma_start3A_284 = tpu.memref_slice %arg4[%dma_start3A_274, %dma_start3A_283] : memref<1x1000000xf32, #tpu.memory_space<hbm>> -> memref<1x1000000xf32, #tpu.memory_space<hbm>>
    %dma_start3A_285 = tpu.memref_squeeze %dma_start3A_284 : memref<1x1000000xf32, #tpu.memory_space<hbm>> -> memref<1000000xf32, #tpu.memory_space<hbm>>
    %dma_start3A_286 = arith.constant 0 : i32
    %dma_start3A_287 = tpu.memref_slice %dma_start3A_285[%dma_start3A_286] : memref<1000000xf32, #tpu.memory_space<hbm>> -> memref<1000000xf32, #tpu.memory_space<hbm>>
    tpu.enqueue_indirect_dma source(%dma_start3A_287 : memref<1000000xf32, #tpu.memory_space<hbm>>) target(%dma_start3A_279 : memref<128xf32, #tpu.memory_space<vmem>>) offsets(%dma_start3A_282 : memref<128xi32, #tpu.memory_space<vmem>>) semaphore(%arg12 : memref<!tpu.dma_semaphore, #tpu.memory_space<semaphore_mem>>)
    %dma_start3A_288 = arith.constant 0 : i32
    %dma_start3A_289 = arith.constant 16 : i32
    %dma_start3A_290 = arith.constant 16 : i32
    %dma_start3A_291 = arith.constant 0 : i32
    %dma_start3A_292 = tpu.memref_slice %arg8[%dma_start3A_290, %dma_start3A_291] : memref<26x128xf32, #tpu.memory_space<vmem>> -> memref<1x128xf32, #tpu.memory_space<vmem>>
    %dma_start3A_293 = tpu.memref_squeeze %dma_start3A_292 : memref<1x128xf32, #tpu.memory_space<vmem>> -> memref<128xf32, #tpu.memory_space<vmem>>
    %dma_start3A_294 = arith.constant 0 : i32
    %dma_start3A_295 = tpu.memref_slice %arg7[%dma_start3A_289, %dma_start3A_294] : memref<26x128xi32, #tpu.memory_space<vmem>> -> memref<1x128xi32, #tpu.memory_space<vmem>>
    %dma_start3A_296 = tpu.memref_squeeze %dma_start3A_295 : memref<1x128xi32, #tpu.memory_space<vmem>> -> memref<128xi32, #tpu.memory_space<vmem>>
    %dma_start3A_297 = arith.constant 0 : i32
    %dma_start3A_298 = tpu.memref_slice %arg4[%dma_start3A_288, %dma_start3A_297] : memref<1x1000000xf32, #tpu.memory_space<hbm>> -> memref<1x1000000xf32, #tpu.memory_space<hbm>>
    %dma_start3A_299 = tpu.memref_squeeze %dma_start3A_298 : memref<1x1000000xf32, #tpu.memory_space<hbm>> -> memref<1000000xf32, #tpu.memory_space<hbm>>
    %dma_start3A_300 = arith.constant 0 : i32
    %dma_start3A_301 = tpu.memref_slice %dma_start3A_299[%dma_start3A_300] : memref<1000000xf32, #tpu.memory_space<hbm>> -> memref<1000000xf32, #tpu.memory_space<hbm>>
    tpu.enqueue_indirect_dma source(%dma_start3A_301 : memref<1000000xf32, #tpu.memory_space<hbm>>) target(%dma_start3A_293 : memref<128xf32, #tpu.memory_space<vmem>>) offsets(%dma_start3A_296 : memref<128xi32, #tpu.memory_space<vmem>>) semaphore(%arg12 : memref<!tpu.dma_semaphore, #tpu.memory_space<semaphore_mem>>)
    %dma_start3A_302 = arith.constant 0 : i32
    %dma_start3A_303 = arith.constant 17 : i32
    %dma_start3A_304 = arith.constant 17 : i32
    %dma_start3A_305 = arith.constant 0 : i32
    %dma_start3A_306 = tpu.memref_slice %arg8[%dma_start3A_304, %dma_start3A_305] : memref<26x128xf32, #tpu.memory_space<vmem>> -> memref<1x128xf32, #tpu.memory_space<vmem>>
    %dma_start3A_307 = tpu.memref_squeeze %dma_start3A_306 : memref<1x128xf32, #tpu.memory_space<vmem>> -> memref<128xf32, #tpu.memory_space<vmem>>
    %dma_start3A_308 = arith.constant 0 : i32
    %dma_start3A_309 = tpu.memref_slice %arg7[%dma_start3A_303, %dma_start3A_308] : memref<26x128xi32, #tpu.memory_space<vmem>> -> memref<1x128xi32, #tpu.memory_space<vmem>>
    %dma_start3A_310 = tpu.memref_squeeze %dma_start3A_309 : memref<1x128xi32, #tpu.memory_space<vmem>> -> memref<128xi32, #tpu.memory_space<vmem>>
    %dma_start3A_311 = arith.constant 0 : i32
    %dma_start3A_312 = tpu.memref_slice %arg4[%dma_start3A_302, %dma_start3A_311] : memref<1x1000000xf32, #tpu.memory_space<hbm>> -> memref<1x1000000xf32, #tpu.memory_space<hbm>>
    %dma_start3A_313 = tpu.memref_squeeze %dma_start3A_312 : memref<1x1000000xf32, #tpu.memory_space<hbm>> -> memref<1000000xf32, #tpu.memory_space<hbm>>
    %dma_start3A_314 = arith.constant 0 : i32
    %dma_start3A_315 = tpu.memref_slice %dma_start3A_313[%dma_start3A_314] : memref<1000000xf32, #tpu.memory_space<hbm>> -> memref<1000000xf32, #tpu.memory_space<hbm>>
    tpu.enqueue_indirect_dma source(%dma_start3A_315 : memref<1000000xf32, #tpu.memory_space<hbm>>) target(%dma_start3A_307 : memref<128xf32, #tpu.memory_space<vmem>>) offsets(%dma_start3A_310 : memref<128xi32, #tpu.memory_space<vmem>>) semaphore(%arg12 : memref<!tpu.dma_semaphore, #tpu.memory_space<semaphore_mem>>)
    %dma_start3A_316 = arith.constant 0 : i32
    %dma_start3A_317 = arith.constant 18 : i32
    %dma_start3A_318 = arith.constant 18 : i32
    %dma_start3A_319 = arith.constant 0 : i32
    %dma_start3A_320 = tpu.memref_slice %arg8[%dma_start3A_318, %dma_start3A_319] : memref<26x128xf32, #tpu.memory_space<vmem>> -> memref<1x128xf32, #tpu.memory_space<vmem>>
    %dma_start3A_321 = tpu.memref_squeeze %dma_start3A_320 : memref<1x128xf32, #tpu.memory_space<vmem>> -> memref<128xf32, #tpu.memory_space<vmem>>
    %dma_start3A_322 = arith.constant 0 : i32
    %dma_start3A_323 = tpu.memref_slice %arg7[%dma_start3A_317, %dma_start3A_322] : memref<26x128xi32, #tpu.memory_space<vmem>> -> memref<1x128xi32, #tpu.memory_space<vmem>>
    %dma_start3A_324 = tpu.memref_squeeze %dma_start3A_323 : memref<1x128xi32, #tpu.memory_space<vmem>> -> memref<128xi32, #tpu.memory_space<vmem>>
    %dma_start3A_325 = arith.constant 0 : i32
    %dma_start3A_326 = tpu.memref_slice %arg4[%dma_start3A_316, %dma_start3A_325] : memref<1x1000000xf32, #tpu.memory_space<hbm>> -> memref<1x1000000xf32, #tpu.memory_space<hbm>>
    %dma_start3A_327 = tpu.memref_squeeze %dma_start3A_326 : memref<1x1000000xf32, #tpu.memory_space<hbm>> -> memref<1000000xf32, #tpu.memory_space<hbm>>
    %dma_start3A_328 = arith.constant 0 : i32
    %dma_start3A_329 = tpu.memref_slice %dma_start3A_327[%dma_start3A_328] : memref<1000000xf32, #tpu.memory_space<hbm>> -> memref<1000000xf32, #tpu.memory_space<hbm>>
    tpu.enqueue_indirect_dma source(%dma_start3A_329 : memref<1000000xf32, #tpu.memory_space<hbm>>) target(%dma_start3A_321 : memref<128xf32, #tpu.memory_space<vmem>>) offsets(%dma_start3A_324 : memref<128xi32, #tpu.memory_space<vmem>>) semaphore(%arg12 : memref<!tpu.dma_semaphore, #tpu.memory_space<semaphore_mem>>)
    %dma_start3A_330 = arith.constant 0 : i32
    %dma_start3A_331 = arith.constant 19 : i32
    %dma_start3A_332 = arith.constant 19 : i32
    %dma_start3A_333 = arith.constant 0 : i32
    %dma_start3A_334 = tpu.memref_slice %arg8[%dma_start3A_332, %dma_start3A_333] : memref<26x128xf32, #tpu.memory_space<vmem>> -> memref<1x128xf32, #tpu.memory_space<vmem>>
    %dma_start3A_335 = tpu.memref_squeeze %dma_start3A_334 : memref<1x128xf32, #tpu.memory_space<vmem>> -> memref<128xf32, #tpu.memory_space<vmem>>
    %dma_start3A_336 = arith.constant 0 : i32
    %dma_start3A_337 = tpu.memref_slice %arg7[%dma_start3A_331, %dma_start3A_336] : memref<26x128xi32, #tpu.memory_space<vmem>> -> memref<1x128xi32, #tpu.memory_space<vmem>>
    %dma_start3A_338 = tpu.memref_squeeze %dma_start3A_337 : memref<1x128xi32, #tpu.memory_space<vmem>> -> memref<128xi32, #tpu.memory_space<vmem>>
    %dma_start3A_339 = arith.constant 0 : i32
    %dma_start3A_340 = tpu.memref_slice %arg4[%dma_start3A_330, %dma_start3A_339] : memref<1x1000000xf32, #tpu.memory_space<hbm>> -> memref<1x1000000xf32, #tpu.memory_space<hbm>>
    %dma_start3A_341 = tpu.memref_squeeze %dma_start3A_340 : memref<1x1000000xf32, #tpu.memory_space<hbm>> -> memref<1000000xf32, #tpu.memory_space<hbm>>
    %dma_start3A_342 = arith.constant 0 : i32
    %dma_start3A_343 = tpu.memref_slice %dma_start3A_341[%dma_start3A_342] : memref<1000000xf32, #tpu.memory_space<hbm>> -> memref<1000000xf32, #tpu.memory_space<hbm>>
    tpu.enqueue_indirect_dma source(%dma_start3A_343 : memref<1000000xf32, #tpu.memory_space<hbm>>) target(%dma_start3A_335 : memref<128xf32, #tpu.memory_space<vmem>>) offsets(%dma_start3A_338 : memref<128xi32, #tpu.memory_space<vmem>>) semaphore(%arg12 : memref<!tpu.dma_semaphore, #tpu.memory_space<semaphore_mem>>)
    %dma_start3A_344 = arith.constant 0 : i32
    %dma_start3A_345 = arith.constant 20 : i32
    %dma_start3A_346 = arith.constant 20 : i32
    %dma_start3A_347 = arith.constant 0 : i32
    %dma_start3A_348 = tpu.memref_slice %arg8[%dma_start3A_346, %dma_start3A_347] : memref<26x128xf32, #tpu.memory_space<vmem>> -> memref<1x128xf32, #tpu.memory_space<vmem>>
    %dma_start3A_349 = tpu.memref_squeeze %dma_start3A_348 : memref<1x128xf32, #tpu.memory_space<vmem>> -> memref<128xf32, #tpu.memory_space<vmem>>
    %dma_start3A_350 = arith.constant 0 : i32
    %dma_start3A_351 = tpu.memref_slice %arg7[%dma_start3A_345, %dma_start3A_350] : memref<26x128xi32, #tpu.memory_space<vmem>> -> memref<1x128xi32, #tpu.memory_space<vmem>>
    %dma_start3A_352 = tpu.memref_squeeze %dma_start3A_351 : memref<1x128xi32, #tpu.memory_space<vmem>> -> memref<128xi32, #tpu.memory_space<vmem>>
    %dma_start3A_353 = arith.constant 0 : i32
    %dma_start3A_354 = tpu.memref_slice %arg4[%dma_start3A_344, %dma_start3A_353] : memref<1x1000000xf32, #tpu.memory_space<hbm>> -> memref<1x1000000xf32, #tpu.memory_space<hbm>>
    %dma_start3A_355 = tpu.memref_squeeze %dma_start3A_354 : memref<1x1000000xf32, #tpu.memory_space<hbm>> -> memref<1000000xf32, #tpu.memory_space<hbm>>
    %dma_start3A_356 = arith.constant 0 : i32
    %dma_start3A_357 = tpu.memref_slice %dma_start3A_355[%dma_start3A_356] : memref<1000000xf32, #tpu.memory_space<hbm>> -> memref<1000000xf32, #tpu.memory_space<hbm>>
    tpu.enqueue_indirect_dma source(%dma_start3A_357 : memref<1000000xf32, #tpu.memory_space<hbm>>) target(%dma_start3A_349 : memref<128xf32, #tpu.memory_space<vmem>>) offsets(%dma_start3A_352 : memref<128xi32, #tpu.memory_space<vmem>>) semaphore(%arg12 : memref<!tpu.dma_semaphore, #tpu.memory_space<semaphore_mem>>)
    %dma_start3A_358 = arith.constant 0 : i32
    %dma_start3A_359 = arith.constant 21 : i32
    %dma_start3A_360 = arith.constant 21 : i32
    %dma_start3A_361 = arith.constant 0 : i32
    %dma_start3A_362 = tpu.memref_slice %arg8[%dma_start3A_360, %dma_start3A_361] : memref<26x128xf32, #tpu.memory_space<vmem>> -> memref<1x128xf32, #tpu.memory_space<vmem>>
    %dma_start3A_363 = tpu.memref_squeeze %dma_start3A_362 : memref<1x128xf32, #tpu.memory_space<vmem>> -> memref<128xf32, #tpu.memory_space<vmem>>
    %dma_start3A_364 = arith.constant 0 : i32
    %dma_start3A_365 = tpu.memref_slice %arg7[%dma_start3A_359, %dma_start3A_364] : memref<26x128xi32, #tpu.memory_space<vmem>> -> memref<1x128xi32, #tpu.memory_space<vmem>>
    %dma_start3A_366 = tpu.memref_squeeze %dma_start3A_365 : memref<1x128xi32, #tpu.memory_space<vmem>> -> memref<128xi32, #tpu.memory_space<vmem>>
    %dma_start3A_367 = arith.constant 0 : i32
    %dma_start3A_368 = tpu.memref_slice %arg4[%dma_start3A_358, %dma_start3A_367] : memref<1x1000000xf32, #tpu.memory_space<hbm>> -> memref<1x1000000xf32, #tpu.memory_space<hbm>>
    %dma_start3A_369 = tpu.memref_squeeze %dma_start3A_368 : memref<1x1000000xf32, #tpu.memory_space<hbm>> -> memref<1000000xf32, #tpu.memory_space<hbm>>
    %dma_start3A_370 = arith.constant 0 : i32
    %dma_start3A_371 = tpu.memref_slice %dma_start3A_369[%dma_start3A_370] : memref<1000000xf32, #tpu.memory_space<hbm>> -> memref<1000000xf32, #tpu.memory_space<hbm>>
    tpu.enqueue_indirect_dma source(%dma_start3A_371 : memref<1000000xf32, #tpu.memory_space<hbm>>) target(%dma_start3A_363 : memref<128xf32, #tpu.memory_space<vmem>>) offsets(%dma_start3A_366 : memref<128xi32, #tpu.memory_space<vmem>>) semaphore(%arg12 : memref<!tpu.dma_semaphore, #tpu.memory_space<semaphore_mem>>)
    %dma_start3A_372 = arith.constant 0 : i32
    %dma_start3A_373 = arith.constant 22 : i32
    %dma_start3A_374 = arith.constant 22 : i32
    %dma_start3A_375 = arith.constant 0 : i32
    %dma_start3A_376 = tpu.memref_slice %arg8[%dma_start3A_374, %dma_start3A_375] : memref<26x128xf32, #tpu.memory_space<vmem>> -> memref<1x128xf32, #tpu.memory_space<vmem>>
    %dma_start3A_377 = tpu.memref_squeeze %dma_start3A_376 : memref<1x128xf32, #tpu.memory_space<vmem>> -> memref<128xf32, #tpu.memory_space<vmem>>
    %dma_start3A_378 = arith.constant 0 : i32
    %dma_start3A_379 = tpu.memref_slice %arg7[%dma_start3A_373, %dma_start3A_378] : memref<26x128xi32, #tpu.memory_space<vmem>> -> memref<1x128xi32, #tpu.memory_space<vmem>>
    %dma_start3A_380 = tpu.memref_squeeze %dma_start3A_379 : memref<1x128xi32, #tpu.memory_space<vmem>> -> memref<128xi32, #tpu.memory_space<vmem>>
    %dma_start3A_381 = arith.constant 0 : i32
    %dma_start3A_382 = tpu.memref_slice %arg4[%dma_start3A_372, %dma_start3A_381] : memref<1x1000000xf32, #tpu.memory_space<hbm>> -> memref<1x1000000xf32, #tpu.memory_space<hbm>>
    %dma_start3A_383 = tpu.memref_squeeze %dma_start3A_382 : memref<1x1000000xf32, #tpu.memory_space<hbm>> -> memref<1000000xf32, #tpu.memory_space<hbm>>
    %dma_start3A_384 = arith.constant 0 : i32
    %dma_start3A_385 = tpu.memref_slice %dma_start3A_383[%dma_start3A_384] : memref<1000000xf32, #tpu.memory_space<hbm>> -> memref<1000000xf32, #tpu.memory_space<hbm>>
    tpu.enqueue_indirect_dma source(%dma_start3A_385 : memref<1000000xf32, #tpu.memory_space<hbm>>) target(%dma_start3A_377 : memref<128xf32, #tpu.memory_space<vmem>>) offsets(%dma_start3A_380 : memref<128xi32, #tpu.memory_space<vmem>>) semaphore(%arg12 : memref<!tpu.dma_semaphore, #tpu.memory_space<semaphore_mem>>)
    %dma_start3A_386 = arith.constant 0 : i32
    %dma_start3A_387 = arith.constant 23 : i32
    %dma_start3A_388 = arith.constant 23 : i32
    %dma_start3A_389 = arith.constant 0 : i32
    %dma_start3A_390 = tpu.memref_slice %arg8[%dma_start3A_388, %dma_start3A_389] : memref<26x128xf32, #tpu.memory_space<vmem>> -> memref<1x128xf32, #tpu.memory_space<vmem>>
    %dma_start3A_391 = tpu.memref_squeeze %dma_start3A_390 : memref<1x128xf32, #tpu.memory_space<vmem>> -> memref<128xf32, #tpu.memory_space<vmem>>
    %dma_start3A_392 = arith.constant 0 : i32
    %dma_start3A_393 = tpu.memref_slice %arg7[%dma_start3A_387, %dma_start3A_392] : memref<26x128xi32, #tpu.memory_space<vmem>> -> memref<1x128xi32, #tpu.memory_space<vmem>>
    %dma_start3A_394 = tpu.memref_squeeze %dma_start3A_393 : memref<1x128xi32, #tpu.memory_space<vmem>> -> memref<128xi32, #tpu.memory_space<vmem>>
    %dma_start3A_395 = arith.constant 0 : i32
    %dma_start3A_396 = tpu.memref_slice %arg4[%dma_start3A_386, %dma_start3A_395] : memref<1x1000000xf32, #tpu.memory_space<hbm>> -> memref<1x1000000xf32, #tpu.memory_space<hbm>>
    %dma_start3A_397 = tpu.memref_squeeze %dma_start3A_396 : memref<1x1000000xf32, #tpu.memory_space<hbm>> -> memref<1000000xf32, #tpu.memory_space<hbm>>
    %dma_start3A_398 = arith.constant 0 : i32
    %dma_start3A_399 = tpu.memref_slice %dma_start3A_397[%dma_start3A_398] : memref<1000000xf32, #tpu.memory_space<hbm>> -> memref<1000000xf32, #tpu.memory_space<hbm>>
    tpu.enqueue_indirect_dma source(%dma_start3A_399 : memref<1000000xf32, #tpu.memory_space<hbm>>) target(%dma_start3A_391 : memref<128xf32, #tpu.memory_space<vmem>>) offsets(%dma_start3A_394 : memref<128xi32, #tpu.memory_space<vmem>>) semaphore(%arg12 : memref<!tpu.dma_semaphore, #tpu.memory_space<semaphore_mem>>)
    %dma_start3A_400 = arith.constant 0 : i32
    %dma_start3A_401 = arith.constant 24 : i32
    %dma_start3A_402 = arith.constant 24 : i32
    %dma_start3A_403 = arith.constant 0 : i32
    %dma_start3A_404 = tpu.memref_slice %arg8[%dma_start3A_402, %dma_start3A_403] : memref<26x128xf32, #tpu.memory_space<vmem>> -> memref<1x128xf32, #tpu.memory_space<vmem>>
    %dma_start3A_405 = tpu.memref_squeeze %dma_start3A_404 : memref<1x128xf32, #tpu.memory_space<vmem>> -> memref<128xf32, #tpu.memory_space<vmem>>
    %dma_start3A_406 = arith.constant 0 : i32
    %dma_start3A_407 = tpu.memref_slice %arg7[%dma_start3A_401, %dma_start3A_406] : memref<26x128xi32, #tpu.memory_space<vmem>> -> memref<1x128xi32, #tpu.memory_space<vmem>>
    %dma_start3A_408 = tpu.memref_squeeze %dma_start3A_407 : memref<1x128xi32, #tpu.memory_space<vmem>> -> memref<128xi32, #tpu.memory_space<vmem>>
    %dma_start3A_409 = arith.constant 0 : i32
    %dma_start3A_410 = tpu.memref_slice %arg4[%dma_start3A_400, %dma_start3A_409] : memref<1x1000000xf32, #tpu.memory_space<hbm>> -> memref<1x1000000xf32, #tpu.memory_space<hbm>>
    %dma_start3A_411 = tpu.memref_squeeze %dma_start3A_410 : memref<1x1000000xf32, #tpu.memory_space<hbm>> -> memref<1000000xf32, #tpu.memory_space<hbm>>
    %dma_start3A_412 = arith.constant 0 : i32
    %dma_start3A_413 = tpu.memref_slice %dma_start3A_411[%dma_start3A_412] : memref<1000000xf32, #tpu.memory_space<hbm>> -> memref<1000000xf32, #tpu.memory_space<hbm>>
    tpu.enqueue_indirect_dma source(%dma_start3A_413 : memref<1000000xf32, #tpu.memory_space<hbm>>) target(%dma_start3A_405 : memref<128xf32, #tpu.memory_space<vmem>>) offsets(%dma_start3A_408 : memref<128xi32, #tpu.memory_space<vmem>>) semaphore(%arg12 : memref<!tpu.dma_semaphore, #tpu.memory_space<semaphore_mem>>)
    %dma_start3A_414 = arith.constant 0 : i32
    %dma_start3A_415 = arith.constant 25 : i32
    %dma_start3A_416 = arith.constant 25 : i32
    %dma_start3A_417 = arith.constant 0 : i32
    %dma_start3A_418 = tpu.memref_slice %arg8[%dma_start3A_416, %dma_start3A_417] : memref<26x128xf32, #tpu.memory_space<vmem>> -> memref<1x128xf32, #tpu.memory_space<vmem>>
    %dma_start3A_419 = tpu.memref_squeeze %dma_start3A_418 : memref<1x128xf32, #tpu.memory_space<vmem>> -> memref<128xf32, #tpu.memory_space<vmem>>
    %dma_start3A_420 = arith.constant 0 : i32
    %dma_start3A_421 = tpu.memref_slice %arg7[%dma_start3A_415, %dma_start3A_420] : memref<26x128xi32, #tpu.memory_space<vmem>> -> memref<1x128xi32, #tpu.memory_space<vmem>>
    %dma_start3A_422 = tpu.memref_squeeze %dma_start3A_421 : memref<1x128xi32, #tpu.memory_space<vmem>> -> memref<128xi32, #tpu.memory_space<vmem>>
    %dma_start3A_423 = arith.constant 0 : i32
    %dma_start3A_424 = tpu.memref_slice %arg4[%dma_start3A_414, %dma_start3A_423] : memref<1x1000000xf32, #tpu.memory_space<hbm>> -> memref<1x1000000xf32, #tpu.memory_space<hbm>>
    %dma_start3A_425 = tpu.memref_squeeze %dma_start3A_424 : memref<1x1000000xf32, #tpu.memory_space<hbm>> -> memref<1000000xf32, #tpu.memory_space<hbm>>
    %dma_start3A_426 = arith.constant 0 : i32
    %dma_start3A_427 = tpu.memref_slice %dma_start3A_425[%dma_start3A_426] : memref<1000000xf32, #tpu.memory_space<hbm>> -> memref<1000000xf32, #tpu.memory_space<hbm>>
    tpu.enqueue_indirect_dma source(%dma_start3A_427 : memref<1000000xf32, #tpu.memory_space<hbm>>) target(%dma_start3A_419 : memref<128xf32, #tpu.memory_space<vmem>>) offsets(%dma_start3A_422 : memref<128xi32, #tpu.memory_space<vmem>>) semaphore(%arg12 : memref<!tpu.dma_semaphore, #tpu.memory_space<semaphore_mem>>)
    %broadcast_in_dim3A = arith.constant 0.000000e+00 : f32
    %broadcast_in_dim3A_428 = vector.broadcast %broadcast_in_dim3A : f32 to vector<16xf32>
    %scan3A = arith.constant 0 : i32
    %scan3A_429 = arith.constant 16 : i32
    %scan3A_430 = arith.addi %scan3A, %scan3A_429 : i32
    %scan3A_431 = arith.constant 1 : i32
    %scan3A_432:8 = scf.for %scan3A_1886 = %scan3A to %scan3A_430 step %scan3A_431 iter_args(%scan3A_1887 = %broadcast_in_dim3A_428, %scan3A_1888 = %broadcast_in_dim3A_428, %scan3A_1889 = %broadcast_in_dim3A_428, %scan3A_1890 = %broadcast_in_dim3A_428, %scan3A_1891 = %broadcast_in_dim3A_428, %scan3A_1892 = %broadcast_in_dim3A_428, %scan3A_1893 = %broadcast_in_dim3A_428, %scan3A_1894 = %broadcast_in_dim3A_428) -> (vector<16xf32>, vector<16xf32>, vector<16xf32>, vector<16xf32>, vector<16xf32>, vector<16xf32>, vector<16xf32>, vector<16xf32>)  : i32 {
      %eq3A_1895 = arith.constant 0 : i32
      %eq3A_1896 = arith.cmpi eq, %scan3A_1886, %eq3A_1895 : i32
      %convert_element_type3A = arith.extui %eq3A_1896 : i1 to i32
      %cond3A = arith.constant 0 : i32
      %cond3A_1897 = arith.cmpi ne, %convert_element_type3A, %cond3A : i32
      scf.if %cond3A_1897 {
        %dma_wait3A_3575 = arith.constant 0 : i32
        %dma_wait3A_3576 = arith.constant 0 : i32
        %dma_wait3A_3577 = arith.constant 0 : i32
        %dma_wait3A_3578 = tpu.memref_slice %arg9[%dma_wait3A_3575, %dma_wait3A_3576, %dma_wait3A_3577] : memref<26x16x128xf32, #tpu.memory_space<vmem>> -> memref<26x8x128xf32, #tpu.memory_space<vmem>>
        %dma_wait3A_3579 = arith.constant 0 : i32
        %dma_wait3A_3580 = tpu.memref_slice %arg3[%dma_wait3A_3579, %add3A_38, %mul3A_34] : memref<26x32x4096xf32, #tpu.memory_space<hbm>> -> memref<26x8x128xf32, #tpu.memory_space<hbm>>
        %dma_wait3A_3581 = arith.constant 0 : i32
        %dma_wait3A_3582 = arith.constant 0 : i32
        %dma_wait3A_3583 = arith.constant 0 : i32
        %dma_wait3A_3584 = tpu.memref_slice %arg9[%dma_wait3A_3581, %dma_wait3A_3582, %dma_wait3A_3583] : memref<26x16x128xf32, #tpu.memory_space<vmem>> -> memref<26x8x128xf32, #tpu.memory_space<vmem>>
        %dma_wait3A_3585 = arith.constant 0 : i32
        %dma_wait3A_3586 = tpu.memref_slice %arg3[%dma_wait3A_3585, %add3A_38, %mul3A_34] : memref<26x32x4096xf32, #tpu.memory_space<hbm>> -> memref<26x8x128xf32, #tpu.memory_space<hbm>>
        tpu.wait_dma2 semaphore(%arg13 : memref<!tpu.dma_semaphore, #tpu.memory_space<semaphore_mem>>) src(%dma_wait3A_3586 : memref<26x8x128xf32, #tpu.memory_space<hbm>>) dst(%dma_wait3A_3584 : memref<26x8x128xf32, #tpu.memory_space<vmem>>)
      } else {
      }
      %eq3A_1898 = arith.constant 8 : i32
      %eq3A_1899 = arith.cmpi eq, %scan3A_1886, %eq3A_1898 : i32
      %convert_element_type3A_1900 = arith.extui %eq3A_1899 : i1 to i32
      %cond3A_1901 = arith.constant 0 : i32
      %cond3A_1902 = arith.cmpi ne, %convert_element_type3A_1900, %cond3A_1901 : i32
      scf.if %cond3A_1902 {
        %dma_wait3A_3575 = arith.constant 0 : i32
        %dma_wait3A_3576 = arith.constant 8 : i32
        %dma_wait3A_3577 = arith.constant 0 : i32
        %dma_wait3A_3578 = tpu.memref_slice %arg9[%dma_wait3A_3575, %dma_wait3A_3576, %dma_wait3A_3577] : memref<26x16x128xf32, #tpu.memory_space<vmem>> -> memref<26x8x128xf32, #tpu.memory_space<vmem>>
        %dma_wait3A_3579 = arith.constant 0 : i32
        %dma_wait3A_3580 = tpu.memref_slice %arg3[%dma_wait3A_3579, %add3A_40, %mul3A_34] : memref<26x32x4096xf32, #tpu.memory_space<hbm>> -> memref<26x8x128xf32, #tpu.memory_space<hbm>>
        %dma_wait3A_3581 = arith.constant 0 : i32
        %dma_wait3A_3582 = arith.constant 8 : i32
        %dma_wait3A_3583 = arith.constant 0 : i32
        %dma_wait3A_3584 = tpu.memref_slice %arg9[%dma_wait3A_3581, %dma_wait3A_3582, %dma_wait3A_3583] : memref<26x16x128xf32, #tpu.memory_space<vmem>> -> memref<26x8x128xf32, #tpu.memory_space<vmem>>
        %dma_wait3A_3585 = arith.constant 0 : i32
        %dma_wait3A_3586 = tpu.memref_slice %arg3[%dma_wait3A_3585, %add3A_40, %mul3A_34] : memref<26x32x4096xf32, #tpu.memory_space<hbm>> -> memref<26x8x128xf32, #tpu.memory_space<hbm>>
        tpu.wait_dma2 semaphore(%arg14 : memref<!tpu.dma_semaphore, #tpu.memory_space<semaphore_mem>>) src(%dma_wait3A_3586 : memref<26x8x128xf32, #tpu.memory_space<hbm>>) dst(%dma_wait3A_3584 : memref<26x8x128xf32, #tpu.memory_space<vmem>>)
      } else {
      }
      %get3A_1903 = arith.constant 0 : i32
      %get3A_1904 = arith.index_cast %get3A_1903 : i32 to index
      %get3A_1905 = arith.index_cast %scan3A_1886 : i32 to index
      %get3A_1906 = arith.constant 0 : index
      %get3A_1907 = tpu.vector_load %arg9[%get3A_1904, %get3A_1905, %get3A_1906] {strides = array<i32>} : memref<26x16x128xf32, #tpu.memory_space<vmem>>, vector<16xf32>,
      %get3A_1908 = arith.constant 1 : i32
      %get3A_1909 = arith.index_cast %get3A_1908 : i32 to index
      %get3A_1910 = arith.index_cast %scan3A_1886 : i32 to index
      %get3A_1911 = arith.constant 0 : index
      %get3A_1912 = tpu.vector_load %arg9[%get3A_1909, %get3A_1910, %get3A_1911] {strides = array<i32>} : memref<26x16x128xf32, #tpu.memory_space<vmem>>, vector<16xf32>,
      %get3A_1913 = arith.constant 2 : i32
      %get3A_1914 = arith.index_cast %get3A_1913 : i32 to index
      %get3A_1915 = arith.index_cast %scan3A_1886 : i32 to index
      %get3A_1916 = arith.constant 0 : index
      %get3A_1917 = tpu.vector_load %arg9[%get3A_1914, %get3A_1915, %get3A_1916] {strides = array<i32>} : memref<26x16x128xf32, #tpu.memory_space<vmem>>, vector<16xf32>,
      %get3A_1918 = arith.constant 3 : i32
      %get3A_1919 = arith.index_cast %get3A_1918 : i32 to index
      %get3A_1920 = arith.index_cast %scan3A_1886 : i32 to index
      %get3A_1921 = arith.constant 0 : index
      %get3A_1922 = tpu.vector_load %arg9[%get3A_1919, %get3A_1920, %get3A_1921] {strides = array<i32>} : memref<26x16x128xf32, #tpu.memory_space<vmem>>, vector<16xf32>,
      %get3A_1923 = arith.constant 4 : i32
      %get3A_1924 = arith.index_cast %get3A_1923 : i32 to index
      %get3A_1925 = arith.index_cast %scan3A_1886 : i32 to index
      %get3A_1926 = arith.constant 0 : index
      %get3A_1927 = tpu.vector_load %arg9[%get3A_1924, %get3A_1925, %get3A_1926] {strides = array<i32>} : memref<26x16x128xf32, #tpu.memory_space<vmem>>, vector<16xf32>,
      %get3A_1928 = arith.constant 5 : i32
      %get3A_1929 = arith.index_cast %get3A_1928 : i32 to index
      %get3A_1930 = arith.index_cast %scan3A_1886 : i32 to index
      %get3A_1931 = arith.constant 0 : index
      %get3A_1932 = tpu.vector_load %arg9[%get3A_1929, %get3A_1930, %get3A_1931] {strides = array<i32>} : memref<26x16x128xf32, #tpu.memory_space<vmem>>, vector<16xf32>,
      %get3A_1933 = arith.constant 6 : i32
      %get3A_1934 = arith.index_cast %get3A_1933 : i32 to index
      %get3A_1935 = arith.index_cast %scan3A_1886 : i32 to index
      %get3A_1936 = arith.constant 0 : index
      %get3A_1937 = tpu.vector_load %arg9[%get3A_1934, %get3A_1935, %get3A_1936] {strides = array<i32>} : memref<26x16x128xf32, #tpu.memory_space<vmem>>, vector<16xf32>,
      %get3A_1938 = arith.constant 7 : i32
      %get3A_1939 = arith.index_cast %get3A_1938 : i32 to index
      %get3A_1940 = arith.index_cast %scan3A_1886 : i32 to index
      %get3A_1941 = arith.constant 0 : index
      %get3A_1942 = tpu.vector_load %arg9[%get3A_1939, %get3A_1940, %get3A_1941] {strides = array<i32>} : memref<26x16x128xf32, #tpu.memory_space<vmem>>, vector<16xf32>,
      %get3A_1943 = arith.constant 8 : i32
      %get3A_1944 = arith.index_cast %get3A_1943 : i32 to index
      %get3A_1945 = arith.index_cast %scan3A_1886 : i32 to index
      %get3A_1946 = arith.constant 0 : index
      %get3A_1947 = tpu.vector_load %arg9[%get3A_1944, %get3A_1945, %get3A_1946] {strides = array<i32>} : memref<26x16x128xf32, #tpu.memory_space<vmem>>, vector<16xf32>,
      %get3A_1948 = arith.constant 9 : i32
      %get3A_1949 = arith.index_cast %get3A_1948 : i32 to index
      %get3A_1950 = arith.index_cast %scan3A_1886 : i32 to index
      %get3A_1951 = arith.constant 0 : index
      %get3A_1952 = tpu.vector_load %arg9[%get3A_1949, %get3A_1950, %get3A_1951] {strides = array<i32>} : memref<26x16x128xf32, #tpu.memory_space<vmem>>, vector<16xf32>,
      %get3A_1953 = arith.constant 10 : i32
      %get3A_1954 = arith.index_cast %get3A_1953 : i32 to index
      %get3A_1955 = arith.index_cast %scan3A_1886 : i32 to index
      %get3A_1956 = arith.constant 0 : index
      %get3A_1957 = tpu.vector_load %arg9[%get3A_1954, %get3A_1955, %get3A_1956] {strides = array<i32>} : memref<26x16x128xf32, #tpu.memory_space<vmem>>, vector<16xf32>,
      %get3A_1958 = arith.constant 11 : i32
      %get3A_1959 = arith.index_cast %get3A_1958 : i32 to index
      %get3A_1960 = arith.index_cast %scan3A_1886 : i32 to index
      %get3A_1961 = arith.constant 0 : index
      %get3A_1962 = tpu.vector_load %arg9[%get3A_1959, %get3A_1960, %get3A_1961] {strides = array<i32>} : memref<26x16x128xf32, #tpu.memory_space<vmem>>, vector<16xf32>,
      %get3A_1963 = arith.constant 12 : i32
      %get3A_1964 = arith.index_cast %get3A_1963 : i32 to index
      %get3A_1965 = arith.index_cast %scan3A_1886 : i32 to index
      %get3A_1966 = arith.constant 0 : index
      %get3A_1967 = tpu.vector_load %arg9[%get3A_1964, %get3A_1965, %get3A_1966] {strides = array<i32>} : memref<26x16x128xf32, #tpu.memory_space<vmem>>, vector<16xf32>,
      %get3A_1968 = arith.constant 13 : i32
      %get3A_1969 = arith.index_cast %get3A_1968 : i32 to index
      %get3A_1970 = arith.index_cast %scan3A_1886 : i32 to index
      %get3A_1971 = arith.constant 0 : index
      %get3A_1972 = tpu.vector_load %arg9[%get3A_1969, %get3A_1970, %get3A_1971] {strides = array<i32>} : memref<26x16x128xf32, #tpu.memory_space<vmem>>, vector<16xf32>,
      %get3A_1973 = arith.constant 14 : i32
      %get3A_1974 = arith.index_cast %get3A_1973 : i32 to index
      %get3A_1975 = arith.index_cast %scan3A_1886 : i32 to index
      %get3A_1976 = arith.constant 0 : index
      %get3A_1977 = tpu.vector_load %arg9[%get3A_1974, %get3A_1975, %get3A_1976] {strides = array<i32>} : memref<26x16x128xf32, #tpu.memory_space<vmem>>, vector<16xf32>,
      %get3A_1978 = arith.constant 15 : i32
      %get3A_1979 = arith.index_cast %get3A_1978 : i32 to index
      %get3A_1980 = arith.index_cast %scan3A_1886 : i32 to index
      %get3A_1981 = arith.constant 0 : index
      %get3A_1982 = tpu.vector_load %arg9[%get3A_1979, %get3A_1980, %get3A_1981] {strides = array<i32>} : memref<26x16x128xf32, #tpu.memory_space<vmem>>, vector<16xf32>,
      %get3A_1983 = arith.constant 16 : i32
      %get3A_1984 = arith.index_cast %get3A_1983 : i32 to index
      %get3A_1985 = arith.index_cast %scan3A_1886 : i32 to index
      %get3A_1986 = arith.constant 0 : index
      %get3A_1987 = tpu.vector_load %arg9[%get3A_1984, %get3A_1985, %get3A_1986] {strides = array<i32>} : memref<26x16x128xf32, #tpu.memory_space<vmem>>, vector<16xf32>,
      %get3A_1988 = arith.constant 17 : i32
      %get3A_1989 = arith.index_cast %get3A_1988 : i32 to index
      %get3A_1990 = arith.index_cast %scan3A_1886 : i32 to index
      %get3A_1991 = arith.constant 0 : index
      %get3A_1992 = tpu.vector_load %arg9[%get3A_1989, %get3A_1990, %get3A_1991] {strides = array<i32>} : memref<26x16x128xf32, #tpu.memory_space<vmem>>, vector<16xf32>,
      %get3A_1993 = arith.constant 18 : i32
      %get3A_1994 = arith.index_cast %get3A_1993 : i32 to index
      %get3A_1995 = arith.index_cast %scan3A_1886 : i32 to index
      %get3A_1996 = arith.constant 0 : index
      %get3A_1997 = tpu.vector_load %arg9[%get3A_1994, %get3A_1995, %get3A_1996] {strides = array<i32>} : memref<26x16x128xf32, #tpu.memory_space<vmem>>, vector<16xf32>,
      %get3A_1998 = arith.constant 19 : i32
      %get3A_1999 = arith.index_cast %get3A_1998 : i32 to index
      %get3A_2000 = arith.index_cast %scan3A_1886 : i32 to index
      %get3A_2001 = arith.constant 0 : index
      %get3A_2002 = tpu.vector_load %arg9[%get3A_1999, %get3A_2000, %get3A_2001] {strides = array<i32>} : memref<26x16x128xf32, #tpu.memory_space<vmem>>, vector<16xf32>,
      %get3A_2003 = arith.constant 20 : i32
      %get3A_2004 = arith.index_cast %get3A_2003 : i32 to index
      %get3A_2005 = arith.index_cast %scan3A_1886 : i32 to index
      %get3A_2006 = arith.constant 0 : index
      %get3A_2007 = tpu.vector_load %arg9[%get3A_2004, %get3A_2005, %get3A_2006] {strides = array<i32>} : memref<26x16x128xf32, #tpu.memory_space<vmem>>, vector<16xf32>,
      %get3A_2008 = arith.constant 21 : i32
      %get3A_2009 = arith.index_cast %get3A_2008 : i32 to index
      %get3A_2010 = arith.index_cast %scan3A_1886 : i32 to index
      %get3A_2011 = arith.constant 0 : index
      %get3A_2012 = tpu.vector_load %arg9[%get3A_2009, %get3A_2010, %get3A_2011] {strides = array<i32>} : memref<26x16x128xf32, #tpu.memory_space<vmem>>, vector<16xf32>,
      %get3A_2013 = arith.constant 22 : i32
      %get3A_2014 = arith.index_cast %get3A_2013 : i32 to index
      %get3A_2015 = arith.index_cast %scan3A_1886 : i32 to index
      %get3A_2016 = arith.constant 0 : index
      %get3A_2017 = tpu.vector_load %arg9[%get3A_2014, %get3A_2015, %get3A_2016] {strides = array<i32>} : memref<26x16x128xf32, #tpu.memory_space<vmem>>, vector<16xf32>,
      %get3A_2018 = arith.constant 23 : i32
      %get3A_2019 = arith.index_cast %get3A_2018 : i32 to index
      %get3A_2020 = arith.index_cast %scan3A_1886 : i32 to index
      %get3A_2021 = arith.constant 0 : index
      %get3A_2022 = tpu.vector_load %arg9[%get3A_2019, %get3A_2020, %get3A_2021] {strides = array<i32>} : memref<26x16x128xf32, #tpu.memory_space<vmem>>, vector<16xf32>,
      %get3A_2023 = arith.constant 24 : i32
      %get3A_2024 = arith.index_cast %get3A_2023 : i32 to index
      %get3A_2025 = arith.index_cast %scan3A_1886 : i32 to index
      %get3A_2026 = arith.constant 0 : index
      %get3A_2027 = tpu.vector_load %arg9[%get3A_2024, %get3A_2025, %get3A_2026] {strides = array<i32>} : memref<26x16x128xf32, #tpu.memory_space<vmem>>, vector<16xf32>,
      %get3A_2028 = arith.constant 25 : i32
      %get3A_2029 = arith.index_cast %get3A_2028 : i32 to index
      %get3A_2030 = arith.index_cast %scan3A_1886 : i32 to index
      %get3A_2031 = arith.constant 0 : index
      %get3A_2032 = tpu.vector_load %arg9[%get3A_2029, %get3A_2030, %get3A_2031] {strides = array<i32>} : memref<26x16x128xf32, #tpu.memory_space<vmem>>, vector<16xf32>,
      %add3A_2033 = arith.addf %get3A_1907, %get3A_1912 : vector<16xf32>
      %add3A_2034 = arith.addf %get3A_1917, %get3A_1922 : vector<16xf32>
      %add3A_2035 = arith.addf %get3A_1927, %get3A_1932 : vector<16xf32>
      %add3A_2036 = arith.addf %get3A_1937, %get3A_1942 : vector<16xf32>
      %add3A_2037 = arith.addf %get3A_1947, %get3A_1952 : vector<16xf32>
      %add3A_2038 = arith.addf %get3A_1957, %get3A_1962 : vector<16xf32>
      %add3A_2039 = arith.addf %get3A_1967, %get3A_1972 : vector<16xf32>
      %add3A_2040 = arith.addf %get3A_1977, %get3A_1982 : vector<16xf32>
      %add3A_2041 = arith.addf %get3A_1987, %get3A_1992 : vector<16xf32>
      %add3A_2042 = arith.addf %get3A_1997, %get3A_2002 : vector<16xf32>
      %add3A_2043 = arith.addf %get3A_2007, %get3A_2012 : vector<16xf32>
      %add3A_2044 = arith.addf %get3A_2017, %get3A_2022 : vector<16xf32>
      %add3A_2045 = arith.addf %get3A_2027, %get3A_2032 : vector<16xf32>
      %add3A_2046 = arith.addf %add3A_2033, %add3A_2034 : vector<16xf32>
      %add3A_2047 = arith.addf %add3A_2035, %add3A_2036 : vector<16xf32>
      %add3A_2048 = arith.addf %add3A_2037, %add3A_2038 : vector<16xf32>
      %add3A_2049 = arith.addf %add3A_2039, %add3A_2040 : vector<16xf32>
      %add3A_2050 = arith.addf %add3A_2041, %add3A_2042 : vector<16xf32>
      %add3A_2051 = arith.addf %add3A_2043, %add3A_2044 : vector<16xf32>
      %add3A_2052 = arith.addf %add3A_2046, %add3A_2047 : vector<16xf32>
      %add3A_2053 = arith.addf %add3A_2048, %add3A_2049 : vector<16xf32>
      %add3A_2054 = arith.addf %add3A_2050, %add3A_2051 : vector<16xf32>
      %add3A_2055 = arith.addf %add3A_2052, %add3A_2053 : vector<16xf32>
      %add3A_2056 = arith.addf %add3A_2054, %add3A_2045 : vector<16xf32>
      %add3A_2057 = arith.addf %add3A_2055, %add3A_2056 : vector<16xf32>
      %mul3A_2058 = arith.mulf %get3A_1907, %get3A_1907 : vector<16xf32>
      %mul3A_2059 = arith.mulf %get3A_1912, %get3A_1912 : vector<16xf32>
      %mul3A_2060 = arith.mulf %get3A_1917, %get3A_1917 : vector<16xf32>
      %mul3A_2061 = arith.mulf %get3A_1922, %get3A_1922 : vector<16xf32>
      %mul3A_2062 = arith.mulf %get3A_1927, %get3A_1927 : vector<16xf32>
      %mul3A_2063 = arith.mulf %get3A_1932, %get3A_1932 : vector<16xf32>
      %mul3A_2064 = arith.mulf %get3A_1937, %get3A_1937 : vector<16xf32>
      %mul3A_2065 = arith.mulf %get3A_1942, %get3A_1942 : vector<16xf32>
      %mul3A_2066 = arith.mulf %get3A_1947, %get3A_1947 : vector<16xf32>
      %mul3A_2067 = arith.mulf %get3A_1952, %get3A_1952 : vector<16xf32>
      %mul3A_2068 = arith.mulf %get3A_1957, %get3A_1957 : vector<16xf32>
      %mul3A_2069 = arith.mulf %get3A_1962, %get3A_1962 : vector<16xf32>
      %mul3A_2070 = arith.mulf %get3A_1967, %get3A_1967 : vector<16xf32>
      %mul3A_2071 = arith.mulf %get3A_1972, %get3A_1972 : vector<16xf32>
      %mul3A_2072 = arith.mulf %get3A_1977, %get3A_1977 : vector<16xf32>
      %mul3A_2073 = arith.mulf %get3A_1982, %get3A_1982 : vector<16xf32>
      %mul3A_2074 = arith.mulf %get3A_1987, %get3A_1987 : vector<16xf32>
      %mul3A_2075 = arith.mulf %get3A_1992, %get3A_1992 : vector<16xf32>
      %mul3A_2076 = arith.mulf %get3A_1997, %get3A_1997 : vector<16xf32>
      %mul3A_2077 = arith.mulf %get3A_2002, %get3A_2002 : vector<16xf32>
      %mul3A_2078 = arith.mulf %get3A_2007, %get3A_2007 : vector<16xf32>
      %mul3A_2079 = arith.mulf %get3A_2012, %get3A_2012 : vector<16xf32>
      %mul3A_2080 = arith.mulf %get3A_2017, %get3A_2017 : vector<16xf32>
      %mul3A_2081 = arith.mulf %get3A_2022, %get3A_2022 : vector<16xf32>
      %mul3A_2082 = arith.mulf %get3A_2027, %get3A_2027 : vector<16xf32>
      %mul3A_2083 = arith.mulf %get3A_2032, %get3A_2032 : vector<16xf32>
      %add3A_2084 = arith.addf %mul3A_2058, %mul3A_2059 : vector<16xf32>
      %add3A_2085 = arith.addf %mul3A_2060, %mul3A_2061 : vector<16xf32>
      %add3A_2086 = arith.addf %mul3A_2062, %mul3A_2063 : vector<16xf32>
      %add3A_2087 = arith.addf %mul3A_2064, %mul3A_2065 : vector<16xf32>
      %add3A_2088 = arith.addf %mul3A_2066, %mul3A_2067 : vector<16xf32>
      %add3A_2089 = arith.addf %mul3A_2068, %mul3A_2069 : vector<16xf32>
      %add3A_2090 = arith.addf %mul3A_2070, %mul3A_2071 : vector<16xf32>
      %add3A_2091 = arith.addf %mul3A_2072, %mul3A_2073 : vector<16xf32>
      %add3A_2092 = arith.addf %mul3A_2074, %mul3A_2075 : vector<16xf32>
      %add3A_2093 = arith.addf %mul3A_2076, %mul3A_2077 : vector<16xf32>
      %add3A_2094 = arith.addf %mul3A_2078, %mul3A_2079 : vector<16xf32>
      %add3A_2095 = arith.addf %mul3A_2080, %mul3A_2081 : vector<16xf32>
      %add3A_2096 = arith.addf %mul3A_2082, %mul3A_2083 : vector<16xf32>
      %add3A_2097 = arith.addf %add3A_2084, %add3A_2085 : vector<16xf32>
      %add3A_2098 = arith.addf %add3A_2086, %add3A_2087 : vector<16xf32>
      %add3A_2099 = arith.addf %add3A_2088, %add3A_2089 : vector<16xf32>
      %add3A_2100 = arith.addf %add3A_2090, %add3A_2091 : vector<16xf32>
      %add3A_2101 = arith.addf %add3A_2092, %add3A_2093 : vector<16xf32>
      %add3A_2102 = arith.addf %add3A_2094, %add3A_2095 : vector<16xf32>
      %add3A_2103 = arith.addf %add3A_2097, %add3A_2098 : vector<16xf32>
      %add3A_2104 = arith.addf %add3A_2099, %add3A_2100 : vector<16xf32>
      %add3A_2105 = arith.addf %add3A_2101, %add3A_2102 : vector<16xf32>
      %add3A_2106 = arith.addf %add3A_2103, %add3A_2104 : vector<16xf32>
      %add3A_2107 = arith.addf %add3A_2105, %add3A_2096 : vector<16xf32>
      %add3A_2108 = arith.addf %add3A_2106, %add3A_2107 : vector<16xf32>
      %mul3A_2109 = arith.mulf %add3A_2057, %add3A_2057 : vector<16xf32>
      %sub3A_2110 = arith.subf %mul3A_2109, %add3A_2108 : vector<16xf32>
      %add3A_2111 = arith.addf %scan3A_1887, %sub3A_2110 : vector<16xf32>
      %get3A_2112 = arith.constant 0 : i32
      %get3A_2113 = arith.index_cast %get3A_2112 : i32 to index
      %get3A_2114 = arith.index_cast %scan3A_1886 : i32 to index
      %get3A_2115 = arith.constant 16 : index
      %get3A_2116 = tpu.vector_load %arg9[%get3A_2113, %get3A_2114, %get3A_2115] {strides = array<i32>} : memref<26x16x128xf32, #tpu.memory_space<vmem>>, vector<16xf32>,
      %get3A_2117 = arith.constant 1 : i32
      %get3A_2118 = arith.index_cast %get3A_2117 : i32 to index
      %get3A_2119 = arith.index_cast %scan3A_1886 : i32 to index
      %get3A_2120 = arith.constant 16 : index
      %get3A_2121 = tpu.vector_load %arg9[%get3A_2118, %get3A_2119, %get3A_2120] {strides = array<i32>} : memref<26x16x128xf32, #tpu.memory_space<vmem>>, vector<16xf32>,
      %get3A_2122 = arith.constant 2 : i32
      %get3A_2123 = arith.index_cast %get3A_2122 : i32 to index
      %get3A_2124 = arith.index_cast %scan3A_1886 : i32 to index
      %get3A_2125 = arith.constant 16 : index
      %get3A_2126 = tpu.vector_load %arg9[%get3A_2123, %get3A_2124, %get3A_2125] {strides = array<i32>} : memref<26x16x128xf32, #tpu.memory_space<vmem>>, vector<16xf32>,
      %get3A_2127 = arith.constant 3 : i32
      %get3A_2128 = arith.index_cast %get3A_2127 : i32 to index
      %get3A_2129 = arith.index_cast %scan3A_1886 : i32 to index
      %get3A_2130 = arith.constant 16 : index
      %get3A_2131 = tpu.vector_load %arg9[%get3A_2128, %get3A_2129, %get3A_2130] {strides = array<i32>} : memref<26x16x128xf32, #tpu.memory_space<vmem>>, vector<16xf32>,
      %get3A_2132 = arith.constant 4 : i32
      %get3A_2133 = arith.index_cast %get3A_2132 : i32 to index
      %get3A_2134 = arith.index_cast %scan3A_1886 : i32 to index
      %get3A_2135 = arith.constant 16 : index
      %get3A_2136 = tpu.vector_load %arg9[%get3A_2133, %get3A_2134, %get3A_2135] {strides = array<i32>} : memref<26x16x128xf32, #tpu.memory_space<vmem>>, vector<16xf32>,
      %get3A_2137 = arith.constant 5 : i32
      %get3A_2138 = arith.index_cast %get3A_2137 : i32 to index
      %get3A_2139 = arith.index_cast %scan3A_1886 : i32 to index
      %get3A_2140 = arith.constant 16 : index
      %get3A_2141 = tpu.vector_load %arg9[%get3A_2138, %get3A_2139, %get3A_2140] {strides = array<i32>} : memref<26x16x128xf32, #tpu.memory_space<vmem>>, vector<16xf32>,
      %get3A_2142 = arith.constant 6 : i32
      %get3A_2143 = arith.index_cast %get3A_2142 : i32 to index
      %get3A_2144 = arith.index_cast %scan3A_1886 : i32 to index
      %get3A_2145 = arith.constant 16 : index
      %get3A_2146 = tpu.vector_load %arg9[%get3A_2143, %get3A_2144, %get3A_2145] {strides = array<i32>} : memref<26x16x128xf32, #tpu.memory_space<vmem>>, vector<16xf32>,
      %get3A_2147 = arith.constant 7 : i32
      %get3A_2148 = arith.index_cast %get3A_2147 : i32 to index
      %get3A_2149 = arith.index_cast %scan3A_1886 : i32 to index
      %get3A_2150 = arith.constant 16 : index
      %get3A_2151 = tpu.vector_load %arg9[%get3A_2148, %get3A_2149, %get3A_2150] {strides = array<i32>} : memref<26x16x128xf32, #tpu.memory_space<vmem>>, vector<16xf32>,
      %get3A_2152 = arith.constant 8 : i32
      %get3A_2153 = arith.index_cast %get3A_2152 : i32 to index
      %get3A_2154 = arith.index_cast %scan3A_1886 : i32 to index
      %get3A_2155 = arith.constant 16 : index
      %get3A_2156 = tpu.vector_load %arg9[%get3A_2153, %get3A_2154, %get3A_2155] {strides = array<i32>} : memref<26x16x128xf32, #tpu.memory_space<vmem>>, vector<16xf32>,
      %get3A_2157 = arith.constant 9 : i32
      %get3A_2158 = arith.index_cast %get3A_2157 : i32 to index
      %get3A_2159 = arith.index_cast %scan3A_1886 : i32 to index
      %get3A_2160 = arith.constant 16 : index
      %get3A_2161 = tpu.vector_load %arg9[%get3A_2158, %get3A_2159, %get3A_2160] {strides = array<i32>} : memref<26x16x128xf32, #tpu.memory_space<vmem>>, vector<16xf32>,
      %get3A_2162 = arith.constant 10 : i32
      %get3A_2163 = arith.index_cast %get3A_2162 : i32 to index
      %get3A_2164 = arith.index_cast %scan3A_1886 : i32 to index
      %get3A_2165 = arith.constant 16 : index
      %get3A_2166 = tpu.vector_load %arg9[%get3A_2163, %get3A_2164, %get3A_2165] {strides = array<i32>} : memref<26x16x128xf32, #tpu.memory_space<vmem>>, vector<16xf32>,
      %get3A_2167 = arith.constant 11 : i32
      %get3A_2168 = arith.index_cast %get3A_2167 : i32 to index
      %get3A_2169 = arith.index_cast %scan3A_1886 : i32 to index
      %get3A_2170 = arith.constant 16 : index
      %get3A_2171 = tpu.vector_load %arg9[%get3A_2168, %get3A_2169, %get3A_2170] {strides = array<i32>} : memref<26x16x128xf32, #tpu.memory_space<vmem>>, vector<16xf32>,
      %get3A_2172 = arith.constant 12 : i32
      %get3A_2173 = arith.index_cast %get3A_2172 : i32 to index
      %get3A_2174 = arith.index_cast %scan3A_1886 : i32 to index
      %get3A_2175 = arith.constant 16 : index
      %get3A_2176 = tpu.vector_load %arg9[%get3A_2173, %get3A_2174, %get3A_2175] {strides = array<i32>} : memref<26x16x128xf32, #tpu.memory_space<vmem>>, vector<16xf32>,
      %get3A_2177 = arith.constant 13 : i32
      %get3A_2178 = arith.index_cast %get3A_2177 : i32 to index
      %get3A_2179 = arith.index_cast %scan3A_1886 : i32 to index
      %get3A_2180 = arith.constant 16 : index
      %get3A_2181 = tpu.vector_load %arg9[%get3A_2178, %get3A_2179, %get3A_2180] {strides = array<i32>} : memref<26x16x128xf32, #tpu.memory_space<vmem>>, vector<16xf32>,
      %get3A_2182 = arith.constant 14 : i32
      %get3A_2183 = arith.index_cast %get3A_2182 : i32 to index
      %get3A_2184 = arith.index_cast %scan3A_1886 : i32 to index
      %get3A_2185 = arith.constant 16 : index
      %get3A_2186 = tpu.vector_load %arg9[%get3A_2183, %get3A_2184, %get3A_2185] {strides = array<i32>} : memref<26x16x128xf32, #tpu.memory_space<vmem>>, vector<16xf32>,
      %get3A_2187 = arith.constant 15 : i32
      %get3A_2188 = arith.index_cast %get3A_2187 : i32 to index
      %get3A_2189 = arith.index_cast %scan3A_1886 : i32 to index
      %get3A_2190 = arith.constant 16 : index
      %get3A_2191 = tpu.vector_load %arg9[%get3A_2188, %get3A_2189, %get3A_2190] {strides = array<i32>} : memref<26x16x128xf32, #tpu.memory_space<vmem>>, vector<16xf32>,
      %get3A_2192 = arith.constant 16 : i32
      %get3A_2193 = arith.index_cast %get3A_2192 : i32 to index
      %get3A_2194 = arith.index_cast %scan3A_1886 : i32 to index
      %get3A_2195 = arith.constant 16 : index
      %get3A_2196 = tpu.vector_load %arg9[%get3A_2193, %get3A_2194, %get3A_2195] {strides = array<i32>} : memref<26x16x128xf32, #tpu.memory_space<vmem>>, vector<16xf32>,
      %get3A_2197 = arith.constant 17 : i32
      %get3A_2198 = arith.index_cast %get3A_2197 : i32 to index
      %get3A_2199 = arith.index_cast %scan3A_1886 : i32 to index
      %get3A_2200 = arith.constant 16 : index
      %get3A_2201 = tpu.vector_load %arg9[%get3A_2198, %get3A_2199, %get3A_2200] {strides = array<i32>} : memref<26x16x128xf32, #tpu.memory_space<vmem>>, vector<16xf32>,
      %get3A_2202 = arith.constant 18 : i32
      %get3A_2203 = arith.index_cast %get3A_2202 : i32 to index
      %get3A_2204 = arith.index_cast %scan3A_1886 : i32 to index
      %get3A_2205 = arith.constant 16 : index
      %get3A_2206 = tpu.vector_load %arg9[%get3A_2203, %get3A_2204, %get3A_2205] {strides = array<i32>} : memref<26x16x128xf32, #tpu.memory_space<vmem>>, vector<16xf32>,
      %get3A_2207 = arith.constant 19 : i32
      %get3A_2208 = arith.index_cast %get3A_2207 : i32 to index
      %get3A_2209 = arith.index_cast %scan3A_1886 : i32 to index
      %get3A_2210 = arith.constant 16 : index
      %get3A_2211 = tpu.vector_load %arg9[%get3A_2208, %get3A_2209, %get3A_2210] {strides = array<i32>} : memref<26x16x128xf32, #tpu.memory_space<vmem>>, vector<16xf32>,
      %get3A_2212 = arith.constant 20 : i32
      %get3A_2213 = arith.index_cast %get3A_2212 : i32 to index
      %get3A_2214 = arith.index_cast %scan3A_1886 : i32 to index
      %get3A_2215 = arith.constant 16 : index
      %get3A_2216 = tpu.vector_load %arg9[%get3A_2213, %get3A_2214, %get3A_2215] {strides = array<i32>} : memref<26x16x128xf32, #tpu.memory_space<vmem>>, vector<16xf32>,
      %get3A_2217 = arith.constant 21 : i32
      %get3A_2218 = arith.index_cast %get3A_2217 : i32 to index
      %get3A_2219 = arith.index_cast %scan3A_1886 : i32 to index
      %get3A_2220 = arith.constant 16 : index
      %get3A_2221 = tpu.vector_load %arg9[%get3A_2218, %get3A_2219, %get3A_2220] {strides = array<i32>} : memref<26x16x128xf32, #tpu.memory_space<vmem>>, vector<16xf32>,
      %get3A_2222 = arith.constant 22 : i32
      %get3A_2223 = arith.index_cast %get3A_2222 : i32 to index
      %get3A_2224 = arith.index_cast %scan3A_1886 : i32 to index
      %get3A_2225 = arith.constant 16 : index
      %get3A_2226 = tpu.vector_load %arg9[%get3A_2223, %get3A_2224, %get3A_2225] {strides = array<i32>} : memref<26x16x128xf32, #tpu.memory_space<vmem>>, vector<16xf32>,
      %get3A_2227 = arith.constant 23 : i32
      %get3A_2228 = arith.index_cast %get3A_2227 : i32 to index
      %get3A_2229 = arith.index_cast %scan3A_1886 : i32 to index
      %get3A_2230 = arith.constant 16 : index
      %get3A_2231 = tpu.vector_load %arg9[%get3A_2228, %get3A_2229, %get3A_2230] {strides = array<i32>} : memref<26x16x128xf32, #tpu.memory_space<vmem>>, vector<16xf32>,
      %get3A_2232 = arith.constant 24 : i32
      %get3A_2233 = arith.index_cast %get3A_2232 : i32 to index
      %get3A_2234 = arith.index_cast %scan3A_1886 : i32 to index
      %get3A_2235 = arith.constant 16 : index
      %get3A_2236 = tpu.vector_load %arg9[%get3A_2233, %get3A_2234, %get3A_2235] {strides = array<i32>} : memref<26x16x128xf32, #tpu.memory_space<vmem>>, vector<16xf32>,
      %get3A_2237 = arith.constant 25 : i32
      %get3A_2238 = arith.index_cast %get3A_2237 : i32 to index
      %get3A_2239 = arith.index_cast %scan3A_1886 : i32 to index
      %get3A_2240 = arith.constant 16 : index
      %get3A_2241 = tpu.vector_load %arg9[%get3A_2238, %get3A_2239, %get3A_2240] {strides = array<i32>} : memref<26x16x128xf32, #tpu.memory_space<vmem>>, vector<16xf32>,
      %add3A_2242 = arith.addf %get3A_2116, %get3A_2121 : vector<16xf32>
      %add3A_2243 = arith.addf %get3A_2126, %get3A_2131 : vector<16xf32>
      %add3A_2244 = arith.addf %get3A_2136, %get3A_2141 : vector<16xf32>
      %add3A_2245 = arith.addf %get3A_2146, %get3A_2151 : vector<16xf32>
      %add3A_2246 = arith.addf %get3A_2156, %get3A_2161 : vector<16xf32>
      %add3A_2247 = arith.addf %get3A_2166, %get3A_2171 : vector<16xf32>
      %add3A_2248 = arith.addf %get3A_2176, %get3A_2181 : vector<16xf32>
      %add3A_2249 = arith.addf %get3A_2186, %get3A_2191 : vector<16xf32>
      %add3A_2250 = arith.addf %get3A_2196, %get3A_2201 : vector<16xf32>
      %add3A_2251 = arith.addf %get3A_2206, %get3A_2211 : vector<16xf32>
      %add3A_2252 = arith.addf %get3A_2216, %get3A_2221 : vector<16xf32>
      %add3A_2253 = arith.addf %get3A_2226, %get3A_2231 : vector<16xf32>
      %add3A_2254 = arith.addf %get3A_2236, %get3A_2241 : vector<16xf32>
      %add3A_2255 = arith.addf %add3A_2242, %add3A_2243 : vector<16xf32>
      %add3A_2256 = arith.addf %add3A_2244, %add3A_2245 : vector<16xf32>
      %add3A_2257 = arith.addf %add3A_2246, %add3A_2247 : vector<16xf32>
      %add3A_2258 = arith.addf %add3A_2248, %add3A_2249 : vector<16xf32>
      %add3A_2259 = arith.addf %add3A_2250, %add3A_2251 : vector<16xf32>
      %add3A_2260 = arith.addf %add3A_2252, %add3A_2253 : vector<16xf32>
      %add3A_2261 = arith.addf %add3A_2255, %add3A_2256 : vector<16xf32>
      %add3A_2262 = arith.addf %add3A_2257, %add3A_2258 : vector<16xf32>
      %add3A_2263 = arith.addf %add3A_2259, %add3A_2260 : vector<16xf32>
      %add3A_2264 = arith.addf %add3A_2261, %add3A_2262 : vector<16xf32>
      %add3A_2265 = arith.addf %add3A_2263, %add3A_2254 : vector<16xf32>
      %add3A_2266 = arith.addf %add3A_2264, %add3A_2265 : vector<16xf32>
      %mul3A_2267 = arith.mulf %get3A_2116, %get3A_2116 : vector<16xf32>
      %mul3A_2268 = arith.mulf %get3A_2121, %get3A_2121 : vector<16xf32>
      %mul3A_2269 = arith.mulf %get3A_2126, %get3A_2126 : vector<16xf32>
      %mul3A_2270 = arith.mulf %get3A_2131, %get3A_2131 : vector<16xf32>
      %mul3A_2271 = arith.mulf %get3A_2136, %get3A_2136 : vector<16xf32>
      %mul3A_2272 = arith.mulf %get3A_2141, %get3A_2141 : vector<16xf32>
      %mul3A_2273 = arith.mulf %get3A_2146, %get3A_2146 : vector<16xf32>
      %mul3A_2274 = arith.mulf %get3A_2151, %get3A_2151 : vector<16xf32>
      %mul3A_2275 = arith.mulf %get3A_2156, %get3A_2156 : vector<16xf32>
      %mul3A_2276 = arith.mulf %get3A_2161, %get3A_2161 : vector<16xf32>
      %mul3A_2277 = arith.mulf %get3A_2166, %get3A_2166 : vector<16xf32>
      %mul3A_2278 = arith.mulf %get3A_2171, %get3A_2171 : vector<16xf32>
      %mul3A_2279 = arith.mulf %get3A_2176, %get3A_2176 : vector<16xf32>
      %mul3A_2280 = arith.mulf %get3A_2181, %get3A_2181 : vector<16xf32>
      %mul3A_2281 = arith.mulf %get3A_2186, %get3A_2186 : vector<16xf32>
      %mul3A_2282 = arith.mulf %get3A_2191, %get3A_2191 : vector<16xf32>
      %mul3A_2283 = arith.mulf %get3A_2196, %get3A_2196 : vector<16xf32>
      %mul3A_2284 = arith.mulf %get3A_2201, %get3A_2201 : vector<16xf32>
      %mul3A_2285 = arith.mulf %get3A_2206, %get3A_2206 : vector<16xf32>
      %mul3A_2286 = arith.mulf %get3A_2211, %get3A_2211 : vector<16xf32>
      %mul3A_2287 = arith.mulf %get3A_2216, %get3A_2216 : vector<16xf32>
      %mul3A_2288 = arith.mulf %get3A_2221, %get3A_2221 : vector<16xf32>
      %mul3A_2289 = arith.mulf %get3A_2226, %get3A_2226 : vector<16xf32>
      %mul3A_2290 = arith.mulf %get3A_2231, %get3A_2231 : vector<16xf32>
      %mul3A_2291 = arith.mulf %get3A_2236, %get3A_2236 : vector<16xf32>
      %mul3A_2292 = arith.mulf %get3A_2241, %get3A_2241 : vector<16xf32>
      %add3A_2293 = arith.addf %mul3A_2267, %mul3A_2268 : vector<16xf32>
      %add3A_2294 = arith.addf %mul3A_2269, %mul3A_2270 : vector<16xf32>
      %add3A_2295 = arith.addf %mul3A_2271, %mul3A_2272 : vector<16xf32>
      %add3A_2296 = arith.addf %mul3A_2273, %mul3A_2274 : vector<16xf32>
      %add3A_2297 = arith.addf %mul3A_2275, %mul3A_2276 : vector<16xf32>
      %add3A_2298 = arith.addf %mul3A_2277, %mul3A_2278 : vector<16xf32>
      %add3A_2299 = arith.addf %mul3A_2279, %mul3A_2280 : vector<16xf32>
      %add3A_2300 = arith.addf %mul3A_2281, %mul3A_2282 : vector<16xf32>
      %add3A_2301 = arith.addf %mul3A_2283, %mul3A_2284 : vector<16xf32>
      %add3A_2302 = arith.addf %mul3A_2285, %mul3A_2286 : vector<16xf32>
      %add3A_2303 = arith.addf %mul3A_2287, %mul3A_2288 : vector<16xf32>
      %add3A_2304 = arith.addf %mul3A_2289, %mul3A_2290 : vector<16xf32>
      %add3A_2305 = arith.addf %mul3A_2291, %mul3A_2292 : vector<16xf32>
      %add3A_2306 = arith.addf %add3A_2293, %add3A_2294 : vector<16xf32>
      %add3A_2307 = arith.addf %add3A_2295, %add3A_2296 : vector<16xf32>
      %add3A_2308 = arith.addf %add3A_2297, %add3A_2298 : vector<16xf32>
      %add3A_2309 = arith.addf %add3A_2299, %add3A_2300 : vector<16xf32>
      %add3A_2310 = arith.addf %add3A_2301, %add3A_2302 : vector<16xf32>
      %add3A_2311 = arith.addf %add3A_2303, %add3A_2304 : vector<16xf32>
      %add3A_2312 = arith.addf %add3A_2306, %add3A_2307 : vector<16xf32>
      %add3A_2313 = arith.addf %add3A_2308, %add3A_2309 : vector<16xf32>
      %add3A_2314 = arith.addf %add3A_2310, %add3A_2311 : vector<16xf32>
      %add3A_2315 = arith.addf %add3A_2312, %add3A_2313 : vector<16xf32>
      %add3A_2316 = arith.addf %add3A_2314, %add3A_2305 : vector<16xf32>
      %add3A_2317 = arith.addf %add3A_2315, %add3A_2316 : vector<16xf32>
      %mul3A_2318 = arith.mulf %add3A_2266, %add3A_2266 : vector<16xf32>
      %sub3A_2319 = arith.subf %mul3A_2318, %add3A_2317 : vector<16xf32>
      %add3A_2320 = arith.addf %scan3A_1888, %sub3A_2319 : vector<16xf32>
      %get3A_2321 = arith.constant 0 : i32
      %get3A_2322 = arith.index_cast %get3A_2321 : i32 to index
      %get3A_2323 = arith.index_cast %scan3A_1886 : i32 to index
      %get3A_2324 = arith.constant 32 : index
      %get3A_2325 = tpu.vector_load %arg9[%get3A_2322, %get3A_2323, %get3A_2324] {strides = array<i32>} : memref<26x16x128xf32, #tpu.memory_space<vmem>>, vector<16xf32>,
      %get3A_2326 = arith.constant 1 : i32
      %get3A_2327 = arith.index_cast %get3A_2326 : i32 to index
      %get3A_2328 = arith.index_cast %scan3A_1886 : i32 to index
      %get3A_2329 = arith.constant 32 : index
      %get3A_2330 = tpu.vector_load %arg9[%get3A_2327, %get3A_2328, %get3A_2329] {strides = array<i32>} : memref<26x16x128xf32, #tpu.memory_space<vmem>>, vector<16xf32>,
      %get3A_2331 = arith.constant 2 : i32
      %get3A_2332 = arith.index_cast %get3A_2331 : i32 to index
      %get3A_2333 = arith.index_cast %scan3A_1886 : i32 to index
      %get3A_2334 = arith.constant 32 : index
      %get3A_2335 = tpu.vector_load %arg9[%get3A_2332, %get3A_2333, %get3A_2334] {strides = array<i32>} : memref<26x16x128xf32, #tpu.memory_space<vmem>>, vector<16xf32>,
      %get3A_2336 = arith.constant 3 : i32
      %get3A_2337 = arith.index_cast %get3A_2336 : i32 to index
      %get3A_2338 = arith.index_cast %scan3A_1886 : i32 to index
      %get3A_2339 = arith.constant 32 : index
      %get3A_2340 = tpu.vector_load %arg9[%get3A_2337, %get3A_2338, %get3A_2339] {strides = array<i32>} : memref<26x16x128xf32, #tpu.memory_space<vmem>>, vector<16xf32>,
      %get3A_2341 = arith.constant 4 : i32
      %get3A_2342 = arith.index_cast %get3A_2341 : i32 to index
      %get3A_2343 = arith.index_cast %scan3A_1886 : i32 to index
      %get3A_2344 = arith.constant 32 : index
      %get3A_2345 = tpu.vector_load %arg9[%get3A_2342, %get3A_2343, %get3A_2344] {strides = array<i32>} : memref<26x16x128xf32, #tpu.memory_space<vmem>>, vector<16xf32>,
      %get3A_2346 = arith.constant 5 : i32
      %get3A_2347 = arith.index_cast %get3A_2346 : i32 to index
      %get3A_2348 = arith.index_cast %scan3A_1886 : i32 to index
      %get3A_2349 = arith.constant 32 : index
      %get3A_2350 = tpu.vector_load %arg9[%get3A_2347, %get3A_2348, %get3A_2349] {strides = array<i32>} : memref<26x16x128xf32, #tpu.memory_space<vmem>>, vector<16xf32>,
      %get3A_2351 = arith.constant 6 : i32
      %get3A_2352 = arith.index_cast %get3A_2351 : i32 to index
      %get3A_2353 = arith.index_cast %scan3A_1886 : i32 to index
      %get3A_2354 = arith.constant 32 : index
      %get3A_2355 = tpu.vector_load %arg9[%get3A_2352, %get3A_2353, %get3A_2354] {strides = array<i32>} : memref<26x16x128xf32, #tpu.memory_space<vmem>>, vector<16xf32>,
      %get3A_2356 = arith.constant 7 : i32
      %get3A_2357 = arith.index_cast %get3A_2356 : i32 to index
      %get3A_2358 = arith.index_cast %scan3A_1886 : i32 to index
      %get3A_2359 = arith.constant 32 : index
      %get3A_2360 = tpu.vector_load %arg9[%get3A_2357, %get3A_2358, %get3A_2359] {strides = array<i32>} : memref<26x16x128xf32, #tpu.memory_space<vmem>>, vector<16xf32>,
      %get3A_2361 = arith.constant 8 : i32
      %get3A_2362 = arith.index_cast %get3A_2361 : i32 to index
      %get3A_2363 = arith.index_cast %scan3A_1886 : i32 to index
      %get3A_2364 = arith.constant 32 : index
      %get3A_2365 = tpu.vector_load %arg9[%get3A_2362, %get3A_2363, %get3A_2364] {strides = array<i32>} : memref<26x16x128xf32, #tpu.memory_space<vmem>>, vector<16xf32>,
      %get3A_2366 = arith.constant 9 : i32
      %get3A_2367 = arith.index_cast %get3A_2366 : i32 to index
      %get3A_2368 = arith.index_cast %scan3A_1886 : i32 to index
      %get3A_2369 = arith.constant 32 : index
      %get3A_2370 = tpu.vector_load %arg9[%get3A_2367, %get3A_2368, %get3A_2369] {strides = array<i32>} : memref<26x16x128xf32, #tpu.memory_space<vmem>>, vector<16xf32>,
      %get3A_2371 = arith.constant 10 : i32
      %get3A_2372 = arith.index_cast %get3A_2371 : i32 to index
      %get3A_2373 = arith.index_cast %scan3A_1886 : i32 to index
      %get3A_2374 = arith.constant 32 : index
      %get3A_2375 = tpu.vector_load %arg9[%get3A_2372, %get3A_2373, %get3A_2374] {strides = array<i32>} : memref<26x16x128xf32, #tpu.memory_space<vmem>>, vector<16xf32>,
      %get3A_2376 = arith.constant 11 : i32
      %get3A_2377 = arith.index_cast %get3A_2376 : i32 to index
      %get3A_2378 = arith.index_cast %scan3A_1886 : i32 to index
      %get3A_2379 = arith.constant 32 : index
      %get3A_2380 = tpu.vector_load %arg9[%get3A_2377, %get3A_2378, %get3A_2379] {strides = array<i32>} : memref<26x16x128xf32, #tpu.memory_space<vmem>>, vector<16xf32>,
      %get3A_2381 = arith.constant 12 : i32
      %get3A_2382 = arith.index_cast %get3A_2381 : i32 to index
      %get3A_2383 = arith.index_cast %scan3A_1886 : i32 to index
      %get3A_2384 = arith.constant 32 : index
      %get3A_2385 = tpu.vector_load %arg9[%get3A_2382, %get3A_2383, %get3A_2384] {strides = array<i32>} : memref<26x16x128xf32, #tpu.memory_space<vmem>>, vector<16xf32>,
      %get3A_2386 = arith.constant 13 : i32
      %get3A_2387 = arith.index_cast %get3A_2386 : i32 to index
      %get3A_2388 = arith.index_cast %scan3A_1886 : i32 to index
      %get3A_2389 = arith.constant 32 : index
      %get3A_2390 = tpu.vector_load %arg9[%get3A_2387, %get3A_2388, %get3A_2389] {strides = array<i32>} : memref<26x16x128xf32, #tpu.memory_space<vmem>>, vector<16xf32>,
      %get3A_2391 = arith.constant 14 : i32
      %get3A_2392 = arith.index_cast %get3A_2391 : i32 to index
      %get3A_2393 = arith.index_cast %scan3A_1886 : i32 to index
      %get3A_2394 = arith.constant 32 : index
      %get3A_2395 = tpu.vector_load %arg9[%get3A_2392, %get3A_2393, %get3A_2394] {strides = array<i32>} : memref<26x16x128xf32, #tpu.memory_space<vmem>>, vector<16xf32>,
      %get3A_2396 = arith.constant 15 : i32
      %get3A_2397 = arith.index_cast %get3A_2396 : i32 to index
      %get3A_2398 = arith.index_cast %scan3A_1886 : i32 to index
      %get3A_2399 = arith.constant 32 : index
      %get3A_2400 = tpu.vector_load %arg9[%get3A_2397, %get3A_2398, %get3A_2399] {strides = array<i32>} : memref<26x16x128xf32, #tpu.memory_space<vmem>>, vector<16xf32>,
      %get3A_2401 = arith.constant 16 : i32
      %get3A_2402 = arith.index_cast %get3A_2401 : i32 to index
      %get3A_2403 = arith.index_cast %scan3A_1886 : i32 to index
      %get3A_2404 = arith.constant 32 : index
      %get3A_2405 = tpu.vector_load %arg9[%get3A_2402, %get3A_2403, %get3A_2404] {strides = array<i32>} : memref<26x16x128xf32, #tpu.memory_space<vmem>>, vector<16xf32>,
      %get3A_2406 = arith.constant 17 : i32
      %get3A_2407 = arith.index_cast %get3A_2406 : i32 to index
      %get3A_2408 = arith.index_cast %scan3A_1886 : i32 to index
      %get3A_2409 = arith.constant 32 : index
      %get3A_2410 = tpu.vector_load %arg9[%get3A_2407, %get3A_2408, %get3A_2409] {strides = array<i32>} : memref<26x16x128xf32, #tpu.memory_space<vmem>>, vector<16xf32>,
      %get3A_2411 = arith.constant 18 : i32
      %get3A_2412 = arith.index_cast %get3A_2411 : i32 to index
      %get3A_2413 = arith.index_cast %scan3A_1886 : i32 to index
      %get3A_2414 = arith.constant 32 : index
      %get3A_2415 = tpu.vector_load %arg9[%get3A_2412, %get3A_2413, %get3A_2414] {strides = array<i32>} : memref<26x16x128xf32, #tpu.memory_space<vmem>>, vector<16xf32>,
      %get3A_2416 = arith.constant 19 : i32
      %get3A_2417 = arith.index_cast %get3A_2416 : i32 to index
      %get3A_2418 = arith.index_cast %scan3A_1886 : i32 to index
      %get3A_2419 = arith.constant 32 : index
      %get3A_2420 = tpu.vector_load %arg9[%get3A_2417, %get3A_2418, %get3A_2419] {strides = array<i32>} : memref<26x16x128xf32, #tpu.memory_space<vmem>>, vector<16xf32>,
      %get3A_2421 = arith.constant 20 : i32
      %get3A_2422 = arith.index_cast %get3A_2421 : i32 to index
      %get3A_2423 = arith.index_cast %scan3A_1886 : i32 to index
      %get3A_2424 = arith.constant 32 : index
      %get3A_2425 = tpu.vector_load %arg9[%get3A_2422, %get3A_2423, %get3A_2424] {strides = array<i32>} : memref<26x16x128xf32, #tpu.memory_space<vmem>>, vector<16xf32>,
      %get3A_2426 = arith.constant 21 : i32
      %get3A_2427 = arith.index_cast %get3A_2426 : i32 to index
      %get3A_2428 = arith.index_cast %scan3A_1886 : i32 to index
      %get3A_2429 = arith.constant 32 : index
      %get3A_2430 = tpu.vector_load %arg9[%get3A_2427, %get3A_2428, %get3A_2429] {strides = array<i32>} : memref<26x16x128xf32, #tpu.memory_space<vmem>>, vector<16xf32>,
      %get3A_2431 = arith.constant 22 : i32
      %get3A_2432 = arith.index_cast %get3A_2431 : i32 to index
      %get3A_2433 = arith.index_cast %scan3A_1886 : i32 to index
      %get3A_2434 = arith.constant 32 : index
      %get3A_2435 = tpu.vector_load %arg9[%get3A_2432, %get3A_2433, %get3A_2434] {strides = array<i32>} : memref<26x16x128xf32, #tpu.memory_space<vmem>>, vector<16xf32>,
      %get3A_2436 = arith.constant 23 : i32
      %get3A_2437 = arith.index_cast %get3A_2436 : i32 to index
      %get3A_2438 = arith.index_cast %scan3A_1886 : i32 to index
      %get3A_2439 = arith.constant 32 : index
      %get3A_2440 = tpu.vector_load %arg9[%get3A_2437, %get3A_2438, %get3A_2439] {strides = array<i32>} : memref<26x16x128xf32, #tpu.memory_space<vmem>>, vector<16xf32>,
      %get3A_2441 = arith.constant 24 : i32
      %get3A_2442 = arith.index_cast %get3A_2441 : i32 to index
      %get3A_2443 = arith.index_cast %scan3A_1886 : i32 to index
      %get3A_2444 = arith.constant 32 : index
      %get3A_2445 = tpu.vector_load %arg9[%get3A_2442, %get3A_2443, %get3A_2444] {strides = array<i32>} : memref<26x16x128xf32, #tpu.memory_space<vmem>>, vector<16xf32>,
      %get3A_2446 = arith.constant 25 : i32
      %get3A_2447 = arith.index_cast %get3A_2446 : i32 to index
      %get3A_2448 = arith.index_cast %scan3A_1886 : i32 to index
      %get3A_2449 = arith.constant 32 : index
      %get3A_2450 = tpu.vector_load %arg9[%get3A_2447, %get3A_2448, %get3A_2449] {strides = array<i32>} : memref<26x16x128xf32, #tpu.memory_space<vmem>>, vector<16xf32>,
      %add3A_2451 = arith.addf %get3A_2325, %get3A_2330 : vector<16xf32>
      %add3A_2452 = arith.addf %get3A_2335, %get3A_2340 : vector<16xf32>
      %add3A_2453 = arith.addf %get3A_2345, %get3A_2350 : vector<16xf32>
      %add3A_2454 = arith.addf %get3A_2355, %get3A_2360 : vector<16xf32>
      %add3A_2455 = arith.addf %get3A_2365, %get3A_2370 : vector<16xf32>
      %add3A_2456 = arith.addf %get3A_2375, %get3A_2380 : vector<16xf32>
      %add3A_2457 = arith.addf %get3A_2385, %get3A_2390 : vector<16xf32>
      %add3A_2458 = arith.addf %get3A_2395, %get3A_2400 : vector<16xf32>
      %add3A_2459 = arith.addf %get3A_2405, %get3A_2410 : vector<16xf32>
      %add3A_2460 = arith.addf %get3A_2415, %get3A_2420 : vector<16xf32>
      %add3A_2461 = arith.addf %get3A_2425, %get3A_2430 : vector<16xf32>
      %add3A_2462 = arith.addf %get3A_2435, %get3A_2440 : vector<16xf32>
      %add3A_2463 = arith.addf %get3A_2445, %get3A_2450 : vector<16xf32>
      %add3A_2464 = arith.addf %add3A_2451, %add3A_2452 : vector<16xf32>
      %add3A_2465 = arith.addf %add3A_2453, %add3A_2454 : vector<16xf32>
      %add3A_2466 = arith.addf %add3A_2455, %add3A_2456 : vector<16xf32>
      %add3A_2467 = arith.addf %add3A_2457, %add3A_2458 : vector<16xf32>
      %add3A_2468 = arith.addf %add3A_2459, %add3A_2460 : vector<16xf32>
      %add3A_2469 = arith.addf %add3A_2461, %add3A_2462 : vector<16xf32>
      %add3A_2470 = arith.addf %add3A_2464, %add3A_2465 : vector<16xf32>
      %add3A_2471 = arith.addf %add3A_2466, %add3A_2467 : vector<16xf32>
      %add3A_2472 = arith.addf %add3A_2468, %add3A_2469 : vector<16xf32>
      %add3A_2473 = arith.addf %add3A_2470, %add3A_2471 : vector<16xf32>
      %add3A_2474 = arith.addf %add3A_2472, %add3A_2463 : vector<16xf32>
      %add3A_2475 = arith.addf %add3A_2473, %add3A_2474 : vector<16xf32>
      %mul3A_2476 = arith.mulf %get3A_2325, %get3A_2325 : vector<16xf32>
      %mul3A_2477 = arith.mulf %get3A_2330, %get3A_2330 : vector<16xf32>
      %mul3A_2478 = arith.mulf %get3A_2335, %get3A_2335 : vector<16xf32>
      %mul3A_2479 = arith.mulf %get3A_2340, %get3A_2340 : vector<16xf32>
      %mul3A_2480 = arith.mulf %get3A_2345, %get3A_2345 : vector<16xf32>
      %mul3A_2481 = arith.mulf %get3A_2350, %get3A_2350 : vector<16xf32>
      %mul3A_2482 = arith.mulf %get3A_2355, %get3A_2355 : vector<16xf32>
      %mul3A_2483 = arith.mulf %get3A_2360, %get3A_2360 : vector<16xf32>
      %mul3A_2484 = arith.mulf %get3A_2365, %get3A_2365 : vector<16xf32>
      %mul3A_2485 = arith.mulf %get3A_2370, %get3A_2370 : vector<16xf32>
      %mul3A_2486 = arith.mulf %get3A_2375, %get3A_2375 : vector<16xf32>
      %mul3A_2487 = arith.mulf %get3A_2380, %get3A_2380 : vector<16xf32>
      %mul3A_2488 = arith.mulf %get3A_2385, %get3A_2385 : vector<16xf32>
      %mul3A_2489 = arith.mulf %get3A_2390, %get3A_2390 : vector<16xf32>
      %mul3A_2490 = arith.mulf %get3A_2395, %get3A_2395 : vector<16xf32>
      %mul3A_2491 = arith.mulf %get3A_2400, %get3A_2400 : vector<16xf32>
      %mul3A_2492 = arith.mulf %get3A_2405, %get3A_2405 : vector<16xf32>
      %mul3A_2493 = arith.mulf %get3A_2410, %get3A_2410 : vector<16xf32>
      %mul3A_2494 = arith.mulf %get3A_2415, %get3A_2415 : vector<16xf32>
      %mul3A_2495 = arith.mulf %get3A_2420, %get3A_2420 : vector<16xf32>
      %mul3A_2496 = arith.mulf %get3A_2425, %get3A_2425 : vector<16xf32>
      %mul3A_2497 = arith.mulf %get3A_2430, %get3A_2430 : vector<16xf32>
      %mul3A_2498 = arith.mulf %get3A_2435, %get3A_2435 : vector<16xf32>
      %mul3A_2499 = arith.mulf %get3A_2440, %get3A_2440 : vector<16xf32>
      %mul3A_2500 = arith.mulf %get3A_2445, %get3A_2445 : vector<16xf32>
      %mul3A_2501 = arith.mulf %get3A_2450, %get3A_2450 : vector<16xf32>
      %add3A_2502 = arith.addf %mul3A_2476, %mul3A_2477 : vector<16xf32>
      %add3A_2503 = arith.addf %mul3A_2478, %mul3A_2479 : vector<16xf32>
      %add3A_2504 = arith.addf %mul3A_2480, %mul3A_2481 : vector<16xf32>
      %add3A_2505 = arith.addf %mul3A_2482, %mul3A_2483 : vector<16xf32>
      %add3A_2506 = arith.addf %mul3A_2484, %mul3A_2485 : vector<16xf32>
      %add3A_2507 = arith.addf %mul3A_2486, %mul3A_2487 : vector<16xf32>
      %add3A_2508 = arith.addf %mul3A_2488, %mul3A_2489 : vector<16xf32>
      %add3A_2509 = arith.addf %mul3A_2490, %mul3A_2491 : vector<16xf32>
      %add3A_2510 = arith.addf %mul3A_2492, %mul3A_2493 : vector<16xf32>
      %add3A_2511 = arith.addf %mul3A_2494, %mul3A_2495 : vector<16xf32>
      %add3A_2512 = arith.addf %mul3A_2496, %mul3A_2497 : vector<16xf32>
      %add3A_2513 = arith.addf %mul3A_2498, %mul3A_2499 : vector<16xf32>
      %add3A_2514 = arith.addf %mul3A_2500, %mul3A_2501 : vector<16xf32>
      %add3A_2515 = arith.addf %add3A_2502, %add3A_2503 : vector<16xf32>
      %add3A_2516 = arith.addf %add3A_2504, %add3A_2505 : vector<16xf32>
      %add3A_2517 = arith.addf %add3A_2506, %add3A_2507 : vector<16xf32>
      %add3A_2518 = arith.addf %add3A_2508, %add3A_2509 : vector<16xf32>
      %add3A_2519 = arith.addf %add3A_2510, %add3A_2511 : vector<16xf32>
      %add3A_2520 = arith.addf %add3A_2512, %add3A_2513 : vector<16xf32>
      %add3A_2521 = arith.addf %add3A_2515, %add3A_2516 : vector<16xf32>
      %add3A_2522 = arith.addf %add3A_2517, %add3A_2518 : vector<16xf32>
      %add3A_2523 = arith.addf %add3A_2519, %add3A_2520 : vector<16xf32>
      %add3A_2524 = arith.addf %add3A_2521, %add3A_2522 : vector<16xf32>
      %add3A_2525 = arith.addf %add3A_2523, %add3A_2514 : vector<16xf32>
      %add3A_2526 = arith.addf %add3A_2524, %add3A_2525 : vector<16xf32>
      %mul3A_2527 = arith.mulf %add3A_2475, %add3A_2475 : vector<16xf32>
      %sub3A_2528 = arith.subf %mul3A_2527, %add3A_2526 : vector<16xf32>
      %add3A_2529 = arith.addf %scan3A_1889, %sub3A_2528 : vector<16xf32>
      %get3A_2530 = arith.constant 0 : i32
      %get3A_2531 = arith.index_cast %get3A_2530 : i32 to index
      %get3A_2532 = arith.index_cast %scan3A_1886 : i32 to index
      %get3A_2533 = arith.constant 48 : index
      %get3A_2534 = tpu.vector_load %arg9[%get3A_2531, %get3A_2532, %get3A_2533] {strides = array<i32>} : memref<26x16x128xf32, #tpu.memory_space<vmem>>, vector<16xf32>,
      %get3A_2535 = arith.constant 1 : i32
      %get3A_2536 = arith.index_cast %get3A_2535 : i32 to index
      %get3A_2537 = arith.index_cast %scan3A_1886 : i32 to index
      %get3A_2538 = arith.constant 48 : index
      %get3A_2539 = tpu.vector_load %arg9[%get3A_2536, %get3A_2537, %get3A_2538] {strides = array<i32>} : memref<26x16x128xf32, #tpu.memory_space<vmem>>, vector<16xf32>,
      %get3A_2540 = arith.constant 2 : i32
      %get3A_2541 = arith.index_cast %get3A_2540 : i32 to index
      %get3A_2542 = arith.index_cast %scan3A_1886 : i32 to index
      %get3A_2543 = arith.constant 48 : index
      %get3A_2544 = tpu.vector_load %arg9[%get3A_2541, %get3A_2542, %get3A_2543] {strides = array<i32>} : memref<26x16x128xf32, #tpu.memory_space<vmem>>, vector<16xf32>,
      %get3A_2545 = arith.constant 3 : i32
      %get3A_2546 = arith.index_cast %get3A_2545 : i32 to index
      %get3A_2547 = arith.index_cast %scan3A_1886 : i32 to index
      %get3A_2548 = arith.constant 48 : index
      %get3A_2549 = tpu.vector_load %arg9[%get3A_2546, %get3A_2547, %get3A_2548] {strides = array<i32>} : memref<26x16x128xf32, #tpu.memory_space<vmem>>, vector<16xf32>,
      %get3A_2550 = arith.constant 4 : i32
      %get3A_2551 = arith.index_cast %get3A_2550 : i32 to index
      %get3A_2552 = arith.index_cast %scan3A_1886 : i32 to index
      %get3A_2553 = arith.constant 48 : index
      %get3A_2554 = tpu.vector_load %arg9[%get3A_2551, %get3A_2552, %get3A_2553] {strides = array<i32>} : memref<26x16x128xf32, #tpu.memory_space<vmem>>, vector<16xf32>,
      %get3A_2555 = arith.constant 5 : i32
      %get3A_2556 = arith.index_cast %get3A_2555 : i32 to index
      %get3A_2557 = arith.index_cast %scan3A_1886 : i32 to index
      %get3A_2558 = arith.constant 48 : index
      %get3A_2559 = tpu.vector_load %arg9[%get3A_2556, %get3A_2557, %get3A_2558] {strides = array<i32>} : memref<26x16x128xf32, #tpu.memory_space<vmem>>, vector<16xf32>,
      %get3A_2560 = arith.constant 6 : i32
      %get3A_2561 = arith.index_cast %get3A_2560 : i32 to index
      %get3A_2562 = arith.index_cast %scan3A_1886 : i32 to index
      %get3A_2563 = arith.constant 48 : index
      %get3A_2564 = tpu.vector_load %arg9[%get3A_2561, %get3A_2562, %get3A_2563] {strides = array<i32>} : memref<26x16x128xf32, #tpu.memory_space<vmem>>, vector<16xf32>,
      %get3A_2565 = arith.constant 7 : i32
      %get3A_2566 = arith.index_cast %get3A_2565 : i32 to index
      %get3A_2567 = arith.index_cast %scan3A_1886 : i32 to index
      %get3A_2568 = arith.constant 48 : index
      %get3A_2569 = tpu.vector_load %arg9[%get3A_2566, %get3A_2567, %get3A_2568] {strides = array<i32>} : memref<26x16x128xf32, #tpu.memory_space<vmem>>, vector<16xf32>,
      %get3A_2570 = arith.constant 8 : i32
      %get3A_2571 = arith.index_cast %get3A_2570 : i32 to index
      %get3A_2572 = arith.index_cast %scan3A_1886 : i32 to index
      %get3A_2573 = arith.constant 48 : index
      %get3A_2574 = tpu.vector_load %arg9[%get3A_2571, %get3A_2572, %get3A_2573] {strides = array<i32>} : memref<26x16x128xf32, #tpu.memory_space<vmem>>, vector<16xf32>,
      %get3A_2575 = arith.constant 9 : i32
      %get3A_2576 = arith.index_cast %get3A_2575 : i32 to index
      %get3A_2577 = arith.index_cast %scan3A_1886 : i32 to index
      %get3A_2578 = arith.constant 48 : index
      %get3A_2579 = tpu.vector_load %arg9[%get3A_2576, %get3A_2577, %get3A_2578] {strides = array<i32>} : memref<26x16x128xf32, #tpu.memory_space<vmem>>, vector<16xf32>,
      %get3A_2580 = arith.constant 10 : i32
      %get3A_2581 = arith.index_cast %get3A_2580 : i32 to index
      %get3A_2582 = arith.index_cast %scan3A_1886 : i32 to index
      %get3A_2583 = arith.constant 48 : index
      %get3A_2584 = tpu.vector_load %arg9[%get3A_2581, %get3A_2582, %get3A_2583] {strides = array<i32>} : memref<26x16x128xf32, #tpu.memory_space<vmem>>, vector<16xf32>,
      %get3A_2585 = arith.constant 11 : i32
      %get3A_2586 = arith.index_cast %get3A_2585 : i32 to index
      %get3A_2587 = arith.index_cast %scan3A_1886 : i32 to index
      %get3A_2588 = arith.constant 48 : index
      %get3A_2589 = tpu.vector_load %arg9[%get3A_2586, %get3A_2587, %get3A_2588] {strides = array<i32>} : memref<26x16x128xf32, #tpu.memory_space<vmem>>, vector<16xf32>,
      %get3A_2590 = arith.constant 12 : i32
      %get3A_2591 = arith.index_cast %get3A_2590 : i32 to index
      %get3A_2592 = arith.index_cast %scan3A_1886 : i32 to index
      %get3A_2593 = arith.constant 48 : index
      %get3A_2594 = tpu.vector_load %arg9[%get3A_2591, %get3A_2592, %get3A_2593] {strides = array<i32>} : memref<26x16x128xf32, #tpu.memory_space<vmem>>, vector<16xf32>,
      %get3A_2595 = arith.constant 13 : i32
      %get3A_2596 = arith.index_cast %get3A_2595 : i32 to index
      %get3A_2597 = arith.index_cast %scan3A_1886 : i32 to index
      %get3A_2598 = arith.constant 48 : index
      %get3A_2599 = tpu.vector_load %arg9[%get3A_2596, %get3A_2597, %get3A_2598] {strides = array<i32>} : memref<26x16x128xf32, #tpu.memory_space<vmem>>, vector<16xf32>,
      %get3A_2600 = arith.constant 14 : i32
      %get3A_2601 = arith.index_cast %get3A_2600 : i32 to index
      %get3A_2602 = arith.index_cast %scan3A_1886 : i32 to index
      %get3A_2603 = arith.constant 48 : index
      %get3A_2604 = tpu.vector_load %arg9[%get3A_2601, %get3A_2602, %get3A_2603] {strides = array<i32>} : memref<26x16x128xf32, #tpu.memory_space<vmem>>, vector<16xf32>,
      %get3A_2605 = arith.constant 15 : i32
      %get3A_2606 = arith.index_cast %get3A_2605 : i32 to index
      %get3A_2607 = arith.index_cast %scan3A_1886 : i32 to index
      %get3A_2608 = arith.constant 48 : index
      %get3A_2609 = tpu.vector_load %arg9[%get3A_2606, %get3A_2607, %get3A_2608] {strides = array<i32>} : memref<26x16x128xf32, #tpu.memory_space<vmem>>, vector<16xf32>,
      %get3A_2610 = arith.constant 16 : i32
      %get3A_2611 = arith.index_cast %get3A_2610 : i32 to index
      %get3A_2612 = arith.index_cast %scan3A_1886 : i32 to index
      %get3A_2613 = arith.constant 48 : index
      %get3A_2614 = tpu.vector_load %arg9[%get3A_2611, %get3A_2612, %get3A_2613] {strides = array<i32>} : memref<26x16x128xf32, #tpu.memory_space<vmem>>, vector<16xf32>,
      %get3A_2615 = arith.constant 17 : i32
      %get3A_2616 = arith.index_cast %get3A_2615 : i32 to index
      %get3A_2617 = arith.index_cast %scan3A_1886 : i32 to index
      %get3A_2618 = arith.constant 48 : index
      %get3A_2619 = tpu.vector_load %arg9[%get3A_2616, %get3A_2617, %get3A_2618] {strides = array<i32>} : memref<26x16x128xf32, #tpu.memory_space<vmem>>, vector<16xf32>,
      %get3A_2620 = arith.constant 18 : i32
      %get3A_2621 = arith.index_cast %get3A_2620 : i32 to index
      %get3A_2622 = arith.index_cast %scan3A_1886 : i32 to index
      %get3A_2623 = arith.constant 48 : index
      %get3A_2624 = tpu.vector_load %arg9[%get3A_2621, %get3A_2622, %get3A_2623] {strides = array<i32>} : memref<26x16x128xf32, #tpu.memory_space<vmem>>, vector<16xf32>,
      %get3A_2625 = arith.constant 19 : i32
      %get3A_2626 = arith.index_cast %get3A_2625 : i32 to index
      %get3A_2627 = arith.index_cast %scan3A_1886 : i32 to index
      %get3A_2628 = arith.constant 48 : index
      %get3A_2629 = tpu.vector_load %arg9[%get3A_2626, %get3A_2627, %get3A_2628] {strides = array<i32>} : memref<26x16x128xf32, #tpu.memory_space<vmem>>, vector<16xf32>,
      %get3A_2630 = arith.constant 20 : i32
      %get3A_2631 = arith.index_cast %get3A_2630 : i32 to index
      %get3A_2632 = arith.index_cast %scan3A_1886 : i32 to index
      %get3A_2633 = arith.constant 48 : index
      %get3A_2634 = tpu.vector_load %arg9[%get3A_2631, %get3A_2632, %get3A_2633] {strides = array<i32>} : memref<26x16x128xf32, #tpu.memory_space<vmem>>, vector<16xf32>,
      %get3A_2635 = arith.constant 21 : i32
      %get3A_2636 = arith.index_cast %get3A_2635 : i32 to index
      %get3A_2637 = arith.index_cast %scan3A_1886 : i32 to index
      %get3A_2638 = arith.constant 48 : index
      %get3A_2639 = tpu.vector_load %arg9[%get3A_2636, %get3A_2637, %get3A_2638] {strides = array<i32>} : memref<26x16x128xf32, #tpu.memory_space<vmem>>, vector<16xf32>,
      %get3A_2640 = arith.constant 22 : i32
      %get3A_2641 = arith.index_cast %get3A_2640 : i32 to index
      %get3A_2642 = arith.index_cast %scan3A_1886 : i32 to index
      %get3A_2643 = arith.constant 48 : index
      %get3A_2644 = tpu.vector_load %arg9[%get3A_2641, %get3A_2642, %get3A_2643] {strides = array<i32>} : memref<26x16x128xf32, #tpu.memory_space<vmem>>, vector<16xf32>,
      %get3A_2645 = arith.constant 23 : i32
      %get3A_2646 = arith.index_cast %get3A_2645 : i32 to index
      %get3A_2647 = arith.index_cast %scan3A_1886 : i32 to index
      %get3A_2648 = arith.constant 48 : index
      %get3A_2649 = tpu.vector_load %arg9[%get3A_2646, %get3A_2647, %get3A_2648] {strides = array<i32>} : memref<26x16x128xf32, #tpu.memory_space<vmem>>, vector<16xf32>,
      %get3A_2650 = arith.constant 24 : i32
      %get3A_2651 = arith.index_cast %get3A_2650 : i32 to index
      %get3A_2652 = arith.index_cast %scan3A_1886 : i32 to index
      %get3A_2653 = arith.constant 48 : index
      %get3A_2654 = tpu.vector_load %arg9[%get3A_2651, %get3A_2652, %get3A_2653] {strides = array<i32>} : memref<26x16x128xf32, #tpu.memory_space<vmem>>, vector<16xf32>,
      %get3A_2655 = arith.constant 25 : i32
      %get3A_2656 = arith.index_cast %get3A_2655 : i32 to index
      %get3A_2657 = arith.index_cast %scan3A_1886 : i32 to index
      %get3A_2658 = arith.constant 48 : index
      %get3A_2659 = tpu.vector_load %arg9[%get3A_2656, %get3A_2657, %get3A_2658] {strides = array<i32>} : memref<26x16x128xf32, #tpu.memory_space<vmem>>, vector<16xf32>,
      %add3A_2660 = arith.addf %get3A_2534, %get3A_2539 : vector<16xf32>
      %add3A_2661 = arith.addf %get3A_2544, %get3A_2549 : vector<16xf32>
      %add3A_2662 = arith.addf %get3A_2554, %get3A_2559 : vector<16xf32>
      %add3A_2663 = arith.addf %get3A_2564, %get3A_2569 : vector<16xf32>
      %add3A_2664 = arith.addf %get3A_2574, %get3A_2579 : vector<16xf32>
      %add3A_2665 = arith.addf %get3A_2584, %get3A_2589 : vector<16xf32>
      %add3A_2666 = arith.addf %get3A_2594, %get3A_2599 : vector<16xf32>
      %add3A_2667 = arith.addf %get3A_2604, %get3A_2609 : vector<16xf32>
      %add3A_2668 = arith.addf %get3A_2614, %get3A_2619 : vector<16xf32>
      %add3A_2669 = arith.addf %get3A_2624, %get3A_2629 : vector<16xf32>
      %add3A_2670 = arith.addf %get3A_2634, %get3A_2639 : vector<16xf32>
      %add3A_2671 = arith.addf %get3A_2644, %get3A_2649 : vector<16xf32>
      %add3A_2672 = arith.addf %get3A_2654, %get3A_2659 : vector<16xf32>
      %add3A_2673 = arith.addf %add3A_2660, %add3A_2661 : vector<16xf32>
      %add3A_2674 = arith.addf %add3A_2662, %add3A_2663 : vector<16xf32>
      %add3A_2675 = arith.addf %add3A_2664, %add3A_2665 : vector<16xf32>
      %add3A_2676 = arith.addf %add3A_2666, %add3A_2667 : vector<16xf32>
      %add3A_2677 = arith.addf %add3A_2668, %add3A_2669 : vector<16xf32>
      %add3A_2678 = arith.addf %add3A_2670, %add3A_2671 : vector<16xf32>
      %add3A_2679 = arith.addf %add3A_2673, %add3A_2674 : vector<16xf32>
      %add3A_2680 = arith.addf %add3A_2675, %add3A_2676 : vector<16xf32>
      %add3A_2681 = arith.addf %add3A_2677, %add3A_2678 : vector<16xf32>
      %add3A_2682 = arith.addf %add3A_2679, %add3A_2680 : vector<16xf32>
      %add3A_2683 = arith.addf %add3A_2681, %add3A_2672 : vector<16xf32>
      %add3A_2684 = arith.addf %add3A_2682, %add3A_2683 : vector<16xf32>
      %mul3A_2685 = arith.mulf %get3A_2534, %get3A_2534 : vector<16xf32>
      %mul3A_2686 = arith.mulf %get3A_2539, %get3A_2539 : vector<16xf32>
      %mul3A_2687 = arith.mulf %get3A_2544, %get3A_2544 : vector<16xf32>
      %mul3A_2688 = arith.mulf %get3A_2549, %get3A_2549 : vector<16xf32>
      %mul3A_2689 = arith.mulf %get3A_2554, %get3A_2554 : vector<16xf32>
      %mul3A_2690 = arith.mulf %get3A_2559, %get3A_2559 : vector<16xf32>
      %mul3A_2691 = arith.mulf %get3A_2564, %get3A_2564 : vector<16xf32>
      %mul3A_2692 = arith.mulf %get3A_2569, %get3A_2569 : vector<16xf32>
      %mul3A_2693 = arith.mulf %get3A_2574, %get3A_2574 : vector<16xf32>
      %mul3A_2694 = arith.mulf %get3A_2579, %get3A_2579 : vector<16xf32>
      %mul3A_2695 = arith.mulf %get3A_2584, %get3A_2584 : vector<16xf32>
      %mul3A_2696 = arith.mulf %get3A_2589, %get3A_2589 : vector<16xf32>
      %mul3A_2697 = arith.mulf %get3A_2594, %get3A_2594 : vector<16xf32>
      %mul3A_2698 = arith.mulf %get3A_2599, %get3A_2599 : vector<16xf32>
      %mul3A_2699 = arith.mulf %get3A_2604, %get3A_2604 : vector<16xf32>
      %mul3A_2700 = arith.mulf %get3A_2609, %get3A_2609 : vector<16xf32>
      %mul3A_2701 = arith.mulf %get3A_2614, %get3A_2614 : vector<16xf32>
      %mul3A_2702 = arith.mulf %get3A_2619, %get3A_2619 : vector<16xf32>
      %mul3A_2703 = arith.mulf %get3A_2624, %get3A_2624 : vector<16xf32>
      %mul3A_2704 = arith.mulf %get3A_2629, %get3A_2629 : vector<16xf32>
      %mul3A_2705 = arith.mulf %get3A_2634, %get3A_2634 : vector<16xf32>
      %mul3A_2706 = arith.mulf %get3A_2639, %get3A_2639 : vector<16xf32>
      %mul3A_2707 = arith.mulf %get3A_2644, %get3A_2644 : vector<16xf32>
      %mul3A_2708 = arith.mulf %get3A_2649, %get3A_2649 : vector<16xf32>
      %mul3A_2709 = arith.mulf %get3A_2654, %get3A_2654 : vector<16xf32>
      %mul3A_2710 = arith.mulf %get3A_2659, %get3A_2659 : vector<16xf32>
      %add3A_2711 = arith.addf %mul3A_2685, %mul3A_2686 : vector<16xf32>
      %add3A_2712 = arith.addf %mul3A_2687, %mul3A_2688 : vector<16xf32>
      %add3A_2713 = arith.addf %mul3A_2689, %mul3A_2690 : vector<16xf32>
      %add3A_2714 = arith.addf %mul3A_2691, %mul3A_2692 : vector<16xf32>
      %add3A_2715 = arith.addf %mul3A_2693, %mul3A_2694 : vector<16xf32>
      %add3A_2716 = arith.addf %mul3A_2695, %mul3A_2696 : vector<16xf32>
      %add3A_2717 = arith.addf %mul3A_2697, %mul3A_2698 : vector<16xf32>
      %add3A_2718 = arith.addf %mul3A_2699, %mul3A_2700 : vector<16xf32>
      %add3A_2719 = arith.addf %mul3A_2701, %mul3A_2702 : vector<16xf32>
      %add3A_2720 = arith.addf %mul3A_2703, %mul3A_2704 : vector<16xf32>
      %add3A_2721 = arith.addf %mul3A_2705, %mul3A_2706 : vector<16xf32>
      %add3A_2722 = arith.addf %mul3A_2707, %mul3A_2708 : vector<16xf32>
      %add3A_2723 = arith.addf %mul3A_2709, %mul3A_2710 : vector<16xf32>
      %add3A_2724 = arith.addf %add3A_2711, %add3A_2712 : vector<16xf32>
      %add3A_2725 = arith.addf %add3A_2713, %add3A_2714 : vector<16xf32>
      %add3A_2726 = arith.addf %add3A_2715, %add3A_2716 : vector<16xf32>
      %add3A_2727 = arith.addf %add3A_2717, %add3A_2718 : vector<16xf32>
      %add3A_2728 = arith.addf %add3A_2719, %add3A_2720 : vector<16xf32>
      %add3A_2729 = arith.addf %add3A_2721, %add3A_2722 : vector<16xf32>
      %add3A_2730 = arith.addf %add3A_2724, %add3A_2725 : vector<16xf32>
      %add3A_2731 = arith.addf %add3A_2726, %add3A_2727 : vector<16xf32>
      %add3A_2732 = arith.addf %add3A_2728, %add3A_2729 : vector<16xf32>
      %add3A_2733 = arith.addf %add3A_2730, %add3A_2731 : vector<16xf32>
      %add3A_2734 = arith.addf %add3A_2732, %add3A_2723 : vector<16xf32>
      %add3A_2735 = arith.addf %add3A_2733, %add3A_2734 : vector<16xf32>
      %mul3A_2736 = arith.mulf %add3A_2684, %add3A_2684 : vector<16xf32>
      %sub3A_2737 = arith.subf %mul3A_2736, %add3A_2735 : vector<16xf32>
      %add3A_2738 = arith.addf %scan3A_1890, %sub3A_2737 : vector<16xf32>
      %get3A_2739 = arith.constant 0 : i32
      %get3A_2740 = arith.index_cast %get3A_2739 : i32 to index
      %get3A_2741 = arith.index_cast %scan3A_1886 : i32 to index
      %get3A_2742 = arith.constant 64 : index
      %get3A_2743 = tpu.vector_load %arg9[%get3A_2740, %get3A_2741, %get3A_2742] {strides = array<i32>} : memref<26x16x128xf32, #tpu.memory_space<vmem>>, vector<16xf32>,
      %get3A_2744 = arith.constant 1 : i32
      %get3A_2745 = arith.index_cast %get3A_2744 : i32 to index
      %get3A_2746 = arith.index_cast %scan3A_1886 : i32 to index
      %get3A_2747 = arith.constant 64 : index
      %get3A_2748 = tpu.vector_load %arg9[%get3A_2745, %get3A_2746, %get3A_2747] {strides = array<i32>} : memref<26x16x128xf32, #tpu.memory_space<vmem>>, vector<16xf32>,
      %get3A_2749 = arith.constant 2 : i32
      %get3A_2750 = arith.index_cast %get3A_2749 : i32 to index
      %get3A_2751 = arith.index_cast %scan3A_1886 : i32 to index
      %get3A_2752 = arith.constant 64 : index
      %get3A_2753 = tpu.vector_load %arg9[%get3A_2750, %get3A_2751, %get3A_2752] {strides = array<i32>} : memref<26x16x128xf32, #tpu.memory_space<vmem>>, vector<16xf32>,
      %get3A_2754 = arith.constant 3 : i32
      %get3A_2755 = arith.index_cast %get3A_2754 : i32 to index
      %get3A_2756 = arith.index_cast %scan3A_1886 : i32 to index
      %get3A_2757 = arith.constant 64 : index
      %get3A_2758 = tpu.vector_load %arg9[%get3A_2755, %get3A_2756, %get3A_2757] {strides = array<i32>} : memref<26x16x128xf32, #tpu.memory_space<vmem>>, vector<16xf32>,
      %get3A_2759 = arith.constant 4 : i32
      %get3A_2760 = arith.index_cast %get3A_2759 : i32 to index
      %get3A_2761 = arith.index_cast %scan3A_1886 : i32 to index
      %get3A_2762 = arith.constant 64 : index
      %get3A_2763 = tpu.vector_load %arg9[%get3A_2760, %get3A_2761, %get3A_2762] {strides = array<i32>} : memref<26x16x128xf32, #tpu.memory_space<vmem>>, vector<16xf32>,
      %get3A_2764 = arith.constant 5 : i32
      %get3A_2765 = arith.index_cast %get3A_2764 : i32 to index
      %get3A_2766 = arith.index_cast %scan3A_1886 : i32 to index
      %get3A_2767 = arith.constant 64 : index
      %get3A_2768 = tpu.vector_load %arg9[%get3A_2765, %get3A_2766, %get3A_2767] {strides = array<i32>} : memref<26x16x128xf32, #tpu.memory_space<vmem>>, vector<16xf32>,
      %get3A_2769 = arith.constant 6 : i32
      %get3A_2770 = arith.index_cast %get3A_2769 : i32 to index
      %get3A_2771 = arith.index_cast %scan3A_1886 : i32 to index
      %get3A_2772 = arith.constant 64 : index
      %get3A_2773 = tpu.vector_load %arg9[%get3A_2770, %get3A_2771, %get3A_2772] {strides = array<i32>} : memref<26x16x128xf32, #tpu.memory_space<vmem>>, vector<16xf32>,
      %get3A_2774 = arith.constant 7 : i32
      %get3A_2775 = arith.index_cast %get3A_2774 : i32 to index
      %get3A_2776 = arith.index_cast %scan3A_1886 : i32 to index
      %get3A_2777 = arith.constant 64 : index
      %get3A_2778 = tpu.vector_load %arg9[%get3A_2775, %get3A_2776, %get3A_2777] {strides = array<i32>} : memref<26x16x128xf32, #tpu.memory_space<vmem>>, vector<16xf32>,
      %get3A_2779 = arith.constant 8 : i32
      %get3A_2780 = arith.index_cast %get3A_2779 : i32 to index
      %get3A_2781 = arith.index_cast %scan3A_1886 : i32 to index
      %get3A_2782 = arith.constant 64 : index
      %get3A_2783 = tpu.vector_load %arg9[%get3A_2780, %get3A_2781, %get3A_2782] {strides = array<i32>} : memref<26x16x128xf32, #tpu.memory_space<vmem>>, vector<16xf32>,
      %get3A_2784 = arith.constant 9 : i32
      %get3A_2785 = arith.index_cast %get3A_2784 : i32 to index
      %get3A_2786 = arith.index_cast %scan3A_1886 : i32 to index
      %get3A_2787 = arith.constant 64 : index
      %get3A_2788 = tpu.vector_load %arg9[%get3A_2785, %get3A_2786, %get3A_2787] {strides = array<i32>} : memref<26x16x128xf32, #tpu.memory_space<vmem>>, vector<16xf32>,
      %get3A_2789 = arith.constant 10 : i32
      %get3A_2790 = arith.index_cast %get3A_2789 : i32 to index
      %get3A_2791 = arith.index_cast %scan3A_1886 : i32 to index
      %get3A_2792 = arith.constant 64 : index
      %get3A_2793 = tpu.vector_load %arg9[%get3A_2790, %get3A_2791, %get3A_2792] {strides = array<i32>} : memref<26x16x128xf32, #tpu.memory_space<vmem>>, vector<16xf32>,
      %get3A_2794 = arith.constant 11 : i32
      %get3A_2795 = arith.index_cast %get3A_2794 : i32 to index
      %get3A_2796 = arith.index_cast %scan3A_1886 : i32 to index
      %get3A_2797 = arith.constant 64 : index
      %get3A_2798 = tpu.vector_load %arg9[%get3A_2795, %get3A_2796, %get3A_2797] {strides = array<i32>} : memref<26x16x128xf32, #tpu.memory_space<vmem>>, vector<16xf32>,
      %get3A_2799 = arith.constant 12 : i32
      %get3A_2800 = arith.index_cast %get3A_2799 : i32 to index
      %get3A_2801 = arith.index_cast %scan3A_1886 : i32 to index
      %get3A_2802 = arith.constant 64 : index
      %get3A_2803 = tpu.vector_load %arg9[%get3A_2800, %get3A_2801, %get3A_2802] {strides = array<i32>} : memref<26x16x128xf32, #tpu.memory_space<vmem>>, vector<16xf32>,
      %get3A_2804 = arith.constant 13 : i32
      %get3A_2805 = arith.index_cast %get3A_2804 : i32 to index
      %get3A_2806 = arith.index_cast %scan3A_1886 : i32 to index
      %get3A_2807 = arith.constant 64 : index
      %get3A_2808 = tpu.vector_load %arg9[%get3A_2805, %get3A_2806, %get3A_2807] {strides = array<i32>} : memref<26x16x128xf32, #tpu.memory_space<vmem>>, vector<16xf32>,
      %get3A_2809 = arith.constant 14 : i32
      %get3A_2810 = arith.index_cast %get3A_2809 : i32 to index
      %get3A_2811 = arith.index_cast %scan3A_1886 : i32 to index
      %get3A_2812 = arith.constant 64 : index
      %get3A_2813 = tpu.vector_load %arg9[%get3A_2810, %get3A_2811, %get3A_2812] {strides = array<i32>} : memref<26x16x128xf32, #tpu.memory_space<vmem>>, vector<16xf32>,
      %get3A_2814 = arith.constant 15 : i32
      %get3A_2815 = arith.index_cast %get3A_2814 : i32 to index
      %get3A_2816 = arith.index_cast %scan3A_1886 : i32 to index
      %get3A_2817 = arith.constant 64 : index
      %get3A_2818 = tpu.vector_load %arg9[%get3A_2815, %get3A_2816, %get3A_2817] {strides = array<i32>} : memref<26x16x128xf32, #tpu.memory_space<vmem>>, vector<16xf32>,
      %get3A_2819 = arith.constant 16 : i32
      %get3A_2820 = arith.index_cast %get3A_2819 : i32 to index
      %get3A_2821 = arith.index_cast %scan3A_1886 : i32 to index
      %get3A_2822 = arith.constant 64 : index
      %get3A_2823 = tpu.vector_load %arg9[%get3A_2820, %get3A_2821, %get3A_2822] {strides = array<i32>} : memref<26x16x128xf32, #tpu.memory_space<vmem>>, vector<16xf32>,
      %get3A_2824 = arith.constant 17 : i32
      %get3A_2825 = arith.index_cast %get3A_2824 : i32 to index
      %get3A_2826 = arith.index_cast %scan3A_1886 : i32 to index
      %get3A_2827 = arith.constant 64 : index
      %get3A_2828 = tpu.vector_load %arg9[%get3A_2825, %get3A_2826, %get3A_2827] {strides = array<i32>} : memref<26x16x128xf32, #tpu.memory_space<vmem>>, vector<16xf32>,
      %get3A_2829 = arith.constant 18 : i32
      %get3A_2830 = arith.index_cast %get3A_2829 : i32 to index
      %get3A_2831 = arith.index_cast %scan3A_1886 : i32 to index
      %get3A_2832 = arith.constant 64 : index
      %get3A_2833 = tpu.vector_load %arg9[%get3A_2830, %get3A_2831, %get3A_2832] {strides = array<i32>} : memref<26x16x128xf32, #tpu.memory_space<vmem>>, vector<16xf32>,
      %get3A_2834 = arith.constant 19 : i32
      %get3A_2835 = arith.index_cast %get3A_2834 : i32 to index
      %get3A_2836 = arith.index_cast %scan3A_1886 : i32 to index
      %get3A_2837 = arith.constant 64 : index
      %get3A_2838 = tpu.vector_load %arg9[%get3A_2835, %get3A_2836, %get3A_2837] {strides = array<i32>} : memref<26x16x128xf32, #tpu.memory_space<vmem>>, vector<16xf32>,
      %get3A_2839 = arith.constant 20 : i32
      %get3A_2840 = arith.index_cast %get3A_2839 : i32 to index
      %get3A_2841 = arith.index_cast %scan3A_1886 : i32 to index
      %get3A_2842 = arith.constant 64 : index
      %get3A_2843 = tpu.vector_load %arg9[%get3A_2840, %get3A_2841, %get3A_2842] {strides = array<i32>} : memref<26x16x128xf32, #tpu.memory_space<vmem>>, vector<16xf32>,
      %get3A_2844 = arith.constant 21 : i32
      %get3A_2845 = arith.index_cast %get3A_2844 : i32 to index
      %get3A_2846 = arith.index_cast %scan3A_1886 : i32 to index
      %get3A_2847 = arith.constant 64 : index
      %get3A_2848 = tpu.vector_load %arg9[%get3A_2845, %get3A_2846, %get3A_2847] {strides = array<i32>} : memref<26x16x128xf32, #tpu.memory_space<vmem>>, vector<16xf32>,
      %get3A_2849 = arith.constant 22 : i32
      %get3A_2850 = arith.index_cast %get3A_2849 : i32 to index
      %get3A_2851 = arith.index_cast %scan3A_1886 : i32 to index
      %get3A_2852 = arith.constant 64 : index
      %get3A_2853 = tpu.vector_load %arg9[%get3A_2850, %get3A_2851, %get3A_2852] {strides = array<i32>} : memref<26x16x128xf32, #tpu.memory_space<vmem>>, vector<16xf32>,
      %get3A_2854 = arith.constant 23 : i32
      %get3A_2855 = arith.index_cast %get3A_2854 : i32 to index
      %get3A_2856 = arith.index_cast %scan3A_1886 : i32 to index
      %get3A_2857 = arith.constant 64 : index
      %get3A_2858 = tpu.vector_load %arg9[%get3A_2855, %get3A_2856, %get3A_2857] {strides = array<i32>} : memref<26x16x128xf32, #tpu.memory_space<vmem>>, vector<16xf32>,
      %get3A_2859 = arith.constant 24 : i32
      %get3A_2860 = arith.index_cast %get3A_2859 : i32 to index
      %get3A_2861 = arith.index_cast %scan3A_1886 : i32 to index
      %get3A_2862 = arith.constant 64 : index
      %get3A_2863 = tpu.vector_load %arg9[%get3A_2860, %get3A_2861, %get3A_2862] {strides = array<i32>} : memref<26x16x128xf32, #tpu.memory_space<vmem>>, vector<16xf32>,
      %get3A_2864 = arith.constant 25 : i32
      %get3A_2865 = arith.index_cast %get3A_2864 : i32 to index
      %get3A_2866 = arith.index_cast %scan3A_1886 : i32 to index
      %get3A_2867 = arith.constant 64 : index
      %get3A_2868 = tpu.vector_load %arg9[%get3A_2865, %get3A_2866, %get3A_2867] {strides = array<i32>} : memref<26x16x128xf32, #tpu.memory_space<vmem>>, vector<16xf32>,
      %add3A_2869 = arith.addf %get3A_2743, %get3A_2748 : vector<16xf32>
      %add3A_2870 = arith.addf %get3A_2753, %get3A_2758 : vector<16xf32>
      %add3A_2871 = arith.addf %get3A_2763, %get3A_2768 : vector<16xf32>
      %add3A_2872 = arith.addf %get3A_2773, %get3A_2778 : vector<16xf32>
      %add3A_2873 = arith.addf %get3A_2783, %get3A_2788 : vector<16xf32>
      %add3A_2874 = arith.addf %get3A_2793, %get3A_2798 : vector<16xf32>
      %add3A_2875 = arith.addf %get3A_2803, %get3A_2808 : vector<16xf32>
      %add3A_2876 = arith.addf %get3A_2813, %get3A_2818 : vector<16xf32>
      %add3A_2877 = arith.addf %get3A_2823, %get3A_2828 : vector<16xf32>
      %add3A_2878 = arith.addf %get3A_2833, %get3A_2838 : vector<16xf32>
      %add3A_2879 = arith.addf %get3A_2843, %get3A_2848 : vector<16xf32>
      %add3A_2880 = arith.addf %get3A_2853, %get3A_2858 : vector<16xf32>
      %add3A_2881 = arith.addf %get3A_2863, %get3A_2868 : vector<16xf32>
      %add3A_2882 = arith.addf %add3A_2869, %add3A_2870 : vector<16xf32>
      %add3A_2883 = arith.addf %add3A_2871, %add3A_2872 : vector<16xf32>
      %add3A_2884 = arith.addf %add3A_2873, %add3A_2874 : vector<16xf32>
      %add3A_2885 = arith.addf %add3A_2875, %add3A_2876 : vector<16xf32>
      %add3A_2886 = arith.addf %add3A_2877, %add3A_2878 : vector<16xf32>
      %add3A_2887 = arith.addf %add3A_2879, %add3A_2880 : vector<16xf32>
      %add3A_2888 = arith.addf %add3A_2882, %add3A_2883 : vector<16xf32>
      %add3A_2889 = arith.addf %add3A_2884, %add3A_2885 : vector<16xf32>
      %add3A_2890 = arith.addf %add3A_2886, %add3A_2887 : vector<16xf32>
      %add3A_2891 = arith.addf %add3A_2888, %add3A_2889 : vector<16xf32>
      %add3A_2892 = arith.addf %add3A_2890, %add3A_2881 : vector<16xf32>
      %add3A_2893 = arith.addf %add3A_2891, %add3A_2892 : vector<16xf32>
      %mul3A_2894 = arith.mulf %get3A_2743, %get3A_2743 : vector<16xf32>
      %mul3A_2895 = arith.mulf %get3A_2748, %get3A_2748 : vector<16xf32>
      %mul3A_2896 = arith.mulf %get3A_2753, %get3A_2753 : vector<16xf32>
      %mul3A_2897 = arith.mulf %get3A_2758, %get3A_2758 : vector<16xf32>
      %mul3A_2898 = arith.mulf %get3A_2763, %get3A_2763 : vector<16xf32>
      %mul3A_2899 = arith.mulf %get3A_2768, %get3A_2768 : vector<16xf32>
      %mul3A_2900 = arith.mulf %get3A_2773, %get3A_2773 : vector<16xf32>
      %mul3A_2901 = arith.mulf %get3A_2778, %get3A_2778 : vector<16xf32>
      %mul3A_2902 = arith.mulf %get3A_2783, %get3A_2783 : vector<16xf32>
      %mul3A_2903 = arith.mulf %get3A_2788, %get3A_2788 : vector<16xf32>
      %mul3A_2904 = arith.mulf %get3A_2793, %get3A_2793 : vector<16xf32>
      %mul3A_2905 = arith.mulf %get3A_2798, %get3A_2798 : vector<16xf32>
      %mul3A_2906 = arith.mulf %get3A_2803, %get3A_2803 : vector<16xf32>
      %mul3A_2907 = arith.mulf %get3A_2808, %get3A_2808 : vector<16xf32>
      %mul3A_2908 = arith.mulf %get3A_2813, %get3A_2813 : vector<16xf32>
      %mul3A_2909 = arith.mulf %get3A_2818, %get3A_2818 : vector<16xf32>
      %mul3A_2910 = arith.mulf %get3A_2823, %get3A_2823 : vector<16xf32>
      %mul3A_2911 = arith.mulf %get3A_2828, %get3A_2828 : vector<16xf32>
      %mul3A_2912 = arith.mulf %get3A_2833, %get3A_2833 : vector<16xf32>
      %mul3A_2913 = arith.mulf %get3A_2838, %get3A_2838 : vector<16xf32>
      %mul3A_2914 = arith.mulf %get3A_2843, %get3A_2843 : vector<16xf32>
      %mul3A_2915 = arith.mulf %get3A_2848, %get3A_2848 : vector<16xf32>
      %mul3A_2916 = arith.mulf %get3A_2853, %get3A_2853 : vector<16xf32>
      %mul3A_2917 = arith.mulf %get3A_2858, %get3A_2858 : vector<16xf32>
      %mul3A_2918 = arith.mulf %get3A_2863, %get3A_2863 : vector<16xf32>
      %mul3A_2919 = arith.mulf %get3A_2868, %get3A_2868 : vector<16xf32>
      %add3A_2920 = arith.addf %mul3A_2894, %mul3A_2895 : vector<16xf32>
      %add3A_2921 = arith.addf %mul3A_2896, %mul3A_2897 : vector<16xf32>
      %add3A_2922 = arith.addf %mul3A_2898, %mul3A_2899 : vector<16xf32>
      %add3A_2923 = arith.addf %mul3A_2900, %mul3A_2901 : vector<16xf32>
      %add3A_2924 = arith.addf %mul3A_2902, %mul3A_2903 : vector<16xf32>
      %add3A_2925 = arith.addf %mul3A_2904, %mul3A_2905 : vector<16xf32>
      %add3A_2926 = arith.addf %mul3A_2906, %mul3A_2907 : vector<16xf32>
      %add3A_2927 = arith.addf %mul3A_2908, %mul3A_2909 : vector<16xf32>
      %add3A_2928 = arith.addf %mul3A_2910, %mul3A_2911 : vector<16xf32>
      %add3A_2929 = arith.addf %mul3A_2912, %mul3A_2913 : vector<16xf32>
      %add3A_2930 = arith.addf %mul3A_2914, %mul3A_2915 : vector<16xf32>
      %add3A_2931 = arith.addf %mul3A_2916, %mul3A_2917 : vector<16xf32>
      %add3A_2932 = arith.addf %mul3A_2918, %mul3A_2919 : vector<16xf32>
      %add3A_2933 = arith.addf %add3A_2920, %add3A_2921 : vector<16xf32>
      %add3A_2934 = arith.addf %add3A_2922, %add3A_2923 : vector<16xf32>
      %add3A_2935 = arith.addf %add3A_2924, %add3A_2925 : vector<16xf32>
      %add3A_2936 = arith.addf %add3A_2926, %add3A_2927 : vector<16xf32>
      %add3A_2937 = arith.addf %add3A_2928, %add3A_2929 : vector<16xf32>
      %add3A_2938 = arith.addf %add3A_2930, %add3A_2931 : vector<16xf32>
      %add3A_2939 = arith.addf %add3A_2933, %add3A_2934 : vector<16xf32>
      %add3A_2940 = arith.addf %add3A_2935, %add3A_2936 : vector<16xf32>
      %add3A_2941 = arith.addf %add3A_2937, %add3A_2938 : vector<16xf32>
      %add3A_2942 = arith.addf %add3A_2939, %add3A_2940 : vector<16xf32>
      %add3A_2943 = arith.addf %add3A_2941, %add3A_2932 : vector<16xf32>
      %add3A_2944 = arith.addf %add3A_2942, %add3A_2943 : vector<16xf32>
      %mul3A_2945 = arith.mulf %add3A_2893, %add3A_2893 : vector<16xf32>
      %sub3A_2946 = arith.subf %mul3A_2945, %add3A_2944 : vector<16xf32>
      %add3A_2947 = arith.addf %scan3A_1891, %sub3A_2946 : vector<16xf32>
      %get3A_2948 = arith.constant 0 : i32
      %get3A_2949 = arith.index_cast %get3A_2948 : i32 to index
      %get3A_2950 = arith.index_cast %scan3A_1886 : i32 to index
      %get3A_2951 = arith.constant 80 : index
      %get3A_2952 = tpu.vector_load %arg9[%get3A_2949, %get3A_2950, %get3A_2951] {strides = array<i32>} : memref<26x16x128xf32, #tpu.memory_space<vmem>>, vector<16xf32>,
      %get3A_2953 = arith.constant 1 : i32
      %get3A_2954 = arith.index_cast %get3A_2953 : i32 to index
      %get3A_2955 = arith.index_cast %scan3A_1886 : i32 to index
      %get3A_2956 = arith.constant 80 : index
      %get3A_2957 = tpu.vector_load %arg9[%get3A_2954, %get3A_2955, %get3A_2956] {strides = array<i32>} : memref<26x16x128xf32, #tpu.memory_space<vmem>>, vector<16xf32>,
      %get3A_2958 = arith.constant 2 : i32
      %get3A_2959 = arith.index_cast %get3A_2958 : i32 to index
      %get3A_2960 = arith.index_cast %scan3A_1886 : i32 to index
      %get3A_2961 = arith.constant 80 : index
      %get3A_2962 = tpu.vector_load %arg9[%get3A_2959, %get3A_2960, %get3A_2961] {strides = array<i32>} : memref<26x16x128xf32, #tpu.memory_space<vmem>>, vector<16xf32>,
      %get3A_2963 = arith.constant 3 : i32
      %get3A_2964 = arith.index_cast %get3A_2963 : i32 to index
      %get3A_2965 = arith.index_cast %scan3A_1886 : i32 to index
      %get3A_2966 = arith.constant 80 : index
      %get3A_2967 = tpu.vector_load %arg9[%get3A_2964, %get3A_2965, %get3A_2966] {strides = array<i32>} : memref<26x16x128xf32, #tpu.memory_space<vmem>>, vector<16xf32>,
      %get3A_2968 = arith.constant 4 : i32
      %get3A_2969 = arith.index_cast %get3A_2968 : i32 to index
      %get3A_2970 = arith.index_cast %scan3A_1886 : i32 to index
      %get3A_2971 = arith.constant 80 : index
      %get3A_2972 = tpu.vector_load %arg9[%get3A_2969, %get3A_2970, %get3A_2971] {strides = array<i32>} : memref<26x16x128xf32, #tpu.memory_space<vmem>>, vector<16xf32>,
      %get3A_2973 = arith.constant 5 : i32
      %get3A_2974 = arith.index_cast %get3A_2973 : i32 to index
      %get3A_2975 = arith.index_cast %scan3A_1886 : i32 to index
      %get3A_2976 = arith.constant 80 : index
      %get3A_2977 = tpu.vector_load %arg9[%get3A_2974, %get3A_2975, %get3A_2976] {strides = array<i32>} : memref<26x16x128xf32, #tpu.memory_space<vmem>>, vector<16xf32>,
      %get3A_2978 = arith.constant 6 : i32
      %get3A_2979 = arith.index_cast %get3A_2978 : i32 to index
      %get3A_2980 = arith.index_cast %scan3A_1886 : i32 to index
      %get3A_2981 = arith.constant 80 : index
      %get3A_2982 = tpu.vector_load %arg9[%get3A_2979, %get3A_2980, %get3A_2981] {strides = array<i32>} : memref<26x16x128xf32, #tpu.memory_space<vmem>>, vector<16xf32>,
      %get3A_2983 = arith.constant 7 : i32
      %get3A_2984 = arith.index_cast %get3A_2983 : i32 to index
      %get3A_2985 = arith.index_cast %scan3A_1886 : i32 to index
      %get3A_2986 = arith.constant 80 : index
      %get3A_2987 = tpu.vector_load %arg9[%get3A_2984, %get3A_2985, %get3A_2986] {strides = array<i32>} : memref<26x16x128xf32, #tpu.memory_space<vmem>>, vector<16xf32>,
      %get3A_2988 = arith.constant 8 : i32
      %get3A_2989 = arith.index_cast %get3A_2988 : i32 to index
      %get3A_2990 = arith.index_cast %scan3A_1886 : i32 to index
      %get3A_2991 = arith.constant 80 : index
      %get3A_2992 = tpu.vector_load %arg9[%get3A_2989, %get3A_2990, %get3A_2991] {strides = array<i32>} : memref<26x16x128xf32, #tpu.memory_space<vmem>>, vector<16xf32>,
      %get3A_2993 = arith.constant 9 : i32
      %get3A_2994 = arith.index_cast %get3A_2993 : i32 to index
      %get3A_2995 = arith.index_cast %scan3A_1886 : i32 to index
      %get3A_2996 = arith.constant 80 : index
      %get3A_2997 = tpu.vector_load %arg9[%get3A_2994, %get3A_2995, %get3A_2996] {strides = array<i32>} : memref<26x16x128xf32, #tpu.memory_space<vmem>>, vector<16xf32>,
      %get3A_2998 = arith.constant 10 : i32
      %get3A_2999 = arith.index_cast %get3A_2998 : i32 to index
      %get3A_3000 = arith.index_cast %scan3A_1886 : i32 to index
      %get3A_3001 = arith.constant 80 : index
      %get3A_3002 = tpu.vector_load %arg9[%get3A_2999, %get3A_3000, %get3A_3001] {strides = array<i32>} : memref<26x16x128xf32, #tpu.memory_space<vmem>>, vector<16xf32>,
      %get3A_3003 = arith.constant 11 : i32
      %get3A_3004 = arith.index_cast %get3A_3003 : i32 to index
      %get3A_3005 = arith.index_cast %scan3A_1886 : i32 to index
      %get3A_3006 = arith.constant 80 : index
      %get3A_3007 = tpu.vector_load %arg9[%get3A_3004, %get3A_3005, %get3A_3006] {strides = array<i32>} : memref<26x16x128xf32, #tpu.memory_space<vmem>>, vector<16xf32>,
      %get3A_3008 = arith.constant 12 : i32
      %get3A_3009 = arith.index_cast %get3A_3008 : i32 to index
      %get3A_3010 = arith.index_cast %scan3A_1886 : i32 to index
      %get3A_3011 = arith.constant 80 : index
      %get3A_3012 = tpu.vector_load %arg9[%get3A_3009, %get3A_3010, %get3A_3011] {strides = array<i32>} : memref<26x16x128xf32, #tpu.memory_space<vmem>>, vector<16xf32>,
      %get3A_3013 = arith.constant 13 : i32
      %get3A_3014 = arith.index_cast %get3A_3013 : i32 to index
      %get3A_3015 = arith.index_cast %scan3A_1886 : i32 to index
      %get3A_3016 = arith.constant 80 : index
      %get3A_3017 = tpu.vector_load %arg9[%get3A_3014, %get3A_3015, %get3A_3016] {strides = array<i32>} : memref<26x16x128xf32, #tpu.memory_space<vmem>>, vector<16xf32>,
      %get3A_3018 = arith.constant 14 : i32
      %get3A_3019 = arith.index_cast %get3A_3018 : i32 to index
      %get3A_3020 = arith.index_cast %scan3A_1886 : i32 to index
      %get3A_3021 = arith.constant 80 : index
      %get3A_3022 = tpu.vector_load %arg9[%get3A_3019, %get3A_3020, %get3A_3021] {strides = array<i32>} : memref<26x16x128xf32, #tpu.memory_space<vmem>>, vector<16xf32>,
      %get3A_3023 = arith.constant 15 : i32
      %get3A_3024 = arith.index_cast %get3A_3023 : i32 to index
      %get3A_3025 = arith.index_cast %scan3A_1886 : i32 to index
      %get3A_3026 = arith.constant 80 : index
      %get3A_3027 = tpu.vector_load %arg9[%get3A_3024, %get3A_3025, %get3A_3026] {strides = array<i32>} : memref<26x16x128xf32, #tpu.memory_space<vmem>>, vector<16xf32>,
      %get3A_3028 = arith.constant 16 : i32
      %get3A_3029 = arith.index_cast %get3A_3028 : i32 to index
      %get3A_3030 = arith.index_cast %scan3A_1886 : i32 to index
      %get3A_3031 = arith.constant 80 : index
      %get3A_3032 = tpu.vector_load %arg9[%get3A_3029, %get3A_3030, %get3A_3031] {strides = array<i32>} : memref<26x16x128xf32, #tpu.memory_space<vmem>>, vector<16xf32>,
      %get3A_3033 = arith.constant 17 : i32
      %get3A_3034 = arith.index_cast %get3A_3033 : i32 to index
      %get3A_3035 = arith.index_cast %scan3A_1886 : i32 to index
      %get3A_3036 = arith.constant 80 : index
      %get3A_3037 = tpu.vector_load %arg9[%get3A_3034, %get3A_3035, %get3A_3036] {strides = array<i32>} : memref<26x16x128xf32, #tpu.memory_space<vmem>>, vector<16xf32>,
      %get3A_3038 = arith.constant 18 : i32
      %get3A_3039 = arith.index_cast %get3A_3038 : i32 to index
      %get3A_3040 = arith.index_cast %scan3A_1886 : i32 to index
      %get3A_3041 = arith.constant 80 : index
      %get3A_3042 = tpu.vector_load %arg9[%get3A_3039, %get3A_3040, %get3A_3041] {strides = array<i32>} : memref<26x16x128xf32, #tpu.memory_space<vmem>>, vector<16xf32>,
      %get3A_3043 = arith.constant 19 : i32
      %get3A_3044 = arith.index_cast %get3A_3043 : i32 to index
      %get3A_3045 = arith.index_cast %scan3A_1886 : i32 to index
      %get3A_3046 = arith.constant 80 : index
      %get3A_3047 = tpu.vector_load %arg9[%get3A_3044, %get3A_3045, %get3A_3046] {strides = array<i32>} : memref<26x16x128xf32, #tpu.memory_space<vmem>>, vector<16xf32>,
      %get3A_3048 = arith.constant 20 : i32
      %get3A_3049 = arith.index_cast %get3A_3048 : i32 to index
      %get3A_3050 = arith.index_cast %scan3A_1886 : i32 to index
      %get3A_3051 = arith.constant 80 : index
      %get3A_3052 = tpu.vector_load %arg9[%get3A_3049, %get3A_3050, %get3A_3051] {strides = array<i32>} : memref<26x16x128xf32, #tpu.memory_space<vmem>>, vector<16xf32>,
      %get3A_3053 = arith.constant 21 : i32
      %get3A_3054 = arith.index_cast %get3A_3053 : i32 to index
      %get3A_3055 = arith.index_cast %scan3A_1886 : i32 to index
      %get3A_3056 = arith.constant 80 : index
      %get3A_3057 = tpu.vector_load %arg9[%get3A_3054, %get3A_3055, %get3A_3056] {strides = array<i32>} : memref<26x16x128xf32, #tpu.memory_space<vmem>>, vector<16xf32>,
      %get3A_3058 = arith.constant 22 : i32
      %get3A_3059 = arith.index_cast %get3A_3058 : i32 to index
      %get3A_3060 = arith.index_cast %scan3A_1886 : i32 to index
      %get3A_3061 = arith.constant 80 : index
      %get3A_3062 = tpu.vector_load %arg9[%get3A_3059, %get3A_3060, %get3A_3061] {strides = array<i32>} : memref<26x16x128xf32, #tpu.memory_space<vmem>>, vector<16xf32>,
      %get3A_3063 = arith.constant 23 : i32
      %get3A_3064 = arith.index_cast %get3A_3063 : i32 to index
      %get3A_3065 = arith.index_cast %scan3A_1886 : i32 to index
      %get3A_3066 = arith.constant 80 : index
      %get3A_3067 = tpu.vector_load %arg9[%get3A_3064, %get3A_3065, %get3A_3066] {strides = array<i32>} : memref<26x16x128xf32, #tpu.memory_space<vmem>>, vector<16xf32>,
      %get3A_3068 = arith.constant 24 : i32
      %get3A_3069 = arith.index_cast %get3A_3068 : i32 to index
      %get3A_3070 = arith.index_cast %scan3A_1886 : i32 to index
      %get3A_3071 = arith.constant 80 : index
      %get3A_3072 = tpu.vector_load %arg9[%get3A_3069, %get3A_3070, %get3A_3071] {strides = array<i32>} : memref<26x16x128xf32, #tpu.memory_space<vmem>>, vector<16xf32>,
      %get3A_3073 = arith.constant 25 : i32
      %get3A_3074 = arith.index_cast %get3A_3073 : i32 to index
      %get3A_3075 = arith.index_cast %scan3A_1886 : i32 to index
      %get3A_3076 = arith.constant 80 : index
      %get3A_3077 = tpu.vector_load %arg9[%get3A_3074, %get3A_3075, %get3A_3076] {strides = array<i32>} : memref<26x16x128xf32, #tpu.memory_space<vmem>>, vector<16xf32>,
      %add3A_3078 = arith.addf %get3A_2952, %get3A_2957 : vector<16xf32>
      %add3A_3079 = arith.addf %get3A_2962, %get3A_2967 : vector<16xf32>
      %add3A_3080 = arith.addf %get3A_2972, %get3A_2977 : vector<16xf32>
      %add3A_3081 = arith.addf %get3A_2982, %get3A_2987 : vector<16xf32>
      %add3A_3082 = arith.addf %get3A_2992, %get3A_2997 : vector<16xf32>
      %add3A_3083 = arith.addf %get3A_3002, %get3A_3007 : vector<16xf32>
      %add3A_3084 = arith.addf %get3A_3012, %get3A_3017 : vector<16xf32>
      %add3A_3085 = arith.addf %get3A_3022, %get3A_3027 : vector<16xf32>
      %add3A_3086 = arith.addf %get3A_3032, %get3A_3037 : vector<16xf32>
      %add3A_3087 = arith.addf %get3A_3042, %get3A_3047 : vector<16xf32>
      %add3A_3088 = arith.addf %get3A_3052, %get3A_3057 : vector<16xf32>
      %add3A_3089 = arith.addf %get3A_3062, %get3A_3067 : vector<16xf32>
      %add3A_3090 = arith.addf %get3A_3072, %get3A_3077 : vector<16xf32>
      %add3A_3091 = arith.addf %add3A_3078, %add3A_3079 : vector<16xf32>
      %add3A_3092 = arith.addf %add3A_3080, %add3A_3081 : vector<16xf32>
      %add3A_3093 = arith.addf %add3A_3082, %add3A_3083 : vector<16xf32>
      %add3A_3094 = arith.addf %add3A_3084, %add3A_3085 : vector<16xf32>
      %add3A_3095 = arith.addf %add3A_3086, %add3A_3087 : vector<16xf32>
      %add3A_3096 = arith.addf %add3A_3088, %add3A_3089 : vector<16xf32>
      %add3A_3097 = arith.addf %add3A_3091, %add3A_3092 : vector<16xf32>
      %add3A_3098 = arith.addf %add3A_3093, %add3A_3094 : vector<16xf32>
      %add3A_3099 = arith.addf %add3A_3095, %add3A_3096 : vector<16xf32>
      %add3A_3100 = arith.addf %add3A_3097, %add3A_3098 : vector<16xf32>
      %add3A_3101 = arith.addf %add3A_3099, %add3A_3090 : vector<16xf32>
      %add3A_3102 = arith.addf %add3A_3100, %add3A_3101 : vector<16xf32>
      %mul3A_3103 = arith.mulf %get3A_2952, %get3A_2952 : vector<16xf32>
      %mul3A_3104 = arith.mulf %get3A_2957, %get3A_2957 : vector<16xf32>
      %mul3A_3105 = arith.mulf %get3A_2962, %get3A_2962 : vector<16xf32>
      %mul3A_3106 = arith.mulf %get3A_2967, %get3A_2967 : vector<16xf32>
      %mul3A_3107 = arith.mulf %get3A_2972, %get3A_2972 : vector<16xf32>
      %mul3A_3108 = arith.mulf %get3A_2977, %get3A_2977 : vector<16xf32>
      %mul3A_3109 = arith.mulf %get3A_2982, %get3A_2982 : vector<16xf32>
      %mul3A_3110 = arith.mulf %get3A_2987, %get3A_2987 : vector<16xf32>
      %mul3A_3111 = arith.mulf %get3A_2992, %get3A_2992 : vector<16xf32>
      %mul3A_3112 = arith.mulf %get3A_2997, %get3A_2997 : vector<16xf32>
      %mul3A_3113 = arith.mulf %get3A_3002, %get3A_3002 : vector<16xf32>
      %mul3A_3114 = arith.mulf %get3A_3007, %get3A_3007 : vector<16xf32>
      %mul3A_3115 = arith.mulf %get3A_3012, %get3A_3012 : vector<16xf32>
      %mul3A_3116 = arith.mulf %get3A_3017, %get3A_3017 : vector<16xf32>
      %mul3A_3117 = arith.mulf %get3A_3022, %get3A_3022 : vector<16xf32>
      %mul3A_3118 = arith.mulf %get3A_3027, %get3A_3027 : vector<16xf32>
      %mul3A_3119 = arith.mulf %get3A_3032, %get3A_3032 : vector<16xf32>
      %mul3A_3120 = arith.mulf %get3A_3037, %get3A_3037 : vector<16xf32>
      %mul3A_3121 = arith.mulf %get3A_3042, %get3A_3042 : vector<16xf32>
      %mul3A_3122 = arith.mulf %get3A_3047, %get3A_3047 : vector<16xf32>
      %mul3A_3123 = arith.mulf %get3A_3052, %get3A_3052 : vector<16xf32>
      %mul3A_3124 = arith.mulf %get3A_3057, %get3A_3057 : vector<16xf32>
      %mul3A_3125 = arith.mulf %get3A_3062, %get3A_3062 : vector<16xf32>
      %mul3A_3126 = arith.mulf %get3A_3067, %get3A_3067 : vector<16xf32>
      %mul3A_3127 = arith.mulf %get3A_3072, %get3A_3072 : vector<16xf32>
      %mul3A_3128 = arith.mulf %get3A_3077, %get3A_3077 : vector<16xf32>
      %add3A_3129 = arith.addf %mul3A_3103, %mul3A_3104 : vector<16xf32>
      %add3A_3130 = arith.addf %mul3A_3105, %mul3A_3106 : vector<16xf32>
      %add3A_3131 = arith.addf %mul3A_3107, %mul3A_3108 : vector<16xf32>
      %add3A_3132 = arith.addf %mul3A_3109, %mul3A_3110 : vector<16xf32>
      %add3A_3133 = arith.addf %mul3A_3111, %mul3A_3112 : vector<16xf32>
      %add3A_3134 = arith.addf %mul3A_3113, %mul3A_3114 : vector<16xf32>
      %add3A_3135 = arith.addf %mul3A_3115, %mul3A_3116 : vector<16xf32>
      %add3A_3136 = arith.addf %mul3A_3117, %mul3A_3118 : vector<16xf32>
      %add3A_3137 = arith.addf %mul3A_3119, %mul3A_3120 : vector<16xf32>
      %add3A_3138 = arith.addf %mul3A_3121, %mul3A_3122 : vector<16xf32>
      %add3A_3139 = arith.addf %mul3A_3123, %mul3A_3124 : vector<16xf32>
      %add3A_3140 = arith.addf %mul3A_3125, %mul3A_3126 : vector<16xf32>
      %add3A_3141 = arith.addf %mul3A_3127, %mul3A_3128 : vector<16xf32>
      %add3A_3142 = arith.addf %add3A_3129, %add3A_3130 : vector<16xf32>
      %add3A_3143 = arith.addf %add3A_3131, %add3A_3132 : vector<16xf32>
      %add3A_3144 = arith.addf %add3A_3133, %add3A_3134 : vector<16xf32>
      %add3A_3145 = arith.addf %add3A_3135, %add3A_3136 : vector<16xf32>
      %add3A_3146 = arith.addf %add3A_3137, %add3A_3138 : vector<16xf32>
      %add3A_3147 = arith.addf %add3A_3139, %add3A_3140 : vector<16xf32>
      %add3A_3148 = arith.addf %add3A_3142, %add3A_3143 : vector<16xf32>
      %add3A_3149 = arith.addf %add3A_3144, %add3A_3145 : vector<16xf32>
      %add3A_3150 = arith.addf %add3A_3146, %add3A_3147 : vector<16xf32>
      %add3A_3151 = arith.addf %add3A_3148, %add3A_3149 : vector<16xf32>
      %add3A_3152 = arith.addf %add3A_3150, %add3A_3141 : vector<16xf32>
      %add3A_3153 = arith.addf %add3A_3151, %add3A_3152 : vector<16xf32>
      %mul3A_3154 = arith.mulf %add3A_3102, %add3A_3102 : vector<16xf32>
      %sub3A_3155 = arith.subf %mul3A_3154, %add3A_3153 : vector<16xf32>
      %add3A_3156 = arith.addf %scan3A_1892, %sub3A_3155 : vector<16xf32>
      %get3A_3157 = arith.constant 0 : i32
      %get3A_3158 = arith.index_cast %get3A_3157 : i32 to index
      %get3A_3159 = arith.index_cast %scan3A_1886 : i32 to index
      %get3A_3160 = arith.constant 96 : index
      %get3A_3161 = tpu.vector_load %arg9[%get3A_3158, %get3A_3159, %get3A_3160] {strides = array<i32>} : memref<26x16x128xf32, #tpu.memory_space<vmem>>, vector<16xf32>,
      %get3A_3162 = arith.constant 1 : i32
      %get3A_3163 = arith.index_cast %get3A_3162 : i32 to index
      %get3A_3164 = arith.index_cast %scan3A_1886 : i32 to index
      %get3A_3165 = arith.constant 96 : index
      %get3A_3166 = tpu.vector_load %arg9[%get3A_3163, %get3A_3164, %get3A_3165] {strides = array<i32>} : memref<26x16x128xf32, #tpu.memory_space<vmem>>, vector<16xf32>,
      %get3A_3167 = arith.constant 2 : i32
      %get3A_3168 = arith.index_cast %get3A_3167 : i32 to index
      %get3A_3169 = arith.index_cast %scan3A_1886 : i32 to index
      %get3A_3170 = arith.constant 96 : index
      %get3A_3171 = tpu.vector_load %arg9[%get3A_3168, %get3A_3169, %get3A_3170] {strides = array<i32>} : memref<26x16x128xf32, #tpu.memory_space<vmem>>, vector<16xf32>,
      %get3A_3172 = arith.constant 3 : i32
      %get3A_3173 = arith.index_cast %get3A_3172 : i32 to index
      %get3A_3174 = arith.index_cast %scan3A_1886 : i32 to index
      %get3A_3175 = arith.constant 96 : index
      %get3A_3176 = tpu.vector_load %arg9[%get3A_3173, %get3A_3174, %get3A_3175] {strides = array<i32>} : memref<26x16x128xf32, #tpu.memory_space<vmem>>, vector<16xf32>,
      %get3A_3177 = arith.constant 4 : i32
      %get3A_3178 = arith.index_cast %get3A_3177 : i32 to index
      %get3A_3179 = arith.index_cast %scan3A_1886 : i32 to index
      %get3A_3180 = arith.constant 96 : index
      %get3A_3181 = tpu.vector_load %arg9[%get3A_3178, %get3A_3179, %get3A_3180] {strides = array<i32>} : memref<26x16x128xf32, #tpu.memory_space<vmem>>, vector<16xf32>,
      %get3A_3182 = arith.constant 5 : i32
      %get3A_3183 = arith.index_cast %get3A_3182 : i32 to index
      %get3A_3184 = arith.index_cast %scan3A_1886 : i32 to index
      %get3A_3185 = arith.constant 96 : index
      %get3A_3186 = tpu.vector_load %arg9[%get3A_3183, %get3A_3184, %get3A_3185] {strides = array<i32>} : memref<26x16x128xf32, #tpu.memory_space<vmem>>, vector<16xf32>,
      %get3A_3187 = arith.constant 6 : i32
      %get3A_3188 = arith.index_cast %get3A_3187 : i32 to index
      %get3A_3189 = arith.index_cast %scan3A_1886 : i32 to index
      %get3A_3190 = arith.constant 96 : index
      %get3A_3191 = tpu.vector_load %arg9[%get3A_3188, %get3A_3189, %get3A_3190] {strides = array<i32>} : memref<26x16x128xf32, #tpu.memory_space<vmem>>, vector<16xf32>,
      %get3A_3192 = arith.constant 7 : i32
      %get3A_3193 = arith.index_cast %get3A_3192 : i32 to index
      %get3A_3194 = arith.index_cast %scan3A_1886 : i32 to index
      %get3A_3195 = arith.constant 96 : index
      %get3A_3196 = tpu.vector_load %arg9[%get3A_3193, %get3A_3194, %get3A_3195] {strides = array<i32>} : memref<26x16x128xf32, #tpu.memory_space<vmem>>, vector<16xf32>,
      %get3A_3197 = arith.constant 8 : i32
      %get3A_3198 = arith.index_cast %get3A_3197 : i32 to index
      %get3A_3199 = arith.index_cast %scan3A_1886 : i32 to index
      %get3A_3200 = arith.constant 96 : index
      %get3A_3201 = tpu.vector_load %arg9[%get3A_3198, %get3A_3199, %get3A_3200] {strides = array<i32>} : memref<26x16x128xf32, #tpu.memory_space<vmem>>, vector<16xf32>,
      %get3A_3202 = arith.constant 9 : i32
      %get3A_3203 = arith.index_cast %get3A_3202 : i32 to index
      %get3A_3204 = arith.index_cast %scan3A_1886 : i32 to index
      %get3A_3205 = arith.constant 96 : index
      %get3A_3206 = tpu.vector_load %arg9[%get3A_3203, %get3A_3204, %get3A_3205] {strides = array<i32>} : memref<26x16x128xf32, #tpu.memory_space<vmem>>, vector<16xf32>,
      %get3A_3207 = arith.constant 10 : i32
      %get3A_3208 = arith.index_cast %get3A_3207 : i32 to index
      %get3A_3209 = arith.index_cast %scan3A_1886 : i32 to index
      %get3A_3210 = arith.constant 96 : index
      %get3A_3211 = tpu.vector_load %arg9[%get3A_3208, %get3A_3209, %get3A_3210] {strides = array<i32>} : memref<26x16x128xf32, #tpu.memory_space<vmem>>, vector<16xf32>,
      %get3A_3212 = arith.constant 11 : i32
      %get3A_3213 = arith.index_cast %get3A_3212 : i32 to index
      %get3A_3214 = arith.index_cast %scan3A_1886 : i32 to index
      %get3A_3215 = arith.constant 96 : index
      %get3A_3216 = tpu.vector_load %arg9[%get3A_3213, %get3A_3214, %get3A_3215] {strides = array<i32>} : memref<26x16x128xf32, #tpu.memory_space<vmem>>, vector<16xf32>,
      %get3A_3217 = arith.constant 12 : i32
      %get3A_3218 = arith.index_cast %get3A_3217 : i32 to index
      %get3A_3219 = arith.index_cast %scan3A_1886 : i32 to index
      %get3A_3220 = arith.constant 96 : index
      %get3A_3221 = tpu.vector_load %arg9[%get3A_3218, %get3A_3219, %get3A_3220] {strides = array<i32>} : memref<26x16x128xf32, #tpu.memory_space<vmem>>, vector<16xf32>,
      %get3A_3222 = arith.constant 13 : i32
      %get3A_3223 = arith.index_cast %get3A_3222 : i32 to index
      %get3A_3224 = arith.index_cast %scan3A_1886 : i32 to index
      %get3A_3225 = arith.constant 96 : index
      %get3A_3226 = tpu.vector_load %arg9[%get3A_3223, %get3A_3224, %get3A_3225] {strides = array<i32>} : memref<26x16x128xf32, #tpu.memory_space<vmem>>, vector<16xf32>,
      %get3A_3227 = arith.constant 14 : i32
      %get3A_3228 = arith.index_cast %get3A_3227 : i32 to index
      %get3A_3229 = arith.index_cast %scan3A_1886 : i32 to index
      %get3A_3230 = arith.constant 96 : index
      %get3A_3231 = tpu.vector_load %arg9[%get3A_3228, %get3A_3229, %get3A_3230] {strides = array<i32>} : memref<26x16x128xf32, #tpu.memory_space<vmem>>, vector<16xf32>,
      %get3A_3232 = arith.constant 15 : i32
      %get3A_3233 = arith.index_cast %get3A_3232 : i32 to index
      %get3A_3234 = arith.index_cast %scan3A_1886 : i32 to index
      %get3A_3235 = arith.constant 96 : index
      %get3A_3236 = tpu.vector_load %arg9[%get3A_3233, %get3A_3234, %get3A_3235] {strides = array<i32>} : memref<26x16x128xf32, #tpu.memory_space<vmem>>, vector<16xf32>,
      %get3A_3237 = arith.constant 16 : i32
      %get3A_3238 = arith.index_cast %get3A_3237 : i32 to index
      %get3A_3239 = arith.index_cast %scan3A_1886 : i32 to index
      %get3A_3240 = arith.constant 96 : index
      %get3A_3241 = tpu.vector_load %arg9[%get3A_3238, %get3A_3239, %get3A_3240] {strides = array<i32>} : memref<26x16x128xf32, #tpu.memory_space<vmem>>, vector<16xf32>,
      %get3A_3242 = arith.constant 17 : i32
      %get3A_3243 = arith.index_cast %get3A_3242 : i32 to index
      %get3A_3244 = arith.index_cast %scan3A_1886 : i32 to index
      %get3A_3245 = arith.constant 96 : index
      %get3A_3246 = tpu.vector_load %arg9[%get3A_3243, %get3A_3244, %get3A_3245] {strides = array<i32>} : memref<26x16x128xf32, #tpu.memory_space<vmem>>, vector<16xf32>,
      %get3A_3247 = arith.constant 18 : i32
      %get3A_3248 = arith.index_cast %get3A_3247 : i32 to index
      %get3A_3249 = arith.index_cast %scan3A_1886 : i32 to index
      %get3A_3250 = arith.constant 96 : index
      %get3A_3251 = tpu.vector_load %arg9[%get3A_3248, %get3A_3249, %get3A_3250] {strides = array<i32>} : memref<26x16x128xf32, #tpu.memory_space<vmem>>, vector<16xf32>,
      %get3A_3252 = arith.constant 19 : i32
      %get3A_3253 = arith.index_cast %get3A_3252 : i32 to index
      %get3A_3254 = arith.index_cast %scan3A_1886 : i32 to index
      %get3A_3255 = arith.constant 96 : index
      %get3A_3256 = tpu.vector_load %arg9[%get3A_3253, %get3A_3254, %get3A_3255] {strides = array<i32>} : memref<26x16x128xf32, #tpu.memory_space<vmem>>, vector<16xf32>,
      %get3A_3257 = arith.constant 20 : i32
      %get3A_3258 = arith.index_cast %get3A_3257 : i32 to index
      %get3A_3259 = arith.index_cast %scan3A_1886 : i32 to index
      %get3A_3260 = arith.constant 96 : index
      %get3A_3261 = tpu.vector_load %arg9[%get3A_3258, %get3A_3259, %get3A_3260] {strides = array<i32>} : memref<26x16x128xf32, #tpu.memory_space<vmem>>, vector<16xf32>,
      %get3A_3262 = arith.constant 21 : i32
      %get3A_3263 = arith.index_cast %get3A_3262 : i32 to index
      %get3A_3264 = arith.index_cast %scan3A_1886 : i32 to index
      %get3A_3265 = arith.constant 96 : index
      %get3A_3266 = tpu.vector_load %arg9[%get3A_3263, %get3A_3264, %get3A_3265] {strides = array<i32>} : memref<26x16x128xf32, #tpu.memory_space<vmem>>, vector<16xf32>,
      %get3A_3267 = arith.constant 22 : i32
      %get3A_3268 = arith.index_cast %get3A_3267 : i32 to index
      %get3A_3269 = arith.index_cast %scan3A_1886 : i32 to index
      %get3A_3270 = arith.constant 96 : index
      %get3A_3271 = tpu.vector_load %arg9[%get3A_3268, %get3A_3269, %get3A_3270] {strides = array<i32>} : memref<26x16x128xf32, #tpu.memory_space<vmem>>, vector<16xf32>,
      %get3A_3272 = arith.constant 23 : i32
      %get3A_3273 = arith.index_cast %get3A_3272 : i32 to index
      %get3A_3274 = arith.index_cast %scan3A_1886 : i32 to index
      %get3A_3275 = arith.constant 96 : index
      %get3A_3276 = tpu.vector_load %arg9[%get3A_3273, %get3A_3274, %get3A_3275] {strides = array<i32>} : memref<26x16x128xf32, #tpu.memory_space<vmem>>, vector<16xf32>,
      %get3A_3277 = arith.constant 24 : i32
      %get3A_3278 = arith.index_cast %get3A_3277 : i32 to index
      %get3A_3279 = arith.index_cast %scan3A_1886 : i32 to index
      %get3A_3280 = arith.constant 96 : index
      %get3A_3281 = tpu.vector_load %arg9[%get3A_3278, %get3A_3279, %get3A_3280] {strides = array<i32>} : memref<26x16x128xf32, #tpu.memory_space<vmem>>, vector<16xf32>,
      %get3A_3282 = arith.constant 25 : i32
      %get3A_3283 = arith.index_cast %get3A_3282 : i32 to index
      %get3A_3284 = arith.index_cast %scan3A_1886 : i32 to index
      %get3A_3285 = arith.constant 96 : index
      %get3A_3286 = tpu.vector_load %arg9[%get3A_3283, %get3A_3284, %get3A_3285] {strides = array<i32>} : memref<26x16x128xf32, #tpu.memory_space<vmem>>, vector<16xf32>,
      %add3A_3287 = arith.addf %get3A_3161, %get3A_3166 : vector<16xf32>
      %add3A_3288 = arith.addf %get3A_3171, %get3A_3176 : vector<16xf32>
      %add3A_3289 = arith.addf %get3A_3181, %get3A_3186 : vector<16xf32>
      %add3A_3290 = arith.addf %get3A_3191, %get3A_3196 : vector<16xf32>
      %add3A_3291 = arith.addf %get3A_3201, %get3A_3206 : vector<16xf32>
      %add3A_3292 = arith.addf %get3A_3211, %get3A_3216 : vector<16xf32>
      %add3A_3293 = arith.addf %get3A_3221, %get3A_3226 : vector<16xf32>
      %add3A_3294 = arith.addf %get3A_3231, %get3A_3236 : vector<16xf32>
      %add3A_3295 = arith.addf %get3A_3241, %get3A_3246 : vector<16xf32>
      %add3A_3296 = arith.addf %get3A_3251, %get3A_3256 : vector<16xf32>
      %add3A_3297 = arith.addf %get3A_3261, %get3A_3266 : vector<16xf32>
      %add3A_3298 = arith.addf %get3A_3271, %get3A_3276 : vector<16xf32>
      %add3A_3299 = arith.addf %get3A_3281, %get3A_3286 : vector<16xf32>
      %add3A_3300 = arith.addf %add3A_3287, %add3A_3288 : vector<16xf32>
      %add3A_3301 = arith.addf %add3A_3289, %add3A_3290 : vector<16xf32>
      %add3A_3302 = arith.addf %add3A_3291, %add3A_3292 : vector<16xf32>
      %add3A_3303 = arith.addf %add3A_3293, %add3A_3294 : vector<16xf32>
      %add3A_3304 = arith.addf %add3A_3295, %add3A_3296 : vector<16xf32>
      %add3A_3305 = arith.addf %add3A_3297, %add3A_3298 : vector<16xf32>
      %add3A_3306 = arith.addf %add3A_3300, %add3A_3301 : vector<16xf32>
      %add3A_3307 = arith.addf %add3A_3302, %add3A_3303 : vector<16xf32>
      %add3A_3308 = arith.addf %add3A_3304, %add3A_3305 : vector<16xf32>
      %add3A_3309 = arith.addf %add3A_3306, %add3A_3307 : vector<16xf32>
      %add3A_3310 = arith.addf %add3A_3308, %add3A_3299 : vector<16xf32>
      %add3A_3311 = arith.addf %add3A_3309, %add3A_3310 : vector<16xf32>
      %mul3A_3312 = arith.mulf %get3A_3161, %get3A_3161 : vector<16xf32>
      %mul3A_3313 = arith.mulf %get3A_3166, %get3A_3166 : vector<16xf32>
      %mul3A_3314 = arith.mulf %get3A_3171, %get3A_3171 : vector<16xf32>
      %mul3A_3315 = arith.mulf %get3A_3176, %get3A_3176 : vector<16xf32>
      %mul3A_3316 = arith.mulf %get3A_3181, %get3A_3181 : vector<16xf32>
      %mul3A_3317 = arith.mulf %get3A_3186, %get3A_3186 : vector<16xf32>
      %mul3A_3318 = arith.mulf %get3A_3191, %get3A_3191 : vector<16xf32>
      %mul3A_3319 = arith.mulf %get3A_3196, %get3A_3196 : vector<16xf32>
      %mul3A_3320 = arith.mulf %get3A_3201, %get3A_3201 : vector<16xf32>
      %mul3A_3321 = arith.mulf %get3A_3206, %get3A_3206 : vector<16xf32>
      %mul3A_3322 = arith.mulf %get3A_3211, %get3A_3211 : vector<16xf32>
      %mul3A_3323 = arith.mulf %get3A_3216, %get3A_3216 : vector<16xf32>
      %mul3A_3324 = arith.mulf %get3A_3221, %get3A_3221 : vector<16xf32>
      %mul3A_3325 = arith.mulf %get3A_3226, %get3A_3226 : vector<16xf32>
      %mul3A_3326 = arith.mulf %get3A_3231, %get3A_3231 : vector<16xf32>
      %mul3A_3327 = arith.mulf %get3A_3236, %get3A_3236 : vector<16xf32>
      %mul3A_3328 = arith.mulf %get3A_3241, %get3A_3241 : vector<16xf32>
      %mul3A_3329 = arith.mulf %get3A_3246, %get3A_3246 : vector<16xf32>
      %mul3A_3330 = arith.mulf %get3A_3251, %get3A_3251 : vector<16xf32>
      %mul3A_3331 = arith.mulf %get3A_3256, %get3A_3256 : vector<16xf32>
      %mul3A_3332 = arith.mulf %get3A_3261, %get3A_3261 : vector<16xf32>
      %mul3A_3333 = arith.mulf %get3A_3266, %get3A_3266 : vector<16xf32>
      %mul3A_3334 = arith.mulf %get3A_3271, %get3A_3271 : vector<16xf32>
      %mul3A_3335 = arith.mulf %get3A_3276, %get3A_3276 : vector<16xf32>
      %mul3A_3336 = arith.mulf %get3A_3281, %get3A_3281 : vector<16xf32>
      %mul3A_3337 = arith.mulf %get3A_3286, %get3A_3286 : vector<16xf32>
      %add3A_3338 = arith.addf %mul3A_3312, %mul3A_3313 : vector<16xf32>
      %add3A_3339 = arith.addf %mul3A_3314, %mul3A_3315 : vector<16xf32>
      %add3A_3340 = arith.addf %mul3A_3316, %mul3A_3317 : vector<16xf32>
      %add3A_3341 = arith.addf %mul3A_3318, %mul3A_3319 : vector<16xf32>
      %add3A_3342 = arith.addf %mul3A_3320, %mul3A_3321 : vector<16xf32>
      %add3A_3343 = arith.addf %mul3A_3322, %mul3A_3323 : vector<16xf32>
      %add3A_3344 = arith.addf %mul3A_3324, %mul3A_3325 : vector<16xf32>
      %add3A_3345 = arith.addf %mul3A_3326, %mul3A_3327 : vector<16xf32>
      %add3A_3346 = arith.addf %mul3A_3328, %mul3A_3329 : vector<16xf32>
      %add3A_3347 = arith.addf %mul3A_3330, %mul3A_3331 : vector<16xf32>
      %add3A_3348 = arith.addf %mul3A_3332, %mul3A_3333 : vector<16xf32>
      %add3A_3349 = arith.addf %mul3A_3334, %mul3A_3335 : vector<16xf32>
      %add3A_3350 = arith.addf %mul3A_3336, %mul3A_3337 : vector<16xf32>
      %add3A_3351 = arith.addf %add3A_3338, %add3A_3339 : vector<16xf32>
      %add3A_3352 = arith.addf %add3A_3340, %add3A_3341 : vector<16xf32>
      %add3A_3353 = arith.addf %add3A_3342, %add3A_3343 : vector<16xf32>
      %add3A_3354 = arith.addf %add3A_3344, %add3A_3345 : vector<16xf32>
      %add3A_3355 = arith.addf %add3A_3346, %add3A_3347 : vector<16xf32>
      %add3A_3356 = arith.addf %add3A_3348, %add3A_3349 : vector<16xf32>
      %add3A_3357 = arith.addf %add3A_3351, %add3A_3352 : vector<16xf32>
      %add3A_3358 = arith.addf %add3A_3353, %add3A_3354 : vector<16xf32>
      %add3A_3359 = arith.addf %add3A_3355, %add3A_3356 : vector<16xf32>
      %add3A_3360 = arith.addf %add3A_3357, %add3A_3358 : vector<16xf32>
      %add3A_3361 = arith.addf %add3A_3359, %add3A_3350 : vector<16xf32>
      %add3A_3362 = arith.addf %add3A_3360, %add3A_3361 : vector<16xf32>
      %mul3A_3363 = arith.mulf %add3A_3311, %add3A_3311 : vector<16xf32>
      %sub3A_3364 = arith.subf %mul3A_3363, %add3A_3362 : vector<16xf32>
      %add3A_3365 = arith.addf %scan3A_1893, %sub3A_3364 : vector<16xf32>
      %get3A_3366 = arith.constant 0 : i32
      %get3A_3367 = arith.index_cast %get3A_3366 : i32 to index
      %get3A_3368 = arith.index_cast %scan3A_1886 : i32 to index
      %get3A_3369 = arith.constant 112 : index
      %get3A_3370 = tpu.vector_load %arg9[%get3A_3367, %get3A_3368, %get3A_3369] {strides = array<i32>} : memref<26x16x128xf32, #tpu.memory_space<vmem>>, vector<16xf32>,
      %get3A_3371 = arith.constant 1 : i32
      %get3A_3372 = arith.index_cast %get3A_3371 : i32 to index
      %get3A_3373 = arith.index_cast %scan3A_1886 : i32 to index
      %get3A_3374 = arith.constant 112 : index
      %get3A_3375 = tpu.vector_load %arg9[%get3A_3372, %get3A_3373, %get3A_3374] {strides = array<i32>} : memref<26x16x128xf32, #tpu.memory_space<vmem>>, vector<16xf32>,
      %get3A_3376 = arith.constant 2 : i32
      %get3A_3377 = arith.index_cast %get3A_3376 : i32 to index
      %get3A_3378 = arith.index_cast %scan3A_1886 : i32 to index
      %get3A_3379 = arith.constant 112 : index
      %get3A_3380 = tpu.vector_load %arg9[%get3A_3377, %get3A_3378, %get3A_3379] {strides = array<i32>} : memref<26x16x128xf32, #tpu.memory_space<vmem>>, vector<16xf32>,
      %get3A_3381 = arith.constant 3 : i32
      %get3A_3382 = arith.index_cast %get3A_3381 : i32 to index
      %get3A_3383 = arith.index_cast %scan3A_1886 : i32 to index
      %get3A_3384 = arith.constant 112 : index
      %get3A_3385 = tpu.vector_load %arg9[%get3A_3382, %get3A_3383, %get3A_3384] {strides = array<i32>} : memref<26x16x128xf32, #tpu.memory_space<vmem>>, vector<16xf32>,
      %get3A_3386 = arith.constant 4 : i32
      %get3A_3387 = arith.index_cast %get3A_3386 : i32 to index
      %get3A_3388 = arith.index_cast %scan3A_1886 : i32 to index
      %get3A_3389 = arith.constant 112 : index
      %get3A_3390 = tpu.vector_load %arg9[%get3A_3387, %get3A_3388, %get3A_3389] {strides = array<i32>} : memref<26x16x128xf32, #tpu.memory_space<vmem>>, vector<16xf32>,
      %get3A_3391 = arith.constant 5 : i32
      %get3A_3392 = arith.index_cast %get3A_3391 : i32 to index
      %get3A_3393 = arith.index_cast %scan3A_1886 : i32 to index
      %get3A_3394 = arith.constant 112 : index
      %get3A_3395 = tpu.vector_load %arg9[%get3A_3392, %get3A_3393, %get3A_3394] {strides = array<i32>} : memref<26x16x128xf32, #tpu.memory_space<vmem>>, vector<16xf32>,
      %get3A_3396 = arith.constant 6 : i32
      %get3A_3397 = arith.index_cast %get3A_3396 : i32 to index
      %get3A_3398 = arith.index_cast %scan3A_1886 : i32 to index
      %get3A_3399 = arith.constant 112 : index
      %get3A_3400 = tpu.vector_load %arg9[%get3A_3397, %get3A_3398, %get3A_3399] {strides = array<i32>} : memref<26x16x128xf32, #tpu.memory_space<vmem>>, vector<16xf32>,
      %get3A_3401 = arith.constant 7 : i32
      %get3A_3402 = arith.index_cast %get3A_3401 : i32 to index
      %get3A_3403 = arith.index_cast %scan3A_1886 : i32 to index
      %get3A_3404 = arith.constant 112 : index
      %get3A_3405 = tpu.vector_load %arg9[%get3A_3402, %get3A_3403, %get3A_3404] {strides = array<i32>} : memref<26x16x128xf32, #tpu.memory_space<vmem>>, vector<16xf32>,
      %get3A_3406 = arith.constant 8 : i32
      %get3A_3407 = arith.index_cast %get3A_3406 : i32 to index
      %get3A_3408 = arith.index_cast %scan3A_1886 : i32 to index
      %get3A_3409 = arith.constant 112 : index
      %get3A_3410 = tpu.vector_load %arg9[%get3A_3407, %get3A_3408, %get3A_3409] {strides = array<i32>} : memref<26x16x128xf32, #tpu.memory_space<vmem>>, vector<16xf32>,
      %get3A_3411 = arith.constant 9 : i32
      %get3A_3412 = arith.index_cast %get3A_3411 : i32 to index
      %get3A_3413 = arith.index_cast %scan3A_1886 : i32 to index
      %get3A_3414 = arith.constant 112 : index
      %get3A_3415 = tpu.vector_load %arg9[%get3A_3412, %get3A_3413, %get3A_3414] {strides = array<i32>} : memref<26x16x128xf32, #tpu.memory_space<vmem>>, vector<16xf32>,
      %get3A_3416 = arith.constant 10 : i32
      %get3A_3417 = arith.index_cast %get3A_3416 : i32 to index
      %get3A_3418 = arith.index_cast %scan3A_1886 : i32 to index
      %get3A_3419 = arith.constant 112 : index
      %get3A_3420 = tpu.vector_load %arg9[%get3A_3417, %get3A_3418, %get3A_3419] {strides = array<i32>} : memref<26x16x128xf32, #tpu.memory_space<vmem>>, vector<16xf32>,
      %get3A_3421 = arith.constant 11 : i32
      %get3A_3422 = arith.index_cast %get3A_3421 : i32 to index
      %get3A_3423 = arith.index_cast %scan3A_1886 : i32 to index
      %get3A_3424 = arith.constant 112 : index
      %get3A_3425 = tpu.vector_load %arg9[%get3A_3422, %get3A_3423, %get3A_3424] {strides = array<i32>} : memref<26x16x128xf32, #tpu.memory_space<vmem>>, vector<16xf32>,
      %get3A_3426 = arith.constant 12 : i32
      %get3A_3427 = arith.index_cast %get3A_3426 : i32 to index
      %get3A_3428 = arith.index_cast %scan3A_1886 : i32 to index
      %get3A_3429 = arith.constant 112 : index
      %get3A_3430 = tpu.vector_load %arg9[%get3A_3427, %get3A_3428, %get3A_3429] {strides = array<i32>} : memref<26x16x128xf32, #tpu.memory_space<vmem>>, vector<16xf32>,
      %get3A_3431 = arith.constant 13 : i32
      %get3A_3432 = arith.index_cast %get3A_3431 : i32 to index
      %get3A_3433 = arith.index_cast %scan3A_1886 : i32 to index
      %get3A_3434 = arith.constant 112 : index
      %get3A_3435 = tpu.vector_load %arg9[%get3A_3432, %get3A_3433, %get3A_3434] {strides = array<i32>} : memref<26x16x128xf32, #tpu.memory_space<vmem>>, vector<16xf32>,
      %get3A_3436 = arith.constant 14 : i32
      %get3A_3437 = arith.index_cast %get3A_3436 : i32 to index
      %get3A_3438 = arith.index_cast %scan3A_1886 : i32 to index
      %get3A_3439 = arith.constant 112 : index
      %get3A_3440 = tpu.vector_load %arg9[%get3A_3437, %get3A_3438, %get3A_3439] {strides = array<i32>} : memref<26x16x128xf32, #tpu.memory_space<vmem>>, vector<16xf32>,
      %get3A_3441 = arith.constant 15 : i32
      %get3A_3442 = arith.index_cast %get3A_3441 : i32 to index
      %get3A_3443 = arith.index_cast %scan3A_1886 : i32 to index
      %get3A_3444 = arith.constant 112 : index
      %get3A_3445 = tpu.vector_load %arg9[%get3A_3442, %get3A_3443, %get3A_3444] {strides = array<i32>} : memref<26x16x128xf32, #tpu.memory_space<vmem>>, vector<16xf32>,
      %get3A_3446 = arith.constant 16 : i32
      %get3A_3447 = arith.index_cast %get3A_3446 : i32 to index
      %get3A_3448 = arith.index_cast %scan3A_1886 : i32 to index
      %get3A_3449 = arith.constant 112 : index
      %get3A_3450 = tpu.vector_load %arg9[%get3A_3447, %get3A_3448, %get3A_3449] {strides = array<i32>} : memref<26x16x128xf32, #tpu.memory_space<vmem>>, vector<16xf32>,
      %get3A_3451 = arith.constant 17 : i32
      %get3A_3452 = arith.index_cast %get3A_3451 : i32 to index
      %get3A_3453 = arith.index_cast %scan3A_1886 : i32 to index
      %get3A_3454 = arith.constant 112 : index
      %get3A_3455 = tpu.vector_load %arg9[%get3A_3452, %get3A_3453, %get3A_3454] {strides = array<i32>} : memref<26x16x128xf32, #tpu.memory_space<vmem>>, vector<16xf32>,
      %get3A_3456 = arith.constant 18 : i32
      %get3A_3457 = arith.index_cast %get3A_3456 : i32 to index
      %get3A_3458 = arith.index_cast %scan3A_1886 : i32 to index
      %get3A_3459 = arith.constant 112 : index
      %get3A_3460 = tpu.vector_load %arg9[%get3A_3457, %get3A_3458, %get3A_3459] {strides = array<i32>} : memref<26x16x128xf32, #tpu.memory_space<vmem>>, vector<16xf32>,
      %get3A_3461 = arith.constant 19 : i32
      %get3A_3462 = arith.index_cast %get3A_3461 : i32 to index
      %get3A_3463 = arith.index_cast %scan3A_1886 : i32 to index
      %get3A_3464 = arith.constant 112 : index
      %get3A_3465 = tpu.vector_load %arg9[%get3A_3462, %get3A_3463, %get3A_3464] {strides = array<i32>} : memref<26x16x128xf32, #tpu.memory_space<vmem>>, vector<16xf32>,
      %get3A_3466 = arith.constant 20 : i32
      %get3A_3467 = arith.index_cast %get3A_3466 : i32 to index
      %get3A_3468 = arith.index_cast %scan3A_1886 : i32 to index
      %get3A_3469 = arith.constant 112 : index
      %get3A_3470 = tpu.vector_load %arg9[%get3A_3467, %get3A_3468, %get3A_3469] {strides = array<i32>} : memref<26x16x128xf32, #tpu.memory_space<vmem>>, vector<16xf32>,
      %get3A_3471 = arith.constant 21 : i32
      %get3A_3472 = arith.index_cast %get3A_3471 : i32 to index
      %get3A_3473 = arith.index_cast %scan3A_1886 : i32 to index
      %get3A_3474 = arith.constant 112 : index
      %get3A_3475 = tpu.vector_load %arg9[%get3A_3472, %get3A_3473, %get3A_3474] {strides = array<i32>} : memref<26x16x128xf32, #tpu.memory_space<vmem>>, vector<16xf32>,
      %get3A_3476 = arith.constant 22 : i32
      %get3A_3477 = arith.index_cast %get3A_3476 : i32 to index
      %get3A_3478 = arith.index_cast %scan3A_1886 : i32 to index
      %get3A_3479 = arith.constant 112 : index
      %get3A_3480 = tpu.vector_load %arg9[%get3A_3477, %get3A_3478, %get3A_3479] {strides = array<i32>} : memref<26x16x128xf32, #tpu.memory_space<vmem>>, vector<16xf32>,
      %get3A_3481 = arith.constant 23 : i32
      %get3A_3482 = arith.index_cast %get3A_3481 : i32 to index
      %get3A_3483 = arith.index_cast %scan3A_1886 : i32 to index
      %get3A_3484 = arith.constant 112 : index
      %get3A_3485 = tpu.vector_load %arg9[%get3A_3482, %get3A_3483, %get3A_3484] {strides = array<i32>} : memref<26x16x128xf32, #tpu.memory_space<vmem>>, vector<16xf32>,
      %get3A_3486 = arith.constant 24 : i32
      %get3A_3487 = arith.index_cast %get3A_3486 : i32 to index
      %get3A_3488 = arith.index_cast %scan3A_1886 : i32 to index
      %get3A_3489 = arith.constant 112 : index
      %get3A_3490 = tpu.vector_load %arg9[%get3A_3487, %get3A_3488, %get3A_3489] {strides = array<i32>} : memref<26x16x128xf32, #tpu.memory_space<vmem>>, vector<16xf32>,
      %get3A_3491 = arith.constant 25 : i32
      %get3A_3492 = arith.index_cast %get3A_3491 : i32 to index
      %get3A_3493 = arith.index_cast %scan3A_1886 : i32 to index
      %get3A_3494 = arith.constant 112 : index
      %get3A_3495 = tpu.vector_load %arg9[%get3A_3492, %get3A_3493, %get3A_3494] {strides = array<i32>} : memref<26x16x128xf32, #tpu.memory_space<vmem>>, vector<16xf32>,
      %add3A_3496 = arith.addf %get3A_3370, %get3A_3375 : vector<16xf32>
      %add3A_3497 = arith.addf %get3A_3380, %get3A_3385 : vector<16xf32>
      %add3A_3498 = arith.addf %get3A_3390, %get3A_3395 : vector<16xf32>
      %add3A_3499 = arith.addf %get3A_3400, %get3A_3405 : vector<16xf32>
      %add3A_3500 = arith.addf %get3A_3410, %get3A_3415 : vector<16xf32>
      %add3A_3501 = arith.addf %get3A_3420, %get3A_3425 : vector<16xf32>
      %add3A_3502 = arith.addf %get3A_3430, %get3A_3435 : vector<16xf32>
      %add3A_3503 = arith.addf %get3A_3440, %get3A_3445 : vector<16xf32>
      %add3A_3504 = arith.addf %get3A_3450, %get3A_3455 : vector<16xf32>
      %add3A_3505 = arith.addf %get3A_3460, %get3A_3465 : vector<16xf32>
      %add3A_3506 = arith.addf %get3A_3470, %get3A_3475 : vector<16xf32>
      %add3A_3507 = arith.addf %get3A_3480, %get3A_3485 : vector<16xf32>
      %add3A_3508 = arith.addf %get3A_3490, %get3A_3495 : vector<16xf32>
      %add3A_3509 = arith.addf %add3A_3496, %add3A_3497 : vector<16xf32>
      %add3A_3510 = arith.addf %add3A_3498, %add3A_3499 : vector<16xf32>
      %add3A_3511 = arith.addf %add3A_3500, %add3A_3501 : vector<16xf32>
      %add3A_3512 = arith.addf %add3A_3502, %add3A_3503 : vector<16xf32>
      %add3A_3513 = arith.addf %add3A_3504, %add3A_3505 : vector<16xf32>
      %add3A_3514 = arith.addf %add3A_3506, %add3A_3507 : vector<16xf32>
      %add3A_3515 = arith.addf %add3A_3509, %add3A_3510 : vector<16xf32>
      %add3A_3516 = arith.addf %add3A_3511, %add3A_3512 : vector<16xf32>
      %add3A_3517 = arith.addf %add3A_3513, %add3A_3514 : vector<16xf32>
      %add3A_3518 = arith.addf %add3A_3515, %add3A_3516 : vector<16xf32>
      %add3A_3519 = arith.addf %add3A_3517, %add3A_3508 : vector<16xf32>
      %add3A_3520 = arith.addf %add3A_3518, %add3A_3519 : vector<16xf32>
      %mul3A_3521 = arith.mulf %get3A_3370, %get3A_3370 : vector<16xf32>
      %mul3A_3522 = arith.mulf %get3A_3375, %get3A_3375 : vector<16xf32>
      %mul3A_3523 = arith.mulf %get3A_3380, %get3A_3380 : vector<16xf32>
      %mul3A_3524 = arith.mulf %get3A_3385, %get3A_3385 : vector<16xf32>
      %mul3A_3525 = arith.mulf %get3A_3390, %get3A_3390 : vector<16xf32>
      %mul3A_3526 = arith.mulf %get3A_3395, %get3A_3395 : vector<16xf32>
      %mul3A_3527 = arith.mulf %get3A_3400, %get3A_3400 : vector<16xf32>
      %mul3A_3528 = arith.mulf %get3A_3405, %get3A_3405 : vector<16xf32>
      %mul3A_3529 = arith.mulf %get3A_3410, %get3A_3410 : vector<16xf32>
      %mul3A_3530 = arith.mulf %get3A_3415, %get3A_3415 : vector<16xf32>
      %mul3A_3531 = arith.mulf %get3A_3420, %get3A_3420 : vector<16xf32>
      %mul3A_3532 = arith.mulf %get3A_3425, %get3A_3425 : vector<16xf32>
      %mul3A_3533 = arith.mulf %get3A_3430, %get3A_3430 : vector<16xf32>
      %mul3A_3534 = arith.mulf %get3A_3435, %get3A_3435 : vector<16xf32>
      %mul3A_3535 = arith.mulf %get3A_3440, %get3A_3440 : vector<16xf32>
      %mul3A_3536 = arith.mulf %get3A_3445, %get3A_3445 : vector<16xf32>
      %mul3A_3537 = arith.mulf %get3A_3450, %get3A_3450 : vector<16xf32>
      %mul3A_3538 = arith.mulf %get3A_3455, %get3A_3455 : vector<16xf32>
      %mul3A_3539 = arith.mulf %get3A_3460, %get3A_3460 : vector<16xf32>
      %mul3A_3540 = arith.mulf %get3A_3465, %get3A_3465 : vector<16xf32>
      %mul3A_3541 = arith.mulf %get3A_3470, %get3A_3470 : vector<16xf32>
      %mul3A_3542 = arith.mulf %get3A_3475, %get3A_3475 : vector<16xf32>
      %mul3A_3543 = arith.mulf %get3A_3480, %get3A_3480 : vector<16xf32>
      %mul3A_3544 = arith.mulf %get3A_3485, %get3A_3485 : vector<16xf32>
      %mul3A_3545 = arith.mulf %get3A_3490, %get3A_3490 : vector<16xf32>
      %mul3A_3546 = arith.mulf %get3A_3495, %get3A_3495 : vector<16xf32>
      %add3A_3547 = arith.addf %mul3A_3521, %mul3A_3522 : vector<16xf32>
      %add3A_3548 = arith.addf %mul3A_3523, %mul3A_3524 : vector<16xf32>
      %add3A_3549 = arith.addf %mul3A_3525, %mul3A_3526 : vector<16xf32>
      %add3A_3550 = arith.addf %mul3A_3527, %mul3A_3528 : vector<16xf32>
      %add3A_3551 = arith.addf %mul3A_3529, %mul3A_3530 : vector<16xf32>
      %add3A_3552 = arith.addf %mul3A_3531, %mul3A_3532 : vector<16xf32>
      %add3A_3553 = arith.addf %mul3A_3533, %mul3A_3534 : vector<16xf32>
      %add3A_3554 = arith.addf %mul3A_3535, %mul3A_3536 : vector<16xf32>
      %add3A_3555 = arith.addf %mul3A_3537, %mul3A_3538 : vector<16xf32>
      %add3A_3556 = arith.addf %mul3A_3539, %mul3A_3540 : vector<16xf32>
      %add3A_3557 = arith.addf %mul3A_3541, %mul3A_3542 : vector<16xf32>
      %add3A_3558 = arith.addf %mul3A_3543, %mul3A_3544 : vector<16xf32>
      %add3A_3559 = arith.addf %mul3A_3545, %mul3A_3546 : vector<16xf32>
      %add3A_3560 = arith.addf %add3A_3547, %add3A_3548 : vector<16xf32>
      %add3A_3561 = arith.addf %add3A_3549, %add3A_3550 : vector<16xf32>
      %add3A_3562 = arith.addf %add3A_3551, %add3A_3552 : vector<16xf32>
      %add3A_3563 = arith.addf %add3A_3553, %add3A_3554 : vector<16xf32>
      %add3A_3564 = arith.addf %add3A_3555, %add3A_3556 : vector<16xf32>
      %add3A_3565 = arith.addf %add3A_3557, %add3A_3558 : vector<16xf32>
      %add3A_3566 = arith.addf %add3A_3560, %add3A_3561 : vector<16xf32>
      %add3A_3567 = arith.addf %add3A_3562, %add3A_3563 : vector<16xf32>
      %add3A_3568 = arith.addf %add3A_3564, %add3A_3565 : vector<16xf32>
      %add3A_3569 = arith.addf %add3A_3566, %add3A_3567 : vector<16xf32>
      %add3A_3570 = arith.addf %add3A_3568, %add3A_3559 : vector<16xf32>
      %add3A_3571 = arith.addf %add3A_3569, %add3A_3570 : vector<16xf32>
      %mul3A_3572 = arith.mulf %add3A_3520, %add3A_3520 : vector<16xf32>
      %sub3A_3573 = arith.subf %mul3A_3572, %add3A_3571 : vector<16xf32>
      %add3A_3574 = arith.addf %scan3A_1894, %sub3A_3573 : vector<16xf32>
      scf.yield %add3A_2111, %add3A_2320, %add3A_2529, %add3A_2738, %add3A_2947, %add3A_3156, %add3A_3365, %add3A_3574 : vector<16xf32>, vector<16xf32>, vector<16xf32>, vector<16xf32>, vector<16xf32>, vector<16xf32>, vector<16xf32>, vector<16xf32>
    }
    %scan3A_433 = arith.constant 16 : i32
    %mul3A_434 = arith.constant 5.000000e-01 : f32
    %mul3A_435 = vector.broadcast %mul3A_434 : f32 to vector<16xf32>
    %mul3A_436 = arith.mulf %mul3A_435, %scan3A_432#0 : vector<16xf32>
    %swap3A = arith.constant 0 : index
    %swap3A_437 = tpu.vector_load %arg11[%swap3A] {strides = array<i32>} : memref<128xf32, #tpu.memory_space<vmem>>, vector<16xf32>,
    tpu.vector_store %arg11[%swap3A], %mul3A_436 {strides = array<i32>} : memref<128xf32, #tpu.memory_space<vmem>>, vector<16xf32>,
    %mul3A_438 = arith.constant 5.000000e-01 : f32
    %mul3A_439 = vector.broadcast %mul3A_438 : f32 to vector<16xf32>
    %mul3A_440 = arith.mulf %mul3A_439, %scan3A_432#1 : vector<16xf32>
    %swap3A_441 = arith.constant 16 : index
    %swap3A_442 = tpu.vector_load %arg11[%swap3A_441] {strides = array<i32>} : memref<128xf32, #tpu.memory_space<vmem>>, vector<16xf32>,
    tpu.vector_store %arg11[%swap3A_441], %mul3A_440 {strides = array<i32>} : memref<128xf32, #tpu.memory_space<vmem>>, vector<16xf32>,
    %mul3A_443 = arith.constant 5.000000e-01 : f32
    %mul3A_444 = vector.broadcast %mul3A_443 : f32 to vector<16xf32>
    %mul3A_445 = arith.mulf %mul3A_444, %scan3A_432#2 : vector<16xf32>
    %swap3A_446 = arith.constant 32 : index
    %swap3A_447 = tpu.vector_load %arg11[%swap3A_446] {strides = array<i32>} : memref<128xf32, #tpu.memory_space<vmem>>, vector<16xf32>,
    tpu.vector_store %arg11[%swap3A_446], %mul3A_445 {strides = array<i32>} : memref<128xf32, #tpu.memory_space<vmem>>, vector<16xf32>,
    %mul3A_448 = arith.constant 5.000000e-01 : f32
    %mul3A_449 = vector.broadcast %mul3A_448 : f32 to vector<16xf32>
    %mul3A_450 = arith.mulf %mul3A_449, %scan3A_432#3 : vector<16xf32>
    %swap3A_451 = arith.constant 48 : index
    %swap3A_452 = tpu.vector_load %arg11[%swap3A_451] {strides = array<i32>} : memref<128xf32, #tpu.memory_space<vmem>>, vector<16xf32>,
    tpu.vector_store %arg11[%swap3A_451], %mul3A_450 {strides = array<i32>} : memref<128xf32, #tpu.memory_space<vmem>>, vector<16xf32>,
    %mul3A_453 = arith.constant 5.000000e-01 : f32
    %mul3A_454 = vector.broadcast %mul3A_453 : f32 to vector<16xf32>
    %mul3A_455 = arith.mulf %mul3A_454, %scan3A_432#4 : vector<16xf32>
    %swap3A_456 = arith.constant 64 : index
    %swap3A_457 = tpu.vector_load %arg11[%swap3A_456] {strides = array<i32>} : memref<128xf32, #tpu.memory_space<vmem>>, vector<16xf32>,
    tpu.vector_store %arg11[%swap3A_456], %mul3A_455 {strides = array<i32>} : memref<128xf32, #tpu.memory_space<vmem>>, vector<16xf32>,
    %mul3A_458 = arith.constant 5.000000e-01 : f32
    %mul3A_459 = vector.broadcast %mul3A_458 : f32 to vector<16xf32>
    %mul3A_460 = arith.mulf %mul3A_459, %scan3A_432#5 : vector<16xf32>
    %swap3A_461 = arith.constant 80 : index
    %swap3A_462 = tpu.vector_load %arg11[%swap3A_461] {strides = array<i32>} : memref<128xf32, #tpu.memory_space<vmem>>, vector<16xf32>,
    tpu.vector_store %arg11[%swap3A_461], %mul3A_460 {strides = array<i32>} : memref<128xf32, #tpu.memory_space<vmem>>, vector<16xf32>,
    %mul3A_463 = arith.constant 5.000000e-01 : f32
    %mul3A_464 = vector.broadcast %mul3A_463 : f32 to vector<16xf32>
    %mul3A_465 = arith.mulf %mul3A_464, %scan3A_432#6 : vector<16xf32>
    %swap3A_466 = arith.constant 96 : index
    %swap3A_467 = tpu.vector_load %arg11[%swap3A_466] {strides = array<i32>} : memref<128xf32, #tpu.memory_space<vmem>>, vector<16xf32>,
    tpu.vector_store %arg11[%swap3A_466], %mul3A_465 {strides = array<i32>} : memref<128xf32, #tpu.memory_space<vmem>>, vector<16xf32>,
    %mul3A_468 = arith.constant 5.000000e-01 : f32
    %mul3A_469 = vector.broadcast %mul3A_468 : f32 to vector<16xf32>
    %mul3A_470 = arith.mulf %mul3A_469, %scan3A_432#7 : vector<16xf32>
    %swap3A_471 = arith.constant 112 : index
    %swap3A_472 = tpu.vector_load %arg11[%swap3A_471] {strides = array<i32>} : memref<128xf32, #tpu.memory_space<vmem>>, vector<16xf32>,
    tpu.vector_store %arg11[%swap3A_471], %mul3A_470 {strides = array<i32>} : memref<128xf32, #tpu.memory_space<vmem>>, vector<16xf32>,
    %mul3A_473 = arith.constant 2048 : i32
    %mul3A_474 = arith.muli %select_n3A, %mul3A_473 : i32
    %add3A_475 = arith.addi %mul3A_474, %mul3A_34 : i32
    "tpu.region"() ({
      %run_scoped3A = tpu.sem_alloc : memref<!tpu.dma_semaphore, #tpu.memory_space<semaphore_mem>>
      %dma_start3A_1886 = tpu.memref_slice %arg6[%add3A_475] : memref<4096xf32, #tpu.memory_space<hbm>> -> memref<128xf32, #tpu.memory_space<hbm>>
      %dma_start3A_1887 = tpu.memref_slice %arg6[%add3A_475] : memref<4096xf32, #tpu.memory_space<hbm>> -> memref<128xf32, #tpu.memory_space<hbm>>
      tpu.enqueue_dma source(%arg11 : memref<128xf32, #tpu.memory_space<vmem>>) target(%dma_start3A_1887 : memref<128xf32, #tpu.memory_space<hbm>>) target_semaphore(%run_scoped3A : memref<!tpu.dma_semaphore, #tpu.memory_space<semaphore_mem>>)
      %dma_wait3A_1888 = tpu.memref_slice %arg6[%add3A_475] : memref<4096xf32, #tpu.memory_space<hbm>> -> memref<128xf32, #tpu.memory_space<hbm>>
      %dma_wait3A_1889 = tpu.memref_slice %arg6[%add3A_475] : memref<4096xf32, #tpu.memory_space<hbm>> -> memref<128xf32, #tpu.memory_space<hbm>>
      tpu.wait_dma2 semaphore(%run_scoped3A : memref<!tpu.dma_semaphore, #tpu.memory_space<semaphore_mem>>) src(%arg11 : memref<128xf32, #tpu.memory_space<vmem>>) dst(%dma_wait3A_1889 : memref<128xf32, #tpu.memory_space<hbm>>)
      tpu.yield
    }) : () -> ()
    %dma_wait3A = arith.constant 0 : i32
    %dma_wait3A_476 = arith.constant 0 : i32
    %dma_wait3A_477 = arith.constant 0 : i32
    %dma_wait3A_478 = arith.constant 0 : i32
    %dma_wait3A_479 = tpu.memref_slice %arg8[%dma_wait3A_477, %dma_wait3A_478] : memref<26x128xf32, #tpu.memory_space<vmem>> -> memref<1x128xf32, #tpu.memory_space<vmem>>
    %dma_wait3A_480 = tpu.memref_squeeze %dma_wait3A_479 : memref<1x128xf32, #tpu.memory_space<vmem>> -> memref<128xf32, #tpu.memory_space<vmem>>
    %dma_wait3A_481 = arith.constant 0 : i32
    %dma_wait3A_482 = tpu.memref_slice %arg7[%dma_wait3A_476, %dma_wait3A_481] : memref<26x128xi32, #tpu.memory_space<vmem>> -> memref<1x128xi32, #tpu.memory_space<vmem>>
    %dma_wait3A_483 = tpu.memref_squeeze %dma_wait3A_482 : memref<1x128xi32, #tpu.memory_space<vmem>> -> memref<128xi32, #tpu.memory_space<vmem>>
    %dma_wait3A_484 = arith.constant 0 : i32
    %dma_wait3A_485 = tpu.memref_slice %arg4[%dma_wait3A, %dma_wait3A_484] : memref<1x1000000xf32, #tpu.memory_space<hbm>> -> memref<1x1000000xf32, #tpu.memory_space<hbm>>
    %dma_wait3A_486 = tpu.memref_squeeze %dma_wait3A_485 : memref<1x1000000xf32, #tpu.memory_space<hbm>> -> memref<1000000xf32, #tpu.memory_space<hbm>>
    %dma_wait3A_487 = arith.constant 0 : i32
    %dma_wait3A_488 = tpu.memref_slice %dma_wait3A_486[%dma_wait3A_487] : memref<1000000xf32, #tpu.memory_space<hbm>> -> memref<1000000xf32, #tpu.memory_space<hbm>>
    tpu.wait_indirect_dma semaphore(%arg12 : memref<!tpu.dma_semaphore, #tpu.memory_space<semaphore_mem>>) src(%dma_wait3A_488 : memref<1000000xf32, #tpu.memory_space<hbm>>) dst(%dma_wait3A_480 : memref<128xf32, #tpu.memory_space<vmem>>)
    %dma_wait3A_489 = arith.constant 0 : i32
    %dma_wait3A_490 = arith.constant 1 : i32
    %dma_wait3A_491 = arith.constant 1 : i32
    %dma_wait3A_492 = arith.constant 0 : i32
    %dma_wait3A_493 = tpu.memref_slice %arg8[%dma_wait3A_491, %dma_wait3A_492] : memref<26x128xf32, #tpu.memory_space<vmem>> -> memref<1x128xf32, #tpu.memory_space<vmem>>
    %dma_wait3A_494 = tpu.memref_squeeze %dma_wait3A_493 : memref<1x128xf32, #tpu.memory_space<vmem>> -> memref<128xf32, #tpu.memory_space<vmem>>
    %dma_wait3A_495 = arith.constant 0 : i32
    %dma_wait3A_496 = tpu.memref_slice %arg7[%dma_wait3A_490, %dma_wait3A_495] : memref<26x128xi32, #tpu.memory_space<vmem>> -> memref<1x128xi32, #tpu.memory_space<vmem>>
    %dma_wait3A_497 = tpu.memref_squeeze %dma_wait3A_496 : memref<1x128xi32, #tpu.memory_space<vmem>> -> memref<128xi32, #tpu.memory_space<vmem>>
    %dma_wait3A_498 = arith.constant 0 : i32
    %dma_wait3A_499 = tpu.memref_slice %arg4[%dma_wait3A_489, %dma_wait3A_498] : memref<1x1000000xf32, #tpu.memory_space<hbm>> -> memref<1x1000000xf32, #tpu.memory_space<hbm>>
    %dma_wait3A_500 = tpu.memref_squeeze %dma_wait3A_499 : memref<1x1000000xf32, #tpu.memory_space<hbm>> -> memref<1000000xf32, #tpu.memory_space<hbm>>
    %dma_wait3A_501 = arith.constant 0 : i32
    %dma_wait3A_502 = tpu.memref_slice %dma_wait3A_500[%dma_wait3A_501] : memref<1000000xf32, #tpu.memory_space<hbm>> -> memref<1000000xf32, #tpu.memory_space<hbm>>
    tpu.wait_indirect_dma semaphore(%arg12 : memref<!tpu.dma_semaphore, #tpu.memory_space<semaphore_mem>>) src(%dma_wait3A_502 : memref<1000000xf32, #tpu.memory_space<hbm>>) dst(%dma_wait3A_494 : memref<128xf32, #tpu.memory_space<vmem>>)
    %dma_wait3A_503 = arith.constant 0 : i32
    %dma_wait3A_504 = arith.constant 2 : i32
    %dma_wait3A_505 = arith.constant 2 : i32
    %dma_wait3A_506 = arith.constant 0 : i32
    %dma_wait3A_507 = tpu.memref_slice %arg8[%dma_wait3A_505, %dma_wait3A_506] : memref<26x128xf32, #tpu.memory_space<vmem>> -> memref<1x128xf32, #tpu.memory_space<vmem>>
    %dma_wait3A_508 = tpu.memref_squeeze %dma_wait3A_507 : memref<1x128xf32, #tpu.memory_space<vmem>> -> memref<128xf32, #tpu.memory_space<vmem>>
    %dma_wait3A_509 = arith.constant 0 : i32
    %dma_wait3A_510 = tpu.memref_slice %arg7[%dma_wait3A_504, %dma_wait3A_509] : memref<26x128xi32, #tpu.memory_space<vmem>> -> memref<1x128xi32, #tpu.memory_space<vmem>>
    %dma_wait3A_511 = tpu.memref_squeeze %dma_wait3A_510 : memref<1x128xi32, #tpu.memory_space<vmem>> -> memref<128xi32, #tpu.memory_space<vmem>>
    %dma_wait3A_512 = arith.constant 0 : i32
    %dma_wait3A_513 = tpu.memref_slice %arg4[%dma_wait3A_503, %dma_wait3A_512] : memref<1x1000000xf32, #tpu.memory_space<hbm>> -> memref<1x1000000xf32, #tpu.memory_space<hbm>>
    %dma_wait3A_514 = tpu.memref_squeeze %dma_wait3A_513 : memref<1x1000000xf32, #tpu.memory_space<hbm>> -> memref<1000000xf32, #tpu.memory_space<hbm>>
    %dma_wait3A_515 = arith.constant 0 : i32
    %dma_wait3A_516 = tpu.memref_slice %dma_wait3A_514[%dma_wait3A_515] : memref<1000000xf32, #tpu.memory_space<hbm>> -> memref<1000000xf32, #tpu.memory_space<hbm>>
    tpu.wait_indirect_dma semaphore(%arg12 : memref<!tpu.dma_semaphore, #tpu.memory_space<semaphore_mem>>) src(%dma_wait3A_516 : memref<1000000xf32, #tpu.memory_space<hbm>>) dst(%dma_wait3A_508 : memref<128xf32, #tpu.memory_space<vmem>>)
    %dma_wait3A_517 = arith.constant 0 : i32
    %dma_wait3A_518 = arith.constant 3 : i32
    %dma_wait3A_519 = arith.constant 3 : i32
    %dma_wait3A_520 = arith.constant 0 : i32
    %dma_wait3A_521 = tpu.memref_slice %arg8[%dma_wait3A_519, %dma_wait3A_520] : memref<26x128xf32, #tpu.memory_space<vmem>> -> memref<1x128xf32, #tpu.memory_space<vmem>>
    %dma_wait3A_522 = tpu.memref_squeeze %dma_wait3A_521 : memref<1x128xf32, #tpu.memory_space<vmem>> -> memref<128xf32, #tpu.memory_space<vmem>>
    %dma_wait3A_523 = arith.constant 0 : i32
    %dma_wait3A_524 = tpu.memref_slice %arg7[%dma_wait3A_518, %dma_wait3A_523] : memref<26x128xi32, #tpu.memory_space<vmem>> -> memref<1x128xi32, #tpu.memory_space<vmem>>
    %dma_wait3A_525 = tpu.memref_squeeze %dma_wait3A_524 : memref<1x128xi32, #tpu.memory_space<vmem>> -> memref<128xi32, #tpu.memory_space<vmem>>
    %dma_wait3A_526 = arith.constant 0 : i32
    %dma_wait3A_527 = tpu.memref_slice %arg4[%dma_wait3A_517, %dma_wait3A_526] : memref<1x1000000xf32, #tpu.memory_space<hbm>> -> memref<1x1000000xf32, #tpu.memory_space<hbm>>
    %dma_wait3A_528 = tpu.memref_squeeze %dma_wait3A_527 : memref<1x1000000xf32, #tpu.memory_space<hbm>> -> memref<1000000xf32, #tpu.memory_space<hbm>>
    %dma_wait3A_529 = arith.constant 0 : i32
    %dma_wait3A_530 = tpu.memref_slice %dma_wait3A_528[%dma_wait3A_529] : memref<1000000xf32, #tpu.memory_space<hbm>> -> memref<1000000xf32, #tpu.memory_space<hbm>>
    tpu.wait_indirect_dma semaphore(%arg12 : memref<!tpu.dma_semaphore, #tpu.memory_space<semaphore_mem>>) src(%dma_wait3A_530 : memref<1000000xf32, #tpu.memory_space<hbm>>) dst(%dma_wait3A_522 : memref<128xf32, #tpu.memory_space<vmem>>)
    %dma_wait3A_531 = arith.constant 0 : i32
    %dma_wait3A_532 = arith.constant 4 : i32
    %dma_wait3A_533 = arith.constant 4 : i32
    %dma_wait3A_534 = arith.constant 0 : i32
    %dma_wait3A_535 = tpu.memref_slice %arg8[%dma_wait3A_533, %dma_wait3A_534] : memref<26x128xf32, #tpu.memory_space<vmem>> -> memref<1x128xf32, #tpu.memory_space<vmem>>
    %dma_wait3A_536 = tpu.memref_squeeze %dma_wait3A_535 : memref<1x128xf32, #tpu.memory_space<vmem>> -> memref<128xf32, #tpu.memory_space<vmem>>
    %dma_wait3A_537 = arith.constant 0 : i32
    %dma_wait3A_538 = tpu.memref_slice %arg7[%dma_wait3A_532, %dma_wait3A_537] : memref<26x128xi32, #tpu.memory_space<vmem>> -> memref<1x128xi32, #tpu.memory_space<vmem>>
    %dma_wait3A_539 = tpu.memref_squeeze %dma_wait3A_538 : memref<1x128xi32, #tpu.memory_space<vmem>> -> memref<128xi32, #tpu.memory_space<vmem>>
    %dma_wait3A_540 = arith.constant 0 : i32
    %dma_wait3A_541 = tpu.memref_slice %arg4[%dma_wait3A_531, %dma_wait3A_540] : memref<1x1000000xf32, #tpu.memory_space<hbm>> -> memref<1x1000000xf32, #tpu.memory_space<hbm>>
    %dma_wait3A_542 = tpu.memref_squeeze %dma_wait3A_541 : memref<1x1000000xf32, #tpu.memory_space<hbm>> -> memref<1000000xf32, #tpu.memory_space<hbm>>
    %dma_wait3A_543 = arith.constant 0 : i32
    %dma_wait3A_544 = tpu.memref_slice %dma_wait3A_542[%dma_wait3A_543] : memref<1000000xf32, #tpu.memory_space<hbm>> -> memref<1000000xf32, #tpu.memory_space<hbm>>
    tpu.wait_indirect_dma semaphore(%arg12 : memref<!tpu.dma_semaphore, #tpu.memory_space<semaphore_mem>>) src(%dma_wait3A_544 : memref<1000000xf32, #tpu.memory_space<hbm>>) dst(%dma_wait3A_536 : memref<128xf32, #tpu.memory_space<vmem>>)
    %dma_wait3A_545 = arith.constant 0 : i32
    %dma_wait3A_546 = arith.constant 5 : i32
    %dma_wait3A_547 = arith.constant 5 : i32
    %dma_wait3A_548 = arith.constant 0 : i32
    %dma_wait3A_549 = tpu.memref_slice %arg8[%dma_wait3A_547, %dma_wait3A_548] : memref<26x128xf32, #tpu.memory_space<vmem>> -> memref<1x128xf32, #tpu.memory_space<vmem>>
    %dma_wait3A_550 = tpu.memref_squeeze %dma_wait3A_549 : memref<1x128xf32, #tpu.memory_space<vmem>> -> memref<128xf32, #tpu.memory_space<vmem>>
    %dma_wait3A_551 = arith.constant 0 : i32
    %dma_wait3A_552 = tpu.memref_slice %arg7[%dma_wait3A_546, %dma_wait3A_551] : memref<26x128xi32, #tpu.memory_space<vmem>> -> memref<1x128xi32, #tpu.memory_space<vmem>>
    %dma_wait3A_553 = tpu.memref_squeeze %dma_wait3A_552 : memref<1x128xi32, #tpu.memory_space<vmem>> -> memref<128xi32, #tpu.memory_space<vmem>>
    %dma_wait3A_554 = arith.constant 0 : i32
    %dma_wait3A_555 = tpu.memref_slice %arg4[%dma_wait3A_545, %dma_wait3A_554] : memref<1x1000000xf32, #tpu.memory_space<hbm>> -> memref<1x1000000xf32, #tpu.memory_space<hbm>>
    %dma_wait3A_556 = tpu.memref_squeeze %dma_wait3A_555 : memref<1x1000000xf32, #tpu.memory_space<hbm>> -> memref<1000000xf32, #tpu.memory_space<hbm>>
    %dma_wait3A_557 = arith.constant 0 : i32
    %dma_wait3A_558 = tpu.memref_slice %dma_wait3A_556[%dma_wait3A_557] : memref<1000000xf32, #tpu.memory_space<hbm>> -> memref<1000000xf32, #tpu.memory_space<hbm>>
    tpu.wait_indirect_dma semaphore(%arg12 : memref<!tpu.dma_semaphore, #tpu.memory_space<semaphore_mem>>) src(%dma_wait3A_558 : memref<1000000xf32, #tpu.memory_space<hbm>>) dst(%dma_wait3A_550 : memref<128xf32, #tpu.memory_space<vmem>>)
    %dma_wait3A_559 = arith.constant 0 : i32
    %dma_wait3A_560 = arith.constant 6 : i32
    %dma_wait3A_561 = arith.constant 6 : i32
    %dma_wait3A_562 = arith.constant 0 : i32
    %dma_wait3A_563 = tpu.memref_slice %arg8[%dma_wait3A_561, %dma_wait3A_562] : memref<26x128xf32, #tpu.memory_space<vmem>> -> memref<1x128xf32, #tpu.memory_space<vmem>>
    %dma_wait3A_564 = tpu.memref_squeeze %dma_wait3A_563 : memref<1x128xf32, #tpu.memory_space<vmem>> -> memref<128xf32, #tpu.memory_space<vmem>>
    %dma_wait3A_565 = arith.constant 0 : i32
    %dma_wait3A_566 = tpu.memref_slice %arg7[%dma_wait3A_560, %dma_wait3A_565] : memref<26x128xi32, #tpu.memory_space<vmem>> -> memref<1x128xi32, #tpu.memory_space<vmem>>
    %dma_wait3A_567 = tpu.memref_squeeze %dma_wait3A_566 : memref<1x128xi32, #tpu.memory_space<vmem>> -> memref<128xi32, #tpu.memory_space<vmem>>
    %dma_wait3A_568 = arith.constant 0 : i32
    %dma_wait3A_569 = tpu.memref_slice %arg4[%dma_wait3A_559, %dma_wait3A_568] : memref<1x1000000xf32, #tpu.memory_space<hbm>> -> memref<1x1000000xf32, #tpu.memory_space<hbm>>
    %dma_wait3A_570 = tpu.memref_squeeze %dma_wait3A_569 : memref<1x1000000xf32, #tpu.memory_space<hbm>> -> memref<1000000xf32, #tpu.memory_space<hbm>>
    %dma_wait3A_571 = arith.constant 0 : i32
    %dma_wait3A_572 = tpu.memref_slice %dma_wait3A_570[%dma_wait3A_571] : memref<1000000xf32, #tpu.memory_space<hbm>> -> memref<1000000xf32, #tpu.memory_space<hbm>>
    tpu.wait_indirect_dma semaphore(%arg12 : memref<!tpu.dma_semaphore, #tpu.memory_space<semaphore_mem>>) src(%dma_wait3A_572 : memref<1000000xf32, #tpu.memory_space<hbm>>) dst(%dma_wait3A_564 : memref<128xf32, #tpu.memory_space<vmem>>)
    %dma_wait3A_573 = arith.constant 0 : i32
    %dma_wait3A_574 = arith.constant 7 : i32
    %dma_wait3A_575 = arith.constant 7 : i32
    %dma_wait3A_576 = arith.constant 0 : i32
    %dma_wait3A_577 = tpu.memref_slice %arg8[%dma_wait3A_575, %dma_wait3A_576] : memref<26x128xf32, #tpu.memory_space<vmem>> -> memref<1x128xf32, #tpu.memory_space<vmem>>
    %dma_wait3A_578 = tpu.memref_squeeze %dma_wait3A_577 : memref<1x128xf32, #tpu.memory_space<vmem>> -> memref<128xf32, #tpu.memory_space<vmem>>
    %dma_wait3A_579 = arith.constant 0 : i32
    %dma_wait3A_580 = tpu.memref_slice %arg7[%dma_wait3A_574, %dma_wait3A_579] : memref<26x128xi32, #tpu.memory_space<vmem>> -> memref<1x128xi32, #tpu.memory_space<vmem>>
    %dma_wait3A_581 = tpu.memref_squeeze %dma_wait3A_580 : memref<1x128xi32, #tpu.memory_space<vmem>> -> memref<128xi32, #tpu.memory_space<vmem>>
    %dma_wait3A_582 = arith.constant 0 : i32
    %dma_wait3A_583 = tpu.memref_slice %arg4[%dma_wait3A_573, %dma_wait3A_582] : memref<1x1000000xf32, #tpu.memory_space<hbm>> -> memref<1x1000000xf32, #tpu.memory_space<hbm>>
    %dma_wait3A_584 = tpu.memref_squeeze %dma_wait3A_583 : memref<1x1000000xf32, #tpu.memory_space<hbm>> -> memref<1000000xf32, #tpu.memory_space<hbm>>
    %dma_wait3A_585 = arith.constant 0 : i32
    %dma_wait3A_586 = tpu.memref_slice %dma_wait3A_584[%dma_wait3A_585] : memref<1000000xf32, #tpu.memory_space<hbm>> -> memref<1000000xf32, #tpu.memory_space<hbm>>
    tpu.wait_indirect_dma semaphore(%arg12 : memref<!tpu.dma_semaphore, #tpu.memory_space<semaphore_mem>>) src(%dma_wait3A_586 : memref<1000000xf32, #tpu.memory_space<hbm>>) dst(%dma_wait3A_578 : memref<128xf32, #tpu.memory_space<vmem>>)
    %dma_wait3A_587 = arith.constant 0 : i32
    %dma_wait3A_588 = arith.constant 8 : i32
    %dma_wait3A_589 = arith.constant 8 : i32
    %dma_wait3A_590 = arith.constant 0 : i32
    %dma_wait3A_591 = tpu.memref_slice %arg8[%dma_wait3A_589, %dma_wait3A_590] : memref<26x128xf32, #tpu.memory_space<vmem>> -> memref<1x128xf32, #tpu.memory_space<vmem>>
    %dma_wait3A_592 = tpu.memref_squeeze %dma_wait3A_591 : memref<1x128xf32, #tpu.memory_space<vmem>> -> memref<128xf32, #tpu.memory_space<vmem>>
    %dma_wait3A_593 = arith.constant 0 : i32
    %dma_wait3A_594 = tpu.memref_slice %arg7[%dma_wait3A_588, %dma_wait3A_593] : memref<26x128xi32, #tpu.memory_space<vmem>> -> memref<1x128xi32, #tpu.memory_space<vmem>>
    %dma_wait3A_595 = tpu.memref_squeeze %dma_wait3A_594 : memref<1x128xi32, #tpu.memory_space<vmem>> -> memref<128xi32, #tpu.memory_space<vmem>>
    %dma_wait3A_596 = arith.constant 0 : i32
    %dma_wait3A_597 = tpu.memref_slice %arg4[%dma_wait3A_587, %dma_wait3A_596] : memref<1x1000000xf32, #tpu.memory_space<hbm>> -> memref<1x1000000xf32, #tpu.memory_space<hbm>>
    %dma_wait3A_598 = tpu.memref_squeeze %dma_wait3A_597 : memref<1x1000000xf32, #tpu.memory_space<hbm>> -> memref<1000000xf32, #tpu.memory_space<hbm>>
    %dma_wait3A_599 = arith.constant 0 : i32
    %dma_wait3A_600 = tpu.memref_slice %dma_wait3A_598[%dma_wait3A_599] : memref<1000000xf32, #tpu.memory_space<hbm>> -> memref<1000000xf32, #tpu.memory_space<hbm>>
    tpu.wait_indirect_dma semaphore(%arg12 : memref<!tpu.dma_semaphore, #tpu.memory_space<semaphore_mem>>) src(%dma_wait3A_600 : memref<1000000xf32, #tpu.memory_space<hbm>>) dst(%dma_wait3A_592 : memref<128xf32, #tpu.memory_space<vmem>>)
    %dma_wait3A_601 = arith.constant 0 : i32
    %dma_wait3A_602 = arith.constant 9 : i32
    %dma_wait3A_603 = arith.constant 9 : i32
    %dma_wait3A_604 = arith.constant 0 : i32
    %dma_wait3A_605 = tpu.memref_slice %arg8[%dma_wait3A_603, %dma_wait3A_604] : memref<26x128xf32, #tpu.memory_space<vmem>> -> memref<1x128xf32, #tpu.memory_space<vmem>>
    %dma_wait3A_606 = tpu.memref_squeeze %dma_wait3A_605 : memref<1x128xf32, #tpu.memory_space<vmem>> -> memref<128xf32, #tpu.memory_space<vmem>>
    %dma_wait3A_607 = arith.constant 0 : i32
    %dma_wait3A_608 = tpu.memref_slice %arg7[%dma_wait3A_602, %dma_wait3A_607] : memref<26x128xi32, #tpu.memory_space<vmem>> -> memref<1x128xi32, #tpu.memory_space<vmem>>
    %dma_wait3A_609 = tpu.memref_squeeze %dma_wait3A_608 : memref<1x128xi32, #tpu.memory_space<vmem>> -> memref<128xi32, #tpu.memory_space<vmem>>
    %dma_wait3A_610 = arith.constant 0 : i32
    %dma_wait3A_611 = tpu.memref_slice %arg4[%dma_wait3A_601, %dma_wait3A_610] : memref<1x1000000xf32, #tpu.memory_space<hbm>> -> memref<1x1000000xf32, #tpu.memory_space<hbm>>
    %dma_wait3A_612 = tpu.memref_squeeze %dma_wait3A_611 : memref<1x1000000xf32, #tpu.memory_space<hbm>> -> memref<1000000xf32, #tpu.memory_space<hbm>>
    %dma_wait3A_613 = arith.constant 0 : i32
    %dma_wait3A_614 = tpu.memref_slice %dma_wait3A_612[%dma_wait3A_613] : memref<1000000xf32, #tpu.memory_space<hbm>> -> memref<1000000xf32, #tpu.memory_space<hbm>>
    tpu.wait_indirect_dma semaphore(%arg12 : memref<!tpu.dma_semaphore, #tpu.memory_space<semaphore_mem>>) src(%dma_wait3A_614 : memref<1000000xf32, #tpu.memory_space<hbm>>) dst(%dma_wait3A_606 : memref<128xf32, #tpu.memory_space<vmem>>)
    %dma_wait3A_615 = arith.constant 0 : i32
    %dma_wait3A_616 = arith.constant 10 : i32
    %dma_wait3A_617 = arith.constant 10 : i32
    %dma_wait3A_618 = arith.constant 0 : i32
    %dma_wait3A_619 = tpu.memref_slice %arg8[%dma_wait3A_617, %dma_wait3A_618] : memref<26x128xf32, #tpu.memory_space<vmem>> -> memref<1x128xf32, #tpu.memory_space<vmem>>
    %dma_wait3A_620 = tpu.memref_squeeze %dma_wait3A_619 : memref<1x128xf32, #tpu.memory_space<vmem>> -> memref<128xf32, #tpu.memory_space<vmem>>
    %dma_wait3A_621 = arith.constant 0 : i32
    %dma_wait3A_622 = tpu.memref_slice %arg7[%dma_wait3A_616, %dma_wait3A_621] : memref<26x128xi32, #tpu.memory_space<vmem>> -> memref<1x128xi32, #tpu.memory_space<vmem>>
    %dma_wait3A_623 = tpu.memref_squeeze %dma_wait3A_622 : memref<1x128xi32, #tpu.memory_space<vmem>> -> memref<128xi32, #tpu.memory_space<vmem>>
    %dma_wait3A_624 = arith.constant 0 : i32
    %dma_wait3A_625 = tpu.memref_slice %arg4[%dma_wait3A_615, %dma_wait3A_624] : memref<1x1000000xf32, #tpu.memory_space<hbm>> -> memref<1x1000000xf32, #tpu.memory_space<hbm>>
    %dma_wait3A_626 = tpu.memref_squeeze %dma_wait3A_625 : memref<1x1000000xf32, #tpu.memory_space<hbm>> -> memref<1000000xf32, #tpu.memory_space<hbm>>
    %dma_wait3A_627 = arith.constant 0 : i32
    %dma_wait3A_628 = tpu.memref_slice %dma_wait3A_626[%dma_wait3A_627] : memref<1000000xf32, #tpu.memory_space<hbm>> -> memref<1000000xf32, #tpu.memory_space<hbm>>
    tpu.wait_indirect_dma semaphore(%arg12 : memref<!tpu.dma_semaphore, #tpu.memory_space<semaphore_mem>>) src(%dma_wait3A_628 : memref<1000000xf32, #tpu.memory_space<hbm>>) dst(%dma_wait3A_620 : memref<128xf32, #tpu.memory_space<vmem>>)
    %dma_wait3A_629 = arith.constant 0 : i32
    %dma_wait3A_630 = arith.constant 11 : i32
    %dma_wait3A_631 = arith.constant 11 : i32
    %dma_wait3A_632 = arith.constant 0 : i32
    %dma_wait3A_633 = tpu.memref_slice %arg8[%dma_wait3A_631, %dma_wait3A_632] : memref<26x128xf32, #tpu.memory_space<vmem>> -> memref<1x128xf32, #tpu.memory_space<vmem>>
    %dma_wait3A_634 = tpu.memref_squeeze %dma_wait3A_633 : memref<1x128xf32, #tpu.memory_space<vmem>> -> memref<128xf32, #tpu.memory_space<vmem>>
    %dma_wait3A_635 = arith.constant 0 : i32
    %dma_wait3A_636 = tpu.memref_slice %arg7[%dma_wait3A_630, %dma_wait3A_635] : memref<26x128xi32, #tpu.memory_space<vmem>> -> memref<1x128xi32, #tpu.memory_space<vmem>>
    %dma_wait3A_637 = tpu.memref_squeeze %dma_wait3A_636 : memref<1x128xi32, #tpu.memory_space<vmem>> -> memref<128xi32, #tpu.memory_space<vmem>>
    %dma_wait3A_638 = arith.constant 0 : i32
    %dma_wait3A_639 = tpu.memref_slice %arg4[%dma_wait3A_629, %dma_wait3A_638] : memref<1x1000000xf32, #tpu.memory_space<hbm>> -> memref<1x1000000xf32, #tpu.memory_space<hbm>>
    %dma_wait3A_640 = tpu.memref_squeeze %dma_wait3A_639 : memref<1x1000000xf32, #tpu.memory_space<hbm>> -> memref<1000000xf32, #tpu.memory_space<hbm>>
    %dma_wait3A_641 = arith.constant 0 : i32
    %dma_wait3A_642 = tpu.memref_slice %dma_wait3A_640[%dma_wait3A_641] : memref<1000000xf32, #tpu.memory_space<hbm>> -> memref<1000000xf32, #tpu.memory_space<hbm>>
    tpu.wait_indirect_dma semaphore(%arg12 : memref<!tpu.dma_semaphore, #tpu.memory_space<semaphore_mem>>) src(%dma_wait3A_642 : memref<1000000xf32, #tpu.memory_space<hbm>>) dst(%dma_wait3A_634 : memref<128xf32, #tpu.memory_space<vmem>>)
    %dma_wait3A_643 = arith.constant 0 : i32
    %dma_wait3A_644 = arith.constant 12 : i32
    %dma_wait3A_645 = arith.constant 12 : i32
    %dma_wait3A_646 = arith.constant 0 : i32
    %dma_wait3A_647 = tpu.memref_slice %arg8[%dma_wait3A_645, %dma_wait3A_646] : memref<26x128xf32, #tpu.memory_space<vmem>> -> memref<1x128xf32, #tpu.memory_space<vmem>>
    %dma_wait3A_648 = tpu.memref_squeeze %dma_wait3A_647 : memref<1x128xf32, #tpu.memory_space<vmem>> -> memref<128xf32, #tpu.memory_space<vmem>>
    %dma_wait3A_649 = arith.constant 0 : i32
    %dma_wait3A_650 = tpu.memref_slice %arg7[%dma_wait3A_644, %dma_wait3A_649] : memref<26x128xi32, #tpu.memory_space<vmem>> -> memref<1x128xi32, #tpu.memory_space<vmem>>
    %dma_wait3A_651 = tpu.memref_squeeze %dma_wait3A_650 : memref<1x128xi32, #tpu.memory_space<vmem>> -> memref<128xi32, #tpu.memory_space<vmem>>
    %dma_wait3A_652 = arith.constant 0 : i32
    %dma_wait3A_653 = tpu.memref_slice %arg4[%dma_wait3A_643, %dma_wait3A_652] : memref<1x1000000xf32, #tpu.memory_space<hbm>> -> memref<1x1000000xf32, #tpu.memory_space<hbm>>
    %dma_wait3A_654 = tpu.memref_squeeze %dma_wait3A_653 : memref<1x1000000xf32, #tpu.memory_space<hbm>> -> memref<1000000xf32, #tpu.memory_space<hbm>>
    %dma_wait3A_655 = arith.constant 0 : i32
    %dma_wait3A_656 = tpu.memref_slice %dma_wait3A_654[%dma_wait3A_655] : memref<1000000xf32, #tpu.memory_space<hbm>> -> memref<1000000xf32, #tpu.memory_space<hbm>>
    tpu.wait_indirect_dma semaphore(%arg12 : memref<!tpu.dma_semaphore, #tpu.memory_space<semaphore_mem>>) src(%dma_wait3A_656 : memref<1000000xf32, #tpu.memory_space<hbm>>) dst(%dma_wait3A_648 : memref<128xf32, #tpu.memory_space<vmem>>)
    %dma_wait3A_657 = arith.constant 0 : i32
    %dma_wait3A_658 = arith.constant 13 : i32
    %dma_wait3A_659 = arith.constant 13 : i32
    %dma_wait3A_660 = arith.constant 0 : i32
    %dma_wait3A_661 = tpu.memref_slice %arg8[%dma_wait3A_659, %dma_wait3A_660] : memref<26x128xf32, #tpu.memory_space<vmem>> -> memref<1x128xf32, #tpu.memory_space<vmem>>
    %dma_wait3A_662 = tpu.memref_squeeze %dma_wait3A_661 : memref<1x128xf32, #tpu.memory_space<vmem>> -> memref<128xf32, #tpu.memory_space<vmem>>
    %dma_wait3A_663 = arith.constant 0 : i32
    %dma_wait3A_664 = tpu.memref_slice %arg7[%dma_wait3A_658, %dma_wait3A_663] : memref<26x128xi32, #tpu.memory_space<vmem>> -> memref<1x128xi32, #tpu.memory_space<vmem>>
    %dma_wait3A_665 = tpu.memref_squeeze %dma_wait3A_664 : memref<1x128xi32, #tpu.memory_space<vmem>> -> memref<128xi32, #tpu.memory_space<vmem>>
    %dma_wait3A_666 = arith.constant 0 : i32
    %dma_wait3A_667 = tpu.memref_slice %arg4[%dma_wait3A_657, %dma_wait3A_666] : memref<1x1000000xf32, #tpu.memory_space<hbm>> -> memref<1x1000000xf32, #tpu.memory_space<hbm>>
    %dma_wait3A_668 = tpu.memref_squeeze %dma_wait3A_667 : memref<1x1000000xf32, #tpu.memory_space<hbm>> -> memref<1000000xf32, #tpu.memory_space<hbm>>
    %dma_wait3A_669 = arith.constant 0 : i32
    %dma_wait3A_670 = tpu.memref_slice %dma_wait3A_668[%dma_wait3A_669] : memref<1000000xf32, #tpu.memory_space<hbm>> -> memref<1000000xf32, #tpu.memory_space<hbm>>
    tpu.wait_indirect_dma semaphore(%arg12 : memref<!tpu.dma_semaphore, #tpu.memory_space<semaphore_mem>>) src(%dma_wait3A_670 : memref<1000000xf32, #tpu.memory_space<hbm>>) dst(%dma_wait3A_662 : memref<128xf32, #tpu.memory_space<vmem>>)
    %dma_wait3A_671 = arith.constant 0 : i32
    %dma_wait3A_672 = arith.constant 14 : i32
    %dma_wait3A_673 = arith.constant 14 : i32
    %dma_wait3A_674 = arith.constant 0 : i32
    %dma_wait3A_675 = tpu.memref_slice %arg8[%dma_wait3A_673, %dma_wait3A_674] : memref<26x128xf32, #tpu.memory_space<vmem>> -> memref<1x128xf32, #tpu.memory_space<vmem>>
    %dma_wait3A_676 = tpu.memref_squeeze %dma_wait3A_675 : memref<1x128xf32, #tpu.memory_space<vmem>> -> memref<128xf32, #tpu.memory_space<vmem>>
    %dma_wait3A_677 = arith.constant 0 : i32
    %dma_wait3A_678 = tpu.memref_slice %arg7[%dma_wait3A_672, %dma_wait3A_677] : memref<26x128xi32, #tpu.memory_space<vmem>> -> memref<1x128xi32, #tpu.memory_space<vmem>>
    %dma_wait3A_679 = tpu.memref_squeeze %dma_wait3A_678 : memref<1x128xi32, #tpu.memory_space<vmem>> -> memref<128xi32, #tpu.memory_space<vmem>>
    %dma_wait3A_680 = arith.constant 0 : i32
    %dma_wait3A_681 = tpu.memref_slice %arg4[%dma_wait3A_671, %dma_wait3A_680] : memref<1x1000000xf32, #tpu.memory_space<hbm>> -> memref<1x1000000xf32, #tpu.memory_space<hbm>>
    %dma_wait3A_682 = tpu.memref_squeeze %dma_wait3A_681 : memref<1x1000000xf32, #tpu.memory_space<hbm>> -> memref<1000000xf32, #tpu.memory_space<hbm>>
    %dma_wait3A_683 = arith.constant 0 : i32
    %dma_wait3A_684 = tpu.memref_slice %dma_wait3A_682[%dma_wait3A_683] : memref<1000000xf32, #tpu.memory_space<hbm>> -> memref<1000000xf32, #tpu.memory_space<hbm>>
    tpu.wait_indirect_dma semaphore(%arg12 : memref<!tpu.dma_semaphore, #tpu.memory_space<semaphore_mem>>) src(%dma_wait3A_684 : memref<1000000xf32, #tpu.memory_space<hbm>>) dst(%dma_wait3A_676 : memref<128xf32, #tpu.memory_space<vmem>>)
    %dma_wait3A_685 = arith.constant 0 : i32
    %dma_wait3A_686 = arith.constant 15 : i32
    %dma_wait3A_687 = arith.constant 15 : i32
    %dma_wait3A_688 = arith.constant 0 : i32
    %dma_wait3A_689 = tpu.memref_slice %arg8[%dma_wait3A_687, %dma_wait3A_688] : memref<26x128xf32, #tpu.memory_space<vmem>> -> memref<1x128xf32, #tpu.memory_space<vmem>>
    %dma_wait3A_690 = tpu.memref_squeeze %dma_wait3A_689 : memref<1x128xf32, #tpu.memory_space<vmem>> -> memref<128xf32, #tpu.memory_space<vmem>>
    %dma_wait3A_691 = arith.constant 0 : i32
    %dma_wait3A_692 = tpu.memref_slice %arg7[%dma_wait3A_686, %dma_wait3A_691] : memref<26x128xi32, #tpu.memory_space<vmem>> -> memref<1x128xi32, #tpu.memory_space<vmem>>
    %dma_wait3A_693 = tpu.memref_squeeze %dma_wait3A_692 : memref<1x128xi32, #tpu.memory_space<vmem>> -> memref<128xi32, #tpu.memory_space<vmem>>
    %dma_wait3A_694 = arith.constant 0 : i32
    %dma_wait3A_695 = tpu.memref_slice %arg4[%dma_wait3A_685, %dma_wait3A_694] : memref<1x1000000xf32, #tpu.memory_space<hbm>> -> memref<1x1000000xf32, #tpu.memory_space<hbm>>
    %dma_wait3A_696 = tpu.memref_squeeze %dma_wait3A_695 : memref<1x1000000xf32, #tpu.memory_space<hbm>> -> memref<1000000xf32, #tpu.memory_space<hbm>>
    %dma_wait3A_697 = arith.constant 0 : i32
    %dma_wait3A_698 = tpu.memref_slice %dma_wait3A_696[%dma_wait3A_697] : memref<1000000xf32, #tpu.memory_space<hbm>> -> memref<1000000xf32, #tpu.memory_space<hbm>>
    tpu.wait_indirect_dma semaphore(%arg12 : memref<!tpu.dma_semaphore, #tpu.memory_space<semaphore_mem>>) src(%dma_wait3A_698 : memref<1000000xf32, #tpu.memory_space<hbm>>) dst(%dma_wait3A_690 : memref<128xf32, #tpu.memory_space<vmem>>)
    %dma_wait3A_699 = arith.constant 0 : i32
    %dma_wait3A_700 = arith.constant 16 : i32
    %dma_wait3A_701 = arith.constant 16 : i32
    %dma_wait3A_702 = arith.constant 0 : i32
    %dma_wait3A_703 = tpu.memref_slice %arg8[%dma_wait3A_701, %dma_wait3A_702] : memref<26x128xf32, #tpu.memory_space<vmem>> -> memref<1x128xf32, #tpu.memory_space<vmem>>
    %dma_wait3A_704 = tpu.memref_squeeze %dma_wait3A_703 : memref<1x128xf32, #tpu.memory_space<vmem>> -> memref<128xf32, #tpu.memory_space<vmem>>
    %dma_wait3A_705 = arith.constant 0 : i32
    %dma_wait3A_706 = tpu.memref_slice %arg7[%dma_wait3A_700, %dma_wait3A_705] : memref<26x128xi32, #tpu.memory_space<vmem>> -> memref<1x128xi32, #tpu.memory_space<vmem>>
    %dma_wait3A_707 = tpu.memref_squeeze %dma_wait3A_706 : memref<1x128xi32, #tpu.memory_space<vmem>> -> memref<128xi32, #tpu.memory_space<vmem>>
    %dma_wait3A_708 = arith.constant 0 : i32
    %dma_wait3A_709 = tpu.memref_slice %arg4[%dma_wait3A_699, %dma_wait3A_708] : memref<1x1000000xf32, #tpu.memory_space<hbm>> -> memref<1x1000000xf32, #tpu.memory_space<hbm>>
    %dma_wait3A_710 = tpu.memref_squeeze %dma_wait3A_709 : memref<1x1000000xf32, #tpu.memory_space<hbm>> -> memref<1000000xf32, #tpu.memory_space<hbm>>
    %dma_wait3A_711 = arith.constant 0 : i32
    %dma_wait3A_712 = tpu.memref_slice %dma_wait3A_710[%dma_wait3A_711] : memref<1000000xf32, #tpu.memory_space<hbm>> -> memref<1000000xf32, #tpu.memory_space<hbm>>
    tpu.wait_indirect_dma semaphore(%arg12 : memref<!tpu.dma_semaphore, #tpu.memory_space<semaphore_mem>>) src(%dma_wait3A_712 : memref<1000000xf32, #tpu.memory_space<hbm>>) dst(%dma_wait3A_704 : memref<128xf32, #tpu.memory_space<vmem>>)
    %dma_wait3A_713 = arith.constant 0 : i32
    %dma_wait3A_714 = arith.constant 17 : i32
    %dma_wait3A_715 = arith.constant 17 : i32
    %dma_wait3A_716 = arith.constant 0 : i32
    %dma_wait3A_717 = tpu.memref_slice %arg8[%dma_wait3A_715, %dma_wait3A_716] : memref<26x128xf32, #tpu.memory_space<vmem>> -> memref<1x128xf32, #tpu.memory_space<vmem>>
    %dma_wait3A_718 = tpu.memref_squeeze %dma_wait3A_717 : memref<1x128xf32, #tpu.memory_space<vmem>> -> memref<128xf32, #tpu.memory_space<vmem>>
    %dma_wait3A_719 = arith.constant 0 : i32
    %dma_wait3A_720 = tpu.memref_slice %arg7[%dma_wait3A_714, %dma_wait3A_719] : memref<26x128xi32, #tpu.memory_space<vmem>> -> memref<1x128xi32, #tpu.memory_space<vmem>>
    %dma_wait3A_721 = tpu.memref_squeeze %dma_wait3A_720 : memref<1x128xi32, #tpu.memory_space<vmem>> -> memref<128xi32, #tpu.memory_space<vmem>>
    %dma_wait3A_722 = arith.constant 0 : i32
    %dma_wait3A_723 = tpu.memref_slice %arg4[%dma_wait3A_713, %dma_wait3A_722] : memref<1x1000000xf32, #tpu.memory_space<hbm>> -> memref<1x1000000xf32, #tpu.memory_space<hbm>>
    %dma_wait3A_724 = tpu.memref_squeeze %dma_wait3A_723 : memref<1x1000000xf32, #tpu.memory_space<hbm>> -> memref<1000000xf32, #tpu.memory_space<hbm>>
    %dma_wait3A_725 = arith.constant 0 : i32
    %dma_wait3A_726 = tpu.memref_slice %dma_wait3A_724[%dma_wait3A_725] : memref<1000000xf32, #tpu.memory_space<hbm>> -> memref<1000000xf32, #tpu.memory_space<hbm>>
    tpu.wait_indirect_dma semaphore(%arg12 : memref<!tpu.dma_semaphore, #tpu.memory_space<semaphore_mem>>) src(%dma_wait3A_726 : memref<1000000xf32, #tpu.memory_space<hbm>>) dst(%dma_wait3A_718 : memref<128xf32, #tpu.memory_space<vmem>>)
    %dma_wait3A_727 = arith.constant 0 : i32
    %dma_wait3A_728 = arith.constant 18 : i32
    %dma_wait3A_729 = arith.constant 18 : i32
    %dma_wait3A_730 = arith.constant 0 : i32
    %dma_wait3A_731 = tpu.memref_slice %arg8[%dma_wait3A_729, %dma_wait3A_730] : memref<26x128xf32, #tpu.memory_space<vmem>> -> memref<1x128xf32, #tpu.memory_space<vmem>>
    %dma_wait3A_732 = tpu.memref_squeeze %dma_wait3A_731 : memref<1x128xf32, #tpu.memory_space<vmem>> -> memref<128xf32, #tpu.memory_space<vmem>>
    %dma_wait3A_733 = arith.constant 0 : i32
    %dma_wait3A_734 = tpu.memref_slice %arg7[%dma_wait3A_728, %dma_wait3A_733] : memref<26x128xi32, #tpu.memory_space<vmem>> -> memref<1x128xi32, #tpu.memory_space<vmem>>
    %dma_wait3A_735 = tpu.memref_squeeze %dma_wait3A_734 : memref<1x128xi32, #tpu.memory_space<vmem>> -> memref<128xi32, #tpu.memory_space<vmem>>
    %dma_wait3A_736 = arith.constant 0 : i32
    %dma_wait3A_737 = tpu.memref_slice %arg4[%dma_wait3A_727, %dma_wait3A_736] : memref<1x1000000xf32, #tpu.memory_space<hbm>> -> memref<1x1000000xf32, #tpu.memory_space<hbm>>
    %dma_wait3A_738 = tpu.memref_squeeze %dma_wait3A_737 : memref<1x1000000xf32, #tpu.memory_space<hbm>> -> memref<1000000xf32, #tpu.memory_space<hbm>>
    %dma_wait3A_739 = arith.constant 0 : i32
    %dma_wait3A_740 = tpu.memref_slice %dma_wait3A_738[%dma_wait3A_739] : memref<1000000xf32, #tpu.memory_space<hbm>> -> memref<1000000xf32, #tpu.memory_space<hbm>>
    tpu.wait_indirect_dma semaphore(%arg12 : memref<!tpu.dma_semaphore, #tpu.memory_space<semaphore_mem>>) src(%dma_wait3A_740 : memref<1000000xf32, #tpu.memory_space<hbm>>) dst(%dma_wait3A_732 : memref<128xf32, #tpu.memory_space<vmem>>)
    %dma_wait3A_741 = arith.constant 0 : i32
    %dma_wait3A_742 = arith.constant 19 : i32
    %dma_wait3A_743 = arith.constant 19 : i32
    %dma_wait3A_744 = arith.constant 0 : i32
    %dma_wait3A_745 = tpu.memref_slice %arg8[%dma_wait3A_743, %dma_wait3A_744] : memref<26x128xf32, #tpu.memory_space<vmem>> -> memref<1x128xf32, #tpu.memory_space<vmem>>
    %dma_wait3A_746 = tpu.memref_squeeze %dma_wait3A_745 : memref<1x128xf32, #tpu.memory_space<vmem>> -> memref<128xf32, #tpu.memory_space<vmem>>
    %dma_wait3A_747 = arith.constant 0 : i32
    %dma_wait3A_748 = tpu.memref_slice %arg7[%dma_wait3A_742, %dma_wait3A_747] : memref<26x128xi32, #tpu.memory_space<vmem>> -> memref<1x128xi32, #tpu.memory_space<vmem>>
    %dma_wait3A_749 = tpu.memref_squeeze %dma_wait3A_748 : memref<1x128xi32, #tpu.memory_space<vmem>> -> memref<128xi32, #tpu.memory_space<vmem>>
    %dma_wait3A_750 = arith.constant 0 : i32
    %dma_wait3A_751 = tpu.memref_slice %arg4[%dma_wait3A_741, %dma_wait3A_750] : memref<1x1000000xf32, #tpu.memory_space<hbm>> -> memref<1x1000000xf32, #tpu.memory_space<hbm>>
    %dma_wait3A_752 = tpu.memref_squeeze %dma_wait3A_751 : memref<1x1000000xf32, #tpu.memory_space<hbm>> -> memref<1000000xf32, #tpu.memory_space<hbm>>
    %dma_wait3A_753 = arith.constant 0 : i32
    %dma_wait3A_754 = tpu.memref_slice %dma_wait3A_752[%dma_wait3A_753] : memref<1000000xf32, #tpu.memory_space<hbm>> -> memref<1000000xf32, #tpu.memory_space<hbm>>
    tpu.wait_indirect_dma semaphore(%arg12 : memref<!tpu.dma_semaphore, #tpu.memory_space<semaphore_mem>>) src(%dma_wait3A_754 : memref<1000000xf32, #tpu.memory_space<hbm>>) dst(%dma_wait3A_746 : memref<128xf32, #tpu.memory_space<vmem>>)
    %dma_wait3A_755 = arith.constant 0 : i32
    %dma_wait3A_756 = arith.constant 20 : i32
    %dma_wait3A_757 = arith.constant 20 : i32
    %dma_wait3A_758 = arith.constant 0 : i32
    %dma_wait3A_759 = tpu.memref_slice %arg8[%dma_wait3A_757, %dma_wait3A_758] : memref<26x128xf32, #tpu.memory_space<vmem>> -> memref<1x128xf32, #tpu.memory_space<vmem>>
    %dma_wait3A_760 = tpu.memref_squeeze %dma_wait3A_759 : memref<1x128xf32, #tpu.memory_space<vmem>> -> memref<128xf32, #tpu.memory_space<vmem>>
    %dma_wait3A_761 = arith.constant 0 : i32
    %dma_wait3A_762 = tpu.memref_slice %arg7[%dma_wait3A_756, %dma_wait3A_761] : memref<26x128xi32, #tpu.memory_space<vmem>> -> memref<1x128xi32, #tpu.memory_space<vmem>>
    %dma_wait3A_763 = tpu.memref_squeeze %dma_wait3A_762 : memref<1x128xi32, #tpu.memory_space<vmem>> -> memref<128xi32, #tpu.memory_space<vmem>>
    %dma_wait3A_764 = arith.constant 0 : i32
    %dma_wait3A_765 = tpu.memref_slice %arg4[%dma_wait3A_755, %dma_wait3A_764] : memref<1x1000000xf32, #tpu.memory_space<hbm>> -> memref<1x1000000xf32, #tpu.memory_space<hbm>>
    %dma_wait3A_766 = tpu.memref_squeeze %dma_wait3A_765 : memref<1x1000000xf32, #tpu.memory_space<hbm>> -> memref<1000000xf32, #tpu.memory_space<hbm>>
    %dma_wait3A_767 = arith.constant 0 : i32
    %dma_wait3A_768 = tpu.memref_slice %dma_wait3A_766[%dma_wait3A_767] : memref<1000000xf32, #tpu.memory_space<hbm>> -> memref<1000000xf32, #tpu.memory_space<hbm>>
    tpu.wait_indirect_dma semaphore(%arg12 : memref<!tpu.dma_semaphore, #tpu.memory_space<semaphore_mem>>) src(%dma_wait3A_768 : memref<1000000xf32, #tpu.memory_space<hbm>>) dst(%dma_wait3A_760 : memref<128xf32, #tpu.memory_space<vmem>>)
    %dma_wait3A_769 = arith.constant 0 : i32
    %dma_wait3A_770 = arith.constant 21 : i32
    %dma_wait3A_771 = arith.constant 21 : i32
    %dma_wait3A_772 = arith.constant 0 : i32
    %dma_wait3A_773 = tpu.memref_slice %arg8[%dma_wait3A_771, %dma_wait3A_772] : memref<26x128xf32, #tpu.memory_space<vmem>> -> memref<1x128xf32, #tpu.memory_space<vmem>>
    %dma_wait3A_774 = tpu.memref_squeeze %dma_wait3A_773 : memref<1x128xf32, #tpu.memory_space<vmem>> -> memref<128xf32, #tpu.memory_space<vmem>>
    %dma_wait3A_775 = arith.constant 0 : i32
    %dma_wait3A_776 = tpu.memref_slice %arg7[%dma_wait3A_770, %dma_wait3A_775] : memref<26x128xi32, #tpu.memory_space<vmem>> -> memref<1x128xi32, #tpu.memory_space<vmem>>
    %dma_wait3A_777 = tpu.memref_squeeze %dma_wait3A_776 : memref<1x128xi32, #tpu.memory_space<vmem>> -> memref<128xi32, #tpu.memory_space<vmem>>
    %dma_wait3A_778 = arith.constant 0 : i32
    %dma_wait3A_779 = tpu.memref_slice %arg4[%dma_wait3A_769, %dma_wait3A_778] : memref<1x1000000xf32, #tpu.memory_space<hbm>> -> memref<1x1000000xf32, #tpu.memory_space<hbm>>
    %dma_wait3A_780 = tpu.memref_squeeze %dma_wait3A_779 : memref<1x1000000xf32, #tpu.memory_space<hbm>> -> memref<1000000xf32, #tpu.memory_space<hbm>>
    %dma_wait3A_781 = arith.constant 0 : i32
    %dma_wait3A_782 = tpu.memref_slice %dma_wait3A_780[%dma_wait3A_781] : memref<1000000xf32, #tpu.memory_space<hbm>> -> memref<1000000xf32, #tpu.memory_space<hbm>>
    tpu.wait_indirect_dma semaphore(%arg12 : memref<!tpu.dma_semaphore, #tpu.memory_space<semaphore_mem>>) src(%dma_wait3A_782 : memref<1000000xf32, #tpu.memory_space<hbm>>) dst(%dma_wait3A_774 : memref<128xf32, #tpu.memory_space<vmem>>)
    %dma_wait3A_783 = arith.constant 0 : i32
    %dma_wait3A_784 = arith.constant 22 : i32
    %dma_wait3A_785 = arith.constant 22 : i32
    %dma_wait3A_786 = arith.constant 0 : i32
    %dma_wait3A_787 = tpu.memref_slice %arg8[%dma_wait3A_785, %dma_wait3A_786] : memref<26x128xf32, #tpu.memory_space<vmem>> -> memref<1x128xf32, #tpu.memory_space<vmem>>
    %dma_wait3A_788 = tpu.memref_squeeze %dma_wait3A_787 : memref<1x128xf32, #tpu.memory_space<vmem>> -> memref<128xf32, #tpu.memory_space<vmem>>
    %dma_wait3A_789 = arith.constant 0 : i32
    %dma_wait3A_790 = tpu.memref_slice %arg7[%dma_wait3A_784, %dma_wait3A_789] : memref<26x128xi32, #tpu.memory_space<vmem>> -> memref<1x128xi32, #tpu.memory_space<vmem>>
    %dma_wait3A_791 = tpu.memref_squeeze %dma_wait3A_790 : memref<1x128xi32, #tpu.memory_space<vmem>> -> memref<128xi32, #tpu.memory_space<vmem>>
    %dma_wait3A_792 = arith.constant 0 : i32
    %dma_wait3A_793 = tpu.memref_slice %arg4[%dma_wait3A_783, %dma_wait3A_792] : memref<1x1000000xf32, #tpu.memory_space<hbm>> -> memref<1x1000000xf32, #tpu.memory_space<hbm>>
    %dma_wait3A_794 = tpu.memref_squeeze %dma_wait3A_793 : memref<1x1000000xf32, #tpu.memory_space<hbm>> -> memref<1000000xf32, #tpu.memory_space<hbm>>
    %dma_wait3A_795 = arith.constant 0 : i32
    %dma_wait3A_796 = tpu.memref_slice %dma_wait3A_794[%dma_wait3A_795] : memref<1000000xf32, #tpu.memory_space<hbm>> -> memref<1000000xf32, #tpu.memory_space<hbm>>
    tpu.wait_indirect_dma semaphore(%arg12 : memref<!tpu.dma_semaphore, #tpu.memory_space<semaphore_mem>>) src(%dma_wait3A_796 : memref<1000000xf32, #tpu.memory_space<hbm>>) dst(%dma_wait3A_788 : memref<128xf32, #tpu.memory_space<vmem>>)
    %dma_wait3A_797 = arith.constant 0 : i32
    %dma_wait3A_798 = arith.constant 23 : i32
    %dma_wait3A_799 = arith.constant 23 : i32
    %dma_wait3A_800 = arith.constant 0 : i32
    %dma_wait3A_801 = tpu.memref_slice %arg8[%dma_wait3A_799, %dma_wait3A_800] : memref<26x128xf32, #tpu.memory_space<vmem>> -> memref<1x128xf32, #tpu.memory_space<vmem>>
    %dma_wait3A_802 = tpu.memref_squeeze %dma_wait3A_801 : memref<1x128xf32, #tpu.memory_space<vmem>> -> memref<128xf32, #tpu.memory_space<vmem>>
    %dma_wait3A_803 = arith.constant 0 : i32
    %dma_wait3A_804 = tpu.memref_slice %arg7[%dma_wait3A_798, %dma_wait3A_803] : memref<26x128xi32, #tpu.memory_space<vmem>> -> memref<1x128xi32, #tpu.memory_space<vmem>>
    %dma_wait3A_805 = tpu.memref_squeeze %dma_wait3A_804 : memref<1x128xi32, #tpu.memory_space<vmem>> -> memref<128xi32, #tpu.memory_space<vmem>>
    %dma_wait3A_806 = arith.constant 0 : i32
    %dma_wait3A_807 = tpu.memref_slice %arg4[%dma_wait3A_797, %dma_wait3A_806] : memref<1x1000000xf32, #tpu.memory_space<hbm>> -> memref<1x1000000xf32, #tpu.memory_space<hbm>>
    %dma_wait3A_808 = tpu.memref_squeeze %dma_wait3A_807 : memref<1x1000000xf32, #tpu.memory_space<hbm>> -> memref<1000000xf32, #tpu.memory_space<hbm>>
    %dma_wait3A_809 = arith.constant 0 : i32
    %dma_wait3A_810 = tpu.memref_slice %dma_wait3A_808[%dma_wait3A_809] : memref<1000000xf32, #tpu.memory_space<hbm>> -> memref<1000000xf32, #tpu.memory_space<hbm>>
    tpu.wait_indirect_dma semaphore(%arg12 : memref<!tpu.dma_semaphore, #tpu.memory_space<semaphore_mem>>) src(%dma_wait3A_810 : memref<1000000xf32, #tpu.memory_space<hbm>>) dst(%dma_wait3A_802 : memref<128xf32, #tpu.memory_space<vmem>>)
    %dma_wait3A_811 = arith.constant 0 : i32
    %dma_wait3A_812 = arith.constant 24 : i32
    %dma_wait3A_813 = arith.constant 24 : i32
    %dma_wait3A_814 = arith.constant 0 : i32
    %dma_wait3A_815 = tpu.memref_slice %arg8[%dma_wait3A_813, %dma_wait3A_814] : memref<26x128xf32, #tpu.memory_space<vmem>> -> memref<1x128xf32, #tpu.memory_space<vmem>>
    %dma_wait3A_816 = tpu.memref_squeeze %dma_wait3A_815 : memref<1x128xf32, #tpu.memory_space<vmem>> -> memref<128xf32, #tpu.memory_space<vmem>>
    %dma_wait3A_817 = arith.constant 0 : i32
    %dma_wait3A_818 = tpu.memref_slice %arg7[%dma_wait3A_812, %dma_wait3A_817] : memref<26x128xi32, #tpu.memory_space<vmem>> -> memref<1x128xi32, #tpu.memory_space<vmem>>
    %dma_wait3A_819 = tpu.memref_squeeze %dma_wait3A_818 : memref<1x128xi32, #tpu.memory_space<vmem>> -> memref<128xi32, #tpu.memory_space<vmem>>
    %dma_wait3A_820 = arith.constant 0 : i32
    %dma_wait3A_821 = tpu.memref_slice %arg4[%dma_wait3A_811, %dma_wait3A_820] : memref<1x1000000xf32, #tpu.memory_space<hbm>> -> memref<1x1000000xf32, #tpu.memory_space<hbm>>
    %dma_wait3A_822 = tpu.memref_squeeze %dma_wait3A_821 : memref<1x1000000xf32, #tpu.memory_space<hbm>> -> memref<1000000xf32, #tpu.memory_space<hbm>>
    %dma_wait3A_823 = arith.constant 0 : i32
    %dma_wait3A_824 = tpu.memref_slice %dma_wait3A_822[%dma_wait3A_823] : memref<1000000xf32, #tpu.memory_space<hbm>> -> memref<1000000xf32, #tpu.memory_space<hbm>>
    tpu.wait_indirect_dma semaphore(%arg12 : memref<!tpu.dma_semaphore, #tpu.memory_space<semaphore_mem>>) src(%dma_wait3A_824 : memref<1000000xf32, #tpu.memory_space<hbm>>) dst(%dma_wait3A_816 : memref<128xf32, #tpu.memory_space<vmem>>)
    %dma_wait3A_825 = arith.constant 0 : i32
    %dma_wait3A_826 = arith.constant 25 : i32
    %dma_wait3A_827 = arith.constant 25 : i32
    %dma_wait3A_828 = arith.constant 0 : i32
    %dma_wait3A_829 = tpu.memref_slice %arg8[%dma_wait3A_827, %dma_wait3A_828] : memref<26x128xf32, #tpu.memory_space<vmem>> -> memref<1x128xf32, #tpu.memory_space<vmem>>
    %dma_wait3A_830 = tpu.memref_squeeze %dma_wait3A_829 : memref<1x128xf32, #tpu.memory_space<vmem>> -> memref<128xf32, #tpu.memory_space<vmem>>
    %dma_wait3A_831 = arith.constant 0 : i32
    %dma_wait3A_832 = tpu.memref_slice %arg7[%dma_wait3A_826, %dma_wait3A_831] : memref<26x128xi32, #tpu.memory_space<vmem>> -> memref<1x128xi32, #tpu.memory_space<vmem>>
    %dma_wait3A_833 = tpu.memref_squeeze %dma_wait3A_832 : memref<1x128xi32, #tpu.memory_space<vmem>> -> memref<128xi32, #tpu.memory_space<vmem>>
    %dma_wait3A_834 = arith.constant 0 : i32
    %dma_wait3A_835 = tpu.memref_slice %arg4[%dma_wait3A_825, %dma_wait3A_834] : memref<1x1000000xf32, #tpu.memory_space<hbm>> -> memref<1x1000000xf32, #tpu.memory_space<hbm>>
    %dma_wait3A_836 = tpu.memref_squeeze %dma_wait3A_835 : memref<1x1000000xf32, #tpu.memory_space<hbm>> -> memref<1000000xf32, #tpu.memory_space<hbm>>
    %dma_wait3A_837 = arith.constant 0 : i32
    %dma_wait3A_838 = tpu.memref_slice %dma_wait3A_836[%dma_wait3A_837] : memref<1000000xf32, #tpu.memory_space<hbm>> -> memref<1000000xf32, #tpu.memory_space<hbm>>
    tpu.wait_indirect_dma semaphore(%arg12 : memref<!tpu.dma_semaphore, #tpu.memory_space<semaphore_mem>>) src(%dma_wait3A_838 : memref<1000000xf32, #tpu.memory_space<hbm>>) dst(%dma_wait3A_830 : memref<128xf32, #tpu.memory_space<vmem>>)
    %get3A = arith.constant 0 : i32
    %get3A_839 = arith.index_cast %get3A : i32 to index
    %get3A_840 = arith.constant 0 : index
    %get3A_841 = tpu.vector_load %arg8[%get3A_839, %get3A_840] {strides = array<i32>} : memref<26x128xf32, #tpu.memory_space<vmem>>, vector<16xf32>,
    %get3A_842 = arith.constant 1 : i32
    %get3A_843 = arith.index_cast %get3A_842 : i32 to index
    %get3A_844 = arith.constant 0 : index
    %get3A_845 = tpu.vector_load %arg8[%get3A_843, %get3A_844] {strides = array<i32>} : memref<26x128xf32, #tpu.memory_space<vmem>>, vector<16xf32>,
    %get3A_846 = arith.constant 2 : i32
    %get3A_847 = arith.index_cast %get3A_846 : i32 to index
    %get3A_848 = arith.constant 0 : index
    %get3A_849 = tpu.vector_load %arg8[%get3A_847, %get3A_848] {strides = array<i32>} : memref<26x128xf32, #tpu.memory_space<vmem>>, vector<16xf32>,
    %get3A_850 = arith.constant 3 : i32
    %get3A_851 = arith.index_cast %get3A_850 : i32 to index
    %get3A_852 = arith.constant 0 : index
    %get3A_853 = tpu.vector_load %arg8[%get3A_851, %get3A_852] {strides = array<i32>} : memref<26x128xf32, #tpu.memory_space<vmem>>, vector<16xf32>,
    %get3A_854 = arith.constant 4 : i32
    %get3A_855 = arith.index_cast %get3A_854 : i32 to index
    %get3A_856 = arith.constant 0 : index
    %get3A_857 = tpu.vector_load %arg8[%get3A_855, %get3A_856] {strides = array<i32>} : memref<26x128xf32, #tpu.memory_space<vmem>>, vector<16xf32>,
    %get3A_858 = arith.constant 5 : i32
    %get3A_859 = arith.index_cast %get3A_858 : i32 to index
    %get3A_860 = arith.constant 0 : index
    %get3A_861 = tpu.vector_load %arg8[%get3A_859, %get3A_860] {strides = array<i32>} : memref<26x128xf32, #tpu.memory_space<vmem>>, vector<16xf32>,
    %get3A_862 = arith.constant 6 : i32
    %get3A_863 = arith.index_cast %get3A_862 : i32 to index
    %get3A_864 = arith.constant 0 : index
    %get3A_865 = tpu.vector_load %arg8[%get3A_863, %get3A_864] {strides = array<i32>} : memref<26x128xf32, #tpu.memory_space<vmem>>, vector<16xf32>,
    %get3A_866 = arith.constant 7 : i32
    %get3A_867 = arith.index_cast %get3A_866 : i32 to index
    %get3A_868 = arith.constant 0 : index
    %get3A_869 = tpu.vector_load %arg8[%get3A_867, %get3A_868] {strides = array<i32>} : memref<26x128xf32, #tpu.memory_space<vmem>>, vector<16xf32>,
    %get3A_870 = arith.constant 8 : i32
    %get3A_871 = arith.index_cast %get3A_870 : i32 to index
    %get3A_872 = arith.constant 0 : index
    %get3A_873 = tpu.vector_load %arg8[%get3A_871, %get3A_872] {strides = array<i32>} : memref<26x128xf32, #tpu.memory_space<vmem>>, vector<16xf32>,
    %get3A_874 = arith.constant 9 : i32
    %get3A_875 = arith.index_cast %get3A_874 : i32 to index
    %get3A_876 = arith.constant 0 : index
    %get3A_877 = tpu.vector_load %arg8[%get3A_875, %get3A_876] {strides = array<i32>} : memref<26x128xf32, #tpu.memory_space<vmem>>, vector<16xf32>,
    %get3A_878 = arith.constant 10 : i32
    %get3A_879 = arith.index_cast %get3A_878 : i32 to index
    %get3A_880 = arith.constant 0 : index
    %get3A_881 = tpu.vector_load %arg8[%get3A_879, %get3A_880] {strides = array<i32>} : memref<26x128xf32, #tpu.memory_space<vmem>>, vector<16xf32>,
    %get3A_882 = arith.constant 11 : i32
    %get3A_883 = arith.index_cast %get3A_882 : i32 to index
    %get3A_884 = arith.constant 0 : index
    %get3A_885 = tpu.vector_load %arg8[%get3A_883, %get3A_884] {strides = array<i32>} : memref<26x128xf32, #tpu.memory_space<vmem>>, vector<16xf32>,
    %get3A_886 = arith.constant 12 : i32
    %get3A_887 = arith.index_cast %get3A_886 : i32 to index
    %get3A_888 = arith.constant 0 : index
    %get3A_889 = tpu.vector_load %arg8[%get3A_887, %get3A_888] {strides = array<i32>} : memref<26x128xf32, #tpu.memory_space<vmem>>, vector<16xf32>,
    %get3A_890 = arith.constant 13 : i32
    %get3A_891 = arith.index_cast %get3A_890 : i32 to index
    %get3A_892 = arith.constant 0 : index
    %get3A_893 = tpu.vector_load %arg8[%get3A_891, %get3A_892] {strides = array<i32>} : memref<26x128xf32, #tpu.memory_space<vmem>>, vector<16xf32>,
    %get3A_894 = arith.constant 14 : i32
    %get3A_895 = arith.index_cast %get3A_894 : i32 to index
    %get3A_896 = arith.constant 0 : index
    %get3A_897 = tpu.vector_load %arg8[%get3A_895, %get3A_896] {strides = array<i32>} : memref<26x128xf32, #tpu.memory_space<vmem>>, vector<16xf32>,
    %get3A_898 = arith.constant 15 : i32
    %get3A_899 = arith.index_cast %get3A_898 : i32 to index
    %get3A_900 = arith.constant 0 : index
    %get3A_901 = tpu.vector_load %arg8[%get3A_899, %get3A_900] {strides = array<i32>} : memref<26x128xf32, #tpu.memory_space<vmem>>, vector<16xf32>,
    %get3A_902 = arith.constant 16 : i32
    %get3A_903 = arith.index_cast %get3A_902 : i32 to index
    %get3A_904 = arith.constant 0 : index
    %get3A_905 = tpu.vector_load %arg8[%get3A_903, %get3A_904] {strides = array<i32>} : memref<26x128xf32, #tpu.memory_space<vmem>>, vector<16xf32>,
    %get3A_906 = arith.constant 17 : i32
    %get3A_907 = arith.index_cast %get3A_906 : i32 to index
    %get3A_908 = arith.constant 0 : index
    %get3A_909 = tpu.vector_load %arg8[%get3A_907, %get3A_908] {strides = array<i32>} : memref<26x128xf32, #tpu.memory_space<vmem>>, vector<16xf32>,
    %get3A_910 = arith.constant 18 : i32
    %get3A_911 = arith.index_cast %get3A_910 : i32 to index
    %get3A_912 = arith.constant 0 : index
    %get3A_913 = tpu.vector_load %arg8[%get3A_911, %get3A_912] {strides = array<i32>} : memref<26x128xf32, #tpu.memory_space<vmem>>, vector<16xf32>,
    %get3A_914 = arith.constant 19 : i32
    %get3A_915 = arith.index_cast %get3A_914 : i32 to index
    %get3A_916 = arith.constant 0 : index
    %get3A_917 = tpu.vector_load %arg8[%get3A_915, %get3A_916] {strides = array<i32>} : memref<26x128xf32, #tpu.memory_space<vmem>>, vector<16xf32>,
    %get3A_918 = arith.constant 20 : i32
    %get3A_919 = arith.index_cast %get3A_918 : i32 to index
    %get3A_920 = arith.constant 0 : index
    %get3A_921 = tpu.vector_load %arg8[%get3A_919, %get3A_920] {strides = array<i32>} : memref<26x128xf32, #tpu.memory_space<vmem>>, vector<16xf32>,
    %get3A_922 = arith.constant 21 : i32
    %get3A_923 = arith.index_cast %get3A_922 : i32 to index
    %get3A_924 = arith.constant 0 : index
    %get3A_925 = tpu.vector_load %arg8[%get3A_923, %get3A_924] {strides = array<i32>} : memref<26x128xf32, #tpu.memory_space<vmem>>, vector<16xf32>,
    %get3A_926 = arith.constant 22 : i32
    %get3A_927 = arith.index_cast %get3A_926 : i32 to index
    %get3A_928 = arith.constant 0 : index
    %get3A_929 = tpu.vector_load %arg8[%get3A_927, %get3A_928] {strides = array<i32>} : memref<26x128xf32, #tpu.memory_space<vmem>>, vector<16xf32>,
    %get3A_930 = arith.constant 23 : i32
    %get3A_931 = arith.index_cast %get3A_930 : i32 to index
    %get3A_932 = arith.constant 0 : index
    %get3A_933 = tpu.vector_load %arg8[%get3A_931, %get3A_932] {strides = array<i32>} : memref<26x128xf32, #tpu.memory_space<vmem>>, vector<16xf32>,
    %get3A_934 = arith.constant 24 : i32
    %get3A_935 = arith.index_cast %get3A_934 : i32 to index
    %get3A_936 = arith.constant 0 : index
    %get3A_937 = tpu.vector_load %arg8[%get3A_935, %get3A_936] {strides = array<i32>} : memref<26x128xf32, #tpu.memory_space<vmem>>, vector<16xf32>,
    %get3A_938 = arith.constant 25 : i32
    %get3A_939 = arith.index_cast %get3A_938 : i32 to index
    %get3A_940 = arith.constant 0 : index
    %get3A_941 = tpu.vector_load %arg8[%get3A_939, %get3A_940] {strides = array<i32>} : memref<26x128xf32, #tpu.memory_space<vmem>>, vector<16xf32>,
    %add3A_942 = arith.addf %get3A_841, %get3A_845 : vector<16xf32>
    %add3A_943 = arith.addf %get3A_849, %get3A_853 : vector<16xf32>
    %add3A_944 = arith.addf %get3A_857, %get3A_861 : vector<16xf32>
    %add3A_945 = arith.addf %get3A_865, %get3A_869 : vector<16xf32>
    %add3A_946 = arith.addf %get3A_873, %get3A_877 : vector<16xf32>
    %add3A_947 = arith.addf %get3A_881, %get3A_885 : vector<16xf32>
    %add3A_948 = arith.addf %get3A_889, %get3A_893 : vector<16xf32>
    %add3A_949 = arith.addf %get3A_897, %get3A_901 : vector<16xf32>
    %add3A_950 = arith.addf %get3A_905, %get3A_909 : vector<16xf32>
    %add3A_951 = arith.addf %get3A_913, %get3A_917 : vector<16xf32>
    %add3A_952 = arith.addf %get3A_921, %get3A_925 : vector<16xf32>
    %add3A_953 = arith.addf %get3A_929, %get3A_933 : vector<16xf32>
    %add3A_954 = arith.addf %get3A_937, %get3A_941 : vector<16xf32>
    %add3A_955 = arith.addf %add3A_942, %add3A_943 : vector<16xf32>
    %add3A_956 = arith.addf %add3A_944, %add3A_945 : vector<16xf32>
    %add3A_957 = arith.addf %add3A_946, %add3A_947 : vector<16xf32>
    %add3A_958 = arith.addf %add3A_948, %add3A_949 : vector<16xf32>
    %add3A_959 = arith.addf %add3A_950, %add3A_951 : vector<16xf32>
    %add3A_960 = arith.addf %add3A_952, %add3A_953 : vector<16xf32>
    %add3A_961 = arith.addf %add3A_955, %add3A_956 : vector<16xf32>
    %add3A_962 = arith.addf %add3A_957, %add3A_958 : vector<16xf32>
    %add3A_963 = arith.addf %add3A_959, %add3A_960 : vector<16xf32>
    %add3A_964 = arith.addf %add3A_961, %add3A_962 : vector<16xf32>
    %add3A_965 = arith.addf %add3A_963, %add3A_954 : vector<16xf32>
    %add3A_966 = arith.addf %add3A_964, %add3A_965 : vector<16xf32>
    %swap3A_967 = arith.constant 0 : index
    %swap3A_968 = tpu.vector_load %arg10[%swap3A_967] {strides = array<i32>} : memref<128xf32, #tpu.memory_space<vmem>>, vector<16xf32>,
    tpu.vector_store %arg10[%swap3A_967], %add3A_966 {strides = array<i32>} : memref<128xf32, #tpu.memory_space<vmem>>, vector<16xf32>,
    %get3A_969 = arith.constant 0 : i32
    %get3A_970 = arith.index_cast %get3A_969 : i32 to index
    %get3A_971 = arith.constant 16 : index
    %get3A_972 = tpu.vector_load %arg8[%get3A_970, %get3A_971] {strides = array<i32>} : memref<26x128xf32, #tpu.memory_space<vmem>>, vector<16xf32>,
    %get3A_973 = arith.constant 1 : i32
    %get3A_974 = arith.index_cast %get3A_973 : i32 to index
    %get3A_975 = arith.constant 16 : index
    %get3A_976 = tpu.vector_load %arg8[%get3A_974, %get3A_975] {strides = array<i32>} : memref<26x128xf32, #tpu.memory_space<vmem>>, vector<16xf32>,
    %get3A_977 = arith.constant 2 : i32
    %get3A_978 = arith.index_cast %get3A_977 : i32 to index
    %get3A_979 = arith.constant 16 : index
    %get3A_980 = tpu.vector_load %arg8[%get3A_978, %get3A_979] {strides = array<i32>} : memref<26x128xf32, #tpu.memory_space<vmem>>, vector<16xf32>,
    %get3A_981 = arith.constant 3 : i32
    %get3A_982 = arith.index_cast %get3A_981 : i32 to index
    %get3A_983 = arith.constant 16 : index
    %get3A_984 = tpu.vector_load %arg8[%get3A_982, %get3A_983] {strides = array<i32>} : memref<26x128xf32, #tpu.memory_space<vmem>>, vector<16xf32>,
    %get3A_985 = arith.constant 4 : i32
    %get3A_986 = arith.index_cast %get3A_985 : i32 to index
    %get3A_987 = arith.constant 16 : index
    %get3A_988 = tpu.vector_load %arg8[%get3A_986, %get3A_987] {strides = array<i32>} : memref<26x128xf32, #tpu.memory_space<vmem>>, vector<16xf32>,
    %get3A_989 = arith.constant 5 : i32
    %get3A_990 = arith.index_cast %get3A_989 : i32 to index
    %get3A_991 = arith.constant 16 : index
    %get3A_992 = tpu.vector_load %arg8[%get3A_990, %get3A_991] {strides = array<i32>} : memref<26x128xf32, #tpu.memory_space<vmem>>, vector<16xf32>,
    %get3A_993 = arith.constant 6 : i32
    %get3A_994 = arith.index_cast %get3A_993 : i32 to index
    %get3A_995 = arith.constant 16 : index
    %get3A_996 = tpu.vector_load %arg8[%get3A_994, %get3A_995] {strides = array<i32>} : memref<26x128xf32, #tpu.memory_space<vmem>>, vector<16xf32>,
    %get3A_997 = arith.constant 7 : i32
    %get3A_998 = arith.index_cast %get3A_997 : i32 to index
    %get3A_999 = arith.constant 16 : index
    %get3A_1000 = tpu.vector_load %arg8[%get3A_998, %get3A_999] {strides = array<i32>} : memref<26x128xf32, #tpu.memory_space<vmem>>, vector<16xf32>,
    %get3A_1001 = arith.constant 8 : i32
    %get3A_1002 = arith.index_cast %get3A_1001 : i32 to index
    %get3A_1003 = arith.constant 16 : index
    %get3A_1004 = tpu.vector_load %arg8[%get3A_1002, %get3A_1003] {strides = array<i32>} : memref<26x128xf32, #tpu.memory_space<vmem>>, vector<16xf32>,
    %get3A_1005 = arith.constant 9 : i32
    %get3A_1006 = arith.index_cast %get3A_1005 : i32 to index
    %get3A_1007 = arith.constant 16 : index
    %get3A_1008 = tpu.vector_load %arg8[%get3A_1006, %get3A_1007] {strides = array<i32>} : memref<26x128xf32, #tpu.memory_space<vmem>>, vector<16xf32>,
    %get3A_1009 = arith.constant 10 : i32
    %get3A_1010 = arith.index_cast %get3A_1009 : i32 to index
    %get3A_1011 = arith.constant 16 : index
    %get3A_1012 = tpu.vector_load %arg8[%get3A_1010, %get3A_1011] {strides = array<i32>} : memref<26x128xf32, #tpu.memory_space<vmem>>, vector<16xf32>,
    %get3A_1013 = arith.constant 11 : i32
    %get3A_1014 = arith.index_cast %get3A_1013 : i32 to index
    %get3A_1015 = arith.constant 16 : index
    %get3A_1016 = tpu.vector_load %arg8[%get3A_1014, %get3A_1015] {strides = array<i32>} : memref<26x128xf32, #tpu.memory_space<vmem>>, vector<16xf32>,
    %get3A_1017 = arith.constant 12 : i32
    %get3A_1018 = arith.index_cast %get3A_1017 : i32 to index
    %get3A_1019 = arith.constant 16 : index
    %get3A_1020 = tpu.vector_load %arg8[%get3A_1018, %get3A_1019] {strides = array<i32>} : memref<26x128xf32, #tpu.memory_space<vmem>>, vector<16xf32>,
    %get3A_1021 = arith.constant 13 : i32
    %get3A_1022 = arith.index_cast %get3A_1021 : i32 to index
    %get3A_1023 = arith.constant 16 : index
    %get3A_1024 = tpu.vector_load %arg8[%get3A_1022, %get3A_1023] {strides = array<i32>} : memref<26x128xf32, #tpu.memory_space<vmem>>, vector<16xf32>,
    %get3A_1025 = arith.constant 14 : i32
    %get3A_1026 = arith.index_cast %get3A_1025 : i32 to index
    %get3A_1027 = arith.constant 16 : index
    %get3A_1028 = tpu.vector_load %arg8[%get3A_1026, %get3A_1027] {strides = array<i32>} : memref<26x128xf32, #tpu.memory_space<vmem>>, vector<16xf32>,
    %get3A_1029 = arith.constant 15 : i32
    %get3A_1030 = arith.index_cast %get3A_1029 : i32 to index
    %get3A_1031 = arith.constant 16 : index
    %get3A_1032 = tpu.vector_load %arg8[%get3A_1030, %get3A_1031] {strides = array<i32>} : memref<26x128xf32, #tpu.memory_space<vmem>>, vector<16xf32>,
    %get3A_1033 = arith.constant 16 : i32
    %get3A_1034 = arith.index_cast %get3A_1033 : i32 to index
    %get3A_1035 = arith.constant 16 : index
    %get3A_1036 = tpu.vector_load %arg8[%get3A_1034, %get3A_1035] {strides = array<i32>} : memref<26x128xf32, #tpu.memory_space<vmem>>, vector<16xf32>,
    %get3A_1037 = arith.constant 17 : i32
    %get3A_1038 = arith.index_cast %get3A_1037 : i32 to index
    %get3A_1039 = arith.constant 16 : index
    %get3A_1040 = tpu.vector_load %arg8[%get3A_1038, %get3A_1039] {strides = array<i32>} : memref<26x128xf32, #tpu.memory_space<vmem>>, vector<16xf32>,
    %get3A_1041 = arith.constant 18 : i32
    %get3A_1042 = arith.index_cast %get3A_1041 : i32 to index
    %get3A_1043 = arith.constant 16 : index
    %get3A_1044 = tpu.vector_load %arg8[%get3A_1042, %get3A_1043] {strides = array<i32>} : memref<26x128xf32, #tpu.memory_space<vmem>>, vector<16xf32>,
    %get3A_1045 = arith.constant 19 : i32
    %get3A_1046 = arith.index_cast %get3A_1045 : i32 to index
    %get3A_1047 = arith.constant 16 : index
    %get3A_1048 = tpu.vector_load %arg8[%get3A_1046, %get3A_1047] {strides = array<i32>} : memref<26x128xf32, #tpu.memory_space<vmem>>, vector<16xf32>,
    %get3A_1049 = arith.constant 20 : i32
    %get3A_1050 = arith.index_cast %get3A_1049 : i32 to index
    %get3A_1051 = arith.constant 16 : index
    %get3A_1052 = tpu.vector_load %arg8[%get3A_1050, %get3A_1051] {strides = array<i32>} : memref<26x128xf32, #tpu.memory_space<vmem>>, vector<16xf32>,
    %get3A_1053 = arith.constant 21 : i32
    %get3A_1054 = arith.index_cast %get3A_1053 : i32 to index
    %get3A_1055 = arith.constant 16 : index
    %get3A_1056 = tpu.vector_load %arg8[%get3A_1054, %get3A_1055] {strides = array<i32>} : memref<26x128xf32, #tpu.memory_space<vmem>>, vector<16xf32>,
    %get3A_1057 = arith.constant 22 : i32
    %get3A_1058 = arith.index_cast %get3A_1057 : i32 to index
    %get3A_1059 = arith.constant 16 : index
    %get3A_1060 = tpu.vector_load %arg8[%get3A_1058, %get3A_1059] {strides = array<i32>} : memref<26x128xf32, #tpu.memory_space<vmem>>, vector<16xf32>,
    %get3A_1061 = arith.constant 23 : i32
    %get3A_1062 = arith.index_cast %get3A_1061 : i32 to index
    %get3A_1063 = arith.constant 16 : index
    %get3A_1064 = tpu.vector_load %arg8[%get3A_1062, %get3A_1063] {strides = array<i32>} : memref<26x128xf32, #tpu.memory_space<vmem>>, vector<16xf32>,
    %get3A_1065 = arith.constant 24 : i32
    %get3A_1066 = arith.index_cast %get3A_1065 : i32 to index
    %get3A_1067 = arith.constant 16 : index
    %get3A_1068 = tpu.vector_load %arg8[%get3A_1066, %get3A_1067] {strides = array<i32>} : memref<26x128xf32, #tpu.memory_space<vmem>>, vector<16xf32>,
    %get3A_1069 = arith.constant 25 : i32
    %get3A_1070 = arith.index_cast %get3A_1069 : i32 to index
    %get3A_1071 = arith.constant 16 : index
    %get3A_1072 = tpu.vector_load %arg8[%get3A_1070, %get3A_1071] {strides = array<i32>} : memref<26x128xf32, #tpu.memory_space<vmem>>, vector<16xf32>,
    %add3A_1073 = arith.addf %get3A_972, %get3A_976 : vector<16xf32>
    %add3A_1074 = arith.addf %get3A_980, %get3A_984 : vector<16xf32>
    %add3A_1075 = arith.addf %get3A_988, %get3A_992 : vector<16xf32>
    %add3A_1076 = arith.addf %get3A_996, %get3A_1000 : vector<16xf32>
    %add3A_1077 = arith.addf %get3A_1004, %get3A_1008 : vector<16xf32>
    %add3A_1078 = arith.addf %get3A_1012, %get3A_1016 : vector<16xf32>
    %add3A_1079 = arith.addf %get3A_1020, %get3A_1024 : vector<16xf32>
    %add3A_1080 = arith.addf %get3A_1028, %get3A_1032 : vector<16xf32>
    %add3A_1081 = arith.addf %get3A_1036, %get3A_1040 : vector<16xf32>
    %add3A_1082 = arith.addf %get3A_1044, %get3A_1048 : vector<16xf32>
    %add3A_1083 = arith.addf %get3A_1052, %get3A_1056 : vector<16xf32>
    %add3A_1084 = arith.addf %get3A_1060, %get3A_1064 : vector<16xf32>
    %add3A_1085 = arith.addf %get3A_1068, %get3A_1072 : vector<16xf32>
    %add3A_1086 = arith.addf %add3A_1073, %add3A_1074 : vector<16xf32>
    %add3A_1087 = arith.addf %add3A_1075, %add3A_1076 : vector<16xf32>
    %add3A_1088 = arith.addf %add3A_1077, %add3A_1078 : vector<16xf32>
    %add3A_1089 = arith.addf %add3A_1079, %add3A_1080 : vector<16xf32>
    %add3A_1090 = arith.addf %add3A_1081, %add3A_1082 : vector<16xf32>
    %add3A_1091 = arith.addf %add3A_1083, %add3A_1084 : vector<16xf32>
    %add3A_1092 = arith.addf %add3A_1086, %add3A_1087 : vector<16xf32>
    %add3A_1093 = arith.addf %add3A_1088, %add3A_1089 : vector<16xf32>
    %add3A_1094 = arith.addf %add3A_1090, %add3A_1091 : vector<16xf32>
    %add3A_1095 = arith.addf %add3A_1092, %add3A_1093 : vector<16xf32>
    %add3A_1096 = arith.addf %add3A_1094, %add3A_1085 : vector<16xf32>
    %add3A_1097 = arith.addf %add3A_1095, %add3A_1096 : vector<16xf32>
    %swap3A_1098 = arith.constant 16 : index
    %swap3A_1099 = tpu.vector_load %arg10[%swap3A_1098] {strides = array<i32>} : memref<128xf32, #tpu.memory_space<vmem>>, vector<16xf32>,
    tpu.vector_store %arg10[%swap3A_1098], %add3A_1097 {strides = array<i32>} : memref<128xf32, #tpu.memory_space<vmem>>, vector<16xf32>,
    %get3A_1100 = arith.constant 0 : i32
    %get3A_1101 = arith.index_cast %get3A_1100 : i32 to index
    %get3A_1102 = arith.constant 32 : index
    %get3A_1103 = tpu.vector_load %arg8[%get3A_1101, %get3A_1102] {strides = array<i32>} : memref<26x128xf32, #tpu.memory_space<vmem>>, vector<16xf32>,
    %get3A_1104 = arith.constant 1 : i32
    %get3A_1105 = arith.index_cast %get3A_1104 : i32 to index
    %get3A_1106 = arith.constant 32 : index
    %get3A_1107 = tpu.vector_load %arg8[%get3A_1105, %get3A_1106] {strides = array<i32>} : memref<26x128xf32, #tpu.memory_space<vmem>>, vector<16xf32>,
    %get3A_1108 = arith.constant 2 : i32
    %get3A_1109 = arith.index_cast %get3A_1108 : i32 to index
    %get3A_1110 = arith.constant 32 : index
    %get3A_1111 = tpu.vector_load %arg8[%get3A_1109, %get3A_1110] {strides = array<i32>} : memref<26x128xf32, #tpu.memory_space<vmem>>, vector<16xf32>,
    %get3A_1112 = arith.constant 3 : i32
    %get3A_1113 = arith.index_cast %get3A_1112 : i32 to index
    %get3A_1114 = arith.constant 32 : index
    %get3A_1115 = tpu.vector_load %arg8[%get3A_1113, %get3A_1114] {strides = array<i32>} : memref<26x128xf32, #tpu.memory_space<vmem>>, vector<16xf32>,
    %get3A_1116 = arith.constant 4 : i32
    %get3A_1117 = arith.index_cast %get3A_1116 : i32 to index
    %get3A_1118 = arith.constant 32 : index
    %get3A_1119 = tpu.vector_load %arg8[%get3A_1117, %get3A_1118] {strides = array<i32>} : memref<26x128xf32, #tpu.memory_space<vmem>>, vector<16xf32>,
    %get3A_1120 = arith.constant 5 : i32
    %get3A_1121 = arith.index_cast %get3A_1120 : i32 to index
    %get3A_1122 = arith.constant 32 : index
    %get3A_1123 = tpu.vector_load %arg8[%get3A_1121, %get3A_1122] {strides = array<i32>} : memref<26x128xf32, #tpu.memory_space<vmem>>, vector<16xf32>,
    %get3A_1124 = arith.constant 6 : i32
    %get3A_1125 = arith.index_cast %get3A_1124 : i32 to index
    %get3A_1126 = arith.constant 32 : index
    %get3A_1127 = tpu.vector_load %arg8[%get3A_1125, %get3A_1126] {strides = array<i32>} : memref<26x128xf32, #tpu.memory_space<vmem>>, vector<16xf32>,
    %get3A_1128 = arith.constant 7 : i32
    %get3A_1129 = arith.index_cast %get3A_1128 : i32 to index
    %get3A_1130 = arith.constant 32 : index
    %get3A_1131 = tpu.vector_load %arg8[%get3A_1129, %get3A_1130] {strides = array<i32>} : memref<26x128xf32, #tpu.memory_space<vmem>>, vector<16xf32>,
    %get3A_1132 = arith.constant 8 : i32
    %get3A_1133 = arith.index_cast %get3A_1132 : i32 to index
    %get3A_1134 = arith.constant 32 : index
    %get3A_1135 = tpu.vector_load %arg8[%get3A_1133, %get3A_1134] {strides = array<i32>} : memref<26x128xf32, #tpu.memory_space<vmem>>, vector<16xf32>,
    %get3A_1136 = arith.constant 9 : i32
    %get3A_1137 = arith.index_cast %get3A_1136 : i32 to index
    %get3A_1138 = arith.constant 32 : index
    %get3A_1139 = tpu.vector_load %arg8[%get3A_1137, %get3A_1138] {strides = array<i32>} : memref<26x128xf32, #tpu.memory_space<vmem>>, vector<16xf32>,
    %get3A_1140 = arith.constant 10 : i32
    %get3A_1141 = arith.index_cast %get3A_1140 : i32 to index
    %get3A_1142 = arith.constant 32 : index
    %get3A_1143 = tpu.vector_load %arg8[%get3A_1141, %get3A_1142] {strides = array<i32>} : memref<26x128xf32, #tpu.memory_space<vmem>>, vector<16xf32>,
    %get3A_1144 = arith.constant 11 : i32
    %get3A_1145 = arith.index_cast %get3A_1144 : i32 to index
    %get3A_1146 = arith.constant 32 : index
    %get3A_1147 = tpu.vector_load %arg8[%get3A_1145, %get3A_1146] {strides = array<i32>} : memref<26x128xf32, #tpu.memory_space<vmem>>, vector<16xf32>,
    %get3A_1148 = arith.constant 12 : i32
    %get3A_1149 = arith.index_cast %get3A_1148 : i32 to index
    %get3A_1150 = arith.constant 32 : index
    %get3A_1151 = tpu.vector_load %arg8[%get3A_1149, %get3A_1150] {strides = array<i32>} : memref<26x128xf32, #tpu.memory_space<vmem>>, vector<16xf32>,
    %get3A_1152 = arith.constant 13 : i32
    %get3A_1153 = arith.index_cast %get3A_1152 : i32 to index
    %get3A_1154 = arith.constant 32 : index
    %get3A_1155 = tpu.vector_load %arg8[%get3A_1153, %get3A_1154] {strides = array<i32>} : memref<26x128xf32, #tpu.memory_space<vmem>>, vector<16xf32>,
    %get3A_1156 = arith.constant 14 : i32
    %get3A_1157 = arith.index_cast %get3A_1156 : i32 to index
    %get3A_1158 = arith.constant 32 : index
    %get3A_1159 = tpu.vector_load %arg8[%get3A_1157, %get3A_1158] {strides = array<i32>} : memref<26x128xf32, #tpu.memory_space<vmem>>, vector<16xf32>,
    %get3A_1160 = arith.constant 15 : i32
    %get3A_1161 = arith.index_cast %get3A_1160 : i32 to index
    %get3A_1162 = arith.constant 32 : index
    %get3A_1163 = tpu.vector_load %arg8[%get3A_1161, %get3A_1162] {strides = array<i32>} : memref<26x128xf32, #tpu.memory_space<vmem>>, vector<16xf32>,
    %get3A_1164 = arith.constant 16 : i32
    %get3A_1165 = arith.index_cast %get3A_1164 : i32 to index
    %get3A_1166 = arith.constant 32 : index
    %get3A_1167 = tpu.vector_load %arg8[%get3A_1165, %get3A_1166] {strides = array<i32>} : memref<26x128xf32, #tpu.memory_space<vmem>>, vector<16xf32>,
    %get3A_1168 = arith.constant 17 : i32
    %get3A_1169 = arith.index_cast %get3A_1168 : i32 to index
    %get3A_1170 = arith.constant 32 : index
    %get3A_1171 = tpu.vector_load %arg8[%get3A_1169, %get3A_1170] {strides = array<i32>} : memref<26x128xf32, #tpu.memory_space<vmem>>, vector<16xf32>,
    %get3A_1172 = arith.constant 18 : i32
    %get3A_1173 = arith.index_cast %get3A_1172 : i32 to index
    %get3A_1174 = arith.constant 32 : index
    %get3A_1175 = tpu.vector_load %arg8[%get3A_1173, %get3A_1174] {strides = array<i32>} : memref<26x128xf32, #tpu.memory_space<vmem>>, vector<16xf32>,
    %get3A_1176 = arith.constant 19 : i32
    %get3A_1177 = arith.index_cast %get3A_1176 : i32 to index
    %get3A_1178 = arith.constant 32 : index
    %get3A_1179 = tpu.vector_load %arg8[%get3A_1177, %get3A_1178] {strides = array<i32>} : memref<26x128xf32, #tpu.memory_space<vmem>>, vector<16xf32>,
    %get3A_1180 = arith.constant 20 : i32
    %get3A_1181 = arith.index_cast %get3A_1180 : i32 to index
    %get3A_1182 = arith.constant 32 : index
    %get3A_1183 = tpu.vector_load %arg8[%get3A_1181, %get3A_1182] {strides = array<i32>} : memref<26x128xf32, #tpu.memory_space<vmem>>, vector<16xf32>,
    %get3A_1184 = arith.constant 21 : i32
    %get3A_1185 = arith.index_cast %get3A_1184 : i32 to index
    %get3A_1186 = arith.constant 32 : index
    %get3A_1187 = tpu.vector_load %arg8[%get3A_1185, %get3A_1186] {strides = array<i32>} : memref<26x128xf32, #tpu.memory_space<vmem>>, vector<16xf32>,
    %get3A_1188 = arith.constant 22 : i32
    %get3A_1189 = arith.index_cast %get3A_1188 : i32 to index
    %get3A_1190 = arith.constant 32 : index
    %get3A_1191 = tpu.vector_load %arg8[%get3A_1189, %get3A_1190] {strides = array<i32>} : memref<26x128xf32, #tpu.memory_space<vmem>>, vector<16xf32>,
    %get3A_1192 = arith.constant 23 : i32
    %get3A_1193 = arith.index_cast %get3A_1192 : i32 to index
    %get3A_1194 = arith.constant 32 : index
    %get3A_1195 = tpu.vector_load %arg8[%get3A_1193, %get3A_1194] {strides = array<i32>} : memref<26x128xf32, #tpu.memory_space<vmem>>, vector<16xf32>,
    %get3A_1196 = arith.constant 24 : i32
    %get3A_1197 = arith.index_cast %get3A_1196 : i32 to index
    %get3A_1198 = arith.constant 32 : index
    %get3A_1199 = tpu.vector_load %arg8[%get3A_1197, %get3A_1198] {strides = array<i32>} : memref<26x128xf32, #tpu.memory_space<vmem>>, vector<16xf32>,
    %get3A_1200 = arith.constant 25 : i32
    %get3A_1201 = arith.index_cast %get3A_1200 : i32 to index
    %get3A_1202 = arith.constant 32 : index
    %get3A_1203 = tpu.vector_load %arg8[%get3A_1201, %get3A_1202] {strides = array<i32>} : memref<26x128xf32, #tpu.memory_space<vmem>>, vector<16xf32>,
    %add3A_1204 = arith.addf %get3A_1103, %get3A_1107 : vector<16xf32>
    %add3A_1205 = arith.addf %get3A_1111, %get3A_1115 : vector<16xf32>
    %add3A_1206 = arith.addf %get3A_1119, %get3A_1123 : vector<16xf32>
    %add3A_1207 = arith.addf %get3A_1127, %get3A_1131 : vector<16xf32>
    %add3A_1208 = arith.addf %get3A_1135, %get3A_1139 : vector<16xf32>
    %add3A_1209 = arith.addf %get3A_1143, %get3A_1147 : vector<16xf32>
    %add3A_1210 = arith.addf %get3A_1151, %get3A_1155 : vector<16xf32>
    %add3A_1211 = arith.addf %get3A_1159, %get3A_1163 : vector<16xf32>
    %add3A_1212 = arith.addf %get3A_1167, %get3A_1171 : vector<16xf32>
    %add3A_1213 = arith.addf %get3A_1175, %get3A_1179 : vector<16xf32>
    %add3A_1214 = arith.addf %get3A_1183, %get3A_1187 : vector<16xf32>
    %add3A_1215 = arith.addf %get3A_1191, %get3A_1195 : vector<16xf32>
    %add3A_1216 = arith.addf %get3A_1199, %get3A_1203 : vector<16xf32>
    %add3A_1217 = arith.addf %add3A_1204, %add3A_1205 : vector<16xf32>
    %add3A_1218 = arith.addf %add3A_1206, %add3A_1207 : vector<16xf32>
    %add3A_1219 = arith.addf %add3A_1208, %add3A_1209 : vector<16xf32>
    %add3A_1220 = arith.addf %add3A_1210, %add3A_1211 : vector<16xf32>
    %add3A_1221 = arith.addf %add3A_1212, %add3A_1213 : vector<16xf32>
    %add3A_1222 = arith.addf %add3A_1214, %add3A_1215 : vector<16xf32>
    %add3A_1223 = arith.addf %add3A_1217, %add3A_1218 : vector<16xf32>
    %add3A_1224 = arith.addf %add3A_1219, %add3A_1220 : vector<16xf32>
    %add3A_1225 = arith.addf %add3A_1221, %add3A_1222 : vector<16xf32>
    %add3A_1226 = arith.addf %add3A_1223, %add3A_1224 : vector<16xf32>
    %add3A_1227 = arith.addf %add3A_1225, %add3A_1216 : vector<16xf32>
    %add3A_1228 = arith.addf %add3A_1226, %add3A_1227 : vector<16xf32>
    %swap3A_1229 = arith.constant 32 : index
    %swap3A_1230 = tpu.vector_load %arg10[%swap3A_1229] {strides = array<i32>} : memref<128xf32, #tpu.memory_space<vmem>>, vector<16xf32>,
    tpu.vector_store %arg10[%swap3A_1229], %add3A_1228 {strides = array<i32>} : memref<128xf32, #tpu.memory_space<vmem>>, vector<16xf32>,
    %get3A_1231 = arith.constant 0 : i32
    %get3A_1232 = arith.index_cast %get3A_1231 : i32 to index
    %get3A_1233 = arith.constant 48 : index
    %get3A_1234 = tpu.vector_load %arg8[%get3A_1232, %get3A_1233] {strides = array<i32>} : memref<26x128xf32, #tpu.memory_space<vmem>>, vector<16xf32>,
    %get3A_1235 = arith.constant 1 : i32
    %get3A_1236 = arith.index_cast %get3A_1235 : i32 to index
    %get3A_1237 = arith.constant 48 : index
    %get3A_1238 = tpu.vector_load %arg8[%get3A_1236, %get3A_1237] {strides = array<i32>} : memref<26x128xf32, #tpu.memory_space<vmem>>, vector<16xf32>,
    %get3A_1239 = arith.constant 2 : i32
    %get3A_1240 = arith.index_cast %get3A_1239 : i32 to index
    %get3A_1241 = arith.constant 48 : index
    %get3A_1242 = tpu.vector_load %arg8[%get3A_1240, %get3A_1241] {strides = array<i32>} : memref<26x128xf32, #tpu.memory_space<vmem>>, vector<16xf32>,
    %get3A_1243 = arith.constant 3 : i32
    %get3A_1244 = arith.index_cast %get3A_1243 : i32 to index
    %get3A_1245 = arith.constant 48 : index
    %get3A_1246 = tpu.vector_load %arg8[%get3A_1244, %get3A_1245] {strides = array<i32>} : memref<26x128xf32, #tpu.memory_space<vmem>>, vector<16xf32>,
    %get3A_1247 = arith.constant 4 : i32
    %get3A_1248 = arith.index_cast %get3A_1247 : i32 to index
    %get3A_1249 = arith.constant 48 : index
    %get3A_1250 = tpu.vector_load %arg8[%get3A_1248, %get3A_1249] {strides = array<i32>} : memref<26x128xf32, #tpu.memory_space<vmem>>, vector<16xf32>,
    %get3A_1251 = arith.constant 5 : i32
    %get3A_1252 = arith.index_cast %get3A_1251 : i32 to index
    %get3A_1253 = arith.constant 48 : index
    %get3A_1254 = tpu.vector_load %arg8[%get3A_1252, %get3A_1253] {strides = array<i32>} : memref<26x128xf32, #tpu.memory_space<vmem>>, vector<16xf32>,
    %get3A_1255 = arith.constant 6 : i32
    %get3A_1256 = arith.index_cast %get3A_1255 : i32 to index
    %get3A_1257 = arith.constant 48 : index
    %get3A_1258 = tpu.vector_load %arg8[%get3A_1256, %get3A_1257] {strides = array<i32>} : memref<26x128xf32, #tpu.memory_space<vmem>>, vector<16xf32>,
    %get3A_1259 = arith.constant 7 : i32
    %get3A_1260 = arith.index_cast %get3A_1259 : i32 to index
    %get3A_1261 = arith.constant 48 : index
    %get3A_1262 = tpu.vector_load %arg8[%get3A_1260, %get3A_1261] {strides = array<i32>} : memref<26x128xf32, #tpu.memory_space<vmem>>, vector<16xf32>,
    %get3A_1263 = arith.constant 8 : i32
    %get3A_1264 = arith.index_cast %get3A_1263 : i32 to index
    %get3A_1265 = arith.constant 48 : index
    %get3A_1266 = tpu.vector_load %arg8[%get3A_1264, %get3A_1265] {strides = array<i32>} : memref<26x128xf32, #tpu.memory_space<vmem>>, vector<16xf32>,
    %get3A_1267 = arith.constant 9 : i32
    %get3A_1268 = arith.index_cast %get3A_1267 : i32 to index
    %get3A_1269 = arith.constant 48 : index
    %get3A_1270 = tpu.vector_load %arg8[%get3A_1268, %get3A_1269] {strides = array<i32>} : memref<26x128xf32, #tpu.memory_space<vmem>>, vector<16xf32>,
    %get3A_1271 = arith.constant 10 : i32
    %get3A_1272 = arith.index_cast %get3A_1271 : i32 to index
    %get3A_1273 = arith.constant 48 : index
    %get3A_1274 = tpu.vector_load %arg8[%get3A_1272, %get3A_1273] {strides = array<i32>} : memref<26x128xf32, #tpu.memory_space<vmem>>, vector<16xf32>,
    %get3A_1275 = arith.constant 11 : i32
    %get3A_1276 = arith.index_cast %get3A_1275 : i32 to index
    %get3A_1277 = arith.constant 48 : index
    %get3A_1278 = tpu.vector_load %arg8[%get3A_1276, %get3A_1277] {strides = array<i32>} : memref<26x128xf32, #tpu.memory_space<vmem>>, vector<16xf32>,
    %get3A_1279 = arith.constant 12 : i32
    %get3A_1280 = arith.index_cast %get3A_1279 : i32 to index
    %get3A_1281 = arith.constant 48 : index
    %get3A_1282 = tpu.vector_load %arg8[%get3A_1280, %get3A_1281] {strides = array<i32>} : memref<26x128xf32, #tpu.memory_space<vmem>>, vector<16xf32>,
    %get3A_1283 = arith.constant 13 : i32
    %get3A_1284 = arith.index_cast %get3A_1283 : i32 to index
    %get3A_1285 = arith.constant 48 : index
    %get3A_1286 = tpu.vector_load %arg8[%get3A_1284, %get3A_1285] {strides = array<i32>} : memref<26x128xf32, #tpu.memory_space<vmem>>, vector<16xf32>,
    %get3A_1287 = arith.constant 14 : i32
    %get3A_1288 = arith.index_cast %get3A_1287 : i32 to index
    %get3A_1289 = arith.constant 48 : index
    %get3A_1290 = tpu.vector_load %arg8[%get3A_1288, %get3A_1289] {strides = array<i32>} : memref<26x128xf32, #tpu.memory_space<vmem>>, vector<16xf32>,
    %get3A_1291 = arith.constant 15 : i32
    %get3A_1292 = arith.index_cast %get3A_1291 : i32 to index
    %get3A_1293 = arith.constant 48 : index
    %get3A_1294 = tpu.vector_load %arg8[%get3A_1292, %get3A_1293] {strides = array<i32>} : memref<26x128xf32, #tpu.memory_space<vmem>>, vector<16xf32>,
    %get3A_1295 = arith.constant 16 : i32
    %get3A_1296 = arith.index_cast %get3A_1295 : i32 to index
    %get3A_1297 = arith.constant 48 : index
    %get3A_1298 = tpu.vector_load %arg8[%get3A_1296, %get3A_1297] {strides = array<i32>} : memref<26x128xf32, #tpu.memory_space<vmem>>, vector<16xf32>,
    %get3A_1299 = arith.constant 17 : i32
    %get3A_1300 = arith.index_cast %get3A_1299 : i32 to index
    %get3A_1301 = arith.constant 48 : index
    %get3A_1302 = tpu.vector_load %arg8[%get3A_1300, %get3A_1301] {strides = array<i32>} : memref<26x128xf32, #tpu.memory_space<vmem>>, vector<16xf32>,
    %get3A_1303 = arith.constant 18 : i32
    %get3A_1304 = arith.index_cast %get3A_1303 : i32 to index
    %get3A_1305 = arith.constant 48 : index
    %get3A_1306 = tpu.vector_load %arg8[%get3A_1304, %get3A_1305] {strides = array<i32>} : memref<26x128xf32, #tpu.memory_space<vmem>>, vector<16xf32>,
    %get3A_1307 = arith.constant 19 : i32
    %get3A_1308 = arith.index_cast %get3A_1307 : i32 to index
    %get3A_1309 = arith.constant 48 : index
    %get3A_1310 = tpu.vector_load %arg8[%get3A_1308, %get3A_1309] {strides = array<i32>} : memref<26x128xf32, #tpu.memory_space<vmem>>, vector<16xf32>,
    %get3A_1311 = arith.constant 20 : i32
    %get3A_1312 = arith.index_cast %get3A_1311 : i32 to index
    %get3A_1313 = arith.constant 48 : index
    %get3A_1314 = tpu.vector_load %arg8[%get3A_1312, %get3A_1313] {strides = array<i32>} : memref<26x128xf32, #tpu.memory_space<vmem>>, vector<16xf32>,
    %get3A_1315 = arith.constant 21 : i32
    %get3A_1316 = arith.index_cast %get3A_1315 : i32 to index
    %get3A_1317 = arith.constant 48 : index
    %get3A_1318 = tpu.vector_load %arg8[%get3A_1316, %get3A_1317] {strides = array<i32>} : memref<26x128xf32, #tpu.memory_space<vmem>>, vector<16xf32>,
    %get3A_1319 = arith.constant 22 : i32
    %get3A_1320 = arith.index_cast %get3A_1319 : i32 to index
    %get3A_1321 = arith.constant 48 : index
    %get3A_1322 = tpu.vector_load %arg8[%get3A_1320, %get3A_1321] {strides = array<i32>} : memref<26x128xf32, #tpu.memory_space<vmem>>, vector<16xf32>,
    %get3A_1323 = arith.constant 23 : i32
    %get3A_1324 = arith.index_cast %get3A_1323 : i32 to index
    %get3A_1325 = arith.constant 48 : index
    %get3A_1326 = tpu.vector_load %arg8[%get3A_1324, %get3A_1325] {strides = array<i32>} : memref<26x128xf32, #tpu.memory_space<vmem>>, vector<16xf32>,
    %get3A_1327 = arith.constant 24 : i32
    %get3A_1328 = arith.index_cast %get3A_1327 : i32 to index
    %get3A_1329 = arith.constant 48 : index
    %get3A_1330 = tpu.vector_load %arg8[%get3A_1328, %get3A_1329] {strides = array<i32>} : memref<26x128xf32, #tpu.memory_space<vmem>>, vector<16xf32>,
    %get3A_1331 = arith.constant 25 : i32
    %get3A_1332 = arith.index_cast %get3A_1331 : i32 to index
    %get3A_1333 = arith.constant 48 : index
    %get3A_1334 = tpu.vector_load %arg8[%get3A_1332, %get3A_1333] {strides = array<i32>} : memref<26x128xf32, #tpu.memory_space<vmem>>, vector<16xf32>,
    %add3A_1335 = arith.addf %get3A_1234, %get3A_1238 : vector<16xf32>
    %add3A_1336 = arith.addf %get3A_1242, %get3A_1246 : vector<16xf32>
    %add3A_1337 = arith.addf %get3A_1250, %get3A_1254 : vector<16xf32>
    %add3A_1338 = arith.addf %get3A_1258, %get3A_1262 : vector<16xf32>
    %add3A_1339 = arith.addf %get3A_1266, %get3A_1270 : vector<16xf32>
    %add3A_1340 = arith.addf %get3A_1274, %get3A_1278 : vector<16xf32>
    %add3A_1341 = arith.addf %get3A_1282, %get3A_1286 : vector<16xf32>
    %add3A_1342 = arith.addf %get3A_1290, %get3A_1294 : vector<16xf32>
    %add3A_1343 = arith.addf %get3A_1298, %get3A_1302 : vector<16xf32>
    %add3A_1344 = arith.addf %get3A_1306, %get3A_1310 : vector<16xf32>
    %add3A_1345 = arith.addf %get3A_1314, %get3A_1318 : vector<16xf32>
    %add3A_1346 = arith.addf %get3A_1322, %get3A_1326 : vector<16xf32>
    %add3A_1347 = arith.addf %get3A_1330, %get3A_1334 : vector<16xf32>
    %add3A_1348 = arith.addf %add3A_1335, %add3A_1336 : vector<16xf32>
    %add3A_1349 = arith.addf %add3A_1337, %add3A_1338 : vector<16xf32>
    %add3A_1350 = arith.addf %add3A_1339, %add3A_1340 : vector<16xf32>
    %add3A_1351 = arith.addf %add3A_1341, %add3A_1342 : vector<16xf32>
    %add3A_1352 = arith.addf %add3A_1343, %add3A_1344 : vector<16xf32>
    %add3A_1353 = arith.addf %add3A_1345, %add3A_1346 : vector<16xf32>
    %add3A_1354 = arith.addf %add3A_1348, %add3A_1349 : vector<16xf32>
    %add3A_1355 = arith.addf %add3A_1350, %add3A_1351 : vector<16xf32>
    %add3A_1356 = arith.addf %add3A_1352, %add3A_1353 : vector<16xf32>
    %add3A_1357 = arith.addf %add3A_1354, %add3A_1355 : vector<16xf32>
    %add3A_1358 = arith.addf %add3A_1356, %add3A_1347 : vector<16xf32>
    %add3A_1359 = arith.addf %add3A_1357, %add3A_1358 : vector<16xf32>
    %swap3A_1360 = arith.constant 48 : index
    %swap3A_1361 = tpu.vector_load %arg10[%swap3A_1360] {strides = array<i32>} : memref<128xf32, #tpu.memory_space<vmem>>, vector<16xf32>,
    tpu.vector_store %arg10[%swap3A_1360], %add3A_1359 {strides = array<i32>} : memref<128xf32, #tpu.memory_space<vmem>>, vector<16xf32>,
    %get3A_1362 = arith.constant 0 : i32
    %get3A_1363 = arith.index_cast %get3A_1362 : i32 to index
    %get3A_1364 = arith.constant 64 : index
    %get3A_1365 = tpu.vector_load %arg8[%get3A_1363, %get3A_1364] {strides = array<i32>} : memref<26x128xf32, #tpu.memory_space<vmem>>, vector<16xf32>,
    %get3A_1366 = arith.constant 1 : i32
    %get3A_1367 = arith.index_cast %get3A_1366 : i32 to index
    %get3A_1368 = arith.constant 64 : index
    %get3A_1369 = tpu.vector_load %arg8[%get3A_1367, %get3A_1368] {strides = array<i32>} : memref<26x128xf32, #tpu.memory_space<vmem>>, vector<16xf32>,
    %get3A_1370 = arith.constant 2 : i32
    %get3A_1371 = arith.index_cast %get3A_1370 : i32 to index
    %get3A_1372 = arith.constant 64 : index
    %get3A_1373 = tpu.vector_load %arg8[%get3A_1371, %get3A_1372] {strides = array<i32>} : memref<26x128xf32, #tpu.memory_space<vmem>>, vector<16xf32>,
    %get3A_1374 = arith.constant 3 : i32
    %get3A_1375 = arith.index_cast %get3A_1374 : i32 to index
    %get3A_1376 = arith.constant 64 : index
    %get3A_1377 = tpu.vector_load %arg8[%get3A_1375, %get3A_1376] {strides = array<i32>} : memref<26x128xf32, #tpu.memory_space<vmem>>, vector<16xf32>,
    %get3A_1378 = arith.constant 4 : i32
    %get3A_1379 = arith.index_cast %get3A_1378 : i32 to index
    %get3A_1380 = arith.constant 64 : index
    %get3A_1381 = tpu.vector_load %arg8[%get3A_1379, %get3A_1380] {strides = array<i32>} : memref<26x128xf32, #tpu.memory_space<vmem>>, vector<16xf32>,
    %get3A_1382 = arith.constant 5 : i32
    %get3A_1383 = arith.index_cast %get3A_1382 : i32 to index
    %get3A_1384 = arith.constant 64 : index
    %get3A_1385 = tpu.vector_load %arg8[%get3A_1383, %get3A_1384] {strides = array<i32>} : memref<26x128xf32, #tpu.memory_space<vmem>>, vector<16xf32>,
    %get3A_1386 = arith.constant 6 : i32
    %get3A_1387 = arith.index_cast %get3A_1386 : i32 to index
    %get3A_1388 = arith.constant 64 : index
    %get3A_1389 = tpu.vector_load %arg8[%get3A_1387, %get3A_1388] {strides = array<i32>} : memref<26x128xf32, #tpu.memory_space<vmem>>, vector<16xf32>,
    %get3A_1390 = arith.constant 7 : i32
    %get3A_1391 = arith.index_cast %get3A_1390 : i32 to index
    %get3A_1392 = arith.constant 64 : index
    %get3A_1393 = tpu.vector_load %arg8[%get3A_1391, %get3A_1392] {strides = array<i32>} : memref<26x128xf32, #tpu.memory_space<vmem>>, vector<16xf32>,
    %get3A_1394 = arith.constant 8 : i32
    %get3A_1395 = arith.index_cast %get3A_1394 : i32 to index
    %get3A_1396 = arith.constant 64 : index
    %get3A_1397 = tpu.vector_load %arg8[%get3A_1395, %get3A_1396] {strides = array<i32>} : memref<26x128xf32, #tpu.memory_space<vmem>>, vector<16xf32>,
    %get3A_1398 = arith.constant 9 : i32
    %get3A_1399 = arith.index_cast %get3A_1398 : i32 to index
    %get3A_1400 = arith.constant 64 : index
    %get3A_1401 = tpu.vector_load %arg8[%get3A_1399, %get3A_1400] {strides = array<i32>} : memref<26x128xf32, #tpu.memory_space<vmem>>, vector<16xf32>,
    %get3A_1402 = arith.constant 10 : i32
    %get3A_1403 = arith.index_cast %get3A_1402 : i32 to index
    %get3A_1404 = arith.constant 64 : index
    %get3A_1405 = tpu.vector_load %arg8[%get3A_1403, %get3A_1404] {strides = array<i32>} : memref<26x128xf32, #tpu.memory_space<vmem>>, vector<16xf32>,
    %get3A_1406 = arith.constant 11 : i32
    %get3A_1407 = arith.index_cast %get3A_1406 : i32 to index
    %get3A_1408 = arith.constant 64 : index
    %get3A_1409 = tpu.vector_load %arg8[%get3A_1407, %get3A_1408] {strides = array<i32>} : memref<26x128xf32, #tpu.memory_space<vmem>>, vector<16xf32>,
    %get3A_1410 = arith.constant 12 : i32
    %get3A_1411 = arith.index_cast %get3A_1410 : i32 to index
    %get3A_1412 = arith.constant 64 : index
    %get3A_1413 = tpu.vector_load %arg8[%get3A_1411, %get3A_1412] {strides = array<i32>} : memref<26x128xf32, #tpu.memory_space<vmem>>, vector<16xf32>,
    %get3A_1414 = arith.constant 13 : i32
    %get3A_1415 = arith.index_cast %get3A_1414 : i32 to index
    %get3A_1416 = arith.constant 64 : index
    %get3A_1417 = tpu.vector_load %arg8[%get3A_1415, %get3A_1416] {strides = array<i32>} : memref<26x128xf32, #tpu.memory_space<vmem>>, vector<16xf32>,
    %get3A_1418 = arith.constant 14 : i32
    %get3A_1419 = arith.index_cast %get3A_1418 : i32 to index
    %get3A_1420 = arith.constant 64 : index
    %get3A_1421 = tpu.vector_load %arg8[%get3A_1419, %get3A_1420] {strides = array<i32>} : memref<26x128xf32, #tpu.memory_space<vmem>>, vector<16xf32>,
    %get3A_1422 = arith.constant 15 : i32
    %get3A_1423 = arith.index_cast %get3A_1422 : i32 to index
    %get3A_1424 = arith.constant 64 : index
    %get3A_1425 = tpu.vector_load %arg8[%get3A_1423, %get3A_1424] {strides = array<i32>} : memref<26x128xf32, #tpu.memory_space<vmem>>, vector<16xf32>,
    %get3A_1426 = arith.constant 16 : i32
    %get3A_1427 = arith.index_cast %get3A_1426 : i32 to index
    %get3A_1428 = arith.constant 64 : index
    %get3A_1429 = tpu.vector_load %arg8[%get3A_1427, %get3A_1428] {strides = array<i32>} : memref<26x128xf32, #tpu.memory_space<vmem>>, vector<16xf32>,
    %get3A_1430 = arith.constant 17 : i32
    %get3A_1431 = arith.index_cast %get3A_1430 : i32 to index
    %get3A_1432 = arith.constant 64 : index
    %get3A_1433 = tpu.vector_load %arg8[%get3A_1431, %get3A_1432] {strides = array<i32>} : memref<26x128xf32, #tpu.memory_space<vmem>>, vector<16xf32>,
    %get3A_1434 = arith.constant 18 : i32
    %get3A_1435 = arith.index_cast %get3A_1434 : i32 to index
    %get3A_1436 = arith.constant 64 : index
    %get3A_1437 = tpu.vector_load %arg8[%get3A_1435, %get3A_1436] {strides = array<i32>} : memref<26x128xf32, #tpu.memory_space<vmem>>, vector<16xf32>,
    %get3A_1438 = arith.constant 19 : i32
    %get3A_1439 = arith.index_cast %get3A_1438 : i32 to index
    %get3A_1440 = arith.constant 64 : index
    %get3A_1441 = tpu.vector_load %arg8[%get3A_1439, %get3A_1440] {strides = array<i32>} : memref<26x128xf32, #tpu.memory_space<vmem>>, vector<16xf32>,
    %get3A_1442 = arith.constant 20 : i32
    %get3A_1443 = arith.index_cast %get3A_1442 : i32 to index
    %get3A_1444 = arith.constant 64 : index
    %get3A_1445 = tpu.vector_load %arg8[%get3A_1443, %get3A_1444] {strides = array<i32>} : memref<26x128xf32, #tpu.memory_space<vmem>>, vector<16xf32>,
    %get3A_1446 = arith.constant 21 : i32
    %get3A_1447 = arith.index_cast %get3A_1446 : i32 to index
    %get3A_1448 = arith.constant 64 : index
    %get3A_1449 = tpu.vector_load %arg8[%get3A_1447, %get3A_1448] {strides = array<i32>} : memref<26x128xf32, #tpu.memory_space<vmem>>, vector<16xf32>,
    %get3A_1450 = arith.constant 22 : i32
    %get3A_1451 = arith.index_cast %get3A_1450 : i32 to index
    %get3A_1452 = arith.constant 64 : index
    %get3A_1453 = tpu.vector_load %arg8[%get3A_1451, %get3A_1452] {strides = array<i32>} : memref<26x128xf32, #tpu.memory_space<vmem>>, vector<16xf32>,
    %get3A_1454 = arith.constant 23 : i32
    %get3A_1455 = arith.index_cast %get3A_1454 : i32 to index
    %get3A_1456 = arith.constant 64 : index
    %get3A_1457 = tpu.vector_load %arg8[%get3A_1455, %get3A_1456] {strides = array<i32>} : memref<26x128xf32, #tpu.memory_space<vmem>>, vector<16xf32>,
    %get3A_1458 = arith.constant 24 : i32
    %get3A_1459 = arith.index_cast %get3A_1458 : i32 to index
    %get3A_1460 = arith.constant 64 : index
    %get3A_1461 = tpu.vector_load %arg8[%get3A_1459, %get3A_1460] {strides = array<i32>} : memref<26x128xf32, #tpu.memory_space<vmem>>, vector<16xf32>,
    %get3A_1462 = arith.constant 25 : i32
    %get3A_1463 = arith.index_cast %get3A_1462 : i32 to index
    %get3A_1464 = arith.constant 64 : index
    %get3A_1465 = tpu.vector_load %arg8[%get3A_1463, %get3A_1464] {strides = array<i32>} : memref<26x128xf32, #tpu.memory_space<vmem>>, vector<16xf32>,
    %add3A_1466 = arith.addf %get3A_1365, %get3A_1369 : vector<16xf32>
    %add3A_1467 = arith.addf %get3A_1373, %get3A_1377 : vector<16xf32>
    %add3A_1468 = arith.addf %get3A_1381, %get3A_1385 : vector<16xf32>
    %add3A_1469 = arith.addf %get3A_1389, %get3A_1393 : vector<16xf32>
    %add3A_1470 = arith.addf %get3A_1397, %get3A_1401 : vector<16xf32>
    %add3A_1471 = arith.addf %get3A_1405, %get3A_1409 : vector<16xf32>
    %add3A_1472 = arith.addf %get3A_1413, %get3A_1417 : vector<16xf32>
    %add3A_1473 = arith.addf %get3A_1421, %get3A_1425 : vector<16xf32>
    %add3A_1474 = arith.addf %get3A_1429, %get3A_1433 : vector<16xf32>
    %add3A_1475 = arith.addf %get3A_1437, %get3A_1441 : vector<16xf32>
    %add3A_1476 = arith.addf %get3A_1445, %get3A_1449 : vector<16xf32>
    %add3A_1477 = arith.addf %get3A_1453, %get3A_1457 : vector<16xf32>
    %add3A_1478 = arith.addf %get3A_1461, %get3A_1465 : vector<16xf32>
    %add3A_1479 = arith.addf %add3A_1466, %add3A_1467 : vector<16xf32>
    %add3A_1480 = arith.addf %add3A_1468, %add3A_1469 : vector<16xf32>
    %add3A_1481 = arith.addf %add3A_1470, %add3A_1471 : vector<16xf32>
    %add3A_1482 = arith.addf %add3A_1472, %add3A_1473 : vector<16xf32>
    %add3A_1483 = arith.addf %add3A_1474, %add3A_1475 : vector<16xf32>
    %add3A_1484 = arith.addf %add3A_1476, %add3A_1477 : vector<16xf32>
    %add3A_1485 = arith.addf %add3A_1479, %add3A_1480 : vector<16xf32>
    %add3A_1486 = arith.addf %add3A_1481, %add3A_1482 : vector<16xf32>
    %add3A_1487 = arith.addf %add3A_1483, %add3A_1484 : vector<16xf32>
    %add3A_1488 = arith.addf %add3A_1485, %add3A_1486 : vector<16xf32>
    %add3A_1489 = arith.addf %add3A_1487, %add3A_1478 : vector<16xf32>
    %add3A_1490 = arith.addf %add3A_1488, %add3A_1489 : vector<16xf32>
    %swap3A_1491 = arith.constant 64 : index
    %swap3A_1492 = tpu.vector_load %arg10[%swap3A_1491] {strides = array<i32>} : memref<128xf32, #tpu.memory_space<vmem>>, vector<16xf32>,
    tpu.vector_store %arg10[%swap3A_1491], %add3A_1490 {strides = array<i32>} : memref<128xf32, #tpu.memory_space<vmem>>, vector<16xf32>,
    %get3A_1493 = arith.constant 0 : i32
    %get3A_1494 = arith.index_cast %get3A_1493 : i32 to index
    %get3A_1495 = arith.constant 80 : index
    %get3A_1496 = tpu.vector_load %arg8[%get3A_1494, %get3A_1495] {strides = array<i32>} : memref<26x128xf32, #tpu.memory_space<vmem>>, vector<16xf32>,
    %get3A_1497 = arith.constant 1 : i32
    %get3A_1498 = arith.index_cast %get3A_1497 : i32 to index
    %get3A_1499 = arith.constant 80 : index
    %get3A_1500 = tpu.vector_load %arg8[%get3A_1498, %get3A_1499] {strides = array<i32>} : memref<26x128xf32, #tpu.memory_space<vmem>>, vector<16xf32>,
    %get3A_1501 = arith.constant 2 : i32
    %get3A_1502 = arith.index_cast %get3A_1501 : i32 to index
    %get3A_1503 = arith.constant 80 : index
    %get3A_1504 = tpu.vector_load %arg8[%get3A_1502, %get3A_1503] {strides = array<i32>} : memref<26x128xf32, #tpu.memory_space<vmem>>, vector<16xf32>,
    %get3A_1505 = arith.constant 3 : i32
    %get3A_1506 = arith.index_cast %get3A_1505 : i32 to index
    %get3A_1507 = arith.constant 80 : index
    %get3A_1508 = tpu.vector_load %arg8[%get3A_1506, %get3A_1507] {strides = array<i32>} : memref<26x128xf32, #tpu.memory_space<vmem>>, vector<16xf32>,
    %get3A_1509 = arith.constant 4 : i32
    %get3A_1510 = arith.index_cast %get3A_1509 : i32 to index
    %get3A_1511 = arith.constant 80 : index
    %get3A_1512 = tpu.vector_load %arg8[%get3A_1510, %get3A_1511] {strides = array<i32>} : memref<26x128xf32, #tpu.memory_space<vmem>>, vector<16xf32>,
    %get3A_1513 = arith.constant 5 : i32
    %get3A_1514 = arith.index_cast %get3A_1513 : i32 to index
    %get3A_1515 = arith.constant 80 : index
    %get3A_1516 = tpu.vector_load %arg8[%get3A_1514, %get3A_1515] {strides = array<i32>} : memref<26x128xf32, #tpu.memory_space<vmem>>, vector<16xf32>,
    %get3A_1517 = arith.constant 6 : i32
    %get3A_1518 = arith.index_cast %get3A_1517 : i32 to index
    %get3A_1519 = arith.constant 80 : index
    %get3A_1520 = tpu.vector_load %arg8[%get3A_1518, %get3A_1519] {strides = array<i32>} : memref<26x128xf32, #tpu.memory_space<vmem>>, vector<16xf32>,
    %get3A_1521 = arith.constant 7 : i32
    %get3A_1522 = arith.index_cast %get3A_1521 : i32 to index
    %get3A_1523 = arith.constant 80 : index
    %get3A_1524 = tpu.vector_load %arg8[%get3A_1522, %get3A_1523] {strides = array<i32>} : memref<26x128xf32, #tpu.memory_space<vmem>>, vector<16xf32>,
    %get3A_1525 = arith.constant 8 : i32
    %get3A_1526 = arith.index_cast %get3A_1525 : i32 to index
    %get3A_1527 = arith.constant 80 : index
    %get3A_1528 = tpu.vector_load %arg8[%get3A_1526, %get3A_1527] {strides = array<i32>} : memref<26x128xf32, #tpu.memory_space<vmem>>, vector<16xf32>,
    %get3A_1529 = arith.constant 9 : i32
    %get3A_1530 = arith.index_cast %get3A_1529 : i32 to index
    %get3A_1531 = arith.constant 80 : index
    %get3A_1532 = tpu.vector_load %arg8[%get3A_1530, %get3A_1531] {strides = array<i32>} : memref<26x128xf32, #tpu.memory_space<vmem>>, vector<16xf32>,
    %get3A_1533 = arith.constant 10 : i32
    %get3A_1534 = arith.index_cast %get3A_1533 : i32 to index
    %get3A_1535 = arith.constant 80 : index
    %get3A_1536 = tpu.vector_load %arg8[%get3A_1534, %get3A_1535] {strides = array<i32>} : memref<26x128xf32, #tpu.memory_space<vmem>>, vector<16xf32>,
    %get3A_1537 = arith.constant 11 : i32
    %get3A_1538 = arith.index_cast %get3A_1537 : i32 to index
    %get3A_1539 = arith.constant 80 : index
    %get3A_1540 = tpu.vector_load %arg8[%get3A_1538, %get3A_1539] {strides = array<i32>} : memref<26x128xf32, #tpu.memory_space<vmem>>, vector<16xf32>,
    %get3A_1541 = arith.constant 12 : i32
    %get3A_1542 = arith.index_cast %get3A_1541 : i32 to index
    %get3A_1543 = arith.constant 80 : index
    %get3A_1544 = tpu.vector_load %arg8[%get3A_1542, %get3A_1543] {strides = array<i32>} : memref<26x128xf32, #tpu.memory_space<vmem>>, vector<16xf32>,
    %get3A_1545 = arith.constant 13 : i32
    %get3A_1546 = arith.index_cast %get3A_1545 : i32 to index
    %get3A_1547 = arith.constant 80 : index
    %get3A_1548 = tpu.vector_load %arg8[%get3A_1546, %get3A_1547] {strides = array<i32>} : memref<26x128xf32, #tpu.memory_space<vmem>>, vector<16xf32>,
    %get3A_1549 = arith.constant 14 : i32
    %get3A_1550 = arith.index_cast %get3A_1549 : i32 to index
    %get3A_1551 = arith.constant 80 : index
    %get3A_1552 = tpu.vector_load %arg8[%get3A_1550, %get3A_1551] {strides = array<i32>} : memref<26x128xf32, #tpu.memory_space<vmem>>, vector<16xf32>,
    %get3A_1553 = arith.constant 15 : i32
    %get3A_1554 = arith.index_cast %get3A_1553 : i32 to index
    %get3A_1555 = arith.constant 80 : index
    %get3A_1556 = tpu.vector_load %arg8[%get3A_1554, %get3A_1555] {strides = array<i32>} : memref<26x128xf32, #tpu.memory_space<vmem>>, vector<16xf32>,
    %get3A_1557 = arith.constant 16 : i32
    %get3A_1558 = arith.index_cast %get3A_1557 : i32 to index
    %get3A_1559 = arith.constant 80 : index
    %get3A_1560 = tpu.vector_load %arg8[%get3A_1558, %get3A_1559] {strides = array<i32>} : memref<26x128xf32, #tpu.memory_space<vmem>>, vector<16xf32>,
    %get3A_1561 = arith.constant 17 : i32
    %get3A_1562 = arith.index_cast %get3A_1561 : i32 to index
    %get3A_1563 = arith.constant 80 : index
    %get3A_1564 = tpu.vector_load %arg8[%get3A_1562, %get3A_1563] {strides = array<i32>} : memref<26x128xf32, #tpu.memory_space<vmem>>, vector<16xf32>,
    %get3A_1565 = arith.constant 18 : i32
    %get3A_1566 = arith.index_cast %get3A_1565 : i32 to index
    %get3A_1567 = arith.constant 80 : index
    %get3A_1568 = tpu.vector_load %arg8[%get3A_1566, %get3A_1567] {strides = array<i32>} : memref<26x128xf32, #tpu.memory_space<vmem>>, vector<16xf32>,
    %get3A_1569 = arith.constant 19 : i32
    %get3A_1570 = arith.index_cast %get3A_1569 : i32 to index
    %get3A_1571 = arith.constant 80 : index
    %get3A_1572 = tpu.vector_load %arg8[%get3A_1570, %get3A_1571] {strides = array<i32>} : memref<26x128xf32, #tpu.memory_space<vmem>>, vector<16xf32>,
    %get3A_1573 = arith.constant 20 : i32
    %get3A_1574 = arith.index_cast %get3A_1573 : i32 to index
    %get3A_1575 = arith.constant 80 : index
    %get3A_1576 = tpu.vector_load %arg8[%get3A_1574, %get3A_1575] {strides = array<i32>} : memref<26x128xf32, #tpu.memory_space<vmem>>, vector<16xf32>,
    %get3A_1577 = arith.constant 21 : i32
    %get3A_1578 = arith.index_cast %get3A_1577 : i32 to index
    %get3A_1579 = arith.constant 80 : index
    %get3A_1580 = tpu.vector_load %arg8[%get3A_1578, %get3A_1579] {strides = array<i32>} : memref<26x128xf32, #tpu.memory_space<vmem>>, vector<16xf32>,
    %get3A_1581 = arith.constant 22 : i32
    %get3A_1582 = arith.index_cast %get3A_1581 : i32 to index
    %get3A_1583 = arith.constant 80 : index
    %get3A_1584 = tpu.vector_load %arg8[%get3A_1582, %get3A_1583] {strides = array<i32>} : memref<26x128xf32, #tpu.memory_space<vmem>>, vector<16xf32>,
    %get3A_1585 = arith.constant 23 : i32
    %get3A_1586 = arith.index_cast %get3A_1585 : i32 to index
    %get3A_1587 = arith.constant 80 : index
    %get3A_1588 = tpu.vector_load %arg8[%get3A_1586, %get3A_1587] {strides = array<i32>} : memref<26x128xf32, #tpu.memory_space<vmem>>, vector<16xf32>,
    %get3A_1589 = arith.constant 24 : i32
    %get3A_1590 = arith.index_cast %get3A_1589 : i32 to index
    %get3A_1591 = arith.constant 80 : index
    %get3A_1592 = tpu.vector_load %arg8[%get3A_1590, %get3A_1591] {strides = array<i32>} : memref<26x128xf32, #tpu.memory_space<vmem>>, vector<16xf32>,
    %get3A_1593 = arith.constant 25 : i32
    %get3A_1594 = arith.index_cast %get3A_1593 : i32 to index
    %get3A_1595 = arith.constant 80 : index
    %get3A_1596 = tpu.vector_load %arg8[%get3A_1594, %get3A_1595] {strides = array<i32>} : memref<26x128xf32, #tpu.memory_space<vmem>>, vector<16xf32>,
    %add3A_1597 = arith.addf %get3A_1496, %get3A_1500 : vector<16xf32>
    %add3A_1598 = arith.addf %get3A_1504, %get3A_1508 : vector<16xf32>
    %add3A_1599 = arith.addf %get3A_1512, %get3A_1516 : vector<16xf32>
    %add3A_1600 = arith.addf %get3A_1520, %get3A_1524 : vector<16xf32>
    %add3A_1601 = arith.addf %get3A_1528, %get3A_1532 : vector<16xf32>
    %add3A_1602 = arith.addf %get3A_1536, %get3A_1540 : vector<16xf32>
    %add3A_1603 = arith.addf %get3A_1544, %get3A_1548 : vector<16xf32>
    %add3A_1604 = arith.addf %get3A_1552, %get3A_1556 : vector<16xf32>
    %add3A_1605 = arith.addf %get3A_1560, %get3A_1564 : vector<16xf32>
    %add3A_1606 = arith.addf %get3A_1568, %get3A_1572 : vector<16xf32>
    %add3A_1607 = arith.addf %get3A_1576, %get3A_1580 : vector<16xf32>
    %add3A_1608 = arith.addf %get3A_1584, %get3A_1588 : vector<16xf32>
    %add3A_1609 = arith.addf %get3A_1592, %get3A_1596 : vector<16xf32>
    %add3A_1610 = arith.addf %add3A_1597, %add3A_1598 : vector<16xf32>
    %add3A_1611 = arith.addf %add3A_1599, %add3A_1600 : vector<16xf32>
    %add3A_1612 = arith.addf %add3A_1601, %add3A_1602 : vector<16xf32>
    %add3A_1613 = arith.addf %add3A_1603, %add3A_1604 : vector<16xf32>
    %add3A_1614 = arith.addf %add3A_1605, %add3A_1606 : vector<16xf32>
    %add3A_1615 = arith.addf %add3A_1607, %add3A_1608 : vector<16xf32>
    %add3A_1616 = arith.addf %add3A_1610, %add3A_1611 : vector<16xf32>
    %add3A_1617 = arith.addf %add3A_1612, %add3A_1613 : vector<16xf32>
    %add3A_1618 = arith.addf %add3A_1614, %add3A_1615 : vector<16xf32>
    %add3A_1619 = arith.addf %add3A_1616, %add3A_1617 : vector<16xf32>
    %add3A_1620 = arith.addf %add3A_1618, %add3A_1609 : vector<16xf32>
    %add3A_1621 = arith.addf %add3A_1619, %add3A_1620 : vector<16xf32>
    %swap3A_1622 = arith.constant 80 : index
    %swap3A_1623 = tpu.vector_load %arg10[%swap3A_1622] {strides = array<i32>} : memref<128xf32, #tpu.memory_space<vmem>>, vector<16xf32>,
    tpu.vector_store %arg10[%swap3A_1622], %add3A_1621 {strides = array<i32>} : memref<128xf32, #tpu.memory_space<vmem>>, vector<16xf32>,
    %get3A_1624 = arith.constant 0 : i32
    %get3A_1625 = arith.index_cast %get3A_1624 : i32 to index
    %get3A_1626 = arith.constant 96 : index
    %get3A_1627 = tpu.vector_load %arg8[%get3A_1625, %get3A_1626] {strides = array<i32>} : memref<26x128xf32, #tpu.memory_space<vmem>>, vector<16xf32>,
    %get3A_1628 = arith.constant 1 : i32
    %get3A_1629 = arith.index_cast %get3A_1628 : i32 to index
    %get3A_1630 = arith.constant 96 : index
    %get3A_1631 = tpu.vector_load %arg8[%get3A_1629, %get3A_1630] {strides = array<i32>} : memref<26x128xf32, #tpu.memory_space<vmem>>, vector<16xf32>,
    %get3A_1632 = arith.constant 2 : i32
    %get3A_1633 = arith.index_cast %get3A_1632 : i32 to index
    %get3A_1634 = arith.constant 96 : index
    %get3A_1635 = tpu.vector_load %arg8[%get3A_1633, %get3A_1634] {strides = array<i32>} : memref<26x128xf32, #tpu.memory_space<vmem>>, vector<16xf32>,
    %get3A_1636 = arith.constant 3 : i32
    %get3A_1637 = arith.index_cast %get3A_1636 : i32 to index
    %get3A_1638 = arith.constant 96 : index
    %get3A_1639 = tpu.vector_load %arg8[%get3A_1637, %get3A_1638] {strides = array<i32>} : memref<26x128xf32, #tpu.memory_space<vmem>>, vector<16xf32>,
    %get3A_1640 = arith.constant 4 : i32
    %get3A_1641 = arith.index_cast %get3A_1640 : i32 to index
    %get3A_1642 = arith.constant 96 : index
    %get3A_1643 = tpu.vector_load %arg8[%get3A_1641, %get3A_1642] {strides = array<i32>} : memref<26x128xf32, #tpu.memory_space<vmem>>, vector<16xf32>,
    %get3A_1644 = arith.constant 5 : i32
    %get3A_1645 = arith.index_cast %get3A_1644 : i32 to index
    %get3A_1646 = arith.constant 96 : index
    %get3A_1647 = tpu.vector_load %arg8[%get3A_1645, %get3A_1646] {strides = array<i32>} : memref<26x128xf32, #tpu.memory_space<vmem>>, vector<16xf32>,
    %get3A_1648 = arith.constant 6 : i32
    %get3A_1649 = arith.index_cast %get3A_1648 : i32 to index
    %get3A_1650 = arith.constant 96 : index
    %get3A_1651 = tpu.vector_load %arg8[%get3A_1649, %get3A_1650] {strides = array<i32>} : memref<26x128xf32, #tpu.memory_space<vmem>>, vector<16xf32>,
    %get3A_1652 = arith.constant 7 : i32
    %get3A_1653 = arith.index_cast %get3A_1652 : i32 to index
    %get3A_1654 = arith.constant 96 : index
    %get3A_1655 = tpu.vector_load %arg8[%get3A_1653, %get3A_1654] {strides = array<i32>} : memref<26x128xf32, #tpu.memory_space<vmem>>, vector<16xf32>,
    %get3A_1656 = arith.constant 8 : i32
    %get3A_1657 = arith.index_cast %get3A_1656 : i32 to index
    %get3A_1658 = arith.constant 96 : index
    %get3A_1659 = tpu.vector_load %arg8[%get3A_1657, %get3A_1658] {strides = array<i32>} : memref<26x128xf32, #tpu.memory_space<vmem>>, vector<16xf32>,
    %get3A_1660 = arith.constant 9 : i32
    %get3A_1661 = arith.index_cast %get3A_1660 : i32 to index
    %get3A_1662 = arith.constant 96 : index
    %get3A_1663 = tpu.vector_load %arg8[%get3A_1661, %get3A_1662] {strides = array<i32>} : memref<26x128xf32, #tpu.memory_space<vmem>>, vector<16xf32>,
    %get3A_1664 = arith.constant 10 : i32
    %get3A_1665 = arith.index_cast %get3A_1664 : i32 to index
    %get3A_1666 = arith.constant 96 : index
    %get3A_1667 = tpu.vector_load %arg8[%get3A_1665, %get3A_1666] {strides = array<i32>} : memref<26x128xf32, #tpu.memory_space<vmem>>, vector<16xf32>,
    %get3A_1668 = arith.constant 11 : i32
    %get3A_1669 = arith.index_cast %get3A_1668 : i32 to index
    %get3A_1670 = arith.constant 96 : index
    %get3A_1671 = tpu.vector_load %arg8[%get3A_1669, %get3A_1670] {strides = array<i32>} : memref<26x128xf32, #tpu.memory_space<vmem>>, vector<16xf32>,
    %get3A_1672 = arith.constant 12 : i32
    %get3A_1673 = arith.index_cast %get3A_1672 : i32 to index
    %get3A_1674 = arith.constant 96 : index
    %get3A_1675 = tpu.vector_load %arg8[%get3A_1673, %get3A_1674] {strides = array<i32>} : memref<26x128xf32, #tpu.memory_space<vmem>>, vector<16xf32>,
    %get3A_1676 = arith.constant 13 : i32
    %get3A_1677 = arith.index_cast %get3A_1676 : i32 to index
    %get3A_1678 = arith.constant 96 : index
    %get3A_1679 = tpu.vector_load %arg8[%get3A_1677, %get3A_1678] {strides = array<i32>} : memref<26x128xf32, #tpu.memory_space<vmem>>, vector<16xf32>,
    %get3A_1680 = arith.constant 14 : i32
    %get3A_1681 = arith.index_cast %get3A_1680 : i32 to index
    %get3A_1682 = arith.constant 96 : index
    %get3A_1683 = tpu.vector_load %arg8[%get3A_1681, %get3A_1682] {strides = array<i32>} : memref<26x128xf32, #tpu.memory_space<vmem>>, vector<16xf32>,
    %get3A_1684 = arith.constant 15 : i32
    %get3A_1685 = arith.index_cast %get3A_1684 : i32 to index
    %get3A_1686 = arith.constant 96 : index
    %get3A_1687 = tpu.vector_load %arg8[%get3A_1685, %get3A_1686] {strides = array<i32>} : memref<26x128xf32, #tpu.memory_space<vmem>>, vector<16xf32>,
    %get3A_1688 = arith.constant 16 : i32
    %get3A_1689 = arith.index_cast %get3A_1688 : i32 to index
    %get3A_1690 = arith.constant 96 : index
    %get3A_1691 = tpu.vector_load %arg8[%get3A_1689, %get3A_1690] {strides = array<i32>} : memref<26x128xf32, #tpu.memory_space<vmem>>, vector<16xf32>,
    %get3A_1692 = arith.constant 17 : i32
    %get3A_1693 = arith.index_cast %get3A_1692 : i32 to index
    %get3A_1694 = arith.constant 96 : index
    %get3A_1695 = tpu.vector_load %arg8[%get3A_1693, %get3A_1694] {strides = array<i32>} : memref<26x128xf32, #tpu.memory_space<vmem>>, vector<16xf32>,
    %get3A_1696 = arith.constant 18 : i32
    %get3A_1697 = arith.index_cast %get3A_1696 : i32 to index
    %get3A_1698 = arith.constant 96 : index
    %get3A_1699 = tpu.vector_load %arg8[%get3A_1697, %get3A_1698] {strides = array<i32>} : memref<26x128xf32, #tpu.memory_space<vmem>>, vector<16xf32>,
    %get3A_1700 = arith.constant 19 : i32
    %get3A_1701 = arith.index_cast %get3A_1700 : i32 to index
    %get3A_1702 = arith.constant 96 : index
    %get3A_1703 = tpu.vector_load %arg8[%get3A_1701, %get3A_1702] {strides = array<i32>} : memref<26x128xf32, #tpu.memory_space<vmem>>, vector<16xf32>,
    %get3A_1704 = arith.constant 20 : i32
    %get3A_1705 = arith.index_cast %get3A_1704 : i32 to index
    %get3A_1706 = arith.constant 96 : index
    %get3A_1707 = tpu.vector_load %arg8[%get3A_1705, %get3A_1706] {strides = array<i32>} : memref<26x128xf32, #tpu.memory_space<vmem>>, vector<16xf32>,
    %get3A_1708 = arith.constant 21 : i32
    %get3A_1709 = arith.index_cast %get3A_1708 : i32 to index
    %get3A_1710 = arith.constant 96 : index
    %get3A_1711 = tpu.vector_load %arg8[%get3A_1709, %get3A_1710] {strides = array<i32>} : memref<26x128xf32, #tpu.memory_space<vmem>>, vector<16xf32>,
    %get3A_1712 = arith.constant 22 : i32
    %get3A_1713 = arith.index_cast %get3A_1712 : i32 to index
    %get3A_1714 = arith.constant 96 : index
    %get3A_1715 = tpu.vector_load %arg8[%get3A_1713, %get3A_1714] {strides = array<i32>} : memref<26x128xf32, #tpu.memory_space<vmem>>, vector<16xf32>,
    %get3A_1716 = arith.constant 23 : i32
    %get3A_1717 = arith.index_cast %get3A_1716 : i32 to index
    %get3A_1718 = arith.constant 96 : index
    %get3A_1719 = tpu.vector_load %arg8[%get3A_1717, %get3A_1718] {strides = array<i32>} : memref<26x128xf32, #tpu.memory_space<vmem>>, vector<16xf32>,
    %get3A_1720 = arith.constant 24 : i32
    %get3A_1721 = arith.index_cast %get3A_1720 : i32 to index
    %get3A_1722 = arith.constant 96 : index
    %get3A_1723 = tpu.vector_load %arg8[%get3A_1721, %get3A_1722] {strides = array<i32>} : memref<26x128xf32, #tpu.memory_space<vmem>>, vector<16xf32>,
    %get3A_1724 = arith.constant 25 : i32
    %get3A_1725 = arith.index_cast %get3A_1724 : i32 to index
    %get3A_1726 = arith.constant 96 : index
    %get3A_1727 = tpu.vector_load %arg8[%get3A_1725, %get3A_1726] {strides = array<i32>} : memref<26x128xf32, #tpu.memory_space<vmem>>, vector<16xf32>,
    %add3A_1728 = arith.addf %get3A_1627, %get3A_1631 : vector<16xf32>
    %add3A_1729 = arith.addf %get3A_1635, %get3A_1639 : vector<16xf32>
    %add3A_1730 = arith.addf %get3A_1643, %get3A_1647 : vector<16xf32>
    %add3A_1731 = arith.addf %get3A_1651, %get3A_1655 : vector<16xf32>
    %add3A_1732 = arith.addf %get3A_1659, %get3A_1663 : vector<16xf32>
    %add3A_1733 = arith.addf %get3A_1667, %get3A_1671 : vector<16xf32>
    %add3A_1734 = arith.addf %get3A_1675, %get3A_1679 : vector<16xf32>
    %add3A_1735 = arith.addf %get3A_1683, %get3A_1687 : vector<16xf32>
    %add3A_1736 = arith.addf %get3A_1691, %get3A_1695 : vector<16xf32>
    %add3A_1737 = arith.addf %get3A_1699, %get3A_1703 : vector<16xf32>
    %add3A_1738 = arith.addf %get3A_1707, %get3A_1711 : vector<16xf32>
    %add3A_1739 = arith.addf %get3A_1715, %get3A_1719 : vector<16xf32>
    %add3A_1740 = arith.addf %get3A_1723, %get3A_1727 : vector<16xf32>
    %add3A_1741 = arith.addf %add3A_1728, %add3A_1729 : vector<16xf32>
    %add3A_1742 = arith.addf %add3A_1730, %add3A_1731 : vector<16xf32>
    %add3A_1743 = arith.addf %add3A_1732, %add3A_1733 : vector<16xf32>
    %add3A_1744 = arith.addf %add3A_1734, %add3A_1735 : vector<16xf32>
    %add3A_1745 = arith.addf %add3A_1736, %add3A_1737 : vector<16xf32>
    %add3A_1746 = arith.addf %add3A_1738, %add3A_1739 : vector<16xf32>
    %add3A_1747 = arith.addf %add3A_1741, %add3A_1742 : vector<16xf32>
    %add3A_1748 = arith.addf %add3A_1743, %add3A_1744 : vector<16xf32>
    %add3A_1749 = arith.addf %add3A_1745, %add3A_1746 : vector<16xf32>
    %add3A_1750 = arith.addf %add3A_1747, %add3A_1748 : vector<16xf32>
    %add3A_1751 = arith.addf %add3A_1749, %add3A_1740 : vector<16xf32>
    %add3A_1752 = arith.addf %add3A_1750, %add3A_1751 : vector<16xf32>
    %swap3A_1753 = arith.constant 96 : index
    %swap3A_1754 = tpu.vector_load %arg10[%swap3A_1753] {strides = array<i32>} : memref<128xf32, #tpu.memory_space<vmem>>, vector<16xf32>,
    tpu.vector_store %arg10[%swap3A_1753], %add3A_1752 {strides = array<i32>} : memref<128xf32, #tpu.memory_space<vmem>>, vector<16xf32>,
    %get3A_1755 = arith.constant 0 : i32
    %get3A_1756 = arith.index_cast %get3A_1755 : i32 to index
    %get3A_1757 = arith.constant 112 : index
    %get3A_1758 = tpu.vector_load %arg8[%get3A_1756, %get3A_1757] {strides = array<i32>} : memref<26x128xf32, #tpu.memory_space<vmem>>, vector<16xf32>,
    %get3A_1759 = arith.constant 1 : i32
    %get3A_1760 = arith.index_cast %get3A_1759 : i32 to index
    %get3A_1761 = arith.constant 112 : index
    %get3A_1762 = tpu.vector_load %arg8[%get3A_1760, %get3A_1761] {strides = array<i32>} : memref<26x128xf32, #tpu.memory_space<vmem>>, vector<16xf32>,
    %get3A_1763 = arith.constant 2 : i32
    %get3A_1764 = arith.index_cast %get3A_1763 : i32 to index
    %get3A_1765 = arith.constant 112 : index
    %get3A_1766 = tpu.vector_load %arg8[%get3A_1764, %get3A_1765] {strides = array<i32>} : memref<26x128xf32, #tpu.memory_space<vmem>>, vector<16xf32>,
    %get3A_1767 = arith.constant 3 : i32
    %get3A_1768 = arith.index_cast %get3A_1767 : i32 to index
    %get3A_1769 = arith.constant 112 : index
    %get3A_1770 = tpu.vector_load %arg8[%get3A_1768, %get3A_1769] {strides = array<i32>} : memref<26x128xf32, #tpu.memory_space<vmem>>, vector<16xf32>,
    %get3A_1771 = arith.constant 4 : i32
    %get3A_1772 = arith.index_cast %get3A_1771 : i32 to index
    %get3A_1773 = arith.constant 112 : index
    %get3A_1774 = tpu.vector_load %arg8[%get3A_1772, %get3A_1773] {strides = array<i32>} : memref<26x128xf32, #tpu.memory_space<vmem>>, vector<16xf32>,
    %get3A_1775 = arith.constant 5 : i32
    %get3A_1776 = arith.index_cast %get3A_1775 : i32 to index
    %get3A_1777 = arith.constant 112 : index
    %get3A_1778 = tpu.vector_load %arg8[%get3A_1776, %get3A_1777] {strides = array<i32>} : memref<26x128xf32, #tpu.memory_space<vmem>>, vector<16xf32>,
    %get3A_1779 = arith.constant 6 : i32
    %get3A_1780 = arith.index_cast %get3A_1779 : i32 to index
    %get3A_1781 = arith.constant 112 : index
    %get3A_1782 = tpu.vector_load %arg8[%get3A_1780, %get3A_1781] {strides = array<i32>} : memref<26x128xf32, #tpu.memory_space<vmem>>, vector<16xf32>,
    %get3A_1783 = arith.constant 7 : i32
    %get3A_1784 = arith.index_cast %get3A_1783 : i32 to index
    %get3A_1785 = arith.constant 112 : index
    %get3A_1786 = tpu.vector_load %arg8[%get3A_1784, %get3A_1785] {strides = array<i32>} : memref<26x128xf32, #tpu.memory_space<vmem>>, vector<16xf32>,
    %get3A_1787 = arith.constant 8 : i32
    %get3A_1788 = arith.index_cast %get3A_1787 : i32 to index
    %get3A_1789 = arith.constant 112 : index
    %get3A_1790 = tpu.vector_load %arg8[%get3A_1788, %get3A_1789] {strides = array<i32>} : memref<26x128xf32, #tpu.memory_space<vmem>>, vector<16xf32>,
    %get3A_1791 = arith.constant 9 : i32
    %get3A_1792 = arith.index_cast %get3A_1791 : i32 to index
    %get3A_1793 = arith.constant 112 : index
    %get3A_1794 = tpu.vector_load %arg8[%get3A_1792, %get3A_1793] {strides = array<i32>} : memref<26x128xf32, #tpu.memory_space<vmem>>, vector<16xf32>,
    %get3A_1795 = arith.constant 10 : i32
    %get3A_1796 = arith.index_cast %get3A_1795 : i32 to index
    %get3A_1797 = arith.constant 112 : index
    %get3A_1798 = tpu.vector_load %arg8[%get3A_1796, %get3A_1797] {strides = array<i32>} : memref<26x128xf32, #tpu.memory_space<vmem>>, vector<16xf32>,
    %get3A_1799 = arith.constant 11 : i32
    %get3A_1800 = arith.index_cast %get3A_1799 : i32 to index
    %get3A_1801 = arith.constant 112 : index
    %get3A_1802 = tpu.vector_load %arg8[%get3A_1800, %get3A_1801] {strides = array<i32>} : memref<26x128xf32, #tpu.memory_space<vmem>>, vector<16xf32>,
    %get3A_1803 = arith.constant 12 : i32
    %get3A_1804 = arith.index_cast %get3A_1803 : i32 to index
    %get3A_1805 = arith.constant 112 : index
    %get3A_1806 = tpu.vector_load %arg8[%get3A_1804, %get3A_1805] {strides = array<i32>} : memref<26x128xf32, #tpu.memory_space<vmem>>, vector<16xf32>,
    %get3A_1807 = arith.constant 13 : i32
    %get3A_1808 = arith.index_cast %get3A_1807 : i32 to index
    %get3A_1809 = arith.constant 112 : index
    %get3A_1810 = tpu.vector_load %arg8[%get3A_1808, %get3A_1809] {strides = array<i32>} : memref<26x128xf32, #tpu.memory_space<vmem>>, vector<16xf32>,
    %get3A_1811 = arith.constant 14 : i32
    %get3A_1812 = arith.index_cast %get3A_1811 : i32 to index
    %get3A_1813 = arith.constant 112 : index
    %get3A_1814 = tpu.vector_load %arg8[%get3A_1812, %get3A_1813] {strides = array<i32>} : memref<26x128xf32, #tpu.memory_space<vmem>>, vector<16xf32>,
    %get3A_1815 = arith.constant 15 : i32
    %get3A_1816 = arith.index_cast %get3A_1815 : i32 to index
    %get3A_1817 = arith.constant 112 : index
    %get3A_1818 = tpu.vector_load %arg8[%get3A_1816, %get3A_1817] {strides = array<i32>} : memref<26x128xf32, #tpu.memory_space<vmem>>, vector<16xf32>,
    %get3A_1819 = arith.constant 16 : i32
    %get3A_1820 = arith.index_cast %get3A_1819 : i32 to index
    %get3A_1821 = arith.constant 112 : index
    %get3A_1822 = tpu.vector_load %arg8[%get3A_1820, %get3A_1821] {strides = array<i32>} : memref<26x128xf32, #tpu.memory_space<vmem>>, vector<16xf32>,
    %get3A_1823 = arith.constant 17 : i32
    %get3A_1824 = arith.index_cast %get3A_1823 : i32 to index
    %get3A_1825 = arith.constant 112 : index
    %get3A_1826 = tpu.vector_load %arg8[%get3A_1824, %get3A_1825] {strides = array<i32>} : memref<26x128xf32, #tpu.memory_space<vmem>>, vector<16xf32>,
    %get3A_1827 = arith.constant 18 : i32
    %get3A_1828 = arith.index_cast %get3A_1827 : i32 to index
    %get3A_1829 = arith.constant 112 : index
    %get3A_1830 = tpu.vector_load %arg8[%get3A_1828, %get3A_1829] {strides = array<i32>} : memref<26x128xf32, #tpu.memory_space<vmem>>, vector<16xf32>,
    %get3A_1831 = arith.constant 19 : i32
    %get3A_1832 = arith.index_cast %get3A_1831 : i32 to index
    %get3A_1833 = arith.constant 112 : index
    %get3A_1834 = tpu.vector_load %arg8[%get3A_1832, %get3A_1833] {strides = array<i32>} : memref<26x128xf32, #tpu.memory_space<vmem>>, vector<16xf32>,
    %get3A_1835 = arith.constant 20 : i32
    %get3A_1836 = arith.index_cast %get3A_1835 : i32 to index
    %get3A_1837 = arith.constant 112 : index
    %get3A_1838 = tpu.vector_load %arg8[%get3A_1836, %get3A_1837] {strides = array<i32>} : memref<26x128xf32, #tpu.memory_space<vmem>>, vector<16xf32>,
    %get3A_1839 = arith.constant 21 : i32
    %get3A_1840 = arith.index_cast %get3A_1839 : i32 to index
    %get3A_1841 = arith.constant 112 : index
    %get3A_1842 = tpu.vector_load %arg8[%get3A_1840, %get3A_1841] {strides = array<i32>} : memref<26x128xf32, #tpu.memory_space<vmem>>, vector<16xf32>,
    %get3A_1843 = arith.constant 22 : i32
    %get3A_1844 = arith.index_cast %get3A_1843 : i32 to index
    %get3A_1845 = arith.constant 112 : index
    %get3A_1846 = tpu.vector_load %arg8[%get3A_1844, %get3A_1845] {strides = array<i32>} : memref<26x128xf32, #tpu.memory_space<vmem>>, vector<16xf32>,
    %get3A_1847 = arith.constant 23 : i32
    %get3A_1848 = arith.index_cast %get3A_1847 : i32 to index
    %get3A_1849 = arith.constant 112 : index
    %get3A_1850 = tpu.vector_load %arg8[%get3A_1848, %get3A_1849] {strides = array<i32>} : memref<26x128xf32, #tpu.memory_space<vmem>>, vector<16xf32>,
    %get3A_1851 = arith.constant 24 : i32
    %get3A_1852 = arith.index_cast %get3A_1851 : i32 to index
    %get3A_1853 = arith.constant 112 : index
    %get3A_1854 = tpu.vector_load %arg8[%get3A_1852, %get3A_1853] {strides = array<i32>} : memref<26x128xf32, #tpu.memory_space<vmem>>, vector<16xf32>,
    %get3A_1855 = arith.constant 25 : i32
    %get3A_1856 = arith.index_cast %get3A_1855 : i32 to index
    %get3A_1857 = arith.constant 112 : index
    %get3A_1858 = tpu.vector_load %arg8[%get3A_1856, %get3A_1857] {strides = array<i32>} : memref<26x128xf32, #tpu.memory_space<vmem>>, vector<16xf32>,
    %add3A_1859 = arith.addf %get3A_1758, %get3A_1762 : vector<16xf32>
    %add3A_1860 = arith.addf %get3A_1766, %get3A_1770 : vector<16xf32>
    %add3A_1861 = arith.addf %get3A_1774, %get3A_1778 : vector<16xf32>
    %add3A_1862 = arith.addf %get3A_1782, %get3A_1786 : vector<16xf32>
    %add3A_1863 = arith.addf %get3A_1790, %get3A_1794 : vector<16xf32>
    %add3A_1864 = arith.addf %get3A_1798, %get3A_1802 : vector<16xf32>
    %add3A_1865 = arith.addf %get3A_1806, %get3A_1810 : vector<16xf32>
    %add3A_1866 = arith.addf %get3A_1814, %get3A_1818 : vector<16xf32>
    %add3A_1867 = arith.addf %get3A_1822, %get3A_1826 : vector<16xf32>
    %add3A_1868 = arith.addf %get3A_1830, %get3A_1834 : vector<16xf32>
    %add3A_1869 = arith.addf %get3A_1838, %get3A_1842 : vector<16xf32>
    %add3A_1870 = arith.addf %get3A_1846, %get3A_1850 : vector<16xf32>
    %add3A_1871 = arith.addf %get3A_1854, %get3A_1858 : vector<16xf32>
    %add3A_1872 = arith.addf %add3A_1859, %add3A_1860 : vector<16xf32>
    %add3A_1873 = arith.addf %add3A_1861, %add3A_1862 : vector<16xf32>
    %add3A_1874 = arith.addf %add3A_1863, %add3A_1864 : vector<16xf32>
    %add3A_1875 = arith.addf %add3A_1865, %add3A_1866 : vector<16xf32>
    %add3A_1876 = arith.addf %add3A_1867, %add3A_1868 : vector<16xf32>
    %add3A_1877 = arith.addf %add3A_1869, %add3A_1870 : vector<16xf32>
    %add3A_1878 = arith.addf %add3A_1872, %add3A_1873 : vector<16xf32>
    %add3A_1879 = arith.addf %add3A_1874, %add3A_1875 : vector<16xf32>
    %add3A_1880 = arith.addf %add3A_1876, %add3A_1877 : vector<16xf32>
    %add3A_1881 = arith.addf %add3A_1878, %add3A_1879 : vector<16xf32>
    %add3A_1882 = arith.addf %add3A_1880, %add3A_1871 : vector<16xf32>
    %add3A_1883 = arith.addf %add3A_1881, %add3A_1882 : vector<16xf32>
    %swap3A_1884 = arith.constant 112 : index
    %swap3A_1885 = tpu.vector_load %arg10[%swap3A_1884] {strides = array<i32>} : memref<128xf32, #tpu.memory_space<vmem>>, vector<16xf32>,
    tpu.vector_store %arg10[%swap3A_1884], %add3A_1883 {strides = array<i32>} : memref<128xf32, #tpu.memory_space<vmem>>, vector<16xf32>,
    "tpu.region"() ({
      %run_scoped3A = tpu.sem_alloc : memref<!tpu.dma_semaphore, #tpu.memory_space<semaphore_mem>>
      %dma_start3A_1886 = tpu.memref_slice %arg5[%mul3A_2] : memref<4096xf32, #tpu.memory_space<hbm>> -> memref<128xf32, #tpu.memory_space<hbm>>
      %dma_start3A_1887 = tpu.memref_slice %arg5[%mul3A_2] : memref<4096xf32, #tpu.memory_space<hbm>> -> memref<128xf32, #tpu.memory_space<hbm>>
      tpu.enqueue_dma source(%arg10 : memref<128xf32, #tpu.memory_space<vmem>>) target(%dma_start3A_1887 : memref<128xf32, #tpu.memory_space<hbm>>) target_semaphore(%run_scoped3A : memref<!tpu.dma_semaphore, #tpu.memory_space<semaphore_mem>>)
      %dma_wait3A_1888 = tpu.memref_slice %arg5[%mul3A_2] : memref<4096xf32, #tpu.memory_space<hbm>> -> memref<128xf32, #tpu.memory_space<hbm>>
      %dma_wait3A_1889 = tpu.memref_slice %arg5[%mul3A_2] : memref<4096xf32, #tpu.memory_space<hbm>> -> memref<128xf32, #tpu.memory_space<hbm>>
      tpu.wait_dma2 semaphore(%run_scoped3A : memref<!tpu.dma_semaphore, #tpu.memory_space<semaphore_mem>>) src(%arg10 : memref<128xf32, #tpu.memory_space<vmem>>) dst(%dma_wait3A_1889 : memref<128xf32, #tpu.memory_space<hbm>>)
      tpu.yield
    }) : () -> ()
    return
  }
}

module attributes {stable_mosaic.version = 14 : i64} {
  func.func @_fm_tc_body(%arg0: i32, %arg1: memref<26x32x256xf32, #tpu.memory_space<vmem>>, %arg2: memref<256xf32, #tpu.memory_space<vmem>>) attributes {dimension_semantics = [#tpu.dimension_semantics<arbitrary>], iteration_bounds = array<i64: 8>, scalar_prefetch = 0 : i64, scratch_operands = 0 : i64, tpu.core_type = #tpu.core_type<tc>, window_params = [{transform_indices = @transform_0, window_bounds = array<i64: 26, 32, 256>}, {transform_indices = @transform_1, window_bounds = array<i64: 256>}]} {
    %get3A = arith.constant 0 : index
    %get3A_0 = arith.constant 0 : index
    %get3A_1 = arith.constant 0 : index
    %get3A_2 = vector.load %arg1[%get3A, %get3A_0, %get3A_1] : memref<26x32x256xf32, #tpu.memory_space<vmem>>, vector<26x32x256xf32>
    %reduce_sum3A = arith.constant dense<0.000000e+00> : vector<32x256xf32>
    %reduce_sum3A_3 = vector.multi_reduction <add>, %get3A_2, %reduce_sum3A [0] : vector<26x32x256xf32> to vector<32x256xf32>
    %mul3A = arith.mulf %get3A_2, %get3A_2 : vector<26x32x256xf32>
    %reduce_sum3A_4 = arith.constant dense<0.000000e+00> : vector<32x256xf32>
    %reduce_sum3A_5 = vector.multi_reduction <add>, %mul3A, %reduce_sum3A_4 [0] : vector<26x32x256xf32> to vector<32x256xf32>
    %mul3A_6 = arith.mulf %reduce_sum3A_3, %reduce_sum3A_3 : vector<32x256xf32>
    %sub3A = arith.subf %mul3A_6, %reduce_sum3A_5 : vector<32x256xf32>
    %reduce_sum3A_7 = arith.constant dense<0.000000e+00> : vector<256xf32>
    %reduce_sum3A_8 = vector.multi_reduction <add>, %sub3A, %reduce_sum3A_7 [0] : vector<32x256xf32> to vector<256xf32>
    %mul3A_9 = arith.constant 5.000000e-01 : f32
    %mul3A_10 = vector.broadcast %mul3A_9 : f32 to vector<256xf32>
    %mul3A_11 = arith.mulf %mul3A_10, %reduce_sum3A_8 : vector<256xf32>
    %swap3A = arith.constant 0 : index
    %swap3A_12 = vector.load %arg2[%swap3A] : memref<256xf32, #tpu.memory_space<vmem>>, vector<256xf32>
    tpu.vector_store %arg2[%swap3A], %mul3A_11 {strides = array<i32>} : memref<256xf32, #tpu.memory_space<vmem>>, vector<256xf32>,
    return
  }
  func.func @transform_0(%arg0: i32) -> (i32, i32, i32) {
    %add3A = arith.constant 8 : i32
    %add3A_0 = arith.addi %arg0, %add3A : i32
    %c0_i32 = arith.constant 0 : i32
    %c0_i32_1 = arith.constant 0 : i32
    %c0_i32_2 = arith.constant 0 : i32
    return %c0_i32, %c0_i32_1, %add3A_0 : i32, i32, i32
  }
  func.func @transform_1(%arg0: i32) -> i32 {
    %c0_i32 = arith.constant 0 : i32
    return %arg0 : i32
  }
}

</mosaic_0001>

<sc_bundles>
// kernel: kernel.4.cloned.1.call-start
scs
__scs_entry_jumppad:
0x0: {  	(pc) =	sbr.rel $0x88, $3  }
0x1: {  	(tag) =	ssettag $0x0;
	lr =	simm.s32 $0x1  }
0x2: {  	[smem:$0x3F9E] =	sst lr;
	_ =	strace $0xD0000000  }
0x3: {  	_ = 	snop  }
0x4: {  	_ = 	snop  }
0x5: {  	_ = 	snop  }
0x6: {  	_ = 	snop  }
0x7: {  	_ = 	snop  }
__scs_overlays_trampoline_lowered:
0x8: {  	[smem:$0x3FAD] =	sst s0  }
0x9: {  	[smem:$0x3FAE] =	sst s1  }
0xa: {  	[smem:$0x3FAF] =	sst s2  }
0xb: {  	[smem:$0x3FB0] =	sst s3  }
0xc: {  	[smem:$0x3FB1] =	sst s4  }
0xd: {  	[smem:$0x3FB2] =	sst s5  }
0xe: {  	[smem:$0x3FB3] =	sst s6  }
0xf: {  	[smem:$0x3FB4] =	sst s7  }
0x10: {  	[smem:$0x3FB5] =	sst s8  }
0x11: {  	[smem:$0x3FB6] =	sst s9;
	s0 =	simm.s32 @!p0 $0x0  }
0x12: {  	s1 =	sld [smem:$0x3F9C];
	s0 =	simm.s32 @p0 $0x1  }
0x13: {  	[smem:$0x3FB7] =	sst s0;
	s0 =	simm.s32 @!p1 $0x0  }
0x14: {  	s2 =	sld [smem:$0x3F9B];
	s0 =	simm.s32 @p1 $0x1  }
0x15: {  	[smem:$0x3FB8] =	sst s0;
	s0 =	simm.s32 @!p2 $0x0  }
0x16: {  	s3 =	sld [smem:$0x3FDB];
	s0 =	simm.s32 @p2 $0x1  }
0x17: {  	s4 =	simm.s32 $0x1BF5;
	[smem:$0x3FBA] =	sst s0  }
0x18: {  	s0 =	sld [smem:$0x3F9D];
	_ =	swait.ge [sflag:s4], $0x0  }
0x19: {  	s7 =	sld [smem:$0x3F9E]  }
0x1a: {  	s8 =	sadd.s32 $0xFFFFE003, lr  }
0x1b: {  	s9 =	sadd.s32 $0xFFFFFEF7, lr;
	s5 =	simm.s32 $0xFFFFFFFF;
	p2 =	slt.u32 s8, $0xFFFFF086  }
0x1c: {  	p1 =	slt.u32 s9, $0xF7A;
	s5 =	simm.s32 @!p2 $0x0  }
0x1d: {  	s5 =	simm.s32 @p1 $0x1;
	p0 =	seq.s32 s7, s2  }
0x1e: {  	s7 =	smul.u32 @!p0 $0xF7A, s2;
	p2 =	seq.s32 @!p0 s5, $0x0  }
0x1f: {  	s9 =	smul.u32 $0xF7A, s1;
	s8 =	simm.s32 @!p0 $0x1BF5;
	p2 =	por !p2, p0  }
0x20: {  	[sflag:s8] =	ssyncset.s32 @!p0 $0xFFFFF086;
	s6 =	sadd.s32 @!p0 s3, s7;
	s7 =	simm.s32 @!p0 $0x108  }
0x21: {  	s3 =	sadd.s32 s3, s9;
	s6 =	sadd.s32 @!p0 $0x88, s6;
	s7 =	simm.s32 @p2 $0x1082  }
0x22: {  	[simem:s7], [sflag:s8] =	dma.local @!p0 [hbm:s6], $0xF7A  }
0x23: {  	s9 =	sor.u32 $0xD0000000, s2;
	s6 =	simm.s32 $0x108;
	_ =	swait.ge @!p0 [sflag:s8], $0x0  }
0x24: {  	s3 =	sadd.s32 $0x88, s3;
	s6 =	simm.s32 @!p1 $0x1082;
	[sflag:s4] =	ssyncset.s32 $0xFFFFF086  }
0x25: {  	[simem:s6], [sflag:s4] =	dma.local [hbm:s3], $0xF7A  }
0x26: {  	[smem:$0x3F9E] =	sst s1;
	(tag) =	ssettag s2;
	_ =	strace s9  }
0x27: {  	s1 =	sld [smem:$0x3FAE]  }
0x28: {  	s2 =	sld [smem:$0x3FAF]  }
0x29: {  	s4 =	sld [smem:$0x3FB1]  }
0x2a: {  	p0 =	seq.s32 s5, $0x0;
	s5 =	sld [smem:$0x3FB2]  }
0x2b: {  	s6 =	sld [smem:$0x3FB3]  }
0x2c: {  	s7 =	sld [smem:$0x3FB4]  }
0x2d: {  	s3 =	simm.s32 $0x108;
	s8 =	sld [smem:$0x3FB5]  }
0x2e: {  	s3 =	simm.s32 @!p0 $0x1082;
	s9 =	sld [smem:$0x3FB6]  }
0x2f: {  	lr =	sadd.s32 s0, s3;
	s0 =	sld [smem:$0x3FAD]  }
0x30: {  	s3 =	sld [smem:$0x3FB0]  }
0x31: {  	[smem:$0x3FB9] =	sst s10  }
0x32: {  	s10 =	sld [smem:$0x3FB7];
	_ =	sdelay $0x3  }
0x33: {  	p0 =	seq.s32 s10, $0x1;
	s10 =	sld [smem:$0x3FB9];
	_ =	sdelay $0x3  }
0x34: {  	[smem:$0x3FB9] =	sst s10  }
0x35: {  	s10 =	sld [smem:$0x3FB8];
	_ =	sdelay $0x3  }
0x36: {  	p1 =	seq.s32 s10, $0x1;
	s10 =	sld [smem:$0x3FB9];
	_ =	sdelay $0x3  }
0x37: {  	[smem:$0x3FB9] =	sst s10  }
0x38: {  	s10 =	sld [smem:$0x3FBA]  }
0x39: {  	_ = 	snop;
	(pc) =	sbr.ind lr, $3  }
0x3a: {  	_ = 	snop  }
0x3b: {  	_ = 	snop  }
0x3c: {  	p2 =	seq.s32 s10, $0x1;
	s10 =	sld [smem:$0x3FB9]  }
0x3d: {  	_ =	shalt  }
0x3e: {  	_ =	shalt  }
0x3f: {  	_ =	shalt  }
0x40: {  	_ =	shalt  }
0x41: {  	_ =	shalt  }
0x42: {  	_ =	shalt  }
0x43: {  	_ =	shalt  }
0x44: {  	_ =	shalt  }
0x45: {  	_ =	shalt  }
0x46: {  	_ =	shalt  }
0x47: {  	_ =	shalt  }
0x48: {  	_ =	shalt  }
0x49: {  	_ =	shalt  }
0x4a: {  	_ =	shalt  }
0x4b: {  	_ =	shalt  }
0x4c: {  	_ =	shalt  }
0x4d: {  	_ =	shalt  }
0x4e: {  	_ =	shalt  }
0x4f: {  	_ =	shalt  }
0x50: {  	_ =	shalt  }
0x51: {  	_ =	shalt  }
0x52: {  	_ =	shalt  }
0x53: {  	_ =	shalt  }
0x54: {  	_ =	shalt  }
0x55: {  	_ =	shalt  }
0x56: {  	_ =	shalt  }
0x57: {  	_ =	shalt  }
0x58: {  	_ =	shalt  }
0x59: {  	_ =	shalt  }
0x5a: {  	_ =	shalt  }
0x5b: {  	_ =	shalt  }
0x5c: {  	_ =	shalt  }
0x5d: {  	_ =	shalt  }
0x5e: {  	_ =	shalt  }
0x5f: {  	_ =	shalt  }
0x60: {  	_ =	shalt  }
0x61: {  	_ =	shalt  }
0x62: {  	_ =	shalt  }
0x63: {  	_ =	shalt  }
0x64: {  	_ =	shalt  }
0x65: {  	_ =	shalt  }
0x66: {  	_ =	shalt  }
0x67: {  	_ =	shalt  }
0x68: {  	_ =	shalt  }
0x69: {  	_ =	shalt  }
0x6a: {  	_ =	shalt  }
0x6b: {  	_ =	shalt  }
0x6c: {  	_ =	shalt  }
0x6d: {  	_ =	shalt  }
0x6e: {  	_ =	shalt  }
0x6f: {  	_ =	shalt  }
0x70: {  	_ =	shalt  }
0x71: {  	_ =	shalt  }
0x72: {  	_ =	shalt  }
0x73: {  	_ =	shalt  }
0x74: {  	_ =	shalt  }
0x75: {  	_ =	shalt  }
0x76: {  	_ =	shalt  }
0x77: {  	_ =	shalt  }
0x78: {  	_ =	shalt  }
0x79: {  	_ =	shalt  }
0x7a: {  	_ =	shalt  }
0x7b: {  	_ =	shalt  }
0x7c: {  	_ =	shalt  }
0x7d: {  	_ =	shalt  }
0x7e: {  	_ =	shalt  }
0x7f: {  	_ =	shalt  }
0x80: {  	_ =	shalt  }
0x81: {  	_ =	shalt  }
0x82: {  	_ =	shalt  }
0x83: {  	_ =	shalt  }
0x84: {  	_ =	shalt  }
0x85: {  	_ =	shalt  }
0x86: {  	_ =	shalt  }
0x87: {  	_ =	shalt  }
.Lfunc_end0:
.L_simem_size_0:
called_computation_lowered:
.L_overlay_start_0:
0x88: {  	s2 =	sld [smem:$0x3FD9]  }
0x89: {  	s3 =	sld [smem:$0x3FFE];
	_ =	sdelay $0x1  }
0x8a: {  	s1 =	srdreg.scid  }
0x8b: {  	s0 =	sand.u32 $0x1, s1  }
0x8c: {  	s17 =	sshll.u32 s0, $0xA;
	s2 =	sadd.s32 s3, s2  }
0x8d: {  	s2 =	sadd.s32 s2, s17  }
0x8e: {  	[smem:$0x3FC5] =	sst s2  }
0x8f: {  	_ = 	snop  }
0x90: {  	s2 =	sld [smem:$0x3FC9]  }
0x91: {  	s18 =	sld [smem:$0x3FC8]  }
0x92: {  	s4 =	sld [smem:$0x3FC7]  }
0x93: {  	s5 =	sld [smem:$0x3FD0];
	(tm) =	ssettm $0x1  }
0x94: {  	s6 =	sld [smem:$0x3FFB];
	_ =	sdelay $0x3  }
0x95: {  	_ =	strace s6  }
0x96: {  	s6 =	sld [smem:$0x3FFC];
	_ =	sdelay $0x3  }
0x97: {  	_ =	strace s6  }
0x98: {  	s6 =	sld [smem:$0x3FFD];
	_ =	sdelay $0x3  }
0x99: {  	_ =	strace s6  }
0x9a: {  	_ =	strace $0x8FFFFFFF  }
0x9b: {  	s19 =	sld [smem:$0x3FDB];
	_ =	sdelay $0x1  }
0x9c: {  	s7 =	simm.s32 $_scs_section_size  }
0x9d: {  	s8 =	simm.s32 $_size__tile_overlayer_lowered;
	s9 =	simm.s32 $_tile_overlayer_lowered  }
0x9e: {  	s22 =	simm.s32 $0x1BFF;
	s21 =	sshll.u32 s9, $0x1;
	s6 =	sadd.s32 s7, s19  }
0x9f: {  	s10 =	simm.s32 $0x0;
	s20 =	sshll.u32 s8, $0x1;
	s8 =	sadd.s32 s21, s6  }
0xa0: {  	[timem:s10], [sflag:s22] =	dma.local [hbm:s8], s20  }
0xa1: {  	_ =	swait.ge [sflag:s22], s20  }
0xa2: {  	s7 =	ssub.s32 $0x0, s20;
	[sflag:s22] =	ssyncset.done $0x0  }
0xa3: {  	[sflag:s22] =	ssyncadd.s32 s7;
	_ =	sdelay $0x1  }
0xa4: {  	s23 =	simm.s32 $0x1B8B  }
0xa5: {  	_ =	swait.ge [sflag:s23], $0x1  }
0xa6: {  	[sflag:s23] =	ssyncset.done $0x0  }
0xa7: {  	s25 =	simm.s32 $0x1B8E;
	s24 =	sld [smem:$0x3FFE];
	[sflag:s23] =	ssyncadd.s32 $0xFFFFFFFF  }
0xa8: {  	s26 =	simm.s32 $execute0_lowered;
	[smem:$0x3FD2] =	sst s25  }
0xa9: {  	s8 =	sshll.u32 s26, $0x1;
	_ =	strace $0x80000046;
	[dreg:$0x1] =	wrdreg $0xFFFFFFFF  }
0xaa: {  	s28 =	simm.s32 $_size_execute0_lowered;
	s6 =	sadd.s32 s6, s8;
	[dreg:$0x0] =	wrdreg $0x0  }
0xab: {  	s8 =	sshll.u32 s28, $0x1;
	[dreg:$0x2] =	wrdreg s6  }
0xac: {  	[dreg:$0x3] =	wrdreg s8  }
0xad: {  	[dreg:$0x4] =	wrdreg $0xC0  }
0xae: {  	_ =	task [dreg:s10], $0x5FFFF  }
0xaf: {  	[dreg:$0x1] =	wrdreg $0xFFFFFFFF  }
0xb0: {  	[dreg:$0x0] =	wrdreg $0x60  }
0xb1: {  	[dreg:$0x2] =	wrdreg s2  }
0xb2: {  	[dreg:$0x3] =	wrdreg s18  }
0xb3: {  	[dreg:$0x4] =	wrdreg s4  }
0xb4: {  	[dreg:$0x5] =	wrdreg s5  }
0xb5: {  	[dreg:$0x6] =	wrdreg s24  }
0xb6: {  	[dreg:$0x7] =	wrdreg $0x9  }
0xb7: {  	_ =	task.clear_ibuf [dreg:s10], $0x8FFFF;
	_ =	strace $0x90000046  }
0xb8: {  	s29 =	simm.s32 $0x9;
	_ =	strace $0x80000048  }
0xb9: {  	_ =	swait.ge [sflag:s29], $0x1  }
0xba: {  	[sflag:s29] =	ssyncadd.s32 $0xFFFFFFFF  }
0xbb: {  	_ =	strace $0x90000048  }
0xbc: {  	_ =	sfence  }
0xbd: {  	s30 =	sld [smem:$0x0];
	_ =	sdelay $0x2  }
0xbe: {  	s31 =	sshll.u32 s1, $0xD;
	s1 =	sshrl.u32 s1, $0x2  }
0xbf: {  	s3 =	sand.u32 $0x4000, s31;
	s1 =	sadd.s32 s1, s30  }
0xc0: {  	s0 =	sor.u32 s3, s0;
	s1 =	sshll.u32 s1, $0x11  }
0xc1: {  	s0 =	sor.u32 s1, s0  }
0xc2: {  	s0 =	sadd.s32 $0x8F2B, s0  }
0xc3: {  	[sflag:s0] =	ssyncadd.remote.s32 $0x1  }
0xc4: {  	_ =	sfence.sel $0xFFFF  }
0xc5: {  	[dreg:$0x0] =	wrdreg $0xFFFFFFFF;
	(pc) =	sbr.abs _section_cstart, $3  }
0xc6: {  	[dreg:$0x1] =	wrdreg $0xFFFFFFFF  }
0xc7: {  	_ =	task.clear_ibuf [dreg:s10], $0x2FFFF;
	_ =	strace $0x9FFFFFFF  }
0xc8: {  	(tm) =	ssettm $0x7FFFFFFF  }
0xc9: {  	_ =	shalt  }
tec
execute0_lowered:
.L_overlay_start_1:
0x0: {  	(tag) =	ssettag $0x1  }
0x1: {  	s0 =	rddreg [dreg:$0x0]  }
0x2: {  	s2 =	rddreg [dreg:$0x1]  }
0x3: {  	s1 =	rddreg [dreg:$0x2]  }
0x4: {  	s8 =	rddreg [dreg:$0x3]  }
0x5: {  	s5 =	rddreg [dreg:$0x4]  }
0x6: {  	s4 =	srdreg.scid;
	s7 =	stileid.u32;
	s3 =	simm.s32 $0x0  }
0x7: {  	s13 =	simm.s32 $0xC00;
	s14 =	simm.s32 $0x4;
	s15 =	simm.s32 $0x80  }
0x8: {  	s17 =	simm.s32 $0xA00;
	s18 =	simm.s32 $0x1A00;
	s19 =	simm.s32 $0xA80  }
0x9: {  	s28 =	simm.s32 $0x1C80;
	s29 =	simm.s32 $0xF080;
	s30 =	simm.s32 $0x1  }
0xa: {  	s31 =	simm.s32 $0xF000;
	s4 =	sand.u32 $0x1, s4;
	s6 =	sshll.u32 s7, $0x1  }
0xb: {  	[smem:$0x7FF] =	sst s3;
	s20 =	sshrl.u32 s7, $0x3;
	s9 =	sor.u32 s4, s6  }
0xc: {  	_ =	strace $0x80000047;
	s11 =	sshll.u32 s20, $0xB;
	s6 =	sshll.u32 s20, $0xD  }
0xd: {  	s12 =	ssub.s32 $0x2, s4;
	s20 =	simm.s32 $0x1A80;
	s21 =	sshll.u32 s9, $0x7  }
0xe: {  	s24 =	sshrl.u32 s12, $0x1;
	s26 =	sshll.u32 s9, $0x4;
	s10 =	sand.u32 $0x780, s21  }
0xf: {  	s8 =	sadd.s32 s8, s26;
	s26 =	simm.s32 $0xC80;
	s11 =	sor.u32 s11, s10  }
0x10: {  	s22 =	sor.u32 s6, s10;
	s10 =	ssub.s32 s12, s24;
	s6 =	sadd.s32 s0, s21  }
.Ltmp0:
0x11: {  	s21 =	simm.s32 $0xB00;
	s24 =	simm.s32 $0x1B80;
	(pc) =	sbr.rel .LBB2_1-.Ltmp0, $4  }
0x12: {  	s0 =	simm.s32 $0x0;
	s23 =	sshrl.u32 s11, $0x3;
	s4 =	sadd.s32 s2, s22  }
0x13: {  	s9 =	smax.u32 s10, $0x1;
	s10 =	simm.s32 $0x400;
	s12 =	sadd.s32 $0x3000, s6  }
0x14: {  	s22 =	simm.s32 $0x1B00;
	s25 =	sadd.s32 s23, s5;
	s5 =	sadd.s32 $0x1000, s4  }
0x15: {  	s23 =	simm.s32 $0xB80;
	s7 =	sadd.s32 $0xA00, s25;
	s25 =	simm.s32 $0x1C00  }
.LBB2_12:
0x16: {  	v7 =	vmul.f32 $5.000000000e-01, v7  }
0x17: {  	v6 =	vmul.f32 $5.000000000e-01, v6  }
0x18: {  	v5 =	vmul.f32 $5.000000000e-01, v5;
	[tilespmem:$0xF080] =	vst v7  }
0x19: {  	v4 =	vmul.f32 $5.000000000e-01, v4;
	[tilespmem:$0xF090] =	vst v6  }
0x1a: {  	v3 =	vmul.f32 $5.000000000e-01, v3;
	[tilespmem:$0xF0A0] =	vst v5  }
0x1b: {  	v2 =	vmul.f32 $5.000000000e-01, v2;
	[tilespmem:$0xF0B0] =	vst v4  }
0x1c: {  	v1 =	vmul.f32 $5.000000000e-01, v1;
	[tilespmem:$0xF0C0] =	vst v3  }
0x1d: {  	v0 =	vmul.f32 $5.000000000e-01, v0;
	[tilespmem:$0xF0D0] =	vst v2  }
0x1e: {  	[tilespmem:$0xF0E0] =	vst v1  }
0x1f: {  	[tilespmem:$0xF0F0] =	vst v0  }
0x20: {  	[hbm4b:s7+s3] =	stream.linear.scatter [tilespmem:s29], [sflag:$0x4], $0x80, $0x38;
	[tilespmem:$0xF100] =	vst v63  }
0x21: {  	_ =	swait.ge [sflag:s14], $0x80  }
0x22: {  	[sflag:s14] =	ssyncset.done $0x0  }
0x23: {  	[sflag:s14] =	ssyncadd.s32 $0xFFFFFF80  }
0x24: {  	_ =	swait.ge [sflag:s30], $0x80  }
0x25: {  	[sflag:s30] =	ssyncset.done $0x0  }
0x26: {  	[sflag:s30] =	ssyncadd.s32 $0xFFFFFF80  }
0x27: {  	_ =	swait.ge [sflag:s30], $0x80  }
0x28: {  	[sflag:s30] =	ssyncset.done $0x0  }
0x29: {  	[sflag:s30] =	ssyncadd.s32 $0xFFFFFF80  }
0x2a: {  	_ =	swait.ge [sflag:s30], $0x80  }
0x2b: {  	[sflag:s30] =	ssyncset.done $0x0  }
0x2c: {  	[sflag:s30] =	ssyncadd.s32 $0xFFFFFF80  }
0x2d: {  	_ =	swait.ge [sflag:s30], $0x80  }
0x2e: {  	[sflag:s30] =	ssyncset.done $0x0  }
0x2f: {  	[sflag:s30] =	ssyncadd.s32 $0xFFFFFF80  }
0x30: {  	_ =	swait.ge [sflag:s30], $0x80  }
0x31: {  	[sflag:s30] =	ssyncset.done $0x0  }
0x32: {  	[sflag:s30] =	ssyncadd.s32 $0xFFFFFF80  }
0x33: {  	_ =	swait.ge [sflag:s30], $0x80  }
0x34: {  	[sflag:s30] =	ssyncset.done $0x0  }
0x35: {  	[sflag:s30] =	ssyncadd.s32 $0xFFFFFF80  }
0x36: {  	_ =	swait.ge [sflag:s30], $0x80  }
0x37: {  	[sflag:s30] =	ssyncset.done $0x0  }
0x38: {  	[sflag:s30] =	ssyncadd.s32 $0xFFFFFF80  }
0x39: {  	_ =	swait.ge [sflag:s30], $0x80  }
0x3a: {  	[sflag:s30] =	ssyncset.done $0x0  }
0x3b: {  	[sflag:s30] =	ssyncadd.s32 $0xFFFFFF80  }
0x3c: {  	_ =	swait.ge [sflag:s30], $0x80  }
0x3d: {  	[sflag:s30] =	ssyncset.done $0x0  }
0x3e: {  	[sflag:s30] =	ssyncadd.s32 $0xFFFFFF80  }
0x3f: {  	_ =	swait.ge [sflag:s30], $0x80  }
0x40: {  	[sflag:s30] =	ssyncset.done $0x0  }
0x41: {  	[sflag:s30] =	ssyncadd.s32 $0xFFFFFF80  }
0x42: {  	_ =	swait.ge [sflag:s30], $0x80  }
0x43: {  	[sflag:s30] =	ssyncset.done $0x0  }
0x44: {  	[sflag:s30] =	ssyncadd.s32 $0xFFFFFF80  }
0x45: {  	_ =	swait.ge [sflag:s30], $0x80  }
0x46: {  	[sflag:s30] =	ssyncset.done $0x0  }
0x47: {  	[sflag:s30] =	ssyncadd.s32 $0xFFFFFF80  }
0x48: {  	_ =	swait.ge [sflag:s30], $0x80  }
0x49: {  	[sflag:s30] =	ssyncset.done $0x0  }
0x4a: {  	[sflag:s30] =	ssyncadd.s32 $0xFFFFFF80  }
0x4b: {  	_ =	swait.ge [sflag:s30], $0x80  }
0x4c: {  	[sflag:s30] =	ssyncset.done $0x0  }
0x4d: {  	[sflag:s30] =	ssyncadd.s32 $0xFFFFFF80  }
0x4e: {  	_ =	swait.ge [sflag:s30], $0x80  }
0x4f: {  	[sflag:s30] =	ssyncset.done $0x0  }
0x50: {  	[sflag:s30] =	ssyncadd.s32 $0xFFFFFF80  }
0x51: {  	_ =	swait.ge [sflag:s30], $0x80  }
0x52: {  	[sflag:s30] =	ssyncset.done $0x0  }
0x53: {  	[sflag:s30] =	ssyncadd.s32 $0xFFFFFF80  }
0x54: {  	_ =	swait.ge [sflag:s30], $0x80  }
0x55: {  	[sflag:s30] =	ssyncset.done $0x0  }
0x56: {  	[sflag:s30] =	ssyncadd.s32 $0xFFFFFF80  }
0x57: {  	_ =	swait.ge [sflag:s30], $0x80  }
0x58: {  	[sflag:s30] =	ssyncset.done $0x0  }
0x59: {  	[sflag:s30] =	ssyncadd.s32 $0xFFFFFF80  }
0x5a: {  	_ =	swait.ge [sflag:s30], $0x80  }
0x5b: {  	[sflag:s30] =	ssyncset.done $0x0  }
0x5c: {  	[sflag:s30] =	ssyncadd.s32 $0xFFFFFF80  }
0x5d: {  	_ =	swait.ge [sflag:s30], $0x80  }
0x5e: {  	[sflag:s30] =	ssyncset.done $0x0  }
0x5f: {  	[sflag:s30] =	ssyncadd.s32 $0xFFFFFF80  }
0x60: {  	_ =	swait.ge [sflag:s30], $0x80  }
0x61: {  	[sflag:s30] =	ssyncset.done $0x0  }
0x62: {  	[sflag:s30] =	ssyncadd.s32 $0xFFFFFF80  }
0x63: {  	_ =	swait.ge [sflag:s30], $0x80  }
0x64: {  	[sflag:s30] =	ssyncset.done $0x0  }
0x65: {  	[sflag:s30] =	ssyncadd.s32 $0xFFFFFF80  }
0x66: {  	_ =	swait.ge [sflag:s30], $0x80  }
0x67: {  	[sflag:s30] =	ssyncset.done $0x0  }
0x68: {  	[sflag:s30] =	ssyncadd.s32 $0xFFFFFF80  }
0x69: {  	_ =	swait.ge [sflag:s30], $0x80  }
0x6a: {  	[sflag:s30] =	ssyncset.done $0x0  }
0x6b: {  	[sflag:s30] =	ssyncadd.s32 $0xFFFFFF80  }
0x6c: {  	_ =	swait.ge [sflag:s30], $0x80  }
0x6d: {  	[sflag:s30] =	ssyncset.done $0x0  }
0x6e: {  	[sflag:s30] =	ssyncadd.s32 $0xFFFFFF80  }
0x6f: {  	_ =	swait.ge [sflag:s30], $0x80  }
0x70: {  	[sflag:s30] =	ssyncset.done $0x0  }
0x71: {  	[sflag:s30] =	ssyncadd.s32 $0xFFFFFF80  }
0x72: {  	v57 =	vld [tilespmem:$0x11A0];
	_ =	sdelay $0x4  }
0x73: {  	[tilespmem:$0x1FC60] =	vst v57;
	v57 =	vld [tilespmem:$0x1C20];
	_ =	sdelay $0x4  }
0x74: {  	[tilespmem:$0x1FD00] =	vst v57;
	v57 =	vld [tilespmem:$0x1CA0];
	_ =	sdelay $0x4  }
0x75: {  	[tilespmem:$0x1FD10] =	vst v57;
	v57 =	vld [tilespmem:$0x1030];
	_ =	sdelay $0x4  }
0x76: {  	[tilespmem:$0x1FD20] =	vst v57;
	v57 =	vld [tilespmem:$0x10B0];
	_ =	sdelay $0x4  }
0x77: {  	[tilespmem:$0x1FD30] =	vst v57;
	v57 =	vld [tilespmem:$0x1130];
	_ =	sdelay $0x4  }
0x78: {  	[tilespmem:$0x1FD40] =	vst v57;
	v57 =	vld [tilespmem:$0x11B0];
	_ =	sdelay $0x4  }
0x79: {  	[tilespmem:$0x1FD50] =	vst v57;
	v57 =	vld [tilespmem:$0x1230];
	_ =	sdelay $0x4  }
0x7a: {  	[tilespmem:$0x1FD60] =	vst v57;
	v57 =	vld [tilespmem:$0x12B0];
	_ =	sdelay $0x4  }
0x7b: {  	[tilespmem:$0x1FD70] =	vst v57;
	v57 =	vld [tilespmem:$0x1330];
	_ =	sdelay $0x4  }
0x7c: {  	[tilespmem:$0x1FD80] =	vst v57;
	v57 =	vld [tilespmem:$0x13B0];
	_ =	sdelay $0x4  }
0x7d: {  	[tilespmem:$0x1FD90] =	vst v57;
	v57 =	vld [tilespmem:$0x1430];
	_ =	sdelay $0x4  }
0x7e: {  	[tilespmem:$0x1FDA0] =	vst v57;
	v57 =	vld [tilespmem:$0x14B0];
	_ =	sdelay $0x4  }
0x7f: {  	[tilespmem:$0x1FDB0] =	vst v57;
	v57 =	vld [tilespmem:$0x1530];
	_ =	sdelay $0x4  }
0x80: {  	[tilespmem:$0x1FDC0] =	vst v57;
	v57 =	vld [tilespmem:$0x15B0];
	_ =	sdelay $0x4  }
0x81: {  	[tilespmem:$0x1FDD0] =	vst v57;
	v57 =	vld [tilespmem:$0x1630];
	_ =	sdelay $0x4  }
0x82: {  	[tilespmem:$0x1FDE0] =	vst v57;
	v57 =	vld [tilespmem:$0x16B0];
	_ =	sdelay $0x3  }
0x83: {  	v13 =	vld [tilespmem:$0x1000]  }
0x84: {  	[tilespmem:$0x1FDF0] =	vst v57;
	v57 =	vld [tilespmem:$0x1730]  }
0x85: {  	v10 =	vld [tilespmem:$0x1080]  }
0x86: {  	v12 =	vld [tilespmem:$0x1100]  }
0x87: {  	v9 =	vld [tilespmem:$0x1180]  }
0x88: {  	v11 =	vld [tilespmem:$0x1200]  }
0x89: {  	[tilespmem:$0x1FE00] =	vst v57;
	v57 =	vld [tilespmem:$0x17B0]  }
0x8a: {  	v16 =	vld [tilespmem:$0x1280]  }
0x8b: {  	v17 =	vld [tilespmem:$0x1300]  }
0x8c: {  	v30 =	vld [tilespmem:$0x1380]  }
0x8d: {  	v45 =	vld [tilespmem:$0x1400]  }
0x8e: {  	[tilespmem:$0x1FE10] =	vst v57;
	v57 =	vld [tilespmem:$0x1830]  }
0x8f: {  	v49 =	vld [tilespmem:$0x1480]  }
0x90: {  	v50 =	vld [tilespmem:$0x1500]  }
0x91: {  	v51 =	vld [tilespmem:$0x1580]  }
0x92: {  	v61 =	vld [tilespmem:$0x1600]  }
0x93: {  	[tilespmem:$0x1FE20] =	vst v57;
	v57 =	vld [tilespmem:$0x18B0]  }
0x94: {  	v62 =	vld [tilespmem:$0x1680]  }
0x95: {  	v63 =	vld [tilespmem:$0x1700]  }
0x96: {  	v7 =	vld [tilespmem:$0x1780]  }
0x97: {  	v8 =	vld [tilespmem:$0x1800]  }
0x98: {  	[tilespmem:$0x1FE30] =	vst v57;
	v57 =	vld [tilespmem:$0x1930]  }
0x99: {  	v5 =	vld [tilespmem:$0x1880]  }
0x9a: {  	v6 =	vld [tilespmem:$0x1900]  }
0x9b: {  	v3 =	vld [tilespmem:$0x1980]  }
0x9c: {  	v4 =	vld [tilespmem:$0x1A00]  }
0x9d: {  	[tilespmem:$0x1FE40] =	vst v57;
	v57 =	vld [tilespmem:$0x19B0]  }
0x9e: {  	v1 =	vld [tilespmem:$0x1A80]  }
0x9f: {  	v2 =	vld [tilespmem:$0x1B00]  }
0xa0: {  	v0 =	vld [tilespmem:$0x1B80]  }
0xa1: {  	v26 =	vld [tilespmem:$0x1C00]  }
0xa2: {  	[tilespmem:$0x1FE50] =	vst v57;
	v57 =	vld [tilespmem:$0x1A30]  }
0xa3: {  	v20 =	vld [tilespmem:$0x1C80]  }
0xa4: {  	v42 =	vld [tilespmem:$0x1010]  }
0xa5: {  	v39 =	vld [tilespmem:$0x1090]  }
0xa6: {  	v41 =	vld [tilespmem:$0x1110]  }
0xa7: {  	[tilespmem:$0x1FE60] =	vst v57;
	v57 =	vld [tilespmem:$0x1AB0]  }
0xa8: {  	v38 =	vld [tilespmem:$0x1190]  }
0xa9: {  	v40 =	vld [tilespmem:$0x1210]  }
0xaa: {  	v36 =	vld [tilespmem:$0x1290]  }
0xab: {  	v37 =	vld [tilespmem:$0x1310]  }
0xac: {  	[tilespmem:$0x1FE70] =	vst v57;
	v57 =	vld [tilespmem:$0x1B30]  }
0xad: {  	v34 =	vld [tilespmem:$0x1390]  }
0xae: {  	v35 =	vld [tilespmem:$0x1410]  }
0xaf: {  	v32 =	vld [tilespmem:$0x1490]  }
0xb0: {  	v33 =	vld [tilespmem:$0x1510]  }
0xb1: {  	[tilespmem:$0x1FE80] =	vst v57;
	v57 =	vld [tilespmem:$0x1BB0]  }
0xb2: {  	v28 =	vld [tilespmem:$0x1590]  }
0xb3: {  	v31 =	vld [tilespmem:$0x1610]  }
0xb4: {  	v29 =	vld [tilespmem:$0x1690]  }
0xb5: {  	v25 =	vld [tilespmem:$0x1710]  }
0xb6: {  	[tilespmem:$0x1FE90] =	vst v57;
	v57 =	vld [tilespmem:$0x1C30]  }
0xb7: {  	v22 =	vld [tilespmem:$0x1790]  }
0xb8: {  	v27 =	vld [tilespmem:$0x1810]  }
0xb9: {  	v23 =	vld [tilespmem:$0x1890]  }
0xba: {  	v24 =	vld [tilespmem:$0x1910]  }
0xbb: {  	[tilespmem:$0x1FEA0] =	vst v57;
	v57 =	vld [tilespmem:$0x1CB0]  }
0xbc: {  	v19 =	vld [tilespmem:$0x1990]  }
0xbd: {  	v21 =	vld [tilespmem:$0x1A10]  }
0xbe: {  	v15 =	vld [tilespmem:$0x1A90]  }
0xbf: {  	v18 =	vld [tilespmem:$0x1B10]  }
0xc0: {  	[tilespmem:$0x1FEB0] =	vst v57;
	v57 =	vld [tilespmem:$0x1040]  }
0xc1: {  	v14 =	vld [tilespmem:$0x1B90]  }
0xc2: {  	v44 =	vld [tilespmem:$0x1C10]  }
0xc3: {  	v43 =	vld [tilespmem:$0x1C90]  }
0xc4: {  	v46 =	vld [tilespmem:$0x1020]  }
0xc5: {  	[tilespmem:$0x1FEC0] =	vst v57;
	v57 =	vld [tilespmem:$0x10C0]  }
0xc6: {  	v55 =	vld [tilespmem:$0x10A0]  }
0xc7: {  	v56 =	vld [tilespmem:$0x1120]  }
0xc8: {  	v58 =	vld [tilespmem:$0x1220]  }
0xc9: {  	v59 =	vld [tilespmem:$0x12A0]  }
0xca: {  	[tilespmem:$0x1FED0] =	vst v57;
	v57 =	vld [tilespmem:$0x1140]  }
0xcb: {  	v60 =	vld [tilespmem:$0x1320]  }
0xcc: {  	v48 =	vld [tilespmem:$0x13A0]  }
0xcd: {  	v52 =	vld [tilespmem:$0x1420]  }
0xce: {  	v53 =	vld [tilespmem:$0x14A0]  }
0xcf: {  	[tilespmem:$0x1FEE0] =	vst v57;
	v57 =	vld [tilespmem:$0x11C0]  }
0xd0: {  	v54 =	vld [tilespmem:$0x1520]  }
0xd1: {  	v47 =	vld [tilespmem:$0x1AA0]  }
0xd2: {  	[tilespmem:$0x1FC80] =	vst v59;
	v59 =	vld [tilespmem:$0x15A0]  }
0xd3: {  	[tilespmem:$0x1FC40] =	vst v55;
	v55 =	vld [tilespmem:$0x1620]  }
0xd4: {  	[tilespmem:$0x1FEF0] =	vst v57;
	v57 =	vld [tilespmem:$0x1240]  }
0xd5: {  	[tilespmem:$0x1FC90] =	vst v60;
	v60 =	vld [tilespmem:$0x16A0]  }
0xd6: {  	[tilespmem:$0x1FC50] =	vst v56;
	v56 =	vld [tilespmem:$0x1720]  }
0xd7: {  	[tilespmem:$0x1FC70] =	vst v58;
	v58 =	vld [tilespmem:$0x1820]  }
0xd8: {  	[tilespmem:$0x1FCC0] =	vst v53;
	v53 =	vld [tilespmem:$0x1920]  }
0xd9: {  	[tilespmem:$0x1FF10] =	vst v57;
	v57 =	vld [tilespmem:$0x12C0]  }
0xda: {  	[tilespmem:$0x1FCB0] =	vst v52;
	v52 =	vld [tilespmem:$0x19A0]  }
0xdb: {  	[tilespmem:$0x1FCD0] =	vst v54;
	v54 =	vld [tilespmem:$0x1A20]  }
0xdc: {  	[tilespmem:$0x1FCA0] =	vst v48;
	v48 =	vld [tilespmem:$0x1B20]  }
0xdd: {  	[tilespmem:$0x1FC30] =	vst v46;
	v46 =	vld [tilespmem:$0x1BA0]  }
0xde: {  	[tilespmem:$0x1FF00] =	vst v57;
	v57 =	vld [tilespmem:$0x1340]  }
0xdf: {  	v9 =	vadd.f32 v9, v12;
	v12 =	vadd.f32 v30, v17;
	v30 =	vld [tilespmem:$0x17C0]  }
0xe0: {  	v11 =	vadd.f32 v16, v11;
	v16 =	vadd.f32 v51, v50;
	v51 =	vld [tilespmem:$0x18C0]  }
0xe1: {  	v10 =	vadd.f32 v10, v13;
	v13 =	vadd.f32 v49, v45;
	v45 =	vld [tilespmem:$0x19C0]  }
0xe2: {  	v49 =	vld [tilespmem:$0x1A40]  }
0xe3: {  	[tilespmem:$0x1FF20] =	vst v57;
	v57 =	vld [tilespmem:$0x13C0]  }
0xe4: {  	v62 =	vadd.f32 v62, v61;
	v61 =	vld [tilespmem:$0x1AC0]  }
0xe5: {  	v1 =	vadd.f32 v1, v4;
	v4 =	vld [tilespmem:$0x1BC0]  }
0xe6: {  	v50 =	vld [tilespmem:$0x1C40]  }
0xe7: {  	v7 =	vadd.f32 v7, v63;
	v63 =	vld [tilespmem:$0x10D0]  }
0xe8: {  	[tilespmem:$0x1FF30] =	vst v57;
	v57 =	vld [tilespmem:$0x1440]  }
0xe9: {  	v17 =	vld [tilespmem:$0x1150]  }
0xea: {  	v5 =	vadd.f32 v5, v8;
	v0 =	vadd.f32 v0, v2;
	v2 =	vld [tilespmem:$0x1250]  }
0xeb: {  	v8 =	vadd.f32 v20, v26;
	v14 =	vadd.f32 v14, v18;
	v18 =	vld [tilespmem:$0x1450]  }
0xec: {  	v26 =	vadd.f32 v38, v41;
	v41 =	vadd.f32 v22, v25;
	v22 =	vld [tilespmem:$0x1850]  }
0xed: {  	[tilespmem:$0x1FF40] =	vst v57;
	v57 =	vld [tilespmem:$0x14C0]  }
0xee: {  	v36 =	vadd.f32 v36, v40;
	v40 =	vadd.f32 v29, v31;
	v31 =	vld [tilespmem:$0x1FC30]  }
0xef: {  	v38 =	vadd.f32 v32, v35;
	v32 =	vld [tilespmem:$0x1FC40]  }
0xf0: {  	v37 =	vadd.f32 v34, v37;
	v34 =	vld [tilespmem:$0x1FC60]  }
0xf1: {  	v35 =	vld [tilespmem:$0x1FC70]  }
0xf2: {  	v3 =	vadd.f32 v3, v6;
	[tilespmem:$0x1FF50] =	vst v57;
	v57 =	vld [tilespmem:$0x1540]  }
0xf3: {  	v7 =	vadd.f32 v7, v62;
	v62 =	vld [tilespmem:$0x1CC0]  }
0xf4: {  	v15 =	vadd.f32 v15, v21;
	v3 =	vadd.f32 v3, v5;
	v5 =	vld [tilespmem:$0x11D0]  }
0xf5: {  	v0 =	vadd.f32 v0, v1;
	v1 =	vld [tilespmem:$0x12D0]  }
0xf6: {  	v25 =	vadd.f32 v14, v15;
	v14 =	vld [tilespmem:$0x13D0]  }
0xf7: {  	[tilespmem:$0x1FF60] =	vst v57;
	v57 =	vld [tilespmem:$0x15C0]  }
0xf8: {  	v12 =	vadd.f32 v12, v11;
	v11 =	vld [tilespmem:$0x1650]  }
0xf9: {  	v3 =	vadd.f32 v0, v3;
	v0 =	vld [tilespmem:$0x1350]  }
0xfa: {  	[tilespmem:$0x1FCE0] =	vst v55;
	v55 =	vld [tilespmem:$0x17A0]  }
0xfb: {  	[tilespmem:$0x1FCF0] =	vst v56;
	v56 =	vld [tilespmem:$0x18A0]  }
0xfc: {  	[tilespmem:$0x1FF70] =	vst v57;
	v57 =	vld [tilespmem:$0x1640]  }
0xfd: {  	[tilespmem:$0x1FFB0] =	vst v30;
	v30 =	vld [tilespmem:$0x1940]  }
0xfe: {  	[tilespmem:$0x1FFD0] =	vst v51;
	v51 =	vadd.f32 v16, v13;
	v16 =	vld [tilespmem:$0x1B40]  }
0xff: {  	v3 =	vadd.f32 v8, v3;
	v8 =	vld [tilespmem:$0x1550]  }
0x100: {  	v6 =	vadd.f32 v7, v51;
	v51 =	vld [tilespmem:$0x1050]  }
0x101: {  	[tilespmem:$0x1FF90] =	vst v57;
	v57 =	vld [tilespmem:$0x16C0]  }
0x102: {  	v7 =	vadd.f32 v37, v36;
	v36 =	vld [tilespmem:$0x1FC80]  }
0x103: {  	v37 =	vld [tilespmem:$0x1FC90]  }
0x104: {  	v5 =	vadd.f32 v5, v17;
	v17 =	vld [tilespmem:$0x1BE0]  }
0x105: {  	v1 =	vadd.f32 v1, v2;
	v2 =	vld [tilespmem:$0x1C60]  }
0x106: {  	[tilespmem:$0x1FF80] =	vst v57;
	v57 =	vld [tilespmem:$0x1740]  }
0x107: {  	v50 =	vadd.f32 v62, v50;
	v62 =	vld [tilespmem:$0x17F0]  }
0x108: {  	v0 =	vadd.f32 v14, v0;
	v30 =	vadd.f32 v45, v30;
	v45 =	vld [tilespmem:$0x1860]  }
0x109: {  	v4 =	vadd.f32 v4, v16;
	v16 =	vld [tilespmem:$0x18E0]  }
0x10a: {  	v0 =	vadd.f32 v0, v1;
	v1 =	vld [tilespmem:$0x11F0]  }
0x10b: {  	v49 =	vadd.f32 v61, v49;
	[tilespmem:$0x1FFA0] =	vst v57;
	v57 =	vld [tilespmem:$0x1840]  }
0x10c: {  	v13 =	vadd.f32 v36, v35;
	v35 =	vld [tilespmem:$0x1FD10];
	v51 =	vadd.f32 v63, v51  }
0x10d: {  	v4 =	vadd.f32 v4, v49;
	v49 =	vld [tilespmem:$0x1A60]  }
0x10e: {  	v5 =	vadd.f32 v5, v51;
	v16 =	vadd.f32 v16, v45;
	v45 =	vld [tilespmem:$0x1AF0]  }
0x10f: {  	v36 =	vld [tilespmem:$0x1FD20]  }
0x110: {  	v0 =	vadd.f32 v0, v5;
	v5 =	vld [tilespmem:$0x1370];
	[tilespmem:$0x1FFC0] =	vst v57;
	v57 =	vadd.f32 v9, v10  }
0x111: {  	v53 =	vadd.f32 v52, v53;
	v52 =	vld [tilespmem:$0x1FDE0]  }
0x112: {  	v9 =	vadd.f32 v12, v57;
	v12 =	vld [tilespmem:$0x14D0]  }
0x113: {  	v57 =	vadd.f32 v39, v42;
	v39 =	vadd.f32 v28, v33;
	v33 =	vld [tilespmem:$0x1FC50]  }
0x114: {  	v42 =	vadd.f32 v23, v27;
	v23 =	vadd.f32 v41, v40;
	v40 =	vld [tilespmem:$0x1FCC0]  }
0x115: {  	v41 =	vld [tilespmem:$0x1FCD0]  }
0x116: {  	v19 =	vadd.f32 v19, v24;
	v6 =	vadd.f32 v6, v9;
	v9 =	vld [tilespmem:$0x1750]  }
0x117: {  	v21 =	vadd.f32 v39, v38;
	v38 =	vld [tilespmem:$0x1FCA0]  }
0x118: {  	v24 =	vadd.f32 v19, v42;
	v19 =	vld [tilespmem:$0x17D0]  }
0x119: {  	v39 =	vld [tilespmem:$0x1FCB0]  }
0x11a: {  	v42 =	vld [tilespmem:$0x1FCE0]  }
0x11b: {  	v57 =	vadd.f32 v26, v57;
	v26 =	vadd.f32 v43, v44;
	v43 =	vld [tilespmem:$0x1FCF0]  }
0x11c: {  	v44 =	vadd.f32 v56, v58;
	v56 =	vadd.f32 v46, v48;
	v46 =	vld [tilespmem:$0x1FDB0]  }
0x11d: {  	v48 =	vld [tilespmem:$0x1FDD0]  }
0x11e: {  	v27 =	vadd.f32 v25, v24;
	v25 =	vld [tilespmem:$0x18D0]  }
0x11f: {  	v3 =	vadd.f32 v3, v6;
	v6 =	vadd.f32 v32, v31;
	v32 =	vld [tilespmem:$0x19D0]  }
0x120: {  	v7 =	vadd.f32 v7, v57;
	v31 =	vld [tilespmem:$0x1CD0]  }
0x121: {  	v10 =	vadd.f32 v23, v21;
	v21 =	vadd.f32 v59, v41;
	v41 =	vld [tilespmem:$0x1FD70]  }
0x122: {  	v12 =	vadd.f32 v12, v18;
	v18 =	vld [tilespmem:$0x1470]  }
0x123: {  	v7 =	vadd.f32 v10, v7;
	v10 =	vld [tilespmem:$0x15D0]  }
0x124: {  	[tilespmem:$0x1FFE0] =	vst v3;
	v3 =	vld [tilespmem:$0x16D0]  }
0x125: {  	v28 =	vadd.f32 v26, v27;
	v26 =	vld [tilespmem:$0x1B50]  }
0x126: {  	v15 =	vadd.f32 v38, v37;
	v37 =	vld [tilespmem:$0x1FD30]  }
0x127: {  	v38 =	vld [tilespmem:$0x1FD40]  }
0x128: {  	v20 =	vadd.f32 v40, v39;
	v39 =	vld [tilespmem:$0x1FD50]  }
0x129: {  	v40 =	vld [tilespmem:$0x1FD60]  }
0x12a: {  	v23 =	vadd.f32 v60, v42;
	v42 =	vld [tilespmem:$0x1FD80]  }
0x12b: {  	v24 =	vadd.f32 v55, v43;
	v43 =	vld [tilespmem:$0x1FD90]  }
0x12c: {  	v60 =	vadd.f32 v53, v44;
	v44 =	vld [tilespmem:$0x1FDA0]  }
0x12d: {  	v55 =	vadd.f32 v47, v54;
	v47 =	vld [tilespmem:$0x1FDC0]  }
0x12e: {  	v53 =	vld [tilespmem:$0x1FDF0]  }
0x12f: {  	v54 =	vld [tilespmem:$0x1FE00]  }
0x130: {  	v9 =	vadd.f32 v19, v9;
	v19 =	vld [tilespmem:$0x10F0]  }
0x131: {  	v29 =	vadd.f32 v28, v7;
	v28 =	vld [tilespmem:$0x1950]  }
0x132: {  	v7 =	vadd.f32 v34, v33;
	v34 =	vld [tilespmem:$0x1FD00]  }
0x133: {  	v57 =	vadd.f32 v15, v13;
	v13 =	vld [tilespmem:$0x1A50]  }
0x134: {  	v58 =	vadd.f32 v21, v20;
	v21 =	vld [tilespmem:$0x1AD0]  }
0x135: {  	v59 =	vadd.f32 v24, v23;
	v23 =	vld [tilespmem:$0x1C50]  }
0x136: {  	v33 =	vadd.f32 v56, v55;
	v55 =	vld [tilespmem:$0x1FE10]  }
0x137: {  	v56 =	vld [tilespmem:$0x1FE20]  }
0x138: {  	v6 =	vadd.f32 v7, v6;
	v7 =	vld [tilespmem:$0x1BD0]  }
0x139: {  	v15 =	vadd.f32 v59, v58;
	v58 =	vld [tilespmem:$0x1FE40]  }
0x13a: {  	v59 =	vld [tilespmem:$0x1FE50]  }
0x13b: {  	v20 =	vadd.f32 v33, v60;
	v60 =	vld [tilespmem:$0x1FE60]  }
0x13c: {  	v8 =	vadd.f32 v10, v8;
	v10 =	vld [tilespmem:$0x1CE0]  }
0x13d: {  	v3 =	vadd.f32 v3, v11;
	v11 =	vld [tilespmem:$0x1070]  }
0x13e: {  	[tilespmem:$0x1FFF0] =	vst v29;
	v29 =	vadd.f32 v39, v38;
	v38 =	vld [tilespmem:$0x10E0]  }
0x13f: {  	v33 =	vadd.f32 v41, v40;
	v41 =	vld [tilespmem:$0x1160]  }
0x140: {  	v6 =	vadd.f32 v57, v6;
	v57 =	vld [tilespmem:$0x1FE30]  }
0x141: {  	v24 =	vadd.f32 v37, v36;
	v36 =	vadd.f32 v46, v44;
	v44 =	vld [tilespmem:$0x11E0]  }
0x142: {  	v37 =	vadd.f32 v48, v47;
	v48 =	vld [tilespmem:$0x1FE70]  }
0x143: {  	v39 =	vadd.f32 v53, v52;
	v52 =	vld [tilespmem:$0x1FE80]  }
0x144: {  	v53 =	vld [tilespmem:$0x1FE90]  }
0x145: {  	v27 =	vadd.f32 v35, v34;
	v35 =	vld [tilespmem:$0x1060]  }
0x146: {  	v3 =	vadd.f32 v9, v3;
	v9 =	vld [tilespmem:$0x1270]  }
0x147: {  	v40 =	vadd.f32 v55, v54;
	v55 =	vadd.f32 v37, v36;
	v37 =	vld [tilespmem:$0x1360]  }
0x148: {  	v34 =	vadd.f32 v43, v42;
	v24 =	vadd.f32 v29, v24;
	v29 =	vld [tilespmem:$0x1460]  }
0x149: {  	v13 =	vadd.f32 v21, v13;
	v21 =	vld [tilespmem:$0x1170]  }
0x14a: {  	v8 =	vadd.f32 v8, v12;
	v54 =	vadd.f32 v34, v33;
	v33 =	vld [tilespmem:$0x12E0]  }
0x14b: {  	v6 =	vadd.f32 v15, v6;
	v15 =	vadd.f32 v27, v20;
	v20 =	vld [tilespmem:$0x1560]  }
0x14c: {  	v3 =	vadd.f32 v3, v8;
	v8 =	vld [tilespmem:$0x13F0]  }
0x14d: {  	v43 =	vadd.f32 v59, v58;
	v59 =	vld [tilespmem:$0x1FEA0]  }
0x14e: {  	v46 =	vadd.f32 v48, v60;
	v48 =	vld [tilespmem:$0x1260]  }
0x14f: {  	v60 =	vld [tilespmem:$0x1FEB0]  }
0x150: {  	v42 =	vadd.f32 v57, v56;
	v56 =	vadd.f32 v40, v39;
	v39 =	vld [tilespmem:$0x14E0]  }
0x151: {  	v47 =	vadd.f32 v53, v52;
	v52 =	vld [tilespmem:$0x1FEC0]  }
0x152: {  	v7 =	vadd.f32 v7, v26;
	v53 =	vld [tilespmem:$0x1FED0]  }
0x153: {  	v24 =	vadd.f32 v54, v24;
	v54 =	vld [tilespmem:$0x1FEE0]  }
0x154: {  	v7 =	vadd.f32 v7, v13;
	v13 =	vld [tilespmem:$0x12F0];
	v6 =	vadd.f32 v15, v6  }
0x155: {  	v15 =	vld [tilespmem:$0x1570];
	v57 =	vadd.f32 v43, v42;
	v58 =	vadd.f32 v47, v46  }
0x156: {  	v34 =	vadd.f32 v56, v55;
	v56 =	vld [tilespmem:$0x1FF00]  }
0x157: {  	v47 =	vadd.f32 v58, v57;
	v57 =	vld [tilespmem:$0x1FF10]  }
0x158: {  	v0 =	vadd.f32 v3, v0;
	v3 =	vld [tilespmem:$0x15F0]  }
0x159: {  	v12 =	vadd.f32 v38, v35;
	v38 =	vld [tilespmem:$0x18F0]  }
0x15a: {  	v42 =	vld [tilespmem:$0x13E0]  }
0x15b: {  	v43 =	vadd.f32 v60, v59;
	v60 =	vld [tilespmem:$0x1FF40]  }
0x15c: {  	v46 =	vadd.f32 v56, v57;
	v57 =	vld [tilespmem:$0x1FF50]  }
0x15d: {  	v58 =	vld [tilespmem:$0x1FF20]  }
0x15e: {  	v59 =	vld [tilespmem:$0x1FF30]  }
0x15f: {  	v55 =	vld [tilespmem:$0x1FEF0]  }
0x160: {  	v63 =	vadd.f32 v25, v22;
	v56 =	vld [tilespmem:$0x1FF80]  }
0x161: {  	v36 =	vadd.f32 v53, v52;
	v53 =	vadd.f32 v57, v60;
	v60 =	vld [tilespmem:$0x1FF90]  }
0x162: {  	v25 =	vadd.f32 v32, v28;
	v24 =	vadd.f32 v34, v24;
	v34 =	vld [tilespmem:$0x15E0]  }
0x163: {  	v27 =	vadd.f32 v43, v47;
	v47 =	vadd.f32 v59, v58;
	v58 =	vld [tilespmem:$0x1FF60]  }
0x164: {  	v31 =	vadd.f32 v31, v23;
	v28 =	vadd.f32 v25, v63;
	v59 =	vld [tilespmem:$0x1FF70]  }
0x165: {  	v2 =	vadd.f32 v10, v2;
	v11 =	vadd.f32 v19, v11;
	v57 =	vld [tilespmem:$0x1FFA0]  }
0x166: {  	v1 =	vadd.f32 v1, v21;
	v56 =	vadd.f32 v56, v60;
	v60 =	vld [tilespmem:$0x1FFB0]  }
0x167: {  	v7 =	vadd.f32 v7, v28;
	v52 =	vld [tilespmem:$0x16E0];
	v40 =	vadd.f32 v55, v54  }
0x168: {  	v5 =	vadd.f32 v8, v5;
	v1 =	vadd.f32 v1, v11;
	v43 =	vld [tilespmem:$0x1660]  }
0x169: {  	v9 =	vadd.f32 v13, v9;
	v55 =	vld [tilespmem:$0x1760];
	v36 =	vadd.f32 v40, v36  }
0x16a: {  	v40 =	vadd.f32 v47, v46;
	v54 =	vadd.f32 v59, v58;
	v59 =	vld [tilespmem:$0x1FFC0]  }
0x16b: {  	v51 =	vadd.f32 v33, v48;
	v57 =	vadd.f32 v60, v57;
	v60 =	vld [tilespmem:$0x1FFD0]  }
0x16c: {  	v5 =	vadd.f32 v5, v9;
	v36 =	vadd.f32 v40, v36;
	v40 =	vld [tilespmem:$0x1AE0]  }
0x16d: {  	v3 =	vadd.f32 v3, v15;
	v14 =	vadd.f32 v27, v24;
	v46 =	vld [tilespmem:$0x1960]  }
0x16e: {  	v20 =	vadd.f32 v34, v20;
	v1 =	vadd.f32 v5, v1;
	v58 =	vld [tilespmem:$0x17E0]  }
0x16f: {  	v61 =	vadd.f32 v57, v56;
	v56 =	vld [tilespmem:$0x16F0];
	v57 =	vadd.f32 v39, v29  }
0x170: {  	v59 =	vadd.f32 v60, v59;
	v60 =	vadd.f32 v54, v53;
	v54 =	vld [tilespmem:$0x19E0]  }
0x171: {  	v53 =	vadd.f32 v42, v37;
	v37 =	vadd.f32 v40, v49;
	v40 =	vld [tilespmem:$0x1970]  }
0x172: {  	v20 =	vadd.f32 v20, v57;
	v42 =	vld [tilespmem:$0x19F0];
	v30 =	vadd.f32 v30, v59  }
0x173: {  	v47 =	vadd.f32 v61, v60;
	v59 =	vld [tilespmem:$0x1770];
	v60 =	vadd.f32 v52, v43  }
0x174: {  	v61 =	vadd.f32 v58, v55;
	v39 =	vadd.f32 v53, v51;
	v43 =	vld [tilespmem:$0x1A70]  }
0x175: {  	v4 =	vadd.f32 v4, v30;
	v30 =	vld [tilespmem:$0x1B60];
	v32 =	vadd.f32 v47, v36  }
0x176: {  	v36 =	vadd.f32 v31, v7;
	v7 =	vld [tilespmem:$0x14F0];
	v47 =	vadd.f32 v44, v41  }
0x177: {  	v41 =	vadd.f32 v61, v60;
	v63 =	vadd.f32 v54, v46;
	v46 =	vld [tilespmem:$0x1B70]  }
0x178: {  	v52 =	vadd.f32 v42, v40;
	v4 =	vadd.f32 v50, v4;
	v50 =	vld [tilespmem:$0x1670]  }
0x179: {  	v0 =	vadd.f32 v36, v0;
	v36 =	vld [tilespmem:$0x1870];
	v12 =	vadd.f32 v47, v12  }
0x17a: {  	v20 =	vadd.f32 v41, v20;
	v47 =	vld [tilespmem:$0x1BF0];
	v16 =	vadd.f32 v63, v16  }
0x17b: {  	v49 =	vadd.f32 v62, v59;
	v17 =	vadd.f32 v17, v30  }
0x17c: {  	v44 =	vadd.f32 v39, v12;
	v12 =	vadd.f32 v45, v43  }
0x17d: {  	v53 =	vld [tilespmem:$0x1CF0];
	v7 =	vadd.f32 v7, v18;
	v17 =	vadd.f32 v17, v37  }
0x17e: {  	v48 =	vadd.f32 v56, v50;
	v50 =	vld [tilespmem:$0x1C70];
	v51 =	vadd.f32 v38, v36  }
0x17f: {  	v57 =	vld [tilespmem:$0x1FFE0];
	v16 =	vadd.f32 v17, v16;
	v17 =	vadd.f32 v47, v46  }
0x180: {  	v3 =	vadd.f32 v3, v7;
	v54 =	vadd.f32 v49, v48  }
0x181: {  	v55 =	vadd.f32 v52, v51;
	v56 =	vadd.f32 v17, v12  }
0x182: {  	[tilespmem:$0xF020] =	vst v6;
	v59 =	vld [tilespmem:$0x1FFF0];
	v4 =	vadd.f32 v4, v32;
	v3 =	vadd.f32 v54, v3  }
0x183: {  	[tilespmem:$0xF030] =	vst v14;
	v58 =	vadd.f32 v53, v50;
	v60 =	vadd.f32 v56, v55  }
0x184: {  	[tilespmem:$0xF000] =	vst v57;
	v61 =	vadd.f32 v20, v44;
	v2 =	vadd.f32 v2, v16  }
0x185: {  	[tilespmem:$0xF050] =	vst v0;
	v1 =	vadd.f32 v3, v1;
	v62 =	vadd.f32 v58, v60  }
0x186: {  	[tilespmem:$0xF040] =	vst v4;
	v2 =	vadd.f32 v2, v61  }
0x187: {  	s0 =	sadd.s32 $0x1, s0;
	[tilespmem:$0xF010] =	vst v59;
	v63 =	vadd.f32 v62, v1  }
0x188: {  	p0 =	sne.s32 s0, s9;
	[tilespmem:$0xF060] =	vst v2  }
.Ltmp1:
0x189: {  	[tilespmem:$0xF070] =	vst v63;
	(pc) =	sbr.rel @!p0 .LBB2_13-.Ltmp1, $4  }
0x18a: {  	[hbm4b:s8+s3] =	stream.linear.scatter [tilespmem:s31], [sflag:$0x4], $0x80, $0x38;
	[tilespmem:$0xF100] =	vst v63  }
0x18b: {  	_ =	swait.ge [sflag:s14], $0x80  }
0x18c: {  	[sflag:s14] =	ssyncset.done $0x0  }
0x18d: {  	[sflag:s14] =	ssyncadd.s32 $0xFFFFFF80  }
.LBB2_1:
0x18e: {  	s2 =	simm.s32 $0x2000  }
0x18f: {  	[tilespmem:s2], [sflag:$0x2] =	stream.linear.gather [hbm4b:s4+s3], $0x400, $0x38;
	[tilespmem:$0xF100] =	vst v63  }
0x190: {  	s11 =	smov.u32 s4;
	s2 =	simm.s32 $0x2000  }
.LBB2_2:
0x191: {  	p0 =	sne.s32 s2, $0x32000  }
.Ltmp2:
0x192: {  	_ = 	snop;
	(pc) =	sbr.rel @p0 .LBB2_2-.Ltmp2, $4  }
0x193: {  	_ = 	snop  }
0x194: {  	s16 =	sshra.s32 s2, $0x2;
	s2 =	sadd.s32 $0x2000, s2  }
0x195: {  	s11 =	sadd.s32 $0x4000, s11;
	s16 =	sadd.s32 $0x2000, s16  }
0x196: {  	[tilespmem:s16], [sflag:$0x2] =	stream.linear.gather [hbm4b:s11+s3], $0x400, $0x38;
	[tilespmem:$0xF100] =	vst v63  }
0x197: {  	s2 =	simm.s32 $0x2400  }
0x198: {  	[tilespmem:s2], [sflag:$0x3] =	stream.linear.gather [hbm4b:s5+s3], $0x400, $0x38;
	[tilespmem:$0xF100] =	vst v63  }
0x199: {  	s11 =	smov.u32 s5;
	s2 =	simm.s32 $0x3000  }
.LBB2_4:
0x19a: {  	p0 =	sne.s32 s2, $0x33000  }
.Ltmp3:
0x19b: {  	_ = 	snop;
	(pc) =	sbr.rel @p0 .LBB2_4-.Ltmp3, $4  }
0x19c: {  	_ = 	snop  }
0x19d: {  	s16 =	sshra.s32 s2, $0x2;
	s2 =	sadd.s32 $0x2000, s2  }
0x19e: {  	s11 =	sadd.s32 $0x4000, s11;
	s16 =	sadd.s32 $0x2000, s16  }
0x19f: {  	[tilespmem:s16], [sflag:$0x3] =	stream.linear.gather [hbm4b:s11+s3], $0x400, $0x38;
	[tilespmem:$0xF100] =	vst v63  }
0x1a0: {  	s2 =	simm.s32 $0x0;
	s11 =	simm.s32 $0x8000  }
0x1a1: {  	[tilespmem:s2], [sflag:$0x4] =	stream.strided.gather [hbm4b:s6+s10], $0xC00, s11, s10, $0x38;
	[tilespmem:$0xF100] =	vst v63  }
0x1a2: {  	_ = 	snop  }
0x1a3: {  	[tilespmem:s13], [sflag:$0x4] =	stream.linear.gather [hbm4b:s12+s2], $0x100, $0x38;
	[tilespmem:$0xF100] =	vst v63  }
0x1a4: {  	_ =	swait.ge [sflag:s14], $0xD00  }
0x1a5: {  	[sflag:s14] =	ssyncset.done $0x0  }
0x1a6: {  	s16 =	simm.s32 $0x1000;
	[sflag:s14] =	ssyncadd.s32 $0xFFFFF300  }
0x1a7: {  	[tilespmem:s16], [sflag:$0x1] =	stream.indirect.gather [hbm4b:s1+s15], $0x1, s2, s15, $0xb8;
	[tilespmem:$0xF100] =	vst v63  }
0x1a8: {  	s16 =	simm.s32 $0x1080  }
0x1a9: {  	[tilespmem:s16], [sflag:$0x1] =	stream.indirect.gather [hbm4b:s1+s15], $0x1, s15, s15, $0xb8;
	[tilespmem:$0xF100] =	vst v63  }
0x1aa: {  	s11 =	simm.s32 $0x100;
	s16 =	simm.s32 $0x1100  }
0x1ab: {  	[tilespmem:s16], [sflag:$0x1] =	stream.indirect.gather [hbm4b:s1+s15], $0x1, s11, s15, $0xb8;
	[tilespmem:$0xF100] =	vst v63  }
0x1ac: {  	s11 =	simm.s32 $0x180;
	s16 =	simm.s32 $0x1180  }
0x1ad: {  	[tilespmem:s16], [sflag:$0x1] =	stream.indirect.gather [hbm4b:s1+s15], $0x1, s11, s15, $0xb8;
	[tilespmem:$0xF100] =	vst v63  }
0x1ae: {  	s11 =	simm.s32 $0x200;
	s16 =	simm.s32 $0x1200  }
0x1af: {  	[tilespmem:s16], [sflag:$0x1] =	stream.indirect.gather [hbm4b:s1+s15], $0x1, s11, s15, $0xb8;
	[tilespmem:$0xF100] =	vst v63  }
0x1b0: {  	s11 =	simm.s32 $0x280;
	s16 =	simm.s32 $0x1280  }
0x1b1: {  	[tilespmem:s16], [sflag:$0x1] =	stream.indirect.gather [hbm4b:s1+s15], $0x1, s11, s15, $0xb8;
	[tilespmem:$0xF100] =	vst v63  }
0x1b2: {  	s11 =	simm.s32 $0x300;
	s16 =	simm.s32 $0x1300  }
0x1b3: {  	[tilespmem:s16], [sflag:$0x1] =	stream.indirect.gather [hbm4b:s1+s15], $0x1, s11, s15, $0xb8;
	[tilespmem:$0xF100] =	vst v63  }
0x1b4: {  	s11 =	simm.s32 $0x380;
	s16 =	simm.s32 $0x1380  }
0x1b5: {  	[tilespmem:s16], [sflag:$0x1] =	stream.indirect.gather [hbm4b:s1+s15], $0x1, s11, s15, $0xb8;
	[tilespmem:$0xF100] =	vst v63  }
0x1b6: {  	s16 =	simm.s32 $0x1400  }
0x1b7: {  	[tilespmem:s16], [sflag:$0x1] =	stream.indirect.gather [hbm4b:s1+s15], $0x1, s10, s15, $0xb8;
	[tilespmem:$0xF100] =	vst v63  }
0x1b8: {  	s11 =	simm.s32 $0x480;
	s16 =	simm.s32 $0x1480  }
0x1b9: {  	[tilespmem:s16], [sflag:$0x1] =	stream.indirect.gather [hbm4b:s1+s15], $0x1, s11, s15, $0xb8;
	[tilespmem:$0xF100] =	vst v63  }
0x1ba: {  	s11 =	simm.s32 $0x500;
	s16 =	simm.s32 $0x1500  }
0x1bb: {  	[tilespmem:s16], [sflag:$0x1] =	stream.indirect.gather [hbm4b:s1+s15], $0x1, s11, s15, $0xb8;
	[tilespmem:$0xF100] =	vst v63  }
0x1bc: {  	s11 =	simm.s32 $0x580;
	s16 =	simm.s32 $0x1580  }
0x1bd: {  	[tilespmem:s16], [sflag:$0x1] =	stream.indirect.gather [hbm4b:s1+s15], $0x1, s11, s15, $0xb8;
	[tilespmem:$0xF100] =	vst v63  }
0x1be: {  	s11 =	simm.s32 $0x600;
	s16 =	simm.s32 $0x1600  }
0x1bf: {  	[tilespmem:s16], [sflag:$0x1] =	stream.indirect.gather [hbm4b:s1+s15], $0x1, s11, s15, $0xb8;
	[tilespmem:$0xF100] =	vst v63  }
0x1c0: {  	s11 =	simm.s32 $0x680;
	s16 =	simm.s32 $0x1680  }
0x1c1: {  	[tilespmem:s16], [sflag:$0x1] =	stream.indirect.gather [hbm4b:s1+s15], $0x1, s11, s15, $0xb8;
	[tilespmem:$0xF100] =	vst v63  }
0x1c2: {  	s11 =	simm.s32 $0x700;
	s16 =	simm.s32 $0x1700  }
0x1c3: {  	[tilespmem:s16], [sflag:$0x1] =	stream.indirect.gather [hbm4b:s1+s15], $0x1, s11, s15, $0xb8;
	[tilespmem:$0xF100] =	vst v63  }
0x1c4: {  	s11 =	simm.s32 $0x780;
	s16 =	simm.s32 $0x1780  }
0x1c5: {  	[tilespmem:s16], [sflag:$0x1] =	stream.indirect.gather [hbm4b:s1+s15], $0x1, s11, s15, $0xb8;
	[tilespmem:$0xF100] =	vst v63  }
0x1c6: {  	s11 =	simm.s32 $0x800;
	s16 =	simm.s32 $0x1800  }
0x1c7: {  	[tilespmem:s16], [sflag:$0x1] =	stream.indirect.gather [hbm4b:s1+s15], $0x1, s11, s15, $0xb8;
	[tilespmem:$0xF100] =	vst v63  }
0x1c8: {  	s11 =	simm.s32 $0x880;
	s16 =	simm.s32 $0x1880  }
0x1c9: {  	[tilespmem:s16], [sflag:$0x1] =	stream.indirect.gather [hbm4b:s1+s15], $0x1, s11, s15, $0xb8;
	[tilespmem:$0xF100] =	vst v63  }
0x1ca: {  	s11 =	simm.s32 $0x900;
	s16 =	simm.s32 $0x1900  }
0x1cb: {  	[tilespmem:s16], [sflag:$0x1] =	stream.indirect.gather [hbm4b:s1+s15], $0x1, s11, s15, $0xb8;
	[tilespmem:$0xF100] =	vst v63  }
0x1cc: {  	s11 =	simm.s32 $0x980;
	s16 =	simm.s32 $0x1980  }
0x1cd: {  	[tilespmem:s16], [sflag:$0x1] =	stream.indirect.gather [hbm4b:s1+s15], $0x1, s11, s15, $0xb8;
	[tilespmem:$0xF100] =	vst v63  }
0x1ce: {  	_ = 	snop  }
0x1cf: {  	[tilespmem:s18], [sflag:$0x1] =	stream.indirect.gather [hbm4b:s1+s15], $0x1, s17, s15, $0xb8;
	[tilespmem:$0xF100] =	vst v63  }
0x1d0: {  	_ = 	snop  }
0x1d1: {  	[tilespmem:s20], [sflag:$0x1] =	stream.indirect.gather [hbm4b:s1+s15], $0x1, s19, s15, $0xb8;
	[tilespmem:$0xF100] =	vst v63  }
0x1d2: {  	_ = 	snop  }
0x1d3: {  	[tilespmem:s22], [sflag:$0x1] =	stream.indirect.gather [hbm4b:s1+s15], $0x1, s21, s15, $0xb8;
	[tilespmem:$0xF100] =	vst v63  }
0x1d4: {  	_ = 	snop  }
0x1d5: {  	[tilespmem:s24], [sflag:$0x1] =	stream.indirect.gather [hbm4b:s1+s15], $0x1, s23, s15, $0xb8;
	[tilespmem:$0xF100] =	vst v63  }
.Ltmp4:
0x1d6: {  	_ = 	snop;
	(pc) =	sbr.rel .LBB2_6-.Ltmp4, $4  }
0x1d7: {  	_ = 	snop  }
0x1d8: {  	v0 =	vimm.f32 $0.0e+00;
	v1 =	vimm.f32 $0.0e+00;
	[tilespmem:s25], [sflag:$0x1] =	stream.indirect.gather [hbm4b:s1+s15], $0x1, s13, s15, $0xb8;
	[tilespmem:$0xF100] =	vst v63  }
0x1d9: {  	v2 =	vimm.f32 $0.0e+00;
	v3 =	vimm.f32 $0.0e+00;
	v4 =	vimm.f32 $0.0e+00  }
0x1da: {  	v5 =	vimm.f32 $0.0e+00;
	v6 =	vimm.f32 $0.0e+00;
	v7 =	vimm.f32 $0.0e+00;
	[tilespmem:s28], [sflag:$0x1] =	stream.indirect.gather [hbm4b:s1+s15], $0x1, s26, s15, $0xb8;
	[tilespmem:$0xF100] =	vst v63  }
.LBB2_7:
0x1db: {  	s11 =	simm.s32 $0x2  }
.LBB2_10:
0x1dc: {  	_ =	swait.ge [sflag:s11], $0x6800  }
0x1dd: {  	[sflag:s11] =	ssyncset.done $0x0  }
0x1de: {  	[sflag:s11] =	ssyncadd.s32 $0xFFFF9800  }
.LBB2_11:
0x1df: {  	s11 =	sshll.u32 s2, $0x7  }
0x1e0: {  	s11 =	sand.u32 $0x3FFFFF80, s11  }
0x1e1: {  	v8 =	vld [tilespmem:s11+$0x2000]  }
0x1e2: {  	v9 =	vld [tilespmem:s11+$0x2800]  }
0x1e3: {  	v10 =	vld [tilespmem:s11+$0x3000]  }
0x1e4: {  	v11 =	vld [tilespmem:s11+$0x3800]  }
0x1e5: {  	v12 =	vld [tilespmem:s11+$0x4000]  }
0x1e6: {  	v13 =	vld [tilespmem:s11+$0x4800]  }
0x1e7: {  	v14 =	vld [tilespmem:s11+$0x5000]  }
0x1e8: {  	v15 =	vld [tilespmem:s11+$0x5800]  }
0x1e9: {  	v16 =	vld [tilespmem:s11+$0x6000]  }
0x1ea: {  	v17 =	vld [tilespmem:s11+$0x6800]  }
0x1eb: {  	v18 =	vld [tilespmem:s11+$0x7000]  }
0x1ec: {  	v19 =	vld [tilespmem:s11+$0x7800]  }
0x1ed: {  	v20 =	vld [tilespmem:s11+$0x8000]  }
0x1ee: {  	v21 =	vld [tilespmem:s11+$0x8800]  }
0x1ef: {  	v22 =	vld [tilespmem:s11+$0x9000]  }
0x1f0: {  	v23 =	vld [tilespmem:s11+$0x9800]  }
0x1f1: {  	v24 =	vld [tilespmem:s11+$0xA000]  }
0x1f2: {  	v25 =	vld [tilespmem:s11+$0xA800]  }
0x1f3: {  	v26 =	vld [tilespmem:s11+$0xB000]  }
0x1f4: {  	v27 =	vld [tilespmem:s11+$0xB800]  }
0x1f5: {  	v28 =	vld [tilespmem:s11+$0xC000];
	v33 =	vadd.f32 v9, v8;
	v34 =	vadd.f32 v11, v10  }
0x1f6: {  	v29 =	vld [tilespmem:s11+$0xC800];
	v36 =	vadd.f32 v13, v12;
	v37 =	vadd.f32 v15, v14  }
0x1f7: {  	v30 =	vld [tilespmem:s11+$0xD000];
	v38 =	vadd.f32 v17, v16;
	v8 =	vmul.f32 v8, v8;
	v9 =	vmul.f32 v9, v9  }
0x1f8: {  	v31 =	vld [tilespmem:s11+$0xD800];
	v39 =	vadd.f32 v19, v18;
	v10 =	vmul.f32 v10, v10;
	v11 =	vmul.f32 v11, v11  }
0x1f9: {  	v32 =	vld [tilespmem:s11+$0xE000];
	v40 =	vadd.f32 v21, v20;
	v12 =	vmul.f32 v12, v12;
	v13 =	vmul.f32 v13, v13  }
0x1fa: {  	v35 =	vld [tilespmem:s11+$0xE800];
	v41 =	vadd.f32 v23, v22;
	v14 =	vmul.f32 v14, v14;
	v15 =	vmul.f32 v15, v15  }
0x1fb: {  	v42 =	vadd.f32 v25, v24;
	v16 =	vmul.f32 v16, v16;
	v17 =	vmul.f32 v17, v17  }
0x1fc: {  	v43 =	vadd.f32 v27, v26;
	v18 =	vmul.f32 v18, v18;
	v19 =	vmul.f32 v19, v19  }
0x1fd: {  	v44 =	vadd.f32 v29, v28;
	v20 =	vmul.f32 v20, v20;
	v21 =	vmul.f32 v21, v21  }
0x1fe: {  	v45 =	vadd.f32 v31, v30;
	v22 =	vmul.f32 v22, v22;
	v23 =	vmul.f32 v23, v23  }
0x1ff: {  	v46 =	vadd.f32 v35, v32;
	v24 =	vmul.f32 v24, v24;
	v25 =	vmul.f32 v25, v25  }
0x200: {  	v26 =	vmul.f32 v26, v26;
	v33 =	vadd.f32 v34, v33;
	v36 =	vadd.f32 v37, v36  }
0x201: {  	v27 =	vmul.f32 v27, v27;
	v38 =	vadd.f32 v39, v38;
	v40 =	vadd.f32 v41, v40  }
0x202: {  	v28 =	vmul.f32 v28, v28;
	v34 =	vld [tilespmem:s11+$0x2010];
	v42 =	vadd.f32 v43, v42;
	v44 =	vadd.f32 v45, v44  }
0x203: {  	v63 =	vmul.f32 v29, v29;
	v37 =	vld [tilespmem:s11+$0x2810];
	v8 =	vadd.f32 v9, v8;
	v62 =	vadd.f32 v11, v10  }
0x204: {  	v30 =	vmul.f32 v30, v30;
	v39 =	vld [tilespmem:s11+$0x3010];
	v12 =	vadd.f32 v13, v12;
	v29 =	vadd.f32 v15, v14  }
0x205: {  	v48 =	vmul.f32 v31, v31;
	v41 =	vld [tilespmem:s11+$0x3810];
	v16 =	vadd.f32 v17, v16;
	v47 =	vadd.f32 v19, v18  }
0x206: {  	v52 =	vmul.f32 v32, v32;
	v43 =	vld [tilespmem:s11+$0x4010];
	v20 =	vadd.f32 v21, v20;
	v49 =	vadd.f32 v23, v22  }
0x207: {  	v54 =	vmul.f32 v35, v35;
	v45 =	vld [tilespmem:s11+$0x4810];
	v50 =	vadd.f32 v25, v24;
	v51 =	vadd.f32 v27, v26  }
0x208: {  	v14 =	vld [tilespmem:s11+$0x8010];
	v11 =	vadd.f32 v63, v28;
	v15 =	vadd.f32 v48, v30  }
0x209: {  	v18 =	vld [tilespmem:s11+$0x8810];
	v13 =	vadd.f32 v54, v52;
	v33 =	vadd.f32 v36, v33  }
0x20a: {  	v22 =	vld [tilespmem:s11+$0x9010];
	v38 =	vadd.f32 v40, v38;
	v42 =	vadd.f32 v44, v42  }
0x20b: {  	v25 =	vld [tilespmem:s11+$0x9810];
	v8 =	vadd.f32 v62, v8;
	v53 =	vadd.f32 v29, v12  }
0x20c: {  	v19 =	vld [tilespmem:s11+$0xA010];
	v16 =	vadd.f32 v47, v16;
	v55 =	vadd.f32 v49, v20  }
0x20d: {  	v23 =	vld [tilespmem:s11+$0xC010];
	v56 =	vadd.f32 v51, v50;
	v11 =	vadd.f32 v15, v11  }
0x20e: {  	v17 =	vld [tilespmem:s11+$0xC810];
	v33 =	vadd.f32 v38, v33;
	v42 =	vadd.f32 v46, v42  }
0x20f: {  	v36 =	vld [tilespmem:s11+$0x5010];
	v9 =	vadd.f32 v53, v8;
	v16 =	vadd.f32 v55, v16  }
0x210: {  	v40 =	vld [tilespmem:s11+$0x5810];
	v11 =	vadd.f32 v11, v56;
	v57 =	vadd.f32 v37, v34  }
0x211: {  	v12 =	vld [tilespmem:s11+$0xA810];
	v58 =	vadd.f32 v41, v39;
	v59 =	vadd.f32 v45, v43  }
0x212: {  	v20 =	vld [tilespmem:s11+$0xB010];
	v63 =	vadd.f32 v18, v14;
	v52 =	vadd.f32 v25, v22;
	v56 =	vmul.f32 v34, v34  }
0x213: {  	v15 =	vld [tilespmem:s11+$0xB810];
	v47 =	vadd.f32 v17, v23;
	v14 =	vmul.f32 v14, v14;
	v18 =	vmul.f32 v18, v18  }
0x214: {  	v10 =	vld [tilespmem:s11+$0x7810];
	v22 =	vmul.f32 v22, v22;
	v25 =	vmul.f32 v25, v25;
	v8 =	vadd.f32 v42, v33  }
0x215: {  	v44 =	vld [tilespmem:s11+$0x6010];
	v23 =	vmul.f32 v23, v23;
	v9 =	vadd.f32 v16, v9;
	v11 =	vadd.f32 v13, v11  }
0x216: {  	v38 =	vld [tilespmem:s11+$0x6810];
	v17 =	vmul.f32 v17, v17;
	v60 =	vadd.f32 v40, v36;
	v53 =	vadd.f32 v12, v19  }
0x217: {  	v46 =	vld [tilespmem:s11+$0x7010];
	v24 =	vadd.f32 v58, v57;
	v57 =	vmul.f32 v37, v37;
	v58 =	vmul.f32 v39, v39  }
0x218: {  	v54 =	vadd.f32 v15, v20;
	v36 =	vmul.f32 v36, v36;
	v40 =	vmul.f32 v40, v40  }
0x219: {  	v21 =	vld [tilespmem:s11+$0xD010];
	v32 =	vadd.f32 v52, v63;
	v19 =	vmul.f32 v19, v19;
	v12 =	vmul.f32 v12, v12  }
0x21a: {  	v27 =	vld [tilespmem:s11+$0xE810];
	v20 =	vmul.f32 v20, v20;
	v14 =	vadd.f32 v18, v14;
	v17 =	vadd.f32 v17, v23  }
0x21b: {  	v13 =	vld [tilespmem:s11+$0xD810];
	v15 =	vmul.f32 v15, v15;
	v9 =	vadd.f32 v11, v9;
	v61 =	vadd.f32 v38, v44  }
0x21c: {  	v16 =	vld [tilespmem:s11+$0xE010];
	v8 =	vmul.f32 v8, v8;
	v62 =	vadd.f32 v10, v46;
	v55 =	vadd.f32 v60, v59  }
0x21d: {  	v26 =	vld [tilespmem:s11+$0x8020];
	v59 =	vmul.f32 v41, v41;
	v35 =	vadd.f32 v54, v53;
	v28 =	vadd.f32 v57, v56  }
0x21e: {  	v34 =	vld [tilespmem:s11+$0x2020];
	v44 =	vmul.f32 v44, v44;
	v36 =	vadd.f32 v40, v36;
	v53 =	vadd.f32 v25, v22  }
0x21f: {  	v42 =	vld [tilespmem:s11+$0x3820];
	v38 =	vmul.f32 v38, v38;
	v12 =	vadd.f32 v12, v19;
	v15 =	vadd.f32 v15, v20  }
0x220: {  	v39 =	vld [tilespmem:s11+$0x2820];
	v63 =	vmul.f32 v46, v46;
	v8 =	vsub.f32 v8, v9;
	v48 =	vadd.f32 v13, v21  }
0x221: {  	v18 =	vld [tilespmem:s11+$0xA820];
	v10 =	vmul.f32 v10, v10;
	v49 =	vadd.f32 v27, v16;
	v30 =	vadd.f32 v62, v61  }
0x222: {  	v60 =	vmul.f32 v43, v43;
	v43 =	vld [tilespmem:s11+$0x3020];
	v24 =	vadd.f32 v55, v24;
	v52 =	vadd.f32 v59, v58  }
0x223: {  	v22 =	vld [tilespmem:s11+$0x8820];
	v61 =	vmul.f32 v45, v45;
	v38 =	vadd.f32 v38, v44;
	v10 =	vadd.f32 v10, v63  }
0x224: {  	v19 =	vld [tilespmem:s11+$0x9020];
	v21 =	vmul.f32 v21, v21;
	v14 =	vadd.f32 v53, v14;
	v12 =	vadd.f32 v15, v12  }
0x225: {  	v20 =	vld [tilespmem:s11+$0x9820];
	v13 =	vmul.f32 v13, v13;
	v57 =	vadd.f32 v39, v34;
	v7 =	vadd.f32 v8, v7  }
0x226: {  	v25 =	vld [tilespmem:s11+$0xA020];
	v16 =	vmul.f32 v16, v16;
	v62 =	vadd.f32 v48, v47;
	v30 =	vadd.f32 v32, v30  }
0x227: {  	v31 =	vld [tilespmem:s11+$0x7020];
	v27 =	vmul.f32 v27, v27;
	v33 =	vadd.f32 v61, v60;
	v13 =	vadd.f32 v13, v21  }
0x228: {  	v37 =	vld [tilespmem:s11+$0x7820];
	v54 =	vadd.f32 v52, v28;
	v10 =	vadd.f32 v10, v38  }
0x229: {  	v11 =	vld [tilespmem:s11+$0xC820];
	v34 =	vmul.f32 v34, v34;
	v16 =	vadd.f32 v27, v16;
	v58 =	vadd.f32 v42, v43  }
0x22a: {  	v46 =	vld [tilespmem:s11+$0x4820];
	v39 =	vmul.f32 v39, v39;
	v63 =	vadd.f32 v22, v26;
	v52 =	vadd.f32 v20, v19  }
0x22b: {  	v45 =	vld [tilespmem:s11+$0x5820];
	v53 =	vadd.f32 v18, v25;
	v26 =	vmul.f32 v26, v26;
	v22 =	vmul.f32 v22, v22  }
0x22c: {  	v15 =	vld [tilespmem:s11+$0xB020];
	v19 =	vmul.f32 v19, v19;
	v34 =	vadd.f32 v39, v34;
	v35 =	vadd.f32 v62, v35  }
0x22d: {  	v47 =	vld [tilespmem:s11+$0x4020];
	v20 =	vmul.f32 v20, v20;
	v24 =	vadd.f32 v30, v24;
	v55 =	vadd.f32 v36, v33  }
0x22e: {  	v32 =	vld [tilespmem:s11+$0x5020];
	v25 =	vmul.f32 v25, v25;
	v13 =	vadd.f32 v13, v17;
	v14 =	vadd.f32 v14, v10  }
0x22f: {  	v21 =	vld [tilespmem:s11+$0xB820];
	v18 =	vmul.f32 v18, v18;
	v62 =	vadd.f32 v37, v31;
	v23 =	vadd.f32 v58, v57  }
0x230: {  	v48 =	vld [tilespmem:s11+$0x6820];
	v42 =	vmul.f32 v42, v42;
	v38 =	vadd.f32 v52, v63;
	v22 =	vadd.f32 v22, v26  }
0x231: {  	v27 =	vld [tilespmem:s11+$0xE020];
	v58 =	vmul.f32 v43, v43;
	v19 =	vadd.f32 v20, v19;
	v18 =	vadd.f32 v18, v25  }
0x232: {  	v30 =	vld [tilespmem:s11+$0x6020];
	v63 =	vmul.f32 v31, v31;
	v35 =	vadd.f32 v49, v35;
	v56 =	vadd.f32 v55, v54  }
0x233: {  	v33 =	vld [tilespmem:s11+$0xE820];
	v12 =	vadd.f32 v13, v12;
	v49 =	vmul.f32 v37, v37;
	v59 =	vadd.f32 v46, v47  }
0x234: {  	v39 =	vld [tilespmem:s11+$0x6030];
	v60 =	vadd.f32 v45, v32;
	v54 =	vadd.f32 v21, v15;
	v32 =	vmul.f32 v32, v32  }
0x235: {  	v17 =	vld [tilespmem:s11+$0xD820];
	v15 =	vmul.f32 v15, v15;
	v36 =	vadd.f32 v42, v58;
	v19 =	vadd.f32 v19, v22  }
0x236: {  	v13 =	vld [tilespmem:s11+$0xC020];
	v21 =	vmul.f32 v21, v21;
	v10 =	vadd.f32 v35, v24;
	v14 =	vadd.f32 v14, v56  }
0x237: {  	v31 =	vld [tilespmem:s11+$0x7030];
	v51 =	vmul.f32 v27, v27;
	v12 =	vadd.f32 v16, v12;
	v61 =	vadd.f32 v48, v30  }
0x238: {  	v42 =	vld [tilespmem:s11+$0x6830];
	v28 =	vadd.f32 v60, v59;
	v57 =	vadd.f32 v33, v27;
	v59 =	vmul.f32 v47, v47  }
0x239: {  	v16 =	vld [tilespmem:s11+$0xD020];
	v60 =	vmul.f32 v46, v46;
	v41 =	vadd.f32 v54, v53;
	v15 =	vadd.f32 v21, v15  }
0x23a: {  	v20 =	vld [tilespmem:s11+$0x7830];
	v30 =	vmul.f32 v30, v30;
	v52 =	vadd.f32 v36, v34;
	v12 =	vadd.f32 v12, v14  }
0x23b: {  	v22 =	vld [tilespmem:s11+$0x9830];
	v55 =	vadd.f32 v11, v13;
	v35 =	vadd.f32 v62, v61;
	v61 =	vmul.f32 v45, v45  }
0x23c: {  	v27 =	vld [tilespmem:s11+$0x9030];
	v62 =	vmul.f32 v48, v48;
	v23 =	vadd.f32 v28, v23;
	v40 =	vadd.f32 v60, v59  }
0x23d: {  	v29 =	vld [tilespmem:s11+$0x5830];
	v13 =	vmul.f32 v13, v13;
	v28 =	vadd.f32 v49, v63;
	v15 =	vadd.f32 v15, v18  }
0x23e: {  	v25 =	vld [tilespmem:s11+$0xA830];
	v11 =	vmul.f32 v11, v11;
	v60 =	vadd.f32 v42, v39;
	v56 =	vadd.f32 v17, v16  }
0x23f: {  	v37 =	vld [tilespmem:s11+$0x3830];
	v54 =	vmul.f32 v33, v33;
	v35 =	vadd.f32 v38, v35;
	v32 =	vadd.f32 v61, v32  }
0x240: {  	v46 =	vld [tilespmem:s11+$0x2030];
	v16 =	vmul.f32 v16, v16;
	v30 =	vadd.f32 v62, v30;
	v11 =	vadd.f32 v11, v13  }
0x241: {  	v45 =	vld [tilespmem:s11+$0x2830];
	v17 =	vmul.f32 v17, v17;
	v61 =	vadd.f32 v20, v31;
	v63 =	vadd.f32 v22, v27  }
0x242: {  	v21 =	vld [tilespmem:s11+$0x8030];
	v10 =	vmul.f32 v10, v10;
	v24 =	vadd.f32 v56, v55;
	v23 =	vadd.f32 v35, v23  }
0x243: {  	v33 =	vld [tilespmem:s11+$0xD830];
	v27 =	vmul.f32 v27, v27;
	v50 =	vadd.f32 v17, v16;
	v53 =	vadd.f32 v32, v40  }
0x244: {  	v47 =	vld [tilespmem:s11+$0xE830];
	v22 =	vmul.f32 v22, v22;
	v28 =	vadd.f32 v28, v30;
	v17 =	vadd.f32 v54, v51  }
0x245: {  	v13 =	vld [tilespmem:s11+$0xA030];
	v20 =	vmul.f32 v20, v20;
	v34 =	vadd.f32 v61, v60;
	v51 =	vsub.f32 v10, v12  }
0x246: {  	v48 =	vld [tilespmem:s11+$0x3030];
	v60 =	vmul.f32 v31, v31;
	v56 =	vadd.f32 v45, v46;
	v61 =	vadd.f32 v22, v27  }
0x247: {  	v35 =	vld [tilespmem:s11+$0x5030];
	v46 =	vmul.f32 v46, v46;
	v24 =	vadd.f32 v24, v41;
	v11 =	vadd.f32 v50, v11  }
0x248: {  	v16 =	vld [tilespmem:s11+$0x8830];
	v45 =	vmul.f32 v45, v45;
	v55 =	vadd.f32 v53, v52;
	v19 =	vadd.f32 v19, v28  }
0x249: {  	v38 =	vld [tilespmem:s11+$0x4030];
	v20 =	vadd.f32 v20, v60;
	v6 =	vadd.f32 v51, v6  }
0x24a: {  	v40 =	vld [tilespmem:s11+$0xE030];
	v52 =	vadd.f32 v25, v13;
	v45 =	vadd.f32 v45, v46  }
0x24b: {  	v41 =	vld [tilespmem:s11+$0x4830];
	v13 =	vmul.f32 v13, v13;
	v24 =	vadd.f32 v57, v24;
	v11 =	vadd.f32 v11, v15  }
0x24c: {  	v28 =	vld [tilespmem:s11+$0xD030];
	v25 =	vmul.f32 v25, v25;
	v18 =	vadd.f32 v19, v55;
	v57 =	vadd.f32 v37, v48  }
0x24d: {  	v37 =	vmul.f32 v37, v37;
	v59 =	vadd.f32 v29, v35;
	v62 =	vadd.f32 v16, v21  }
0x24e: {  	v44 =	vld [tilespmem:s11+$0x5840];
	v35 =	vmul.f32 v35, v35;
	v29 =	vmul.f32 v29, v29;
	v13 =	vadd.f32 v25, v13  }
0x24f: {  	v8 =	vld [tilespmem:s11+$0xD040];
	v21 =	vmul.f32 v21, v21;
	v14 =	vadd.f32 v24, v23;
	v11 =	vadd.f32 v17, v11  }
0x250: {  	v49 =	vld [tilespmem:s11+$0x2040];
	v16 =	vmul.f32 v16, v16;
	v24 =	vadd.f32 v57, v56;
	v57 =	vadd.f32 v47, v40  }
0x251: {  	v15 =	vld [tilespmem:s11+$0xB030];
	v56 =	vmul.f32 v48, v48;
	v58 =	vadd.f32 v41, v38;
	v55 =	vadd.f32 v33, v28  }
0x252: {  	v19 =	vld [tilespmem:s11+$0xC830];
	v43 =	vadd.f32 v63, v62;
	v38 =	vmul.f32 v38, v38;
	v41 =	vmul.f32 v41, v41  }
0x253: {  	v23 =	vld [tilespmem:s11+$0xB830];
	v29 =	vadd.f32 v29, v35;
	v28 =	vmul.f32 v28, v28;
	v16 =	vadd.f32 v16, v21  }
0x254: {  	v17 =	vld [tilespmem:s11+$0xC030];
	v33 =	vmul.f32 v33, v33;
	v37 =	vadd.f32 v37, v56;
	v11 =	vadd.f32 v11, v18  }
0x255: {  	v31 =	vld [tilespmem:s11+$0x3040];
	v63 =	vmul.f32 v40, v40;
	v30 =	vadd.f32 v59, v58;
	v34 =	vadd.f32 v43, v34  }
0x256: {  	v22 =	vld [tilespmem:s11+$0x7040];
	v14 =	vmul.f32 v14, v14;
	v38 =	vadd.f32 v41, v38;
	v62 =	vadd.f32 v33, v28  }
0x257: {  	v25 =	vld [tilespmem:s11+$0x8040];
	v58 =	vmul.f32 v39, v39;
	v16 =	vadd.f32 v61, v16;
	v40 =	vadd.f32 v37, v45  }
0x258: {  	v48 =	vld [tilespmem:s11+$0x5040];
	v59 =	vmul.f32 v42, v42;
	v11 =	vsub.f32 v14, v11;
	v53 =	vadd.f32 v23, v15  }
0x259: {  	v35 =	vld [tilespmem:s11+$0x6040];
	v41 =	vmul.f32 v47, v47;
	v54 =	vadd.f32 v19, v17;
	v24 =	vadd.f32 v30, v24  }
0x25a: {  	v42 =	vld [tilespmem:s11+$0x2840];
	v15 =	vmul.f32 v15, v15;
	v23 =	vmul.f32 v23, v23;
	v36 =	vadd.f32 v59, v58  }
0x25b: {  	v43 =	vld [tilespmem:s11+$0x3840];
	v17 =	vmul.f32 v17, v17;
	v29 =	vadd.f32 v29, v38;
	v46 =	vadd.f32 v41, v63  }
0x25c: {  	v33 =	vld [tilespmem:s11+$0x8840];
	v19 =	vmul.f32 v19, v19;
	v5 =	vadd.f32 v11, v5;
	v26 =	vadd.f32 v53, v52  }
0x25d: {  	v21 =	vld [tilespmem:s11+$0x9040];
	v32 =	vadd.f32 v55, v54;
	v24 =	vadd.f32 v34, v24  }
0x25e: {  	v30 =	vld [tilespmem:s11+$0x6840];
	v15 =	vadd.f32 v23, v15;
	v17 =	vadd.f32 v19, v17  }
0x25f: {  	v28 =	vld [tilespmem:s11+$0xA040];
	v20 =	vadd.f32 v20, v36;
	v47 =	vadd.f32 v29, v40  }
0x260: {  	v11 =	vld [tilespmem:s11+$0xD840];
	v54 =	vadd.f32 v42, v49;
	v55 =	vadd.f32 v43, v31  }
0x261: {  	v34 =	vld [tilespmem:s11+$0x4840];
	v60 =	vadd.f32 v33, v25;
	v25 =	vmul.f32 v25, v25;
	v26 =	vadd.f32 v32, v26  }
0x262: {  	v23 =	vld [tilespmem:s11+$0x7840];
	v33 =	vmul.f32 v33, v33;
	v13 =	vadd.f32 v15, v13;
	v45 =	vadd.f32 v62, v17  }
0x263: {  	v19 =	vld [tilespmem:s11+$0xB840];
	v16 =	vadd.f32 v16, v20;
	v58 =	vadd.f32 v30, v35  }
0x264: {  	v42 =	vmul.f32 v42, v42;
	v32 =	vld [tilespmem:s11+$0x4040];
	v25 =	vadd.f32 v33, v25;
	v26 =	vadd.f32 v57, v26  }
0x265: {  	v17 =	vld [tilespmem:s11+$0x9840];
	v35 =	vmul.f32 v35, v35;
	v13 =	vadd.f32 v45, v13;
	v16 =	vadd.f32 v16, v47  }
0x266: {  	v15 =	vld [tilespmem:s11+$0xA840];
	v30 =	vmul.f32 v30, v30;
	v57 =	vadd.f32 v44, v48;
	v51 =	vadd.f32 v11, v8  }
0x267: {  	v20 =	vld [tilespmem:s11+$0xB040];
	v8 =	vmul.f32 v8, v8;
	v11 =	vmul.f32 v11, v11;
	v59 =	vadd.f32 v23, v22  }
0x268: {  	v44 =	vmul.f32 v44, v44;
	v30 =	vadd.f32 v30, v35;
	v50 =	vadd.f32 v26, v24  }
0x269: {  	v10 =	vld [tilespmem:s11+$0xC040];
	v22 =	vmul.f32 v22, v22;
	v13 =	vadd.f32 v46, v13;
	v8 =	vadd.f32 v11, v8  }
0x26a: {  	v14 =	vld [tilespmem:s11+$0xC840];
	v23 =	vmul.f32 v23, v23;
	v56 =	vadd.f32 v34, v32;
	v61 =	vadd.f32 v17, v21  }
0x26b: {  	v12 =	vld [tilespmem:s11+$0xE040];
	v62 =	vadd.f32 v15, v28;
	v32 =	vmul.f32 v32, v32;
	v34 =	vmul.f32 v34, v34  }
0x26c: {  	v18 =	vld [tilespmem:s11+$0xE840];
	v63 =	vadd.f32 v19, v20;
	v21 =	vmul.f32 v21, v21;
	v17 =	vmul.f32 v17, v17  }
0x26d: {  	v41 =	vld [tilespmem:s11+$0x4850];
	v27 =	vadd.f32 v59, v58;
	v15 =	vmul.f32 v15, v15;
	v20 =	vmul.f32 v20, v20  }
0x26e: {  	v47 =	vld [tilespmem:s11+$0x4050];
	v19 =	vmul.f32 v19, v19;
	v22 =	vadd.f32 v23, v22;
	v52 =	vadd.f32 v13, v16  }
0x26f: {  	v39 =	vld [tilespmem:s11+$0x8050];
	v53 =	vmul.f32 v50, v50;
	v50 =	vadd.f32 v14, v10;
	v13 =	vadd.f32 v55, v54  }
0x270: {  	v37 =	vld [tilespmem:s11+$0x3850];
	v54 =	vmul.f32 v31, v31;
	v24 =	vadd.f32 v57, v56;
	v36 =	vadd.f32 v61, v60  }
0x271: {  	v45 =	vld [tilespmem:s11+$0x7050];
	v55 =	vmul.f32 v43, v43;
	v38 =	vadd.f32 v63, v62;
	v32 =	vadd.f32 v34, v32  }
0x272: {  	v46 =	vld [tilespmem:s11+$0x2850];
	v10 =	vmul.f32 v10, v10;
	v17 =	vadd.f32 v17, v21;
	v19 =	vadd.f32 v19, v20  }
0x273: {  	v11 =	vld [tilespmem:s11+$0xA050];
	v14 =	vmul.f32 v14, v14;
	v22 =	vadd.f32 v22, v30;
	v62 =	vadd.f32 v41, v47  }
0x274: {  	v23 =	vld [tilespmem:s11+$0x8850];
	v56 =	vmul.f32 v48, v48;
	v9 =	vsub.f32 v53, v52;
	v52 =	vadd.f32 v18, v12  }
0x275: {  	v16 =	vld [tilespmem:s11+$0x2050];
	v57 =	vmul.f32 v28, v28;
	v40 =	vadd.f32 v51, v50;
	v29 =	vadd.f32 v55, v54  }
0x276: {  	v43 =	vld [tilespmem:s11+$0x3050];
	v53 =	vmul.f32 v49, v49;
	v10 =	vadd.f32 v14, v10;
	v13 =	vadd.f32 v24, v13  }
0x277: {  	v31 =	vld [tilespmem:s11+$0x7850];
	v12 =	vmul.f32 v12, v12;
	v27 =	vadd.f32 v36, v27;
	v58 =	vadd.f32 v44, v56  }
0x278: {  	v28 =	vld [tilespmem:s11+$0x6850];
	v18 =	vmul.f32 v18, v18;
	v15 =	vadd.f32 v15, v57;
	v17 =	vadd.f32 v17, v25  }
0x279: {  	v21 =	vld [tilespmem:s11+$0x9050];
	v38 =	vadd.f32 v40, v38;
	v26 =	vadd.f32 v42, v53  }
0x27a: {  	v20 =	vld [tilespmem:s11+$0x9850];
	v8 =	vadd.f32 v8, v10;
	v12 =	vadd.f32 v18, v12  }
0x27b: {  	v24 =	vld [tilespmem:s11+$0x5050];
	v4 =	vadd.f32 v9, v4;
	v54 =	vadd.f32 v23, v39  }
0x27c: {  	v36 =	vld [tilespmem:s11+$0x5850];
	v13 =	vadd.f32 v27, v13;
	v60 =	vadd.f32 v58, v32  }
0x27d: {  	v41 =	vmul.f32 v41, v41;
	v25 =	vld [tilespmem:s11+$0xB050];
	v15 =	vadd.f32 v19, v15;
	v17 =	vadd.f32 v17, v22  }
0x27e: {  	v40 =	vld [tilespmem:s11+$0x6050];
	v23 =	vmul.f32 v23, v23;
	v61 =	vadd.f32 v37, v43;
	v53 =	vadd.f32 v31, v45  }
0x27f: {  	v10 =	vld [tilespmem:s11+$0xB850];
	v37 =	vmul.f32 v37, v37;
	v38 =	vadd.f32 v52, v38;
	v59 =	vadd.f32 v29, v26  }
0x280: {  	v18 =	vld [tilespmem:s11+$0xC050];
	v55 =	vadd.f32 v20, v21;
	v21 =	vmul.f32 v21, v21;
	v15 =	vadd.f32 v8, v15  }
0x281: {  	v27 =	vld [tilespmem:s11+$0xA850];
	v20 =	vmul.f32 v20, v20;
	v14 =	vadd.f32 v60, v59;
	v8 =	vadd.f32 v38, v13  }
0x282: {  	v19 =	vld [tilespmem:s11+$0xC850];
	v31 =	vmul.f32 v31, v31;
	v63 =	vadd.f32 v36, v24;
	v34 =	vadd.f32 v55, v54  }
0x283: {  	v24 =	vmul.f32 v24, v24;
	v36 =	vmul.f32 v36, v36;
	v20 =	vadd.f32 v20, v21  }
0x284: {  	v54 =	vmul.f32 v39, v39;
	v12 =	vadd.f32 v12, v15;
	v52 =	vadd.f32 v28, v40  }
0x285: {  	v33 =	vld [tilespmem:s11+$0x7060];
	v57 =	vadd.f32 v10, v25;
	v40 =	vmul.f32 v40, v40;
	v28 =	vmul.f32 v28, v28  }
0x286: {  	v30 =	vld [tilespmem:s11+$0x2060];
	v25 =	vmul.f32 v25, v25;
	v13 =	vadd.f32 v17, v14;
	v17 =	vadd.f32 v46, v16  }
0x287: {  	v48 =	vld [tilespmem:s11+$0x6860];
	v10 =	vmul.f32 v10, v10;
	v56 =	vadd.f32 v27, v11;
	v58 =	vadd.f32 v19, v18  }
0x288: {  	v9 =	vld [tilespmem:s11+$0xD050];
	v16 =	vmul.f32 v16, v16;
	v11 =	vmul.f32 v11, v11;
	v24 =	vadd.f32 v36, v24  }
0x289: {  	v26 =	vld [tilespmem:s11+$0xE850];
	v27 =	vmul.f32 v27, v27;
	v23 =	vadd.f32 v23, v54;
	v32 =	vadd.f32 v53, v52  }
0x28a: {  	v15 =	vld [tilespmem:s11+$0xE050];
	v18 =	vmul.f32 v18, v18;
	v28 =	vadd.f32 v28, v40;
	v10 =	vadd.f32 v10, v25  }
0x28b: {  	v42 =	vld [tilespmem:s11+$0x3860];
	v19 =	vmul.f32 v19, v19;
	v17 =	vadd.f32 v61, v17;
	v61 =	vadd.f32 v63, v62  }
0x28c: {  	v29 =	vld [tilespmem:s11+$0xE860];
	v52 =	vmul.f32 v47, v47;
	v38 =	vadd.f32 v57, v56;
	v11 =	vadd.f32 v27, v11  }
0x28d: {  	v14 =	vld [tilespmem:s11+$0xD850];
	v53 =	vmul.f32 v45, v45;
	v18 =	vadd.f32 v19, v18;
	v20 =	vadd.f32 v20, v23  }
0x28e: {  	v36 =	vld [tilespmem:s11+$0x7860];
	v62 =	vmul.f32 v46, v46;
	v32 =	vadd.f32 v34, v32;
	v35 =	vadd.f32 v41, v52  }
0x28f: {  	v47 =	vld [tilespmem:s11+$0x4060];
	v63 =	vmul.f32 v43, v43;
	v22 =	vadd.f32 v31, v53;
	v60 =	vadd.f32 v26, v15  }
0x290: {  	v45 =	vld [tilespmem:s11+$0x4860];
	v17 =	vadd.f32 v61, v17;
	v16 =	vadd.f32 v62, v16  }
0x291: {  	v21 =	vld [tilespmem:s11+$0x8860];
	v55 =	vadd.f32 v37, v63;
	v15 =	vmul.f32 v15, v15;
	v10 =	vadd.f32 v10, v11  }
0x292: {  	v46 =	vld [tilespmem:s11+$0x3060];
	v26 =	vmul.f32 v26, v26;
	v59 =	vadd.f32 v14, v9;
	v56 =	vadd.f32 v24, v35  }
0x293: {  	v31 =	vld [tilespmem:s11+$0x8060];
	v9 =	vmul.f32 v9, v9;
	v22 =	vadd.f32 v22, v28;
	v53 =	vadd.f32 v36, v33  }
0x294: {  	v23 =	vld [tilespmem:s11+$0xA860];
	v14 =	vmul.f32 v14, v14;
	v17 =	vadd.f32 v32, v17;
	v16 =	vadd.f32 v55, v16  }
0x295: {  	v24 =	vld [tilespmem:s11+$0xA060];
	v15 =	vadd.f32 v26, v15;
	v62 =	vadd.f32 v45, v47  }
0x296: {  	v25 =	vld [tilespmem:s11+$0x9060];
	v44 =	vadd.f32 v59, v58;
	v9 =	vadd.f32 v14, v9  }
0x297: {  	v43 =	vld [tilespmem:s11+$0x2860];
	v45 =	vmul.f32 v45, v45;
	v58 =	vadd.f32 v20, v22;
	v61 =	vadd.f32 v42, v46  }
0x298: {  	v32 =	vld [tilespmem:s11+$0x6060];
	v57 =	vadd.f32 v56, v16;
	v54 =	vadd.f32 v21, v31;
	v31 =	vmul.f32 v31, v31  }
0x299: {  	v14 =	vld [tilespmem:s11+$0x9860];
	v21 =	vmul.f32 v21, v21;
	v38 =	vadd.f32 v44, v38;
	v9 =	vadd.f32 v9, v18  }
0x29a: {  	v39 =	vld [tilespmem:s11+$0x5060];
	v42 =	vmul.f32 v42, v42;
	v11 =	vadd.f32 v58, v57;
	v56 =	vadd.f32 v23, v24  }
0x29b: {  	v26 =	vld [tilespmem:s11+$0xE060];
	v24 =	vmul.f32 v24, v24;
	v21 =	vadd.f32 v21, v31;
	v38 =	vadd.f32 v60, v38  }
0x29c: {  	v16 =	vld [tilespmem:s11+$0xB860];
	v23 =	vmul.f32 v23, v23;
	v59 =	vadd.f32 v9, v10;
	v9 =	vadd.f32 v12, v13  }
0x29d: {  	v44 =	vld [tilespmem:s11+$0x5860];
	v60 =	vadd.f32 v43, v30;
	v52 =	vadd.f32 v48, v32;
	v30 =	vmul.f32 v30, v30  }
0x29e: {  	v18 =	vld [tilespmem:s11+$0xB060];
	v43 =	vmul.f32 v43, v43;
	v32 =	vmul.f32 v32, v32;
	v55 =	vadd.f32 v14, v25  }
0x29f: {  	v25 =	vmul.f32 v25, v25;
	v23 =	vadd.f32 v23, v24;
	v10 =	vadd.f32 v38, v17  }
0x2a0: {  	v22 =	vld [tilespmem:s11+$0xC060];
	v14 =	vmul.f32 v14, v14;
	v12 =	vadd.f32 v15, v59;
	v19 =	vadd.f32 v61, v60  }
0x2a1: {  	v13 =	vld [tilespmem:s11+$0xC860];
	v60 =	vadd.f32 v29, v26;
	v34 =	vadd.f32 v53, v52;
	v61 =	vmul.f32 v46, v46  }
0x2a2: {  	v41 =	vld [tilespmem:s11+$0x6870];
	v52 =	vmul.f32 v48, v48;
	v30 =	vadd.f32 v43, v30;
	v63 =	vadd.f32 v44, v39  }
0x2a3: {  	v15 =	vld [tilespmem:s11+$0xD060];
	v53 =	vmul.f32 v33, v33;
	v57 =	vadd.f32 v16, v18;
	v37 =	vadd.f32 v55, v54  }
0x2a4: {  	v17 =	vld [tilespmem:s11+$0xD860];
	v39 =	vmul.f32 v39, v39;
	v54 =	vmul.f32 v36, v36;
	v14 =	vadd.f32 v14, v25  }
0x2a5: {  	v28 =	vld [tilespmem:s11+$0x5870];
	v18 =	vmul.f32 v18, v18;
	v35 =	vadd.f32 v42, v61;
	v32 =	vadd.f32 v52, v32  }
0x2a6: {  	v46 =	vld [tilespmem:s11+$0x2070];
	v16 =	vmul.f32 v16, v16;
	v58 =	vadd.f32 v13, v22;
	v27 =	vadd.f32 v63, v62  }
0x2a7: {  	v33 =	vld [tilespmem:s11+$0x7070];
	v62 =	vmul.f32 v47, v47;
	v40 =	vadd.f32 v57, v56;
	v34 =	vadd.f32 v37, v34  }
0x2a8: {  	v25 =	vld [tilespmem:s11+$0x7870];
	v63 =	vmul.f32 v44, v44;
	v16 =	vadd.f32 v16, v18;
	v14 =	vadd.f32 v14, v21  }
0x2a9: {  	v48 =	vld [tilespmem:s11+$0x3070];
	v22 =	vmul.f32 v22, v22;
	v55 =	vadd.f32 v35, v30;
	v59 =	vadd.f32 v17, v15  }
0x2aa: {  	v36 =	vld [tilespmem:s11+$0x3870];
	v13 =	vmul.f32 v13, v13;
	v19 =	vadd.f32 v27, v19;
	v38 =	vadd.f32 v45, v62  }
0x2ab: {  	v42 =	vld [tilespmem:s11+$0x6070];
	v39 =	vadd.f32 v63, v39;
	v15 =	vmul.f32 v15, v15;
	v27 =	vadd.f32 v54, v53  }
0x2ac: {  	v44 =	vld [tilespmem:s11+$0x2870];
	v17 =	vmul.f32 v17, v17;
	v13 =	vadd.f32 v13, v22;
	v16 =	vadd.f32 v16, v23  }
0x2ad: {  	v26 =	vmul.f32 v26, v26;
	v37 =	vld [tilespmem:s11+$0x4070];
	v62 =	vadd.f32 v25, v33;
	v20 =	vadd.f32 v59, v58  }
0x2ae: {  	v21 =	vld [tilespmem:s11+$0x9870];
	v33 =	vmul.f32 v33, v33;
	v19 =	vadd.f32 v34, v19;
	v15 =	vadd.f32 v17, v15  }
0x2af: {  	v30 =	vld [tilespmem:s11+$0x9070];
	v25 =	vmul.f32 v25, v25;
	v56 =	vadd.f32 v39, v38;
	v27 =	vadd.f32 v27, v32  }
0x2b0: {  	v29 =	vmul.f32 v29, v29;
	v18 =	vld [tilespmem:s11+$0x8070];
	v58 =	vadd.f32 v36, v48;
	v61 =	vadd.f32 v41, v42  }
0x2b1: {  	v35 =	vld [tilespmem:s11+$0xD070];
	v48 =	vmul.f32 v48, v48;
	v57 =	vadd.f32 v44, v46;
	v25 =	vadd.f32 v25, v33  }
0x2b2: {  	v34 =	vld [tilespmem:s11+$0x5070];
	v36 =	vmul.f32 v36, v36;
	v20 =	vadd.f32 v20, v40;
	v13 =	vadd.f32 v15, v13  }
0x2b3: {  	v17 =	vld [tilespmem:s11+$0x8870];
	v44 =	vmul.f32 v44, v44;
	v22 =	vadd.f32 v56, v55;
	v14 =	vadd.f32 v14, v27  }
0x2b4: {  	v23 =	vld [tilespmem:s11+$0xA870];
	v52 =	vadd.f32 v21, v30;
	v38 =	vadd.f32 v62, v61;
	v30 =	vmul.f32 v30, v30  }
0x2b5: {  	v40 =	vld [tilespmem:s11+$0x4870];
	v21 =	vmul.f32 v21, v21;
	v36 =	vadd.f32 v36, v48;
	v20 =	vadd.f32 v60, v20  }
0x2b6: {  	v15 =	vld [tilespmem:s11+$0xA070];
	v61 =	vmul.f32 v42, v42;
	v13 =	vadd.f32 v13, v16;
	v14 =	vadd.f32 v14, v22  }
0x2b7: {  	v42 =	vmul.f32 v35, v35;
	v45 =	vadd.f32 v21, v30;
	v60 =	vadd.f32 v28, v34  }
0x2b8: {  	v24 =	vld [tilespmem:s11+$0xB070];
	v63 =	vadd.f32 v17, v18;
	v34 =	vmul.f32 v34, v34;
	v28 =	vmul.f32 v28, v28  }
0x2b9: {  	v16 =	vld [tilespmem:s11+$0xB870];
	v18 =	vmul.f32 v18, v18;
	v19 =	vadd.f32 v20, v19;
	v20 =	vadd.f32 v29, v26  }
0x2ba: {  	v43 =	vld [tilespmem:s11+$0xD870];
	v17 =	vmul.f32 v17, v17;
	v26 =	vadd.f32 v58, v57;
	v59 =	vadd.f32 v40, v37  }
0x2bb: {  	v57 =	vmul.f32 v46, v46;
	v53 =	vadd.f32 v23, v15;
	v56 =	vadd.f32 v52, v63  }
0x2bc: {  	v22 =	vld [tilespmem:s11+$0xC070];
	v37 =	vmul.f32 v37, v37;
	v40 =	vmul.f32 v40, v40;
	v28 =	vadd.f32 v28, v34  }
0x2bd: {  	v29 =	vld [tilespmem:s11+$0xC870];
	v15 =	vmul.f32 v15, v15;
	v17 =	vadd.f32 v17, v18;
	v63 =	vadd.f32 v44, v57  }
0x2be: {  	v23 =	vmul.f32 v23, v23;
	v54 =	vadd.f32 v16, v24;
	v31 =	vadd.f32 v60, v59  }
0x2bf: {  	v44 =	vmul.f32 v43, v43;
	v59 =	vadd.f32 v43, v35;
	v38 =	vadd.f32 v56, v38  }
0x2c0: {  	v41 =	vmul.f32 v41, v41;
	v37 =	vadd.f32 v40, v37;
	v15 =	vadd.f32 v23, v15  }
0x2c1: {  	v24 =	vmul.f32 v24, v24;
	v17 =	vadd.f32 v45, v17;
	v48 =	vadd.f32 v44, v42  }
0x2c2: {  	v58 =	vld [tilespmem:s11+$0xE070];
	v16 =	vmul.f32 v16, v16;
	v51 =	vadd.f32 v36, v63;
	v55 =	vadd.f32 v29, v22  }
0x2c3: {  	v60 =	vld [tilespmem:s11+$0xE870];
	v27 =	vadd.f32 v54, v53;
	v26 =	vadd.f32 v31, v26;
	v22 =	vmul.f32 v22, v22  }
0x2c4: {  	v29 =	vmul.f32 v29, v29;
	v31 =	vadd.f32 v41, v61;
	v16 =	vadd.f32 v16, v24  }
0x2c5: {  	v28 =	vadd.f32 v28, v37;
	v32 =	vadd.f32 v59, v55  }
0x2c6: {  	v26 =	vadd.f32 v38, v26;
	v47 =	vadd.f32 v29, v22  }
0x2c7: {  	v50 =	vmul.f32 v58, v58;
	v25 =	vadd.f32 v25, v31;
	v15 =	vadd.f32 v16, v15  }
0x2c8: {  	v55 =	vadd.f32 v28, v51;
	v62 =	vadd.f32 v60, v58;
	v52 =	vmul.f32 v60, v60  }
0x2c9: {  	v27 =	vadd.f32 v32, v27;
	v53 =	vadd.f32 v48, v47  }
0x2ca: {  	v17 =	vadd.f32 v17, v25;
	v54 =	vadd.f32 v52, v50  }
0x2cb: {  	v27 =	vadd.f32 v62, v27;
	v15 =	vadd.f32 v53, v15  }
0x2cc: {  	v13 =	vadd.f32 v20, v13;
	v17 =	vadd.f32 v17, v55  }
0x2cd: {  	s2 =	sadd.s32 $0x1, s2;
	v8 =	vmul.f32 v8, v8;
	v56 =	vadd.f32 v27, v26;
	v15 =	vadd.f32 v54, v15  }
0x2ce: {  	p0 =	sne.s32 s2, $0x10;
	v11 =	vadd.f32 v12, v11;
	v10 =	vmul.f32 v10, v10;
	v57 =	vadd.f32 v13, v14  }
.Ltmp5:
0x2cf: {  	v58 =	vmul.f32 v19, v19;
	v59 =	vadd.f32 v15, v17;
	v60 =	vmul.f32 v56, v56;
	(pc) =	sbr.rel @!p0 .LBB2_12-.Ltmp5, $4  }
0x2d0: {  	v8 =	vsub.f32 v8, v9;
	v61 =	vsub.f32 v10, v11  }
0x2d1: {  	v62 =	vsub.f32 v58, v57;
	v63 =	vsub.f32 v60, v59  }
0x2d2: {  	v3 =	vadd.f32 v8, v3;
	v2 =	vadd.f32 v61, v2  }
0x2d3: {  	v1 =	vadd.f32 v62, v1;
	v0 =	vadd.f32 v63, v0  }
.LBB2_6:
0x2d4: {  	p0 =	seq.s32 s2, $0x0  }
.Ltmp6:
0x2d5: {  	_ = 	snop;
	(pc) =	sbr.rel @p0 .LBB2_7-.Ltmp6, $1  }
0x2d6: {  	_ =	sdelay $0x3  }
0x2d7: {  	p0 =	sne.s32 s2, $0x8  }
.Ltmp7:
0x2d8: {  	_ = 	snop;
	(pc) =	sbr.rel @p0 .LBB2_11-.Ltmp7, $1  }
0x2d9: {  	_ =	sdelay $0x3  }
.Ltmp8:
0x2da: {  	(pc) =	sbr.rel .LBB2_10-.Ltmp8, $2  }
0x2db: {  	_ =	sdelay $0x2  }
0x2dc: {  	s11 =	simm.s32 $0x3  }
.LBB2_13:
0x2dd: {  	_ =	sfence.sel $0x180000  }
0x2de: {  	[bflag:$0x0] =	sbarrier.arrive $0xFFFF  }
0x2df: {  	_ =	strace $0x90000047  }
0x2e0: {  	s0 =	stileid.u32;
	[bflag:$0x2] =	sbarrier.arrive $0xFFFF  }
0x2e1: {  	p0 =	sne.s32 s0, $0x0;
	s0 =	rddreg [dreg:$0x5]  }
0x2e2: {  	s0 =	sadd.s32 @!p0 $0x100000, s0  }
0x2e3: {  	[sflag:s0] =	ssyncadd.tile.s32 @!p0 $0x1;
	_ =	shalt  }
.Lfunc_end2:
_tile_overlayer_lowered:
.L_overlay_start_2:
0x2e4: {  	(tag) =	ssettag $0x2  }
0x2e5: {  	s0 =	rddreg [dreg:$0x0];
	s2 =	stileid.u32  }
0x2e6: {  	s1 =	rddreg [dreg:$0x1];
	p0 =	sne.s32 s2, $0x0  }
0x2e7: {  	s3 =	rddreg [dreg:$0x2];
	[bflag:$0x3] =	sbarrier.arrive $0xFFFF;
	s2 =	simm.s32 @!p0 $0x1C04  }
0x2e8: {  	[timem:s3], [sflag:s2] =	dma.local @!p0 [hbm:s0], s1  }
0x2e9: {  	s0 =	simm.s32 @!p0 $0x4  }
0x2ea: {  	_ =	swait.ge @!p0 [sflag:s0], s1  }
0x2eb: {  	s1 =	ssub.s32 @!p0 $0x0, s1;
	[sflag:s0] =	ssyncset.done @!p0 $0x0  }
0x2ec: {  	[sflag:s0] =	ssyncadd.s32 @!p0 s1  }
0x2ed: {  	[bflag:$0x3] =	sbarrier.arrive $0xFFFF  }
0x2ee: {  	_ =	shalt  }

</sc_bundles>
